<compile_context>
chip_gen: v7x
topology: tpu7x:2x2x1
jax: 0.10.2.dev20260603
libtpu: 0.0.44.dev20260713+nightly
codegen_flags: <defaults>
</compile_context>

<pallas_src>
import functools

import jax
import jax.numpy as jnp
from jax import lax
from jax.experimental import pallas as pl
from jax.experimental.pallas import tpu as pltpu
from jax.experimental.pallas import tpu_sc as plsc

N = 10000
E = 320000
D = 128

NC = 2
NS = 16
NW = NC * NS
K = 128
CHUNKS = 79
EPW = K * CHUNKS
EREAL = E // NW
NPAD = 10240
RPS = NPAD // NS



def _sc_body(xl, src, dst, ew, zer_d, out_sum,
             src_c, dst_c, ew_c, rows_v, sem, acc):
    cid = lax.axis_index("c")
    sid = lax.axis_index("s")
    wid = cid * NS + sid

    pltpu.sync_copy(zer_d.at[pl.ds(sid * RPS, RPS)],
                    acc.at[pl.ds(sid * RPS, RPS)])
    plsc.subcore_barrier()

    def chunk_body(i, carry):
        pltpu.sync_copy(src.at[wid, i], src_c)
        pltpu.sync_copy(dst.at[wid, i], dst_c)
        pltpu.sync_copy(ew.at[wid, i], ew_c)
        pltpu.async_copy(xl.at[src_c], rows_v, sem).wait()

        def grp_body(g, c2):
            ww = ew_c[pl.ds(g * 16, 16)]
            for l in range(16):
                wv = ww[l]
                r = g * 16 + l
                for j in range(D // 16):
                    rows_v[r, pl.ds(j * 16, 16)] = (
                        rows_v[r, pl.ds(j * 16, 16)] * wv)
            return c2

        lax.fori_loop(0, K // 16, grp_body, 0)

        pltpu.sync_copy(rows_v, acc.at[dst_c], add=True)
        return carry

    lax.fori_loop(0, CHUNKS, chunk_body, 0)

    plsc.subcore_barrier()
    pltpu.sync_copy(acc.at[pl.ds(sid * RPS, RPS)],
                    out_sum.at[cid, pl.ds(sid * RPS, RPS)])


def _make_sc_aggregate():
    return functools.partial(
        pl.kernel,
        out_type=jax.ShapeDtypeStruct((NC, NPAD, D), jnp.float32),
        mesh=plsc.VectorSubcoreMesh(core_axis_name="c", subcore_axis_name="s"),
        scratch_types=[
            pltpu.VMEM((K,), jnp.int32),
            pltpu.VMEM((K,), jnp.int32),
            pltpu.VMEM((K,), jnp.float32),
            pltpu.VMEM((K, D), jnp.float32),
            pltpu.SemaphoreType.DMA,
            pltpu.VMEM_SHARED((NPAD, D), jnp.float32),
        ],
    )(_sc_body)



def _sc_count_body(dst, zer_d, ones_c, out_cnt, dst_c, ones_v, acc):
    cid = lax.axis_index("c")
    sid = lax.axis_index("s")
    wid = cid * NS + sid

    pltpu.sync_copy(zer_d.at[pl.ds(sid * RPS, RPS)],
                    acc.at[pl.ds(sid * RPS, RPS)])
    pltpu.sync_copy(ones_c, ones_v)
    plsc.subcore_barrier()

    def chunk_body(i, carry):
        pltpu.sync_copy(dst.at[wid, i], dst_c)
        pltpu.sync_copy(ones_v, acc.at[dst_c], add=True)
        return carry

    lax.fori_loop(0, CHUNKS, chunk_body, 0)

    plsc.subcore_barrier()
    pltpu.sync_copy(acc.at[pl.ds(sid * RPS, RPS)],
                    out_cnt.at[cid, pl.ds(sid * RPS, RPS)])


def _make_sc_count():
    return functools.partial(
        pl.kernel,
        out_type=jax.ShapeDtypeStruct((NC, NPAD, D), jnp.float32),
        mesh=plsc.VectorSubcoreMesh(core_axis_name="c", subcore_axis_name="s"),
        scratch_types=[
            pltpu.VMEM((K,), jnp.int32),
            pltpu.VMEM((K, D), jnp.float32),
            pltpu.VMEM_SHARED((NPAD, D), jnp.float32),
        ],
    )(_sc_count_body)



BN = 2000


def _tc1_body(x_ref, w_ref, b_ref, o_ref):
    o_ref[...] = lax.dot_general(
        x_ref[...], w_ref[...], (((1,), (1,)), ((), ())),
        preferred_element_type=jnp.float32) + b_ref[...]


def _tc1(x, w, b):
    return pl.pallas_call(
        _tc1_body,
        grid=(N // BN,),
        in_specs=[
            pl.BlockSpec((BN, D), lambda i: (i, 0)),
            pl.BlockSpec((D, D), lambda i: (0, 0)),
            pl.BlockSpec((1, D), lambda i: (0, 0)),
        ],
        out_specs=pl.BlockSpec((BN, D), lambda i: (i, 0)),
        out_shape=jax.ShapeDtypeStruct((N, D), jnp.float32),
    )(x, w, b)


def _tc2_body(s0_ref, s1_ref, c0_ref, c1_ref, w_ref, b_ref, h_ref, xl2_ref):
    cnt = jnp.maximum((c0_ref[...] + c1_ref[...])[:, 0:1], 1.0)
    h = (s0_ref[...] + s1_ref[...]) / cnt
    h_ref[...] = h
    xl2_ref[...] = lax.dot_general(
        h, w_ref[...], (((1,), (1,)), ((), ())),
        preferred_element_type=jnp.float32) + b_ref[...]


def _tc2(s0, s1, c0, c1, w, b):
    return pl.pallas_call(
        _tc2_body,
        grid=(N // BN,),
        in_specs=[
            pl.BlockSpec((BN, D), lambda i: (i, 0)),
            pl.BlockSpec((BN, D), lambda i: (i, 0)),
            pl.BlockSpec((BN, D), lambda i: (i, 0)),
            pl.BlockSpec((BN, D), lambda i: (i, 0)),
            pl.BlockSpec((D, D), lambda i: (0, 0)),
            pl.BlockSpec((1, D), lambda i: (0, 0)),
        ],
        out_specs=(pl.BlockSpec((BN, D), lambda i: (i, 0)),
                   pl.BlockSpec((BN, D), lambda i: (i, 0))),
        out_shape=(jax.ShapeDtypeStruct((N, D), jnp.float32),
                   jax.ShapeDtypeStruct((N, D), jnp.float32)),
    )(s0, s1, c0, c1, w, b)


def _tc3_body(s0_ref, s1_ref, xl2_ref, h_ref, c0_ref, c1_ref, g_ref, b_ref,
              y_ref):
    cnt2 = (c0_ref[...] + c1_ref[...])[:, 0:1] + 1.0
    out = (s0_ref[...] + s1_ref[...] + xl2_ref[...]) / cnt2
    t = out + h_ref[...]
    mu = jnp.mean(t, axis=-1, keepdims=True)
    var = jnp.mean((t - mu) ** 2, axis=-1, keepdims=True)
    ln = (t - mu) * lax.rsqrt(var + 1e-5) * g_ref[...] + b_ref[...]
    y_ref[...] = ln * 0.5 * (1.0 + lax.erf(ln * 0.7071067811865476))


def _tc3(s0, s1, xl2, h, c0, c1, g, b):
    return pl.pallas_call(
        _tc3_body,
        grid=(N // BN,),
        in_specs=[
            pl.BlockSpec((BN, D), lambda i: (i, 0)),
            pl.BlockSpec((BN, D), lambda i: (i, 0)),
            pl.BlockSpec((BN, D), lambda i: (i, 0)),
            pl.BlockSpec((BN, D), lambda i: (i, 0)),
            pl.BlockSpec((BN, D), lambda i: (i, 0)),
            pl.BlockSpec((BN, D), lambda i: (i, 0)),
            pl.BlockSpec((1, D), lambda i: (0, 0)),
            pl.BlockSpec((1, D), lambda i: (0, 0)),
        ],
        out_specs=pl.BlockSpec((BN, D), lambda i: (i, 0)),
        out_shape=jax.ShapeDtypeStruct((N, D), jnp.float32),
    )(s0, s1, xl2, h, c0, c1, g, b)



def kernel(x, edge_index, edge_weight, W_l1, b_l1, W_r1, b_r1,
           W_l2, b_l2, W_r2, b_r2, ln_gamma, ln_beta):
    ei = edge_index.astype(jnp.int32)
    pad = EPW - EREAL
    src3 = jnp.pad(ei[0].reshape(NW, EREAL),
                   ((0, 0), (0, pad))).reshape(NW, CHUNKS, K)
    dst3 = jnp.pad(ei[1].reshape(NW, EREAL), ((0, 0), (0, pad)),
                   constant_values=NPAD - 1).reshape(NW, CHUNKS, K)
    ew3 = jnp.pad(edge_weight.reshape(NW, EREAL),
                  ((0, 0), (0, pad))).reshape(NW, CHUNKS, K)
    zer_d = jnp.zeros((NPAD, D), jnp.float32)
    ones_c = jnp.ones((K, D), jnp.float32)

    sc_aggregate = _make_sc_aggregate()
    sc_count = _make_sc_count()

    cnt = sc_count(dst3, zer_d, ones_c)
    xl1 = _tc1(x, W_l1, b_l1.reshape(1, D))
    sum1 = sc_aggregate(xl1, src3, dst3, ew3, zer_d)
    h, xl2 = _tc2(sum1[0], sum1[1], cnt[0], cnt[1], W_l2, b_l2.reshape(1, D))
    sum2 = sc_aggregate(xl2, src3, dst3, ew3, zer_d)
    return _tc3(sum2[0], sum2[1], xl2, h, cnt[0], cnt[1],
                ln_gamma.reshape(1, D), ln_beta.reshape(1, D))

# --- scband reference (transcript-rebuilt; emitter-appended) ---
"""Pipeline reference for scband-double-graph-conv-84817014161895 (READ-ONLY COPY).

The authoritative reference and input builder live on the scoring server;
editing this copy changes nothing except your own understanding.
"""

import jax, jax.numpy as jnp
import numpy as np

N = 10000
E = 320000
D = 128


def _mean_aggr(msgs, dst, num_nodes):
    summed = jax.ops.segment_sum(msgs, dst, num_segments=num_nodes)
    cnt = jax.ops.segment_sum(jnp.ones((dst.shape[0],), msgs.dtype), dst, num_segments=num_nodes)
    return summed / jnp.clip(cnt, 1.0)[:, None]


def _sage(x, edge_index, edge_weight, W_l, b_l, W_r, b_r):
    # WeightedSAGEConv: lin_l on source features, lin_r computed but unused by update()
    xl = x @ W_l.T + b_l
    xr = x @ W_r.T + b_r  # faithful to reference: computed, not used in update
    src = edge_index[0]
    dst = edge_index[1]
    m = xl[src]
    if edge_weight is not None:
        m = m * edge_weight[:, None]
    return _mean_aggr(m, dst, x.shape[0])


def _layernorm(h, g, b, eps=1e-5):
    mu = jnp.mean(h, axis=-1, keepdims=True)
    var = jnp.mean((h - mu) ** 2, axis=-1, keepdims=True)
    return (h - mu) / jnp.sqrt(var + eps) * g + b


def setup_inputs(seed: int = 0):
    key = jax.random.key(seed)
    ks = jax.random.split(key, 12)
    s = 1.0 / np.sqrt(D)
    x = jax.random.normal(ks[0], (N, D), jnp.float32)
    edge_index = jax.random.randint(ks[1], (2, E), 0, N)
    edge_weight = jax.random.uniform(ks[2], (E,), jnp.float32)
    W_l1 = jax.random.uniform(ks[3], (D, D), jnp.float32, -s, s)
    b_l1 = jax.random.uniform(ks[4], (D,), jnp.float32, -s, s)
    W_r1 = jax.random.uniform(ks[5], (D, D), jnp.float32, -s, s)
    b_r1 = jax.random.uniform(ks[6], (D,), jnp.float32, -s, s)
    W_l2 = jax.random.uniform(ks[7], (D, D), jnp.float32, -s, s)
    b_l2 = jax.random.uniform(ks[8], (D,), jnp.float32, -s, s)
    W_r2 = jax.random.uniform(ks[9], (D, D), jnp.float32, -s, s)
    b_r2 = jax.random.uniform(ks[10], (D,), jnp.float32, -s, s)
    ln_gamma = jnp.ones((D,), jnp.float32)
    ln_beta = jnp.zeros((D,), jnp.float32)
    return {
        "x": x, "edge_index": edge_index, "edge_weight": edge_weight,
        "W_l1": W_l1, "b_l1": b_l1, "W_r1": W_r1, "b_r1": b_r1,
        "W_l2": W_l2, "b_l2": b_l2, "W_r2": W_r2, "b_r2": b_r2,
        "ln_gamma": ln_gamma, "ln_beta": ln_beta,
    }


def reference(x, edge_index, edge_weight, W_l1, b_l1, W_r1, b_r1, W_l2, b_l2, W_r2, b_r2, ln_gamma, ln_beta):
    # Layer 1: WeightedSAGEConv
    h = _sage(x, edge_index, edge_weight, W_l1, b_l1, W_r1, b_r1)
    # Layer 2: ResGraphConv (residual is Identity since in==out)
    identity = h
    n = h.shape[0]
    loops = jnp.arange(n, dtype=edge_index.dtype)
    ei2 = jnp.concatenate([edge_index, jnp.stack([loops, loops])], axis=1)
    ew2 = jnp.concatenate([edge_weight, jnp.ones((n,), edge_weight.dtype)])
    out = _sage(h, ei2, ew2, W_l2, b_l2, W_r2, b_r2)
    out = _layernorm(out + identity, ln_gamma, ln_beta)
    return jax.nn.gelu(out, approximate=False)

if __name__ == "__main__":
    import jax
    _d = setup_inputs()
    print(jax.jit(kernel)(*tuple(_d.values())))

</pallas_src>

<mosaic_0001>
#map = affine_map<(d0, d1) -> (0, 0)>
#map1 = affine_map<(d0, d1) -> (0, 0, 0)>
module attributes {stable_mosaic.version = 14 : i64} {
  func.func @_sc_body(%arg0: i32, %arg1: i32, %arg2: memref<10000x128xf32, #tpu.memory_space<hbm>>, %arg3: memref<32x79x128xi32, #tpu.memory_space<hbm>>, %arg4: memref<32x79x128xi32, #tpu.memory_space<hbm>>, %arg5: memref<32x79x128xf32, #tpu.memory_space<hbm>>, %arg6: memref<10240x128xf32, #tpu.memory_space<hbm>>, %arg7: memref<2x10240x128xf32, #tpu.memory_space<hbm>>, %arg8: memref<128xi32, #tpu.memory_space<vmem>>, %arg9: memref<128xi32, #tpu.memory_space<vmem>>, %arg10: memref<128xf32, #tpu.memory_space<vmem>>, %arg11: memref<128x128xf32, #tpu.memory_space<vmem>>, %arg12: memref<!tpu.dma_semaphore, #tpu.memory_space<semaphore_mem>>, %arg13: memref<10240x128xf32, #tpu.memory_space<vmem_shared>>) attributes {dimension_semantics = [#tpu.dimension_semantics<core_parallel>, #tpu.dimension_semantics<subcore_parallel>], iteration_bounds = array<i64: 2, 16>, scalar_prefetch = 0 : i64, scratch_operands = 6 : i64, tpu.core_type = #tpu.core_type<sc_vector_subcore>, window_params = [{transform_indices = #map}, {transform_indices = #map1}, {transform_indices = #map1}, {transform_indices = #map1}, {transform_indices = #map}, {transform_indices = #map1}]} {
    %mul3A = arith.constant 16 : i32
    %mul3A_0 = arith.muli %arg0, %mul3A : i32
    %add3A = arith.addi %mul3A_0, %arg1 : i32
    %mul3A_1 = arith.constant 640 : i32
    %mul3A_2 = arith.muli %arg1, %mul3A_1 : i32
    %mul3A_3 = arith.constant 640 : i32
    %mul3A_4 = arith.muli %arg1, %mul3A_3 : i32
    "tpu.region"() ({
      %run_scoped3A = tpu.sem_alloc : memref<!tpu.dma_semaphore, #tpu.memory_space<semaphore_mem>>
      %dma_start3A = arith.constant 0 : i32
      %dma_start3A_15 = tpu.memref_slice %arg13[%mul3A_4, %dma_start3A] : memref<10240x128xf32, #tpu.memory_space<vmem_shared>> -> memref<640x128xf32, #tpu.memory_space<vmem_shared>>
      %dma_start3A_16 = arith.constant 0 : i32
      %dma_start3A_17 = tpu.memref_slice %arg6[%mul3A_2, %dma_start3A_16] : memref<10240x128xf32, #tpu.memory_space<hbm>> -> memref<640x128xf32, #tpu.memory_space<hbm>>
      tpu.enqueue_dma source(%dma_start3A_17 : memref<640x128xf32, #tpu.memory_space<hbm>>) target(%dma_start3A_15 : memref<640x128xf32, #tpu.memory_space<vmem_shared>>) target_semaphore(%run_scoped3A : memref<!tpu.dma_semaphore, #tpu.memory_space<semaphore_mem>>)
      %dma_wait3A = arith.constant 0 : i32
      %dma_wait3A_18 = tpu.memref_slice %arg13[%mul3A_4, %dma_wait3A] : memref<10240x128xf32, #tpu.memory_space<vmem_shared>> -> memref<640x128xf32, #tpu.memory_space<vmem_shared>>
      %dma_wait3A_19 = arith.constant 0 : i32
      %dma_wait3A_20 = tpu.memref_slice %arg6[%mul3A_2, %dma_wait3A_19] : memref<10240x128xf32, #tpu.memory_space<hbm>> -> memref<640x128xf32, #tpu.memory_space<hbm>>
      tpu.wait_dma2 semaphore(%run_scoped3A : memref<!tpu.dma_semaphore, #tpu.memory_space<semaphore_mem>>) src(%dma_wait3A_20 : memref<640x128xf32, #tpu.memory_space<hbm>>) dst(%dma_wait3A_18 : memref<640x128xf32, #tpu.memory_space<vmem_shared>>)
      tpu.yield
    }) : () -> ()
    %barrier3A = arith.constant 0 : index
    tpu.barrier barrier_id(%barrier3A)
    %scan3A = arith.constant 0 : i32
    %scan3A_5 = arith.constant 0 : i32
    %scan3A_6 = arith.constant 79 : i32
    %scan3A_7 = arith.addi %scan3A_5, %scan3A_6 : i32
    %scan3A_8 = arith.constant 1 : i32
    scf.for %scan3A_15 = %scan3A_5 to %scan3A_7 step %scan3A_8  : i32 {
      "tpu.region"() ({
        %run_scoped3A = tpu.sem_alloc : memref<!tpu.dma_semaphore, #tpu.memory_space<semaphore_mem>>
        %dma_start3A_26 = arith.constant 0 : i32
        %dma_start3A_27 = tpu.memref_slice %arg3[%add3A, %scan3A_15, %dma_start3A_26] : memref<32x79x128xi32, #tpu.memory_space<hbm>> -> memref<1x1x128xi32, #tpu.memory_space<hbm>>
        %dma_start3A_28 = tpu.memref_squeeze %dma_start3A_27 : memref<1x1x128xi32, #tpu.memory_space<hbm>> -> memref<128xi32, #tpu.memory_space<hbm>>
        %dma_start3A_29 = arith.constant 0 : i32
        %dma_start3A_30 = tpu.memref_slice %arg3[%add3A, %scan3A_15, %dma_start3A_29] : memref<32x79x128xi32, #tpu.memory_space<hbm>> -> memref<1x1x128xi32, #tpu.memory_space<hbm>>
        %dma_start3A_31 = tpu.memref_squeeze %dma_start3A_30 : memref<1x1x128xi32, #tpu.memory_space<hbm>> -> memref<128xi32, #tpu.memory_space<hbm>>
        tpu.enqueue_dma source(%dma_start3A_31 : memref<128xi32, #tpu.memory_space<hbm>>) target(%arg8 : memref<128xi32, #tpu.memory_space<vmem>>) target_semaphore(%run_scoped3A : memref<!tpu.dma_semaphore, #tpu.memory_space<semaphore_mem>>)
        %dma_wait3A_32 = arith.constant 0 : i32
        %dma_wait3A_33 = tpu.memref_slice %arg3[%add3A, %scan3A_15, %dma_wait3A_32] : memref<32x79x128xi32, #tpu.memory_space<hbm>> -> memref<1x1x128xi32, #tpu.memory_space<hbm>>
        %dma_wait3A_34 = tpu.memref_squeeze %dma_wait3A_33 : memref<1x1x128xi32, #tpu.memory_space<hbm>> -> memref<128xi32, #tpu.memory_space<hbm>>
        %dma_wait3A_35 = arith.constant 0 : i32
        %dma_wait3A_36 = tpu.memref_slice %arg3[%add3A, %scan3A_15, %dma_wait3A_35] : memref<32x79x128xi32, #tpu.memory_space<hbm>> -> memref<1x1x128xi32, #tpu.memory_space<hbm>>
        %dma_wait3A_37 = tpu.memref_squeeze %dma_wait3A_36 : memref<1x1x128xi32, #tpu.memory_space<hbm>> -> memref<128xi32, #tpu.memory_space<hbm>>
        tpu.wait_dma2 semaphore(%run_scoped3A : memref<!tpu.dma_semaphore, #tpu.memory_space<semaphore_mem>>) src(%dma_wait3A_37 : memref<128xi32, #tpu.memory_space<hbm>>) dst(%arg8 : memref<128xi32, #tpu.memory_space<vmem>>)
        tpu.yield
      }) : () -> ()
      "tpu.region"() ({
        %run_scoped3A = tpu.sem_alloc : memref<!tpu.dma_semaphore, #tpu.memory_space<semaphore_mem>>
        %dma_start3A_26 = arith.constant 0 : i32
        %dma_start3A_27 = tpu.memref_slice %arg4[%add3A, %scan3A_15, %dma_start3A_26] : memref<32x79x128xi32, #tpu.memory_space<hbm>> -> memref<1x1x128xi32, #tpu.memory_space<hbm>>
        %dma_start3A_28 = tpu.memref_squeeze %dma_start3A_27 : memref<1x1x128xi32, #tpu.memory_space<hbm>> -> memref<128xi32, #tpu.memory_space<hbm>>
        %dma_start3A_29 = arith.constant 0 : i32
        %dma_start3A_30 = tpu.memref_slice %arg4[%add3A, %scan3A_15, %dma_start3A_29] : memref<32x79x128xi32, #tpu.memory_space<hbm>> -> memref<1x1x128xi32, #tpu.memory_space<hbm>>
        %dma_start3A_31 = tpu.memref_squeeze %dma_start3A_30 : memref<1x1x128xi32, #tpu.memory_space<hbm>> -> memref<128xi32, #tpu.memory_space<hbm>>
        tpu.enqueue_dma source(%dma_start3A_31 : memref<128xi32, #tpu.memory_space<hbm>>) target(%arg9 : memref<128xi32, #tpu.memory_space<vmem>>) target_semaphore(%run_scoped3A : memref<!tpu.dma_semaphore, #tpu.memory_space<semaphore_mem>>)
        %dma_wait3A_32 = arith.constant 0 : i32
        %dma_wait3A_33 = tpu.memref_slice %arg4[%add3A, %scan3A_15, %dma_wait3A_32] : memref<32x79x128xi32, #tpu.memory_space<hbm>> -> memref<1x1x128xi32, #tpu.memory_space<hbm>>
        %dma_wait3A_34 = tpu.memref_squeeze %dma_wait3A_33 : memref<1x1x128xi32, #tpu.memory_space<hbm>> -> memref<128xi32, #tpu.memory_space<hbm>>
        %dma_wait3A_35 = arith.constant 0 : i32
        %dma_wait3A_36 = tpu.memref_slice %arg4[%add3A, %scan3A_15, %dma_wait3A_35] : memref<32x79x128xi32, #tpu.memory_space<hbm>> -> memref<1x1x128xi32, #tpu.memory_space<hbm>>
        %dma_wait3A_37 = tpu.memref_squeeze %dma_wait3A_36 : memref<1x1x128xi32, #tpu.memory_space<hbm>> -> memref<128xi32, #tpu.memory_space<hbm>>
        tpu.wait_dma2 semaphore(%run_scoped3A : memref<!tpu.dma_semaphore, #tpu.memory_space<semaphore_mem>>) src(%dma_wait3A_37 : memref<128xi32, #tpu.memory_space<hbm>>) dst(%arg9 : memref<128xi32, #tpu.memory_space<vmem>>)
        tpu.yield
      }) : () -> ()
      "tpu.region"() ({
        %run_scoped3A = tpu.sem_alloc : memref<!tpu.dma_semaphore, #tpu.memory_space<semaphore_mem>>
        %dma_start3A_26 = arith.constant 0 : i32
        %dma_start3A_27 = tpu.memref_slice %arg5[%add3A, %scan3A_15, %dma_start3A_26] : memref<32x79x128xf32, #tpu.memory_space<hbm>> -> memref<1x1x128xf32, #tpu.memory_space<hbm>>
        %dma_start3A_28 = tpu.memref_squeeze %dma_start3A_27 : memref<1x1x128xf32, #tpu.memory_space<hbm>> -> memref<128xf32, #tpu.memory_space<hbm>>
        %dma_start3A_29 = arith.constant 0 : i32
        %dma_start3A_30 = tpu.memref_slice %arg5[%add3A, %scan3A_15, %dma_start3A_29] : memref<32x79x128xf32, #tpu.memory_space<hbm>> -> memref<1x1x128xf32, #tpu.memory_space<hbm>>
        %dma_start3A_31 = tpu.memref_squeeze %dma_start3A_30 : memref<1x1x128xf32, #tpu.memory_space<hbm>> -> memref<128xf32, #tpu.memory_space<hbm>>
        tpu.enqueue_dma source(%dma_start3A_31 : memref<128xf32, #tpu.memory_space<hbm>>) target(%arg10 : memref<128xf32, #tpu.memory_space<vmem>>) target_semaphore(%run_scoped3A : memref<!tpu.dma_semaphore, #tpu.memory_space<semaphore_mem>>)
        %dma_wait3A_32 = arith.constant 0 : i32
        %dma_wait3A_33 = tpu.memref_slice %arg5[%add3A, %scan3A_15, %dma_wait3A_32] : memref<32x79x128xf32, #tpu.memory_space<hbm>> -> memref<1x1x128xf32, #tpu.memory_space<hbm>>
        %dma_wait3A_34 = tpu.memref_squeeze %dma_wait3A_33 : memref<1x1x128xf32, #tpu.memory_space<hbm>> -> memref<128xf32, #tpu.memory_space<hbm>>
        %dma_wait3A_35 = arith.constant 0 : i32
        %dma_wait3A_36 = tpu.memref_slice %arg5[%add3A, %scan3A_15, %dma_wait3A_35] : memref<32x79x128xf32, #tpu.memory_space<hbm>> -> memref<1x1x128xf32, #tpu.memory_space<hbm>>
        %dma_wait3A_37 = tpu.memref_squeeze %dma_wait3A_36 : memref<1x1x128xf32, #tpu.memory_space<hbm>> -> memref<128xf32, #tpu.memory_space<hbm>>
        tpu.wait_dma2 semaphore(%run_scoped3A : memref<!tpu.dma_semaphore, #tpu.memory_space<semaphore_mem>>) src(%dma_wait3A_37 : memref<128xf32, #tpu.memory_space<hbm>>) dst(%arg10 : memref<128xf32, #tpu.memory_space<vmem>>)
        tpu.yield
      }) : () -> ()
      %dma_start3A = arith.constant 0 : i32
      %dma_start3A_16 = arith.constant 0 : i32
      %dma_start3A_17 = tpu.memref_slice %arg2[%dma_start3A, %dma_start3A_16] : memref<10000x128xf32, #tpu.memory_space<hbm>> -> memref<10000x128xf32, #tpu.memory_space<hbm>>
      tpu.enqueue_indirect_dma source(%dma_start3A_17 : memref<10000x128xf32, #tpu.memory_space<hbm>>) target(%arg11 : memref<128x128xf32, #tpu.memory_space<vmem>>) offsets(%arg8 : memref<128xi32, #tpu.memory_space<vmem>>) semaphore(%arg12 : memref<!tpu.dma_semaphore, #tpu.memory_space<semaphore_mem>>)
      %dma_wait3A = arith.constant 0 : i32
      %dma_wait3A_18 = arith.constant 0 : i32
      %dma_wait3A_19 = tpu.memref_slice %arg2[%dma_wait3A, %dma_wait3A_18] : memref<10000x128xf32, #tpu.memory_space<hbm>> -> memref<10000x128xf32, #tpu.memory_space<hbm>>
      tpu.wait_indirect_dma semaphore(%arg12 : memref<!tpu.dma_semaphore, #tpu.memory_space<semaphore_mem>>) src(%dma_wait3A_19 : memref<10000x128xf32, #tpu.memory_space<hbm>>) dst(%arg11 : memref<128x128xf32, #tpu.memory_space<vmem>>)
      %scan3A_20 = arith.constant 0 : i32
      %scan3A_21 = arith.constant 0 : i32
      %scan3A_22 = arith.constant 8 : i32
      %scan3A_23 = arith.addi %scan3A_21, %scan3A_22 : i32
      %scan3A_24 = arith.constant 1 : i32
      scf.for %scan3A_26 = %scan3A_21 to %scan3A_23 step %scan3A_24  : i32 {
        %mul3A_27 = arith.constant 16 : i32
        %mul3A_28 = arith.muli %scan3A_26, %mul3A_27 : i32
        %get3A = arith.index_cast %mul3A_28 : i32 to index
        %get3A_29 = tpu.vector_load %arg10[%get3A] {strides = array<i32>} : memref<128xf32, #tpu.memory_space<vmem>>, vector<16xf32>,
        %get3A_30 = vector.shape_cast %get3A_29 : vector<16xf32> to vector<16xf32>
        %slice3A = vector.extract_strided_slice %get3A_30 {offsets = [0], sizes = [1], strides = [1]} : vector<16xf32> to vector<1xf32>
        %squeeze3A = vector.extract %slice3A[0] : f32 from vector<1xf32>
        %mul3A_31 = arith.constant 16 : i32
        %mul3A_32 = arith.muli %scan3A_26, %mul3A_31 : i32
        %add3A_33 = arith.constant 0 : i32
        %add3A_34 = arith.addi %mul3A_32, %add3A_33 : i32
        %get3A_35 = arith.index_cast %add3A_34 : i32 to index
        %get3A_36 = arith.constant 0 : index
        %get3A_37 = tpu.vector_load %arg11[%get3A_35, %get3A_36] {strides = array<i32>} : memref<128x128xf32, #tpu.memory_space<vmem>>, vector<1x16xf32>,
        %get3A_38 = vector.shape_cast %get3A_37 : vector<1x16xf32> to vector<16xf32>
        %mul3A_39 = vector.broadcast %squeeze3A : f32 to vector<16xf32>
        %mul3A_40 = arith.mulf %get3A_38, %mul3A_39 : vector<16xf32>
        %swap3A = arith.index_cast %add3A_34 : i32 to index
        %swap3A_41 = arith.constant 0 : index
        %swap3A_42 = tpu.vector_load %arg11[%swap3A, %swap3A_41] {strides = array<i32>} : memref<128x128xf32, #tpu.memory_space<vmem>>, vector<1x16xf32>,
        %swap3A_43 = vector.shape_cast %swap3A_42 : vector<1x16xf32> to vector<16xf32>
        %swap3A_44 = vector.shape_cast %mul3A_40 : vector<16xf32> to vector<1x16xf32>
        tpu.vector_store %arg11[%swap3A, %swap3A_41], %swap3A_44 {strides = array<i32>} : memref<128x128xf32, #tpu.memory_space<vmem>>, vector<1x16xf32>,
        %get3A_45 = arith.index_cast %add3A_34 : i32 to index
        %get3A_46 = arith.constant 16 : index
        %get3A_47 = tpu.vector_load %arg11[%get3A_45, %get3A_46] {strides = array<i32>} : memref<128x128xf32, #tpu.memory_space<vmem>>, vector<1x16xf32>,
        %get3A_48 = vector.shape_cast %get3A_47 : vector<1x16xf32> to vector<16xf32>
        %mul3A_49 = vector.broadcast %squeeze3A : f32 to vector<16xf32>
        %mul3A_50 = arith.mulf %get3A_48, %mul3A_49 : vector<16xf32>
        %swap3A_51 = arith.index_cast %add3A_34 : i32 to index
        %swap3A_52 = arith.constant 16 : index
        %swap3A_53 = tpu.vector_load %arg11[%swap3A_51, %swap3A_52] {strides = array<i32>} : memref<128x128xf32, #tpu.memory_space<vmem>>, vector<1x16xf32>,
        %swap3A_54 = vector.shape_cast %swap3A_53 : vector<1x16xf32> to vector<16xf32>
        %swap3A_55 = vector.shape_cast %mul3A_50 : vector<16xf32> to vector<1x16xf32>
        tpu.vector_store %arg11[%swap3A_51, %swap3A_52], %swap3A_55 {strides = array<i32>} : memref<128x128xf32, #tpu.memory_space<vmem>>, vector<1x16xf32>,
        %get3A_56 = arith.index_cast %add3A_34 : i32 to index
        %get3A_57 = arith.constant 32 : index
        %get3A_58 = tpu.vector_load %arg11[%get3A_56, %get3A_57] {strides = array<i32>} : memref<128x128xf32, #tpu.memory_space<vmem>>, vector<1x16xf32>,
        %get3A_59 = vector.shape_cast %get3A_58 : vector<1x16xf32> to vector<16xf32>
        %mul3A_60 = vector.broadcast %squeeze3A : f32 to vector<16xf32>
        %mul3A_61 = arith.mulf %get3A_59, %mul3A_60 : vector<16xf32>
        %swap3A_62 = arith.index_cast %add3A_34 : i32 to index
        %swap3A_63 = arith.constant 32 : index
        %swap3A_64 = tpu.vector_load %arg11[%swap3A_62, %swap3A_63] {strides = array<i32>} : memref<128x128xf32, #tpu.memory_space<vmem>>, vector<1x16xf32>,
        %swap3A_65 = vector.shape_cast %swap3A_64 : vector<1x16xf32> to vector<16xf32>
        %swap3A_66 = vector.shape_cast %mul3A_61 : vector<16xf32> to vector<1x16xf32>
        tpu.vector_store %arg11[%swap3A_62, %swap3A_63], %swap3A_66 {strides = array<i32>} : memref<128x128xf32, #tpu.memory_space<vmem>>, vector<1x16xf32>,
        %get3A_67 = arith.index_cast %add3A_34 : i32 to index
        %get3A_68 = arith.constant 48 : index
        %get3A_69 = tpu.vector_load %arg11[%get3A_67, %get3A_68] {strides = array<i32>} : memref<128x128xf32, #tpu.memory_space<vmem>>, vector<1x16xf32>,
        %get3A_70 = vector.shape_cast %get3A_69 : vector<1x16xf32> to vector<16xf32>
        %mul3A_71 = vector.broadcast %squeeze3A : f32 to vector<16xf32>
        %mul3A_72 = arith.mulf %get3A_70, %mul3A_71 : vector<16xf32>
        %swap3A_73 = arith.index_cast %add3A_34 : i32 to index
        %swap3A_74 = arith.constant 48 : index
        %swap3A_75 = tpu.vector_load %arg11[%swap3A_73, %swap3A_74] {strides = array<i32>} : memref<128x128xf32, #tpu.memory_space<vmem>>, vector<1x16xf32>,
        %swap3A_76 = vector.shape_cast %swap3A_75 : vector<1x16xf32> to vector<16xf32>
        %swap3A_77 = vector.shape_cast %mul3A_72 : vector<16xf32> to vector<1x16xf32>
        tpu.vector_store %arg11[%swap3A_73, %swap3A_74], %swap3A_77 {strides = array<i32>} : memref<128x128xf32, #tpu.memory_space<vmem>>, vector<1x16xf32>,
        %get3A_78 = arith.index_cast %add3A_34 : i32 to index
        %get3A_79 = arith.constant 64 : index
        %get3A_80 = tpu.vector_load %arg11[%get3A_78, %get3A_79] {strides = array<i32>} : memref<128x128xf32, #tpu.memory_space<vmem>>, vector<1x16xf32>,
        %get3A_81 = vector.shape_cast %get3A_80 : vector<1x16xf32> to vector<16xf32>
        %mul3A_82 = vector.broadcast %squeeze3A : f32 to vector<16xf32>
        %mul3A_83 = arith.mulf %get3A_81, %mul3A_82 : vector<16xf32>
        %swap3A_84 = arith.index_cast %add3A_34 : i32 to index
        %swap3A_85 = arith.constant 64 : index
        %swap3A_86 = tpu.vector_load %arg11[%swap3A_84, %swap3A_85] {strides = array<i32>} : memref<128x128xf32, #tpu.memory_space<vmem>>, vector<1x16xf32>,
        %swap3A_87 = vector.shape_cast %swap3A_86 : vector<1x16xf32> to vector<16xf32>
        %swap3A_88 = vector.shape_cast %mul3A_83 : vector<16xf32> to vector<1x16xf32>
        tpu.vector_store %arg11[%swap3A_84, %swap3A_85], %swap3A_88 {strides = array<i32>} : memref<128x128xf32, #tpu.memory_space<vmem>>, vector<1x16xf32>,
        %get3A_89 = arith.index_cast %add3A_34 : i32 to index
        %get3A_90 = arith.constant 80 : index
        %get3A_91 = tpu.vector_load %arg11[%get3A_89, %get3A_90] {strides = array<i32>} : memref<128x128xf32, #tpu.memory_space<vmem>>, vector<1x16xf32>,
        %get3A_92 = vector.shape_cast %get3A_91 : vector<1x16xf32> to vector<16xf32>
        %mul3A_93 = vector.broadcast %squeeze3A : f32 to vector<16xf32>
        %mul3A_94 = arith.mulf %get3A_92, %mul3A_93 : vector<16xf32>
        %swap3A_95 = arith.index_cast %add3A_34 : i32 to index
        %swap3A_96 = arith.constant 80 : index
        %swap3A_97 = tpu.vector_load %arg11[%swap3A_95, %swap3A_96] {strides = array<i32>} : memref<128x128xf32, #tpu.memory_space<vmem>>, vector<1x16xf32>,
        %swap3A_98 = vector.shape_cast %swap3A_97 : vector<1x16xf32> to vector<16xf32>
        %swap3A_99 = vector.shape_cast %mul3A_94 : vector<16xf32> to vector<1x16xf32>
        tpu.vector_store %arg11[%swap3A_95, %swap3A_96], %swap3A_99 {strides = array<i32>} : memref<128x128xf32, #tpu.memory_space<vmem>>, vector<1x16xf32>,
        %get3A_100 = arith.index_cast %add3A_34 : i32 to index
        %get3A_101 = arith.constant 96 : index
        %get3A_102 = tpu.vector_load %arg11[%get3A_100, %get3A_101] {strides = array<i32>} : memref<128x128xf32, #tpu.memory_space<vmem>>, vector<1x16xf32>,
        %get3A_103 = vector.shape_cast %get3A_102 : vector<1x16xf32> to vector<16xf32>
        %mul3A_104 = vector.broadcast %squeeze3A : f32 to vector<16xf32>
        %mul3A_105 = arith.mulf %get3A_103, %mul3A_104 : vector<16xf32>
        %swap3A_106 = arith.index_cast %add3A_34 : i32 to index
        %swap3A_107 = arith.constant 96 : index
        %swap3A_108 = tpu.vector_load %arg11[%swap3A_106, %swap3A_107] {strides = array<i32>} : memref<128x128xf32, #tpu.memory_space<vmem>>, vector<1x16xf32>,
        %swap3A_109 = vector.shape_cast %swap3A_108 : vector<1x16xf32> to vector<16xf32>
        %swap3A_110 = vector.shape_cast %mul3A_105 : vector<16xf32> to vector<1x16xf32>
        tpu.vector_store %arg11[%swap3A_106, %swap3A_107], %swap3A_110 {strides = array<i32>} : memref<128x128xf32, #tpu.memory_space<vmem>>, vector<1x16xf32>,
        %get3A_111 = arith.index_cast %add3A_34 : i32 to index
        %get3A_112 = arith.constant 112 : index
        %get3A_113 = tpu.vector_load %arg11[%get3A_111, %get3A_112] {strides = array<i32>} : memref<128x128xf32, #tpu.memory_space<vmem>>, vector<1x16xf32>,
        %get3A_114 = vector.shape_cast %get3A_113 : vector<1x16xf32> to vector<16xf32>
        %mul3A_115 = vector.broadcast %squeeze3A : f32 to vector<16xf32>
        %mul3A_116 = arith.mulf %get3A_114, %mul3A_115 : vector<16xf32>
        %swap3A_117 = arith.index_cast %add3A_34 : i32 to index
        %swap3A_118 = arith.constant 112 : index
        %swap3A_119 = tpu.vector_load %arg11[%swap3A_117, %swap3A_118] {strides = array<i32>} : memref<128x128xf32, #tpu.memory_space<vmem>>, vector<1x16xf32>,
        %swap3A_120 = vector.shape_cast %swap3A_119 : vector<1x16xf32> to vector<16xf32>
        %swap3A_121 = vector.shape_cast %mul3A_116 : vector<16xf32> to vector<1x16xf32>
        tpu.vector_store %arg11[%swap3A_117, %swap3A_118], %swap3A_121 {strides = array<i32>} : memref<128x128xf32, #tpu.memory_space<vmem>>, vector<1x16xf32>,
        %slice3A_122 = vector.extract_strided_slice %get3A_30 {offsets = [1], sizes = [1], strides = [1]} : vector<16xf32> to vector<1xf32>
        %squeeze3A_123 = vector.extract %slice3A_122[0] : f32 from vector<1xf32>
        %mul3A_124 = arith.constant 16 : i32
        %mul3A_125 = arith.muli %scan3A_26, %mul3A_124 : i32
        %add3A_126 = arith.constant 1 : i32
        %add3A_127 = arith.addi %mul3A_125, %add3A_126 : i32
        %get3A_128 = arith.index_cast %add3A_127 : i32 to index
        %get3A_129 = arith.constant 0 : index
        %get3A_130 = tpu.vector_load %arg11[%get3A_128, %get3A_129] {strides = array<i32>} : memref<128x128xf32, #tpu.memory_space<vmem>>, vector<1x16xf32>,
        %get3A_131 = vector.shape_cast %get3A_130 : vector<1x16xf32> to vector<16xf32>
        %mul3A_132 = vector.broadcast %squeeze3A_123 : f32 to vector<16xf32>
        %mul3A_133 = arith.mulf %get3A_131, %mul3A_132 : vector<16xf32>
        %swap3A_134 = arith.index_cast %add3A_127 : i32 to index
        %swap3A_135 = arith.constant 0 : index
        %swap3A_136 = tpu.vector_load %arg11[%swap3A_134, %swap3A_135] {strides = array<i32>} : memref<128x128xf32, #tpu.memory_space<vmem>>, vector<1x16xf32>,
        %swap3A_137 = vector.shape_cast %swap3A_136 : vector<1x16xf32> to vector<16xf32>
        %swap3A_138 = vector.shape_cast %mul3A_133 : vector<16xf32> to vector<1x16xf32>
        tpu.vector_store %arg11[%swap3A_134, %swap3A_135], %swap3A_138 {strides = array<i32>} : memref<128x128xf32, #tpu.memory_space<vmem>>, vector<1x16xf32>,
        %get3A_139 = arith.index_cast %add3A_127 : i32 to index
        %get3A_140 = arith.constant 16 : index
        %get3A_141 = tpu.vector_load %arg11[%get3A_139, %get3A_140] {strides = array<i32>} : memref<128x128xf32, #tpu.memory_space<vmem>>, vector<1x16xf32>,
        %get3A_142 = vector.shape_cast %get3A_141 : vector<1x16xf32> to vector<16xf32>
        %mul3A_143 = vector.broadcast %squeeze3A_123 : f32 to vector<16xf32>
        %mul3A_144 = arith.mulf %get3A_142, %mul3A_143 : vector<16xf32>
        %swap3A_145 = arith.index_cast %add3A_127 : i32 to index
        %swap3A_146 = arith.constant 16 : index
        %swap3A_147 = tpu.vector_load %arg11[%swap3A_145, %swap3A_146] {strides = array<i32>} : memref<128x128xf32, #tpu.memory_space<vmem>>, vector<1x16xf32>,
        %swap3A_148 = vector.shape_cast %swap3A_147 : vector<1x16xf32> to vector<16xf32>
        %swap3A_149 = vector.shape_cast %mul3A_144 : vector<16xf32> to vector<1x16xf32>
        tpu.vector_store %arg11[%swap3A_145, %swap3A_146], %swap3A_149 {strides = array<i32>} : memref<128x128xf32, #tpu.memory_space<vmem>>, vector<1x16xf32>,
        %get3A_150 = arith.index_cast %add3A_127 : i32 to index
        %get3A_151 = arith.constant 32 : index
        %get3A_152 = tpu.vector_load %arg11[%get3A_150, %get3A_151] {strides = array<i32>} : memref<128x128xf32, #tpu.memory_space<vmem>>, vector<1x16xf32>,
        %get3A_153 = vector.shape_cast %get3A_152 : vector<1x16xf32> to vector<16xf32>
        %mul3A_154 = vector.broadcast %squeeze3A_123 : f32 to vector<16xf32>
        %mul3A_155 = arith.mulf %get3A_153, %mul3A_154 : vector<16xf32>
        %swap3A_156 = arith.index_cast %add3A_127 : i32 to index
        %swap3A_157 = arith.constant 32 : index
        %swap3A_158 = tpu.vector_load %arg11[%swap3A_156, %swap3A_157] {strides = array<i32>} : memref<128x128xf32, #tpu.memory_space<vmem>>, vector<1x16xf32>,
        %swap3A_159 = vector.shape_cast %swap3A_158 : vector<1x16xf32> to vector<16xf32>
        %swap3A_160 = vector.shape_cast %mul3A_155 : vector<16xf32> to vector<1x16xf32>
        tpu.vector_store %arg11[%swap3A_156, %swap3A_157], %swap3A_160 {strides = array<i32>} : memref<128x128xf32, #tpu.memory_space<vmem>>, vector<1x16xf32>,
        %get3A_161 = arith.index_cast %add3A_127 : i32 to index
        %get3A_162 = arith.constant 48 : index
        %get3A_163 = tpu.vector_load %arg11[%get3A_161, %get3A_162] {strides = array<i32>} : memref<128x128xf32, #tpu.memory_space<vmem>>, vector<1x16xf32>,
        %get3A_164 = vector.shape_cast %get3A_163 : vector<1x16xf32> to vector<16xf32>
        %mul3A_165 = vector.broadcast %squeeze3A_123 : f32 to vector<16xf32>
        %mul3A_166 = arith.mulf %get3A_164, %mul3A_165 : vector<16xf32>
        %swap3A_167 = arith.index_cast %add3A_127 : i32 to index
        %swap3A_168 = arith.constant 48 : index
        %swap3A_169 = tpu.vector_load %arg11[%swap3A_167, %swap3A_168] {strides = array<i32>} : memref<128x128xf32, #tpu.memory_space<vmem>>, vector<1x16xf32>,
        %swap3A_170 = vector.shape_cast %swap3A_169 : vector<1x16xf32> to vector<16xf32>
        %swap3A_171 = vector.shape_cast %mul3A_166 : vector<16xf32> to vector<1x16xf32>
        tpu.vector_store %arg11[%swap3A_167, %swap3A_168], %swap3A_171 {strides = array<i32>} : memref<128x128xf32, #tpu.memory_space<vmem>>, vector<1x16xf32>,
        %get3A_172 = arith.index_cast %add3A_127 : i32 to index
        %get3A_173 = arith.constant 64 : index
        %get3A_174 = tpu.vector_load %arg11[%get3A_172, %get3A_173] {strides = array<i32>} : memref<128x128xf32, #tpu.memory_space<vmem>>, vector<1x16xf32>,
        %get3A_175 = vector.shape_cast %get3A_174 : vector<1x16xf32> to vector<16xf32>
        %mul3A_176 = vector.broadcast %squeeze3A_123 : f32 to vector<16xf32>
        %mul3A_177 = arith.mulf %get3A_175, %mul3A_176 : vector<16xf32>
        %swap3A_178 = arith.index_cast %add3A_127 : i32 to index
        %swap3A_179 = arith.constant 64 : index
        %swap3A_180 = tpu.vector_load %arg11[%swap3A_178, %swap3A_179] {strides = array<i32>} : memref<128x128xf32, #tpu.memory_space<vmem>>, vector<1x16xf32>,
        %swap3A_181 = vector.shape_cast %swap3A_180 : vector<1x16xf32> to vector<16xf32>
        %swap3A_182 = vector.shape_cast %mul3A_177 : vector<16xf32> to vector<1x16xf32>
        tpu.vector_store %arg11[%swap3A_178, %swap3A_179], %swap3A_182 {strides = array<i32>} : memref<128x128xf32, #tpu.memory_space<vmem>>, vector<1x16xf32>,
        %get3A_183 = arith.index_cast %add3A_127 : i32 to index
        %get3A_184 = arith.constant 80 : index
        %get3A_185 = tpu.vector_load %arg11[%get3A_183, %get3A_184] {strides = array<i32>} : memref<128x128xf32, #tpu.memory_space<vmem>>, vector<1x16xf32>,
        %get3A_186 = vector.shape_cast %get3A_185 : vector<1x16xf32> to vector<16xf32>
        %mul3A_187 = vector.broadcast %squeeze3A_123 : f32 to vector<16xf32>
        %mul3A_188 = arith.mulf %get3A_186, %mul3A_187 : vector<16xf32>
        %swap3A_189 = arith.index_cast %add3A_127 : i32 to index
        %swap3A_190 = arith.constant 80 : index
        %swap3A_191 = tpu.vector_load %arg11[%swap3A_189, %swap3A_190] {strides = array<i32>} : memref<128x128xf32, #tpu.memory_space<vmem>>, vector<1x16xf32>,
        %swap3A_192 = vector.shape_cast %swap3A_191 : vector<1x16xf32> to vector<16xf32>
        %swap3A_193 = vector.shape_cast %mul3A_188 : vector<16xf32> to vector<1x16xf32>
        tpu.vector_store %arg11[%swap3A_189, %swap3A_190], %swap3A_193 {strides = array<i32>} : memref<128x128xf32, #tpu.memory_space<vmem>>, vector<1x16xf32>,
        %get3A_194 = arith.index_cast %add3A_127 : i32 to index
        %get3A_195 = arith.constant 96 : index
        %get3A_196 = tpu.vector_load %arg11[%get3A_194, %get3A_195] {strides = array<i32>} : memref<128x128xf32, #tpu.memory_space<vmem>>, vector<1x16xf32>,
        %get3A_197 = vector.shape_cast %get3A_196 : vector<1x16xf32> to vector<16xf32>
        %mul3A_198 = vector.broadcast %squeeze3A_123 : f32 to vector<16xf32>
        %mul3A_199 = arith.mulf %get3A_197, %mul3A_198 : vector<16xf32>
        %swap3A_200 = arith.index_cast %add3A_127 : i32 to index
        %swap3A_201 = arith.constant 96 : index
        %swap3A_202 = tpu.vector_load %arg11[%swap3A_200, %swap3A_201] {strides = array<i32>} : memref<128x128xf32, #tpu.memory_space<vmem>>, vector<1x16xf32>,
        %swap3A_203 = vector.shape_cast %swap3A_202 : vector<1x16xf32> to vector<16xf32>
        %swap3A_204 = vector.shape_cast %mul3A_199 : vector<16xf32> to vector<1x16xf32>
        tpu.vector_store %arg11[%swap3A_200, %swap3A_201], %swap3A_204 {strides = array<i32>} : memref<128x128xf32, #tpu.memory_space<vmem>>, vector<1x16xf32>,
        %get3A_205 = arith.index_cast %add3A_127 : i32 to index
        %get3A_206 = arith.constant 112 : index
        %get3A_207 = tpu.vector_load %arg11[%get3A_205, %get3A_206] {strides = array<i32>} : memref<128x128xf32, #tpu.memory_space<vmem>>, vector<1x16xf32>,
        %get3A_208 = vector.shape_cast %get3A_207 : vector<1x16xf32> to vector<16xf32>
        %mul3A_209 = vector.broadcast %squeeze3A_123 : f32 to vector<16xf32>
        %mul3A_210 = arith.mulf %get3A_208, %mul3A_209 : vector<16xf32>
        %swap3A_211 = arith.index_cast %add3A_127 : i32 to index
        %swap3A_212 = arith.constant 112 : index
        %swap3A_213 = tpu.vector_load %arg11[%swap3A_211, %swap3A_212] {strides = array<i32>} : memref<128x128xf32, #tpu.memory_space<vmem>>, vector<1x16xf32>,
        %swap3A_214 = vector.shape_cast %swap3A_213 : vector<1x16xf32> to vector<16xf32>
        %swap3A_215 = vector.shape_cast %mul3A_210 : vector<16xf32> to vector<1x16xf32>
        tpu.vector_store %arg11[%swap3A_211, %swap3A_212], %swap3A_215 {strides = array<i32>} : memref<128x128xf32, #tpu.memory_space<vmem>>, vector<1x16xf32>,
        %slice3A_216 = vector.extract_strided_slice %get3A_30 {offsets = [2], sizes = [1], strides = [1]} : vector<16xf32> to vector<1xf32>
        %squeeze3A_217 = vector.extract %slice3A_216[0] : f32 from vector<1xf32>
        %mul3A_218 = arith.constant 16 : i32
        %mul3A_219 = arith.muli %scan3A_26, %mul3A_218 : i32
        %add3A_220 = arith.constant 2 : i32
        %add3A_221 = arith.addi %mul3A_219, %add3A_220 : i32
        %get3A_222 = arith.index_cast %add3A_221 : i32 to index
        %get3A_223 = arith.constant 0 : index
        %get3A_224 = tpu.vector_load %arg11[%get3A_222, %get3A_223] {strides = array<i32>} : memref<128x128xf32, #tpu.memory_space<vmem>>, vector<1x16xf32>,
        %get3A_225 = vector.shape_cast %get3A_224 : vector<1x16xf32> to vector<16xf32>
        %mul3A_226 = vector.broadcast %squeeze3A_217 : f32 to vector<16xf32>
        %mul3A_227 = arith.mulf %get3A_225, %mul3A_226 : vector<16xf32>
        %swap3A_228 = arith.index_cast %add3A_221 : i32 to index
        %swap3A_229 = arith.constant 0 : index
        %swap3A_230 = tpu.vector_load %arg11[%swap3A_228, %swap3A_229] {strides = array<i32>} : memref<128x128xf32, #tpu.memory_space<vmem>>, vector<1x16xf32>,
        %swap3A_231 = vector.shape_cast %swap3A_230 : vector<1x16xf32> to vector<16xf32>
        %swap3A_232 = vector.shape_cast %mul3A_227 : vector<16xf32> to vector<1x16xf32>
        tpu.vector_store %arg11[%swap3A_228, %swap3A_229], %swap3A_232 {strides = array<i32>} : memref<128x128xf32, #tpu.memory_space<vmem>>, vector<1x16xf32>,
        %get3A_233 = arith.index_cast %add3A_221 : i32 to index
        %get3A_234 = arith.constant 16 : index
        %get3A_235 = tpu.vector_load %arg11[%get3A_233, %get3A_234] {strides = array<i32>} : memref<128x128xf32, #tpu.memory_space<vmem>>, vector<1x16xf32>,
        %get3A_236 = vector.shape_cast %get3A_235 : vector<1x16xf32> to vector<16xf32>
        %mul3A_237 = vector.broadcast %squeeze3A_217 : f32 to vector<16xf32>
        %mul3A_238 = arith.mulf %get3A_236, %mul3A_237 : vector<16xf32>
        %swap3A_239 = arith.index_cast %add3A_221 : i32 to index
        %swap3A_240 = arith.constant 16 : index
        %swap3A_241 = tpu.vector_load %arg11[%swap3A_239, %swap3A_240] {strides = array<i32>} : memref<128x128xf32, #tpu.memory_space<vmem>>, vector<1x16xf32>,
        %swap3A_242 = vector.shape_cast %swap3A_241 : vector<1x16xf32> to vector<16xf32>
        %swap3A_243 = vector.shape_cast %mul3A_238 : vector<16xf32> to vector<1x16xf32>
        tpu.vector_store %arg11[%swap3A_239, %swap3A_240], %swap3A_243 {strides = array<i32>} : memref<128x128xf32, #tpu.memory_space<vmem>>, vector<1x16xf32>,
        %get3A_244 = arith.index_cast %add3A_221 : i32 to index
        %get3A_245 = arith.constant 32 : index
        %get3A_246 = tpu.vector_load %arg11[%get3A_244, %get3A_245] {strides = array<i32>} : memref<128x128xf32, #tpu.memory_space<vmem>>, vector<1x16xf32>,
        %get3A_247 = vector.shape_cast %get3A_246 : vector<1x16xf32> to vector<16xf32>
        %mul3A_248 = vector.broadcast %squeeze3A_217 : f32 to vector<16xf32>
        %mul3A_249 = arith.mulf %get3A_247, %mul3A_248 : vector<16xf32>
        %swap3A_250 = arith.index_cast %add3A_221 : i32 to index
        %swap3A_251 = arith.constant 32 : index
        %swap3A_252 = tpu.vector_load %arg11[%swap3A_250, %swap3A_251] {strides = array<i32>} : memref<128x128xf32, #tpu.memory_space<vmem>>, vector<1x16xf32>,
        %swap3A_253 = vector.shape_cast %swap3A_252 : vector<1x16xf32> to vector<16xf32>
        %swap3A_254 = vector.shape_cast %mul3A_249 : vector<16xf32> to vector<1x16xf32>
        tpu.vector_store %arg11[%swap3A_250, %swap3A_251], %swap3A_254 {strides = array<i32>} : memref<128x128xf32, #tpu.memory_space<vmem>>, vector<1x16xf32>,
        %get3A_255 = arith.index_cast %add3A_221 : i32 to index
        %get3A_256 = arith.constant 48 : index
        %get3A_257 = tpu.vector_load %arg11[%get3A_255, %get3A_256] {strides = array<i32>} : memref<128x128xf32, #tpu.memory_space<vmem>>, vector<1x16xf32>,
        %get3A_258 = vector.shape_cast %get3A_257 : vector<1x16xf32> to vector<16xf32>
        %mul3A_259 = vector.broadcast %squeeze3A_217 : f32 to vector<16xf32>
        %mul3A_260 = arith.mulf %get3A_258, %mul3A_259 : vector<16xf32>
        %swap3A_261 = arith.index_cast %add3A_221 : i32 to index
        %swap3A_262 = arith.constant 48 : index
        %swap3A_263 = tpu.vector_load %arg11[%swap3A_261, %swap3A_262] {strides = array<i32>} : memref<128x128xf32, #tpu.memory_space<vmem>>, vector<1x16xf32>,
        %swap3A_264 = vector.shape_cast %swap3A_263 : vector<1x16xf32> to vector<16xf32>
        %swap3A_265 = vector.shape_cast %mul3A_260 : vector<16xf32> to vector<1x16xf32>
        tpu.vector_store %arg11[%swap3A_261, %swap3A_262], %swap3A_265 {strides = array<i32>} : memref<128x128xf32, #tpu.memory_space<vmem>>, vector<1x16xf32>,
        %get3A_266 = arith.index_cast %add3A_221 : i32 to index
        %get3A_267 = arith.constant 64 : index
        %get3A_268 = tpu.vector_load %arg11[%get3A_266, %get3A_267] {strides = array<i32>} : memref<128x128xf32, #tpu.memory_space<vmem>>, vector<1x16xf32>,
        %get3A_269 = vector.shape_cast %get3A_268 : vector<1x16xf32> to vector<16xf32>
        %mul3A_270 = vector.broadcast %squeeze3A_217 : f32 to vector<16xf32>
        %mul3A_271 = arith.mulf %get3A_269, %mul3A_270 : vector<16xf32>
        %swap3A_272 = arith.index_cast %add3A_221 : i32 to index
        %swap3A_273 = arith.constant 64 : index
        %swap3A_274 = tpu.vector_load %arg11[%swap3A_272, %swap3A_273] {strides = array<i32>} : memref<128x128xf32, #tpu.memory_space<vmem>>, vector<1x16xf32>,
        %swap3A_275 = vector.shape_cast %swap3A_274 : vector<1x16xf32> to vector<16xf32>
        %swap3A_276 = vector.shape_cast %mul3A_271 : vector<16xf32> to vector<1x16xf32>
        tpu.vector_store %arg11[%swap3A_272, %swap3A_273], %swap3A_276 {strides = array<i32>} : memref<128x128xf32, #tpu.memory_space<vmem>>, vector<1x16xf32>,
        %get3A_277 = arith.index_cast %add3A_221 : i32 to index
        %get3A_278 = arith.constant 80 : index
        %get3A_279 = tpu.vector_load %arg11[%get3A_277, %get3A_278] {strides = array<i32>} : memref<128x128xf32, #tpu.memory_space<vmem>>, vector<1x16xf32>,
        %get3A_280 = vector.shape_cast %get3A_279 : vector<1x16xf32> to vector<16xf32>
        %mul3A_281 = vector.broadcast %squeeze3A_217 : f32 to vector<16xf32>
        %mul3A_282 = arith.mulf %get3A_280, %mul3A_281 : vector<16xf32>
        %swap3A_283 = arith.index_cast %add3A_221 : i32 to index
        %swap3A_284 = arith.constant 80 : index
        %swap3A_285 = tpu.vector_load %arg11[%swap3A_283, %swap3A_284] {strides = array<i32>} : memref<128x128xf32, #tpu.memory_space<vmem>>, vector<1x16xf32>,
        %swap3A_286 = vector.shape_cast %swap3A_285 : vector<1x16xf32> to vector<16xf32>
        %swap3A_287 = vector.shape_cast %mul3A_282 : vector<16xf32> to vector<1x16xf32>
        tpu.vector_store %arg11[%swap3A_283, %swap3A_284], %swap3A_287 {strides = array<i32>} : memref<128x128xf32, #tpu.memory_space<vmem>>, vector<1x16xf32>,
        %get3A_288 = arith.index_cast %add3A_221 : i32 to index
        %get3A_289 = arith.constant 96 : index
        %get3A_290 = tpu.vector_load %arg11[%get3A_288, %get3A_289] {strides = array<i32>} : memref<128x128xf32, #tpu.memory_space<vmem>>, vector<1x16xf32>,
        %get3A_291 = vector.shape_cast %get3A_290 : vector<1x16xf32> to vector<16xf32>
        %mul3A_292 = vector.broadcast %squeeze3A_217 : f32 to vector<16xf32>
        %mul3A_293 = arith.mulf %get3A_291, %mul3A_292 : vector<16xf32>
        %swap3A_294 = arith.index_cast %add3A_221 : i32 to index
        %swap3A_295 = arith.constant 96 : index
        %swap3A_296 = tpu.vector_load %arg11[%swap3A_294, %swap3A_295] {strides = array<i32>} : memref<128x128xf32, #tpu.memory_space<vmem>>, vector<1x16xf32>,
        %swap3A_297 = vector.shape_cast %swap3A_296 : vector<1x16xf32> to vector<16xf32>
        %swap3A_298 = vector.shape_cast %mul3A_293 : vector<16xf32> to vector<1x16xf32>
        tpu.vector_store %arg11[%swap3A_294, %swap3A_295], %swap3A_298 {strides = array<i32>} : memref<128x128xf32, #tpu.memory_space<vmem>>, vector<1x16xf32>,
        %get3A_299 = arith.index_cast %add3A_221 : i32 to index
        %get3A_300 = arith.constant 112 : index
        %get3A_301 = tpu.vector_load %arg11[%get3A_299, %get3A_300] {strides = array<i32>} : memref<128x128xf32, #tpu.memory_space<vmem>>, vector<1x16xf32>,
        %get3A_302 = vector.shape_cast %get3A_301 : vector<1x16xf32> to vector<16xf32>
        %mul3A_303 = vector.broadcast %squeeze3A_217 : f32 to vector<16xf32>
        %mul3A_304 = arith.mulf %get3A_302, %mul3A_303 : vector<16xf32>
        %swap3A_305 = arith.index_cast %add3A_221 : i32 to index
        %swap3A_306 = arith.constant 112 : index
        %swap3A_307 = tpu.vector_load %arg11[%swap3A_305, %swap3A_306] {strides = array<i32>} : memref<128x128xf32, #tpu.memory_space<vmem>>, vector<1x16xf32>,
        %swap3A_308 = vector.shape_cast %swap3A_307 : vector<1x16xf32> to vector<16xf32>
        %swap3A_309 = vector.shape_cast %mul3A_304 : vector<16xf32> to vector<1x16xf32>
        tpu.vector_store %arg11[%swap3A_305, %swap3A_306], %swap3A_309 {strides = array<i32>} : memref<128x128xf32, #tpu.memory_space<vmem>>, vector<1x16xf32>,
        %slice3A_310 = vector.extract_strided_slice %get3A_30 {offsets = [3], sizes = [1], strides = [1]} : vector<16xf32> to vector<1xf32>
        %squeeze3A_311 = vector.extract %slice3A_310[0] : f32 from vector<1xf32>
        %mul3A_312 = arith.constant 16 : i32
        %mul3A_313 = arith.muli %scan3A_26, %mul3A_312 : i32
        %add3A_314 = arith.constant 3 : i32
        %add3A_315 = arith.addi %mul3A_313, %add3A_314 : i32
        %get3A_316 = arith.index_cast %add3A_315 : i32 to index
        %get3A_317 = arith.constant 0 : index
        %get3A_318 = tpu.vector_load %arg11[%get3A_316, %get3A_317] {strides = array<i32>} : memref<128x128xf32, #tpu.memory_space<vmem>>, vector<1x16xf32>,
        %get3A_319 = vector.shape_cast %get3A_318 : vector<1x16xf32> to vector<16xf32>
        %mul3A_320 = vector.broadcast %squeeze3A_311 : f32 to vector<16xf32>
        %mul3A_321 = arith.mulf %get3A_319, %mul3A_320 : vector<16xf32>
        %swap3A_322 = arith.index_cast %add3A_315 : i32 to index
        %swap3A_323 = arith.constant 0 : index
        %swap3A_324 = tpu.vector_load %arg11[%swap3A_322, %swap3A_323] {strides = array<i32>} : memref<128x128xf32, #tpu.memory_space<vmem>>, vector<1x16xf32>,
        %swap3A_325 = vector.shape_cast %swap3A_324 : vector<1x16xf32> to vector<16xf32>
        %swap3A_326 = vector.shape_cast %mul3A_321 : vector<16xf32> to vector<1x16xf32>
        tpu.vector_store %arg11[%swap3A_322, %swap3A_323], %swap3A_326 {strides = array<i32>} : memref<128x128xf32, #tpu.memory_space<vmem>>, vector<1x16xf32>,
        %get3A_327 = arith.index_cast %add3A_315 : i32 to index
        %get3A_328 = arith.constant 16 : index
        %get3A_329 = tpu.vector_load %arg11[%get3A_327, %get3A_328] {strides = array<i32>} : memref<128x128xf32, #tpu.memory_space<vmem>>, vector<1x16xf32>,
        %get3A_330 = vector.shape_cast %get3A_329 : vector<1x16xf32> to vector<16xf32>
        %mul3A_331 = vector.broadcast %squeeze3A_311 : f32 to vector<16xf32>
        %mul3A_332 = arith.mulf %get3A_330, %mul3A_331 : vector<16xf32>
        %swap3A_333 = arith.index_cast %add3A_315 : i32 to index
        %swap3A_334 = arith.constant 16 : index
        %swap3A_335 = tpu.vector_load %arg11[%swap3A_333, %swap3A_334] {strides = array<i32>} : memref<128x128xf32, #tpu.memory_space<vmem>>, vector<1x16xf32>,
        %swap3A_336 = vector.shape_cast %swap3A_335 : vector<1x16xf32> to vector<16xf32>
        %swap3A_337 = vector.shape_cast %mul3A_332 : vector<16xf32> to vector<1x16xf32>
        tpu.vector_store %arg11[%swap3A_333, %swap3A_334], %swap3A_337 {strides = array<i32>} : memref<128x128xf32, #tpu.memory_space<vmem>>, vector<1x16xf32>,
        %get3A_338 = arith.index_cast %add3A_315 : i32 to index
        %get3A_339 = arith.constant 32 : index
        %get3A_340 = tpu.vector_load %arg11[%get3A_338, %get3A_339] {strides = array<i32>} : memref<128x128xf32, #tpu.memory_space<vmem>>, vector<1x16xf32>,
        %get3A_341 = vector.shape_cast %get3A_340 : vector<1x16xf32> to vector<16xf32>
        %mul3A_342 = vector.broadcast %squeeze3A_311 : f32 to vector<16xf32>
        %mul3A_343 = arith.mulf %get3A_341, %mul3A_342 : vector<16xf32>
        %swap3A_344 = arith.index_cast %add3A_315 : i32 to index
        %swap3A_345 = arith.constant 32 : index
        %swap3A_346 = tpu.vector_load %arg11[%swap3A_344, %swap3A_345] {strides = array<i32>} : memref<128x128xf32, #tpu.memory_space<vmem>>, vector<1x16xf32>,
        %swap3A_347 = vector.shape_cast %swap3A_346 : vector<1x16xf32> to vector<16xf32>
        %swap3A_348 = vector.shape_cast %mul3A_343 : vector<16xf32> to vector<1x16xf32>
        tpu.vector_store %arg11[%swap3A_344, %swap3A_345], %swap3A_348 {strides = array<i32>} : memref<128x128xf32, #tpu.memory_space<vmem>>, vector<1x16xf32>,
        %get3A_349 = arith.index_cast %add3A_315 : i32 to index
        %get3A_350 = arith.constant 48 : index
        %get3A_351 = tpu.vector_load %arg11[%get3A_349, %get3A_350] {strides = array<i32>} : memref<128x128xf32, #tpu.memory_space<vmem>>, vector<1x16xf32>,
        %get3A_352 = vector.shape_cast %get3A_351 : vector<1x16xf32> to vector<16xf32>
        %mul3A_353 = vector.broadcast %squeeze3A_311 : f32 to vector<16xf32>
        %mul3A_354 = arith.mulf %get3A_352, %mul3A_353 : vector<16xf32>
        %swap3A_355 = arith.index_cast %add3A_315 : i32 to index
        %swap3A_356 = arith.constant 48 : index
        %swap3A_357 = tpu.vector_load %arg11[%swap3A_355, %swap3A_356] {strides = array<i32>} : memref<128x128xf32, #tpu.memory_space<vmem>>, vector<1x16xf32>,
        %swap3A_358 = vector.shape_cast %swap3A_357 : vector<1x16xf32> to vector<16xf32>
        %swap3A_359 = vector.shape_cast %mul3A_354 : vector<16xf32> to vector<1x16xf32>
        tpu.vector_store %arg11[%swap3A_355, %swap3A_356], %swap3A_359 {strides = array<i32>} : memref<128x128xf32, #tpu.memory_space<vmem>>, vector<1x16xf32>,
        %get3A_360 = arith.index_cast %add3A_315 : i32 to index
        %get3A_361 = arith.constant 64 : index
        %get3A_362 = tpu.vector_load %arg11[%get3A_360, %get3A_361] {strides = array<i32>} : memref<128x128xf32, #tpu.memory_space<vmem>>, vector<1x16xf32>,
        %get3A_363 = vector.shape_cast %get3A_362 : vector<1x16xf32> to vector<16xf32>
        %mul3A_364 = vector.broadcast %squeeze3A_311 : f32 to vector<16xf32>
        %mul3A_365 = arith.mulf %get3A_363, %mul3A_364 : vector<16xf32>
        %swap3A_366 = arith.index_cast %add3A_315 : i32 to index
        %swap3A_367 = arith.constant 64 : index
        %swap3A_368 = tpu.vector_load %arg11[%swap3A_366, %swap3A_367] {strides = array<i32>} : memref<128x128xf32, #tpu.memory_space<vmem>>, vector<1x16xf32>,
        %swap3A_369 = vector.shape_cast %swap3A_368 : vector<1x16xf32> to vector<16xf32>
        %swap3A_370 = vector.shape_cast %mul3A_365 : vector<16xf32> to vector<1x16xf32>
        tpu.vector_store %arg11[%swap3A_366, %swap3A_367], %swap3A_370 {strides = array<i32>} : memref<128x128xf32, #tpu.memory_space<vmem>>, vector<1x16xf32>,
        %get3A_371 = arith.index_cast %add3A_315 : i32 to index
        %get3A_372 = arith.constant 80 : index
        %get3A_373 = tpu.vector_load %arg11[%get3A_371, %get3A_372] {strides = array<i32>} : memref<128x128xf32, #tpu.memory_space<vmem>>, vector<1x16xf32>,
        %get3A_374 = vector.shape_cast %get3A_373 : vector<1x16xf32> to vector<16xf32>
        %mul3A_375 = vector.broadcast %squeeze3A_311 : f32 to vector<16xf32>
        %mul3A_376 = arith.mulf %get3A_374, %mul3A_375 : vector<16xf32>
        %swap3A_377 = arith.index_cast %add3A_315 : i32 to index
        %swap3A_378 = arith.constant 80 : index
        %swap3A_379 = tpu.vector_load %arg11[%swap3A_377, %swap3A_378] {strides = array<i32>} : memref<128x128xf32, #tpu.memory_space<vmem>>, vector<1x16xf32>,
        %swap3A_380 = vector.shape_cast %swap3A_379 : vector<1x16xf32> to vector<16xf32>
        %swap3A_381 = vector.shape_cast %mul3A_376 : vector<16xf32> to vector<1x16xf32>
        tpu.vector_store %arg11[%swap3A_377, %swap3A_378], %swap3A_381 {strides = array<i32>} : memref<128x128xf32, #tpu.memory_space<vmem>>, vector<1x16xf32>,
        %get3A_382 = arith.index_cast %add3A_315 : i32 to index
        %get3A_383 = arith.constant 96 : index
        %get3A_384 = tpu.vector_load %arg11[%get3A_382, %get3A_383] {strides = array<i32>} : memref<128x128xf32, #tpu.memory_space<vmem>>, vector<1x16xf32>,
        %get3A_385 = vector.shape_cast %get3A_384 : vector<1x16xf32> to vector<16xf32>
        %mul3A_386 = vector.broadcast %squeeze3A_311 : f32 to vector<16xf32>
        %mul3A_387 = arith.mulf %get3A_385, %mul3A_386 : vector<16xf32>
        %swap3A_388 = arith.index_cast %add3A_315 : i32 to index
        %swap3A_389 = arith.constant 96 : index
        %swap3A_390 = tpu.vector_load %arg11[%swap3A_388, %swap3A_389] {strides = array<i32>} : memref<128x128xf32, #tpu.memory_space<vmem>>, vector<1x16xf32>,
        %swap3A_391 = vector.shape_cast %swap3A_390 : vector<1x16xf32> to vector<16xf32>
        %swap3A_392 = vector.shape_cast %mul3A_387 : vector<16xf32> to vector<1x16xf32>
        tpu.vector_store %arg11[%swap3A_388, %swap3A_389], %swap3A_392 {strides = array<i32>} : memref<128x128xf32, #tpu.memory_space<vmem>>, vector<1x16xf32>,
        %get3A_393 = arith.index_cast %add3A_315 : i32 to index
        %get3A_394 = arith.constant 112 : index
        %get3A_395 = tpu.vector_load %arg11[%get3A_393, %get3A_394] {strides = array<i32>} : memref<128x128xf32, #tpu.memory_space<vmem>>, vector<1x16xf32>,
        %get3A_396 = vector.shape_cast %get3A_395 : vector<1x16xf32> to vector<16xf32>
        %mul3A_397 = vector.broadcast %squeeze3A_311 : f32 to vector<16xf32>
        %mul3A_398 = arith.mulf %get3A_396, %mul3A_397 : vector<16xf32>
        %swap3A_399 = arith.index_cast %add3A_315 : i32 to index
        %swap3A_400 = arith.constant 112 : index
        %swap3A_401 = tpu.vector_load %arg11[%swap3A_399, %swap3A_400] {strides = array<i32>} : memref<128x128xf32, #tpu.memory_space<vmem>>, vector<1x16xf32>,
        %swap3A_402 = vector.shape_cast %swap3A_401 : vector<1x16xf32> to vector<16xf32>
        %swap3A_403 = vector.shape_cast %mul3A_398 : vector<16xf32> to vector<1x16xf32>
        tpu.vector_store %arg11[%swap3A_399, %swap3A_400], %swap3A_403 {strides = array<i32>} : memref<128x128xf32, #tpu.memory_space<vmem>>, vector<1x16xf32>,
        %slice3A_404 = vector.extract_strided_slice %get3A_30 {offsets = [4], sizes = [1], strides = [1]} : vector<16xf32> to vector<1xf32>
        %squeeze3A_405 = vector.extract %slice3A_404[0] : f32 from vector<1xf32>
        %mul3A_406 = arith.constant 16 : i32
        %mul3A_407 = arith.muli %scan3A_26, %mul3A_406 : i32
        %add3A_408 = arith.constant 4 : i32
        %add3A_409 = arith.addi %mul3A_407, %add3A_408 : i32
        %get3A_410 = arith.index_cast %add3A_409 : i32 to index
        %get3A_411 = arith.constant 0 : index
        %get3A_412 = tpu.vector_load %arg11[%get3A_410, %get3A_411] {strides = array<i32>} : memref<128x128xf32, #tpu.memory_space<vmem>>, vector<1x16xf32>,
        %get3A_413 = vector.shape_cast %get3A_412 : vector<1x16xf32> to vector<16xf32>
        %mul3A_414 = vector.broadcast %squeeze3A_405 : f32 to vector<16xf32>
        %mul3A_415 = arith.mulf %get3A_413, %mul3A_414 : vector<16xf32>
        %swap3A_416 = arith.index_cast %add3A_409 : i32 to index
        %swap3A_417 = arith.constant 0 : index
        %swap3A_418 = tpu.vector_load %arg11[%swap3A_416, %swap3A_417] {strides = array<i32>} : memref<128x128xf32, #tpu.memory_space<vmem>>, vector<1x16xf32>,
        %swap3A_419 = vector.shape_cast %swap3A_418 : vector<1x16xf32> to vector<16xf32>
        %swap3A_420 = vector.shape_cast %mul3A_415 : vector<16xf32> to vector<1x16xf32>
        tpu.vector_store %arg11[%swap3A_416, %swap3A_417], %swap3A_420 {strides = array<i32>} : memref<128x128xf32, #tpu.memory_space<vmem>>, vector<1x16xf32>,
        %get3A_421 = arith.index_cast %add3A_409 : i32 to index
        %get3A_422 = arith.constant 16 : index
        %get3A_423 = tpu.vector_load %arg11[%get3A_421, %get3A_422] {strides = array<i32>} : memref<128x128xf32, #tpu.memory_space<vmem>>, vector<1x16xf32>,
        %get3A_424 = vector.shape_cast %get3A_423 : vector<1x16xf32> to vector<16xf32>
        %mul3A_425 = vector.broadcast %squeeze3A_405 : f32 to vector<16xf32>
        %mul3A_426 = arith.mulf %get3A_424, %mul3A_425 : vector<16xf32>
        %swap3A_427 = arith.index_cast %add3A_409 : i32 to index
        %swap3A_428 = arith.constant 16 : index
        %swap3A_429 = tpu.vector_load %arg11[%swap3A_427, %swap3A_428] {strides = array<i32>} : memref<128x128xf32, #tpu.memory_space<vmem>>, vector<1x16xf32>,
        %swap3A_430 = vector.shape_cast %swap3A_429 : vector<1x16xf32> to vector<16xf32>
        %swap3A_431 = vector.shape_cast %mul3A_426 : vector<16xf32> to vector<1x16xf32>
        tpu.vector_store %arg11[%swap3A_427, %swap3A_428], %swap3A_431 {strides = array<i32>} : memref<128x128xf32, #tpu.memory_space<vmem>>, vector<1x16xf32>,
        %get3A_432 = arith.index_cast %add3A_409 : i32 to index
        %get3A_433 = arith.constant 32 : index
        %get3A_434 = tpu.vector_load %arg11[%get3A_432, %get3A_433] {strides = array<i32>} : memref<128x128xf32, #tpu.memory_space<vmem>>, vector<1x16xf32>,
        %get3A_435 = vector.shape_cast %get3A_434 : vector<1x16xf32> to vector<16xf32>
        %mul3A_436 = vector.broadcast %squeeze3A_405 : f32 to vector<16xf32>
        %mul3A_437 = arith.mulf %get3A_435, %mul3A_436 : vector<16xf32>
        %swap3A_438 = arith.index_cast %add3A_409 : i32 to index
        %swap3A_439 = arith.constant 32 : index
        %swap3A_440 = tpu.vector_load %arg11[%swap3A_438, %swap3A_439] {strides = array<i32>} : memref<128x128xf32, #tpu.memory_space<vmem>>, vector<1x16xf32>,
        %swap3A_441 = vector.shape_cast %swap3A_440 : vector<1x16xf32> to vector<16xf32>
        %swap3A_442 = vector.shape_cast %mul3A_437 : vector<16xf32> to vector<1x16xf32>
        tpu.vector_store %arg11[%swap3A_438, %swap3A_439], %swap3A_442 {strides = array<i32>} : memref<128x128xf32, #tpu.memory_space<vmem>>, vector<1x16xf32>,
        %get3A_443 = arith.index_cast %add3A_409 : i32 to index
        %get3A_444 = arith.constant 48 : index
        %get3A_445 = tpu.vector_load %arg11[%get3A_443, %get3A_444] {strides = array<i32>} : memref<128x128xf32, #tpu.memory_space<vmem>>, vector<1x16xf32>,
        %get3A_446 = vector.shape_cast %get3A_445 : vector<1x16xf32> to vector<16xf32>
        %mul3A_447 = vector.broadcast %squeeze3A_405 : f32 to vector<16xf32>
        %mul3A_448 = arith.mulf %get3A_446, %mul3A_447 : vector<16xf32>
        %swap3A_449 = arith.index_cast %add3A_409 : i32 to index
        %swap3A_450 = arith.constant 48 : index
        %swap3A_451 = tpu.vector_load %arg11[%swap3A_449, %swap3A_450] {strides = array<i32>} : memref<128x128xf32, #tpu.memory_space<vmem>>, vector<1x16xf32>,
        %swap3A_452 = vector.shape_cast %swap3A_451 : vector<1x16xf32> to vector<16xf32>
        %swap3A_453 = vector.shape_cast %mul3A_448 : vector<16xf32> to vector<1x16xf32>
        tpu.vector_store %arg11[%swap3A_449, %swap3A_450], %swap3A_453 {strides = array<i32>} : memref<128x128xf32, #tpu.memory_space<vmem>>, vector<1x16xf32>,
        %get3A_454 = arith.index_cast %add3A_409 : i32 to index
        %get3A_455 = arith.constant 64 : index
        %get3A_456 = tpu.vector_load %arg11[%get3A_454, %get3A_455] {strides = array<i32>} : memref<128x128xf32, #tpu.memory_space<vmem>>, vector<1x16xf32>,
        %get3A_457 = vector.shape_cast %get3A_456 : vector<1x16xf32> to vector<16xf32>
        %mul3A_458 = vector.broadcast %squeeze3A_405 : f32 to vector<16xf32>
        %mul3A_459 = arith.mulf %get3A_457, %mul3A_458 : vector<16xf32>
        %swap3A_460 = arith.index_cast %add3A_409 : i32 to index
        %swap3A_461 = arith.constant 64 : index
        %swap3A_462 = tpu.vector_load %arg11[%swap3A_460, %swap3A_461] {strides = array<i32>} : memref<128x128xf32, #tpu.memory_space<vmem>>, vector<1x16xf32>,
        %swap3A_463 = vector.shape_cast %swap3A_462 : vector<1x16xf32> to vector<16xf32>
        %swap3A_464 = vector.shape_cast %mul3A_459 : vector<16xf32> to vector<1x16xf32>
        tpu.vector_store %arg11[%swap3A_460, %swap3A_461], %swap3A_464 {strides = array<i32>} : memref<128x128xf32, #tpu.memory_space<vmem>>, vector<1x16xf32>,
        %get3A_465 = arith.index_cast %add3A_409 : i32 to index
        %get3A_466 = arith.constant 80 : index
        %get3A_467 = tpu.vector_load %arg11[%get3A_465, %get3A_466] {strides = array<i32>} : memref<128x128xf32, #tpu.memory_space<vmem>>, vector<1x16xf32>,
        %get3A_468 = vector.shape_cast %get3A_467 : vector<1x16xf32> to vector<16xf32>
        %mul3A_469 = vector.broadcast %squeeze3A_405 : f32 to vector<16xf32>
        %mul3A_470 = arith.mulf %get3A_468, %mul3A_469 : vector<16xf32>
        %swap3A_471 = arith.index_cast %add3A_409 : i32 to index
        %swap3A_472 = arith.constant 80 : index
        %swap3A_473 = tpu.vector_load %arg11[%swap3A_471, %swap3A_472] {strides = array<i32>} : memref<128x128xf32, #tpu.memory_space<vmem>>, vector<1x16xf32>,
        %swap3A_474 = vector.shape_cast %swap3A_473 : vector<1x16xf32> to vector<16xf32>
        %swap3A_475 = vector.shape_cast %mul3A_470 : vector<16xf32> to vector<1x16xf32>
        tpu.vector_store %arg11[%swap3A_471, %swap3A_472], %swap3A_475 {strides = array<i32>} : memref<128x128xf32, #tpu.memory_space<vmem>>, vector<1x16xf32>,
        %get3A_476 = arith.index_cast %add3A_409 : i32 to index
        %get3A_477 = arith.constant 96 : index
        %get3A_478 = tpu.vector_load %arg11[%get3A_476, %get3A_477] {strides = array<i32>} : memref<128x128xf32, #tpu.memory_space<vmem>>, vector<1x16xf32>,
        %get3A_479 = vector.shape_cast %get3A_478 : vector<1x16xf32> to vector<16xf32>
        %mul3A_480 = vector.broadcast %squeeze3A_405 : f32 to vector<16xf32>
        %mul3A_481 = arith.mulf %get3A_479, %mul3A_480 : vector<16xf32>
        %swap3A_482 = arith.index_cast %add3A_409 : i32 to index
        %swap3A_483 = arith.constant 96 : index
        %swap3A_484 = tpu.vector_load %arg11[%swap3A_482, %swap3A_483] {strides = array<i32>} : memref<128x128xf32, #tpu.memory_space<vmem>>, vector<1x16xf32>,
        %swap3A_485 = vector.shape_cast %swap3A_484 : vector<1x16xf32> to vector<16xf32>
        %swap3A_486 = vector.shape_cast %mul3A_481 : vector<16xf32> to vector<1x16xf32>
        tpu.vector_store %arg11[%swap3A_482, %swap3A_483], %swap3A_486 {strides = array<i32>} : memref<128x128xf32, #tpu.memory_space<vmem>>, vector<1x16xf32>,
        %get3A_487 = arith.index_cast %add3A_409 : i32 to index
        %get3A_488 = arith.constant 112 : index
        %get3A_489 = tpu.vector_load %arg11[%get3A_487, %get3A_488] {strides = array<i32>} : memref<128x128xf32, #tpu.memory_space<vmem>>, vector<1x16xf32>,
        %get3A_490 = vector.shape_cast %get3A_489 : vector<1x16xf32> to vector<16xf32>
        %mul3A_491 = vector.broadcast %squeeze3A_405 : f32 to vector<16xf32>
        %mul3A_492 = arith.mulf %get3A_490, %mul3A_491 : vector<16xf32>
        %swap3A_493 = arith.index_cast %add3A_409 : i32 to index
        %swap3A_494 = arith.constant 112 : index
        %swap3A_495 = tpu.vector_load %arg11[%swap3A_493, %swap3A_494] {strides = array<i32>} : memref<128x128xf32, #tpu.memory_space<vmem>>, vector<1x16xf32>,
        %swap3A_496 = vector.shape_cast %swap3A_495 : vector<1x16xf32> to vector<16xf32>
        %swap3A_497 = vector.shape_cast %mul3A_492 : vector<16xf32> to vector<1x16xf32>
        tpu.vector_store %arg11[%swap3A_493, %swap3A_494], %swap3A_497 {strides = array<i32>} : memref<128x128xf32, #tpu.memory_space<vmem>>, vector<1x16xf32>,
        %slice3A_498 = vector.extract_strided_slice %get3A_30 {offsets = [5], sizes = [1], strides = [1]} : vector<16xf32> to vector<1xf32>
        %squeeze3A_499 = vector.extract %slice3A_498[0] : f32 from vector<1xf32>
        %mul3A_500 = arith.constant 16 : i32
        %mul3A_501 = arith.muli %scan3A_26, %mul3A_500 : i32
        %add3A_502 = arith.constant 5 : i32
        %add3A_503 = arith.addi %mul3A_501, %add3A_502 : i32
        %get3A_504 = arith.index_cast %add3A_503 : i32 to index
        %get3A_505 = arith.constant 0 : index
        %get3A_506 = tpu.vector_load %arg11[%get3A_504, %get3A_505] {strides = array<i32>} : memref<128x128xf32, #tpu.memory_space<vmem>>, vector<1x16xf32>,
        %get3A_507 = vector.shape_cast %get3A_506 : vector<1x16xf32> to vector<16xf32>
        %mul3A_508 = vector.broadcast %squeeze3A_499 : f32 to vector<16xf32>
        %mul3A_509 = arith.mulf %get3A_507, %mul3A_508 : vector<16xf32>
        %swap3A_510 = arith.index_cast %add3A_503 : i32 to index
        %swap3A_511 = arith.constant 0 : index
        %swap3A_512 = tpu.vector_load %arg11[%swap3A_510, %swap3A_511] {strides = array<i32>} : memref<128x128xf32, #tpu.memory_space<vmem>>, vector<1x16xf32>,
        %swap3A_513 = vector.shape_cast %swap3A_512 : vector<1x16xf32> to vector<16xf32>
        %swap3A_514 = vector.shape_cast %mul3A_509 : vector<16xf32> to vector<1x16xf32>
        tpu.vector_store %arg11[%swap3A_510, %swap3A_511], %swap3A_514 {strides = array<i32>} : memref<128x128xf32, #tpu.memory_space<vmem>>, vector<1x16xf32>,
        %get3A_515 = arith.index_cast %add3A_503 : i32 to index
        %get3A_516 = arith.constant 16 : index
        %get3A_517 = tpu.vector_load %arg11[%get3A_515, %get3A_516] {strides = array<i32>} : memref<128x128xf32, #tpu.memory_space<vmem>>, vector<1x16xf32>,
        %get3A_518 = vector.shape_cast %get3A_517 : vector<1x16xf32> to vector<16xf32>
        %mul3A_519 = vector.broadcast %squeeze3A_499 : f32 to vector<16xf32>
        %mul3A_520 = arith.mulf %get3A_518, %mul3A_519 : vector<16xf32>
        %swap3A_521 = arith.index_cast %add3A_503 : i32 to index
        %swap3A_522 = arith.constant 16 : index
        %swap3A_523 = tpu.vector_load %arg11[%swap3A_521, %swap3A_522] {strides = array<i32>} : memref<128x128xf32, #tpu.memory_space<vmem>>, vector<1x16xf32>,
        %swap3A_524 = vector.shape_cast %swap3A_523 : vector<1x16xf32> to vector<16xf32>
        %swap3A_525 = vector.shape_cast %mul3A_520 : vector<16xf32> to vector<1x16xf32>
        tpu.vector_store %arg11[%swap3A_521, %swap3A_522], %swap3A_525 {strides = array<i32>} : memref<128x128xf32, #tpu.memory_space<vmem>>, vector<1x16xf32>,
        %get3A_526 = arith.index_cast %add3A_503 : i32 to index
        %get3A_527 = arith.constant 32 : index
        %get3A_528 = tpu.vector_load %arg11[%get3A_526, %get3A_527] {strides = array<i32>} : memref<128x128xf32, #tpu.memory_space<vmem>>, vector<1x16xf32>,
        %get3A_529 = vector.shape_cast %get3A_528 : vector<1x16xf32> to vector<16xf32>
        %mul3A_530 = vector.broadcast %squeeze3A_499 : f32 to vector<16xf32>
        %mul3A_531 = arith.mulf %get3A_529, %mul3A_530 : vector<16xf32>
        %swap3A_532 = arith.index_cast %add3A_503 : i32 to index
        %swap3A_533 = arith.constant 32 : index
        %swap3A_534 = tpu.vector_load %arg11[%swap3A_532, %swap3A_533] {strides = array<i32>} : memref<128x128xf32, #tpu.memory_space<vmem>>, vector<1x16xf32>,
        %swap3A_535 = vector.shape_cast %swap3A_534 : vector<1x16xf32> to vector<16xf32>
        %swap3A_536 = vector.shape_cast %mul3A_531 : vector<16xf32> to vector<1x16xf32>
        tpu.vector_store %arg11[%swap3A_532, %swap3A_533], %swap3A_536 {strides = array<i32>} : memref<128x128xf32, #tpu.memory_space<vmem>>, vector<1x16xf32>,
        %get3A_537 = arith.index_cast %add3A_503 : i32 to index
        %get3A_538 = arith.constant 48 : index
        %get3A_539 = tpu.vector_load %arg11[%get3A_537, %get3A_538] {strides = array<i32>} : memref<128x128xf32, #tpu.memory_space<vmem>>, vector<1x16xf32>,
        %get3A_540 = vector.shape_cast %get3A_539 : vector<1x16xf32> to vector<16xf32>
        %mul3A_541 = vector.broadcast %squeeze3A_499 : f32 to vector<16xf32>
        %mul3A_542 = arith.mulf %get3A_540, %mul3A_541 : vector<16xf32>
        %swap3A_543 = arith.index_cast %add3A_503 : i32 to index
        %swap3A_544 = arith.constant 48 : index
        %swap3A_545 = tpu.vector_load %arg11[%swap3A_543, %swap3A_544] {strides = array<i32>} : memref<128x128xf32, #tpu.memory_space<vmem>>, vector<1x16xf32>,
        %swap3A_546 = vector.shape_cast %swap3A_545 : vector<1x16xf32> to vector<16xf32>
        %swap3A_547 = vector.shape_cast %mul3A_542 : vector<16xf32> to vector<1x16xf32>
        tpu.vector_store %arg11[%swap3A_543, %swap3A_544], %swap3A_547 {strides = array<i32>} : memref<128x128xf32, #tpu.memory_space<vmem>>, vector<1x16xf32>,
        %get3A_548 = arith.index_cast %add3A_503 : i32 to index
        %get3A_549 = arith.constant 64 : index
        %get3A_550 = tpu.vector_load %arg11[%get3A_548, %get3A_549] {strides = array<i32>} : memref<128x128xf32, #tpu.memory_space<vmem>>, vector<1x16xf32>,
        %get3A_551 = vector.shape_cast %get3A_550 : vector<1x16xf32> to vector<16xf32>
        %mul3A_552 = vector.broadcast %squeeze3A_499 : f32 to vector<16xf32>
        %mul3A_553 = arith.mulf %get3A_551, %mul3A_552 : vector<16xf32>
        %swap3A_554 = arith.index_cast %add3A_503 : i32 to index
        %swap3A_555 = arith.constant 64 : index
        %swap3A_556 = tpu.vector_load %arg11[%swap3A_554, %swap3A_555] {strides = array<i32>} : memref<128x128xf32, #tpu.memory_space<vmem>>, vector<1x16xf32>,
        %swap3A_557 = vector.shape_cast %swap3A_556 : vector<1x16xf32> to vector<16xf32>
        %swap3A_558 = vector.shape_cast %mul3A_553 : vector<16xf32> to vector<1x16xf32>
        tpu.vector_store %arg11[%swap3A_554, %swap3A_555], %swap3A_558 {strides = array<i32>} : memref<128x128xf32, #tpu.memory_space<vmem>>, vector<1x16xf32>,
        %get3A_559 = arith.index_cast %add3A_503 : i32 to index
        %get3A_560 = arith.constant 80 : index
        %get3A_561 = tpu.vector_load %arg11[%get3A_559, %get3A_560] {strides = array<i32>} : memref<128x128xf32, #tpu.memory_space<vmem>>, vector<1x16xf32>,
        %get3A_562 = vector.shape_cast %get3A_561 : vector<1x16xf32> to vector<16xf32>
        %mul3A_563 = vector.broadcast %squeeze3A_499 : f32 to vector<16xf32>
        %mul3A_564 = arith.mulf %get3A_562, %mul3A_563 : vector<16xf32>
        %swap3A_565 = arith.index_cast %add3A_503 : i32 to index
        %swap3A_566 = arith.constant 80 : index
        %swap3A_567 = tpu.vector_load %arg11[%swap3A_565, %swap3A_566] {strides = array<i32>} : memref<128x128xf32, #tpu.memory_space<vmem>>, vector<1x16xf32>,
        %swap3A_568 = vector.shape_cast %swap3A_567 : vector<1x16xf32> to vector<16xf32>
        %swap3A_569 = vector.shape_cast %mul3A_564 : vector<16xf32> to vector<1x16xf32>
        tpu.vector_store %arg11[%swap3A_565, %swap3A_566], %swap3A_569 {strides = array<i32>} : memref<128x128xf32, #tpu.memory_space<vmem>>, vector<1x16xf32>,
        %get3A_570 = arith.index_cast %add3A_503 : i32 to index
        %get3A_571 = arith.constant 96 : index
        %get3A_572 = tpu.vector_load %arg11[%get3A_570, %get3A_571] {strides = array<i32>} : memref<128x128xf32, #tpu.memory_space<vmem>>, vector<1x16xf32>,
        %get3A_573 = vector.shape_cast %get3A_572 : vector<1x16xf32> to vector<16xf32>
        %mul3A_574 = vector.broadcast %squeeze3A_499 : f32 to vector<16xf32>
        %mul3A_575 = arith.mulf %get3A_573, %mul3A_574 : vector<16xf32>
        %swap3A_576 = arith.index_cast %add3A_503 : i32 to index
        %swap3A_577 = arith.constant 96 : index
        %swap3A_578 = tpu.vector_load %arg11[%swap3A_576, %swap3A_577] {strides = array<i32>} : memref<128x128xf32, #tpu.memory_space<vmem>>, vector<1x16xf32>,
        %swap3A_579 = vector.shape_cast %swap3A_578 : vector<1x16xf32> to vector<16xf32>
        %swap3A_580 = vector.shape_cast %mul3A_575 : vector<16xf32> to vector<1x16xf32>
        tpu.vector_store %arg11[%swap3A_576, %swap3A_577], %swap3A_580 {strides = array<i32>} : memref<128x128xf32, #tpu.memory_space<vmem>>, vector<1x16xf32>,
        %get3A_581 = arith.index_cast %add3A_503 : i32 to index
        %get3A_582 = arith.constant 112 : index
        %get3A_583 = tpu.vector_load %arg11[%get3A_581, %get3A_582] {strides = array<i32>} : memref<128x128xf32, #tpu.memory_space<vmem>>, vector<1x16xf32>,
        %get3A_584 = vector.shape_cast %get3A_583 : vector<1x16xf32> to vector<16xf32>
        %mul3A_585 = vector.broadcast %squeeze3A_499 : f32 to vector<16xf32>
        %mul3A_586 = arith.mulf %get3A_584, %mul3A_585 : vector<16xf32>
        %swap3A_587 = arith.index_cast %add3A_503 : i32 to index
        %swap3A_588 = arith.constant 112 : index
        %swap3A_589 = tpu.vector_load %arg11[%swap3A_587, %swap3A_588] {strides = array<i32>} : memref<128x128xf32, #tpu.memory_space<vmem>>, vector<1x16xf32>,
        %swap3A_590 = vector.shape_cast %swap3A_589 : vector<1x16xf32> to vector<16xf32>
        %swap3A_591 = vector.shape_cast %mul3A_586 : vector<16xf32> to vector<1x16xf32>
        tpu.vector_store %arg11[%swap3A_587, %swap3A_588], %swap3A_591 {strides = array<i32>} : memref<128x128xf32, #tpu.memory_space<vmem>>, vector<1x16xf32>,
        %slice3A_592 = vector.extract_strided_slice %get3A_30 {offsets = [6], sizes = [1], strides = [1]} : vector<16xf32> to vector<1xf32>
        %squeeze3A_593 = vector.extract %slice3A_592[0] : f32 from vector<1xf32>
        %mul3A_594 = arith.constant 16 : i32
        %mul3A_595 = arith.muli %scan3A_26, %mul3A_594 : i32
        %add3A_596 = arith.constant 6 : i32
        %add3A_597 = arith.addi %mul3A_595, %add3A_596 : i32
        %get3A_598 = arith.index_cast %add3A_597 : i32 to index
        %get3A_599 = arith.constant 0 : index
        %get3A_600 = tpu.vector_load %arg11[%get3A_598, %get3A_599] {strides = array<i32>} : memref<128x128xf32, #tpu.memory_space<vmem>>, vector<1x16xf32>,
        %get3A_601 = vector.shape_cast %get3A_600 : vector<1x16xf32> to vector<16xf32>
        %mul3A_602 = vector.broadcast %squeeze3A_593 : f32 to vector<16xf32>
        %mul3A_603 = arith.mulf %get3A_601, %mul3A_602 : vector<16xf32>
        %swap3A_604 = arith.index_cast %add3A_597 : i32 to index
        %swap3A_605 = arith.constant 0 : index
        %swap3A_606 = tpu.vector_load %arg11[%swap3A_604, %swap3A_605] {strides = array<i32>} : memref<128x128xf32, #tpu.memory_space<vmem>>, vector<1x16xf32>,
        %swap3A_607 = vector.shape_cast %swap3A_606 : vector<1x16xf32> to vector<16xf32>
        %swap3A_608 = vector.shape_cast %mul3A_603 : vector<16xf32> to vector<1x16xf32>
        tpu.vector_store %arg11[%swap3A_604, %swap3A_605], %swap3A_608 {strides = array<i32>} : memref<128x128xf32, #tpu.memory_space<vmem>>, vector<1x16xf32>,
        %get3A_609 = arith.index_cast %add3A_597 : i32 to index
        %get3A_610 = arith.constant 16 : index
        %get3A_611 = tpu.vector_load %arg11[%get3A_609, %get3A_610] {strides = array<i32>} : memref<128x128xf32, #tpu.memory_space<vmem>>, vector<1x16xf32>,
        %get3A_612 = vector.shape_cast %get3A_611 : vector<1x16xf32> to vector<16xf32>
        %mul3A_613 = vector.broadcast %squeeze3A_593 : f32 to vector<16xf32>
        %mul3A_614 = arith.mulf %get3A_612, %mul3A_613 : vector<16xf32>
        %swap3A_615 = arith.index_cast %add3A_597 : i32 to index
        %swap3A_616 = arith.constant 16 : index
        %swap3A_617 = tpu.vector_load %arg11[%swap3A_615, %swap3A_616] {strides = array<i32>} : memref<128x128xf32, #tpu.memory_space<vmem>>, vector<1x16xf32>,
        %swap3A_618 = vector.shape_cast %swap3A_617 : vector<1x16xf32> to vector<16xf32>
        %swap3A_619 = vector.shape_cast %mul3A_614 : vector<16xf32> to vector<1x16xf32>
        tpu.vector_store %arg11[%swap3A_615, %swap3A_616], %swap3A_619 {strides = array<i32>} : memref<128x128xf32, #tpu.memory_space<vmem>>, vector<1x16xf32>,
        %get3A_620 = arith.index_cast %add3A_597 : i32 to index
        %get3A_621 = arith.constant 32 : index
        %get3A_622 = tpu.vector_load %arg11[%get3A_620, %get3A_621] {strides = array<i32>} : memref<128x128xf32, #tpu.memory_space<vmem>>, vector<1x16xf32>,
        %get3A_623 = vector.shape_cast %get3A_622 : vector<1x16xf32> to vector<16xf32>
        %mul3A_624 = vector.broadcast %squeeze3A_593 : f32 to vector<16xf32>
        %mul3A_625 = arith.mulf %get3A_623, %mul3A_624 : vector<16xf32>
        %swap3A_626 = arith.index_cast %add3A_597 : i32 to index
        %swap3A_627 = arith.constant 32 : index
        %swap3A_628 = tpu.vector_load %arg11[%swap3A_626, %swap3A_627] {strides = array<i32>} : memref<128x128xf32, #tpu.memory_space<vmem>>, vector<1x16xf32>,
        %swap3A_629 = vector.shape_cast %swap3A_628 : vector<1x16xf32> to vector<16xf32>
        %swap3A_630 = vector.shape_cast %mul3A_625 : vector<16xf32> to vector<1x16xf32>
        tpu.vector_store %arg11[%swap3A_626, %swap3A_627], %swap3A_630 {strides = array<i32>} : memref<128x128xf32, #tpu.memory_space<vmem>>, vector<1x16xf32>,
        %get3A_631 = arith.index_cast %add3A_597 : i32 to index
        %get3A_632 = arith.constant 48 : index
        %get3A_633 = tpu.vector_load %arg11[%get3A_631, %get3A_632] {strides = array<i32>} : memref<128x128xf32, #tpu.memory_space<vmem>>, vector<1x16xf32>,
        %get3A_634 = vector.shape_cast %get3A_633 : vector<1x16xf32> to vector<16xf32>
        %mul3A_635 = vector.broadcast %squeeze3A_593 : f32 to vector<16xf32>
        %mul3A_636 = arith.mulf %get3A_634, %mul3A_635 : vector<16xf32>
        %swap3A_637 = arith.index_cast %add3A_597 : i32 to index
        %swap3A_638 = arith.constant 48 : index
        %swap3A_639 = tpu.vector_load %arg11[%swap3A_637, %swap3A_638] {strides = array<i32>} : memref<128x128xf32, #tpu.memory_space<vmem>>, vector<1x16xf32>,
        %swap3A_640 = vector.shape_cast %swap3A_639 : vector<1x16xf32> to vector<16xf32>
        %swap3A_641 = vector.shape_cast %mul3A_636 : vector<16xf32> to vector<1x16xf32>
        tpu.vector_store %arg11[%swap3A_637, %swap3A_638], %swap3A_641 {strides = array<i32>} : memref<128x128xf32, #tpu.memory_space<vmem>>, vector<1x16xf32>,
        %get3A_642 = arith.index_cast %add3A_597 : i32 to index
        %get3A_643 = arith.constant 64 : index
        %get3A_644 = tpu.vector_load %arg11[%get3A_642, %get3A_643] {strides = array<i32>} : memref<128x128xf32, #tpu.memory_space<vmem>>, vector<1x16xf32>,
        %get3A_645 = vector.shape_cast %get3A_644 : vector<1x16xf32> to vector<16xf32>
        %mul3A_646 = vector.broadcast %squeeze3A_593 : f32 to vector<16xf32>
        %mul3A_647 = arith.mulf %get3A_645, %mul3A_646 : vector<16xf32>
        %swap3A_648 = arith.index_cast %add3A_597 : i32 to index
        %swap3A_649 = arith.constant 64 : index
        %swap3A_650 = tpu.vector_load %arg11[%swap3A_648, %swap3A_649] {strides = array<i32>} : memref<128x128xf32, #tpu.memory_space<vmem>>, vector<1x16xf32>,
        %swap3A_651 = vector.shape_cast %swap3A_650 : vector<1x16xf32> to vector<16xf32>
        %swap3A_652 = vector.shape_cast %mul3A_647 : vector<16xf32> to vector<1x16xf32>
        tpu.vector_store %arg11[%swap3A_648, %swap3A_649], %swap3A_652 {strides = array<i32>} : memref<128x128xf32, #tpu.memory_space<vmem>>, vector<1x16xf32>,
        %get3A_653 = arith.index_cast %add3A_597 : i32 to index
        %get3A_654 = arith.constant 80 : index
        %get3A_655 = tpu.vector_load %arg11[%get3A_653, %get3A_654] {strides = array<i32>} : memref<128x128xf32, #tpu.memory_space<vmem>>, vector<1x16xf32>,
        %get3A_656 = vector.shape_cast %get3A_655 : vector<1x16xf32> to vector<16xf32>
        %mul3A_657 = vector.broadcast %squeeze3A_593 : f32 to vector<16xf32>
        %mul3A_658 = arith.mulf %get3A_656, %mul3A_657 : vector<16xf32>
        %swap3A_659 = arith.index_cast %add3A_597 : i32 to index
        %swap3A_660 = arith.constant 80 : index
        %swap3A_661 = tpu.vector_load %arg11[%swap3A_659, %swap3A_660] {strides = array<i32>} : memref<128x128xf32, #tpu.memory_space<vmem>>, vector<1x16xf32>,
        %swap3A_662 = vector.shape_cast %swap3A_661 : vector<1x16xf32> to vector<16xf32>
        %swap3A_663 = vector.shape_cast %mul3A_658 : vector<16xf32> to vector<1x16xf32>
        tpu.vector_store %arg11[%swap3A_659, %swap3A_660], %swap3A_663 {strides = array<i32>} : memref<128x128xf32, #tpu.memory_space<vmem>>, vector<1x16xf32>,
        %get3A_664 = arith.index_cast %add3A_597 : i32 to index
        %get3A_665 = arith.constant 96 : index
        %get3A_666 = tpu.vector_load %arg11[%get3A_664, %get3A_665] {strides = array<i32>} : memref<128x128xf32, #tpu.memory_space<vmem>>, vector<1x16xf32>,
        %get3A_667 = vector.shape_cast %get3A_666 : vector<1x16xf32> to vector<16xf32>
        %mul3A_668 = vector.broadcast %squeeze3A_593 : f32 to vector<16xf32>
        %mul3A_669 = arith.mulf %get3A_667, %mul3A_668 : vector<16xf32>
        %swap3A_670 = arith.index_cast %add3A_597 : i32 to index
        %swap3A_671 = arith.constant 96 : index
        %swap3A_672 = tpu.vector_load %arg11[%swap3A_670, %swap3A_671] {strides = array<i32>} : memref<128x128xf32, #tpu.memory_space<vmem>>, vector<1x16xf32>,
        %swap3A_673 = vector.shape_cast %swap3A_672 : vector<1x16xf32> to vector<16xf32>
        %swap3A_674 = vector.shape_cast %mul3A_669 : vector<16xf32> to vector<1x16xf32>
        tpu.vector_store %arg11[%swap3A_670, %swap3A_671], %swap3A_674 {strides = array<i32>} : memref<128x128xf32, #tpu.memory_space<vmem>>, vector<1x16xf32>,
        %get3A_675 = arith.index_cast %add3A_597 : i32 to index
        %get3A_676 = arith.constant 112 : index
        %get3A_677 = tpu.vector_load %arg11[%get3A_675, %get3A_676] {strides = array<i32>} : memref<128x128xf32, #tpu.memory_space<vmem>>, vector<1x16xf32>,
        %get3A_678 = vector.shape_cast %get3A_677 : vector<1x16xf32> to vector<16xf32>
        %mul3A_679 = vector.broadcast %squeeze3A_593 : f32 to vector<16xf32>
        %mul3A_680 = arith.mulf %get3A_678, %mul3A_679 : vector<16xf32>
        %swap3A_681 = arith.index_cast %add3A_597 : i32 to index
        %swap3A_682 = arith.constant 112 : index
        %swap3A_683 = tpu.vector_load %arg11[%swap3A_681, %swap3A_682] {strides = array<i32>} : memref<128x128xf32, #tpu.memory_space<vmem>>, vector<1x16xf32>,
        %swap3A_684 = vector.shape_cast %swap3A_683 : vector<1x16xf32> to vector<16xf32>
        %swap3A_685 = vector.shape_cast %mul3A_680 : vector<16xf32> to vector<1x16xf32>
        tpu.vector_store %arg11[%swap3A_681, %swap3A_682], %swap3A_685 {strides = array<i32>} : memref<128x128xf32, #tpu.memory_space<vmem>>, vector<1x16xf32>,
        %slice3A_686 = vector.extract_strided_slice %get3A_30 {offsets = [7], sizes = [1], strides = [1]} : vector<16xf32> to vector<1xf32>
        %squeeze3A_687 = vector.extract %slice3A_686[0] : f32 from vector<1xf32>
        %mul3A_688 = arith.constant 16 : i32
        %mul3A_689 = arith.muli %scan3A_26, %mul3A_688 : i32
        %add3A_690 = arith.constant 7 : i32
        %add3A_691 = arith.addi %mul3A_689, %add3A_690 : i32
        %get3A_692 = arith.index_cast %add3A_691 : i32 to index
        %get3A_693 = arith.constant 0 : index
        %get3A_694 = tpu.vector_load %arg11[%get3A_692, %get3A_693] {strides = array<i32>} : memref<128x128xf32, #tpu.memory_space<vmem>>, vector<1x16xf32>,
        %get3A_695 = vector.shape_cast %get3A_694 : vector<1x16xf32> to vector<16xf32>
        %mul3A_696 = vector.broadcast %squeeze3A_687 : f32 to vector<16xf32>
        %mul3A_697 = arith.mulf %get3A_695, %mul3A_696 : vector<16xf32>
        %swap3A_698 = arith.index_cast %add3A_691 : i32 to index
        %swap3A_699 = arith.constant 0 : index
        %swap3A_700 = tpu.vector_load %arg11[%swap3A_698, %swap3A_699] {strides = array<i32>} : memref<128x128xf32, #tpu.memory_space<vmem>>, vector<1x16xf32>,
        %swap3A_701 = vector.shape_cast %swap3A_700 : vector<1x16xf32> to vector<16xf32>
        %swap3A_702 = vector.shape_cast %mul3A_697 : vector<16xf32> to vector<1x16xf32>
        tpu.vector_store %arg11[%swap3A_698, %swap3A_699], %swap3A_702 {strides = array<i32>} : memref<128x128xf32, #tpu.memory_space<vmem>>, vector<1x16xf32>,
        %get3A_703 = arith.index_cast %add3A_691 : i32 to index
        %get3A_704 = arith.constant 16 : index
        %get3A_705 = tpu.vector_load %arg11[%get3A_703, %get3A_704] {strides = array<i32>} : memref<128x128xf32, #tpu.memory_space<vmem>>, vector<1x16xf32>,
        %get3A_706 = vector.shape_cast %get3A_705 : vector<1x16xf32> to vector<16xf32>
        %mul3A_707 = vector.broadcast %squeeze3A_687 : f32 to vector<16xf32>
        %mul3A_708 = arith.mulf %get3A_706, %mul3A_707 : vector<16xf32>
        %swap3A_709 = arith.index_cast %add3A_691 : i32 to index
        %swap3A_710 = arith.constant 16 : index
        %swap3A_711 = tpu.vector_load %arg11[%swap3A_709, %swap3A_710] {strides = array<i32>} : memref<128x128xf32, #tpu.memory_space<vmem>>, vector<1x16xf32>,
        %swap3A_712 = vector.shape_cast %swap3A_711 : vector<1x16xf32> to vector<16xf32>
        %swap3A_713 = vector.shape_cast %mul3A_708 : vector<16xf32> to vector<1x16xf32>
        tpu.vector_store %arg11[%swap3A_709, %swap3A_710], %swap3A_713 {strides = array<i32>} : memref<128x128xf32, #tpu.memory_space<vmem>>, vector<1x16xf32>,
        %get3A_714 = arith.index_cast %add3A_691 : i32 to index
        %get3A_715 = arith.constant 32 : index
        %get3A_716 = tpu.vector_load %arg11[%get3A_714, %get3A_715] {strides = array<i32>} : memref<128x128xf32, #tpu.memory_space<vmem>>, vector<1x16xf32>,
        %get3A_717 = vector.shape_cast %get3A_716 : vector<1x16xf32> to vector<16xf32>
        %mul3A_718 = vector.broadcast %squeeze3A_687 : f32 to vector<16xf32>
        %mul3A_719 = arith.mulf %get3A_717, %mul3A_718 : vector<16xf32>
        %swap3A_720 = arith.index_cast %add3A_691 : i32 to index
        %swap3A_721 = arith.constant 32 : index
        %swap3A_722 = tpu.vector_load %arg11[%swap3A_720, %swap3A_721] {strides = array<i32>} : memref<128x128xf32, #tpu.memory_space<vmem>>, vector<1x16xf32>,
        %swap3A_723 = vector.shape_cast %swap3A_722 : vector<1x16xf32> to vector<16xf32>
        %swap3A_724 = vector.shape_cast %mul3A_719 : vector<16xf32> to vector<1x16xf32>
        tpu.vector_store %arg11[%swap3A_720, %swap3A_721], %swap3A_724 {strides = array<i32>} : memref<128x128xf32, #tpu.memory_space<vmem>>, vector<1x16xf32>,
        %get3A_725 = arith.index_cast %add3A_691 : i32 to index
        %get3A_726 = arith.constant 48 : index
        %get3A_727 = tpu.vector_load %arg11[%get3A_725, %get3A_726] {strides = array<i32>} : memref<128x128xf32, #tpu.memory_space<vmem>>, vector<1x16xf32>,
        %get3A_728 = vector.shape_cast %get3A_727 : vector<1x16xf32> to vector<16xf32>
        %mul3A_729 = vector.broadcast %squeeze3A_687 : f32 to vector<16xf32>
        %mul3A_730 = arith.mulf %get3A_728, %mul3A_729 : vector<16xf32>
        %swap3A_731 = arith.index_cast %add3A_691 : i32 to index
        %swap3A_732 = arith.constant 48 : index
        %swap3A_733 = tpu.vector_load %arg11[%swap3A_731, %swap3A_732] {strides = array<i32>} : memref<128x128xf32, #tpu.memory_space<vmem>>, vector<1x16xf32>,
        %swap3A_734 = vector.shape_cast %swap3A_733 : vector<1x16xf32> to vector<16xf32>
        %swap3A_735 = vector.shape_cast %mul3A_730 : vector<16xf32> to vector<1x16xf32>
        tpu.vector_store %arg11[%swap3A_731, %swap3A_732], %swap3A_735 {strides = array<i32>} : memref<128x128xf32, #tpu.memory_space<vmem>>, vector<1x16xf32>,
        %get3A_736 = arith.index_cast %add3A_691 : i32 to index
        %get3A_737 = arith.constant 64 : index
        %get3A_738 = tpu.vector_load %arg11[%get3A_736, %get3A_737] {strides = array<i32>} : memref<128x128xf32, #tpu.memory_space<vmem>>, vector<1x16xf32>,
        %get3A_739 = vector.shape_cast %get3A_738 : vector<1x16xf32> to vector<16xf32>
        %mul3A_740 = vector.broadcast %squeeze3A_687 : f32 to vector<16xf32>
        %mul3A_741 = arith.mulf %get3A_739, %mul3A_740 : vector<16xf32>
        %swap3A_742 = arith.index_cast %add3A_691 : i32 to index
        %swap3A_743 = arith.constant 64 : index
        %swap3A_744 = tpu.vector_load %arg11[%swap3A_742, %swap3A_743] {strides = array<i32>} : memref<128x128xf32, #tpu.memory_space<vmem>>, vector<1x16xf32>,
        %swap3A_745 = vector.shape_cast %swap3A_744 : vector<1x16xf32> to vector<16xf32>
        %swap3A_746 = vector.shape_cast %mul3A_741 : vector<16xf32> to vector<1x16xf32>
        tpu.vector_store %arg11[%swap3A_742, %swap3A_743], %swap3A_746 {strides = array<i32>} : memref<128x128xf32, #tpu.memory_space<vmem>>, vector<1x16xf32>,
        %get3A_747 = arith.index_cast %add3A_691 : i32 to index
        %get3A_748 = arith.constant 80 : index
        %get3A_749 = tpu.vector_load %arg11[%get3A_747, %get3A_748] {strides = array<i32>} : memref<128x128xf32, #tpu.memory_space<vmem>>, vector<1x16xf32>,
        %get3A_750 = vector.shape_cast %get3A_749 : vector<1x16xf32> to vector<16xf32>
        %mul3A_751 = vector.broadcast %squeeze3A_687 : f32 to vector<16xf32>
        %mul3A_752 = arith.mulf %get3A_750, %mul3A_751 : vector<16xf32>
        %swap3A_753 = arith.index_cast %add3A_691 : i32 to index
        %swap3A_754 = arith.constant 80 : index
        %swap3A_755 = tpu.vector_load %arg11[%swap3A_753, %swap3A_754] {strides = array<i32>} : memref<128x128xf32, #tpu.memory_space<vmem>>, vector<1x16xf32>,
        %swap3A_756 = vector.shape_cast %swap3A_755 : vector<1x16xf32> to vector<16xf32>
        %swap3A_757 = vector.shape_cast %mul3A_752 : vector<16xf32> to vector<1x16xf32>
        tpu.vector_store %arg11[%swap3A_753, %swap3A_754], %swap3A_757 {strides = array<i32>} : memref<128x128xf32, #tpu.memory_space<vmem>>, vector<1x16xf32>,
        %get3A_758 = arith.index_cast %add3A_691 : i32 to index
        %get3A_759 = arith.constant 96 : index
        %get3A_760 = tpu.vector_load %arg11[%get3A_758, %get3A_759] {strides = array<i32>} : memref<128x128xf32, #tpu.memory_space<vmem>>, vector<1x16xf32>,
        %get3A_761 = vector.shape_cast %get3A_760 : vector<1x16xf32> to vector<16xf32>
        %mul3A_762 = vector.broadcast %squeeze3A_687 : f32 to vector<16xf32>
        %mul3A_763 = arith.mulf %get3A_761, %mul3A_762 : vector<16xf32>
        %swap3A_764 = arith.index_cast %add3A_691 : i32 to index
        %swap3A_765 = arith.constant 96 : index
        %swap3A_766 = tpu.vector_load %arg11[%swap3A_764, %swap3A_765] {strides = array<i32>} : memref<128x128xf32, #tpu.memory_space<vmem>>, vector<1x16xf32>,
        %swap3A_767 = vector.shape_cast %swap3A_766 : vector<1x16xf32> to vector<16xf32>
        %swap3A_768 = vector.shape_cast %mul3A_763 : vector<16xf32> to vector<1x16xf32>
        tpu.vector_store %arg11[%swap3A_764, %swap3A_765], %swap3A_768 {strides = array<i32>} : memref<128x128xf32, #tpu.memory_space<vmem>>, vector<1x16xf32>,
        %get3A_769 = arith.index_cast %add3A_691 : i32 to index
        %get3A_770 = arith.constant 112 : index
        %get3A_771 = tpu.vector_load %arg11[%get3A_769, %get3A_770] {strides = array<i32>} : memref<128x128xf32, #tpu.memory_space<vmem>>, vector<1x16xf32>,
        %get3A_772 = vector.shape_cast %get3A_771 : vector<1x16xf32> to vector<16xf32>
        %mul3A_773 = vector.broadcast %squeeze3A_687 : f32 to vector<16xf32>
        %mul3A_774 = arith.mulf %get3A_772, %mul3A_773 : vector<16xf32>
        %swap3A_775 = arith.index_cast %add3A_691 : i32 to index
        %swap3A_776 = arith.constant 112 : index
        %swap3A_777 = tpu.vector_load %arg11[%swap3A_775, %swap3A_776] {strides = array<i32>} : memref<128x128xf32, #tpu.memory_space<vmem>>, vector<1x16xf32>,
        %swap3A_778 = vector.shape_cast %swap3A_777 : vector<1x16xf32> to vector<16xf32>
        %swap3A_779 = vector.shape_cast %mul3A_774 : vector<16xf32> to vector<1x16xf32>
        tpu.vector_store %arg11[%swap3A_775, %swap3A_776], %swap3A_779 {strides = array<i32>} : memref<128x128xf32, #tpu.memory_space<vmem>>, vector<1x16xf32>,
        %slice3A_780 = vector.extract_strided_slice %get3A_30 {offsets = [8], sizes = [1], strides = [1]} : vector<16xf32> to vector<1xf32>
        %squeeze3A_781 = vector.extract %slice3A_780[0] : f32 from vector<1xf32>
        %mul3A_782 = arith.constant 16 : i32
        %mul3A_783 = arith.muli %scan3A_26, %mul3A_782 : i32
        %add3A_784 = arith.constant 8 : i32
        %add3A_785 = arith.addi %mul3A_783, %add3A_784 : i32
        %get3A_786 = arith.index_cast %add3A_785 : i32 to index
        %get3A_787 = arith.constant 0 : index
        %get3A_788 = tpu.vector_load %arg11[%get3A_786, %get3A_787] {strides = array<i32>} : memref<128x128xf32, #tpu.memory_space<vmem>>, vector<1x16xf32>,
        %get3A_789 = vector.shape_cast %get3A_788 : vector<1x16xf32> to vector<16xf32>
        %mul3A_790 = vector.broadcast %squeeze3A_781 : f32 to vector<16xf32>
        %mul3A_791 = arith.mulf %get3A_789, %mul3A_790 : vector<16xf32>
        %swap3A_792 = arith.index_cast %add3A_785 : i32 to index
        %swap3A_793 = arith.constant 0 : index
        %swap3A_794 = tpu.vector_load %arg11[%swap3A_792, %swap3A_793] {strides = array<i32>} : memref<128x128xf32, #tpu.memory_space<vmem>>, vector<1x16xf32>,
        %swap3A_795 = vector.shape_cast %swap3A_794 : vector<1x16xf32> to vector<16xf32>
        %swap3A_796 = vector.shape_cast %mul3A_791 : vector<16xf32> to vector<1x16xf32>
        tpu.vector_store %arg11[%swap3A_792, %swap3A_793], %swap3A_796 {strides = array<i32>} : memref<128x128xf32, #tpu.memory_space<vmem>>, vector<1x16xf32>,
        %get3A_797 = arith.index_cast %add3A_785 : i32 to index
        %get3A_798 = arith.constant 16 : index
        %get3A_799 = tpu.vector_load %arg11[%get3A_797, %get3A_798] {strides = array<i32>} : memref<128x128xf32, #tpu.memory_space<vmem>>, vector<1x16xf32>,
        %get3A_800 = vector.shape_cast %get3A_799 : vector<1x16xf32> to vector<16xf32>
        %mul3A_801 = vector.broadcast %squeeze3A_781 : f32 to vector<16xf32>
        %mul3A_802 = arith.mulf %get3A_800, %mul3A_801 : vector<16xf32>
        %swap3A_803 = arith.index_cast %add3A_785 : i32 to index
        %swap3A_804 = arith.constant 16 : index
        %swap3A_805 = tpu.vector_load %arg11[%swap3A_803, %swap3A_804] {strides = array<i32>} : memref<128x128xf32, #tpu.memory_space<vmem>>, vector<1x16xf32>,
        %swap3A_806 = vector.shape_cast %swap3A_805 : vector<1x16xf32> to vector<16xf32>
        %swap3A_807 = vector.shape_cast %mul3A_802 : vector<16xf32> to vector<1x16xf32>
        tpu.vector_store %arg11[%swap3A_803, %swap3A_804], %swap3A_807 {strides = array<i32>} : memref<128x128xf32, #tpu.memory_space<vmem>>, vector<1x16xf32>,
        %get3A_808 = arith.index_cast %add3A_785 : i32 to index
        %get3A_809 = arith.constant 32 : index
        %get3A_810 = tpu.vector_load %arg11[%get3A_808, %get3A_809] {strides = array<i32>} : memref<128x128xf32, #tpu.memory_space<vmem>>, vector<1x16xf32>,
        %get3A_811 = vector.shape_cast %get3A_810 : vector<1x16xf32> to vector<16xf32>
        %mul3A_812 = vector.broadcast %squeeze3A_781 : f32 to vector<16xf32>
        %mul3A_813 = arith.mulf %get3A_811, %mul3A_812 : vector<16xf32>
        %swap3A_814 = arith.index_cast %add3A_785 : i32 to index
        %swap3A_815 = arith.constant 32 : index
        %swap3A_816 = tpu.vector_load %arg11[%swap3A_814, %swap3A_815] {strides = array<i32>} : memref<128x128xf32, #tpu.memory_space<vmem>>, vector<1x16xf32>,
        %swap3A_817 = vector.shape_cast %swap3A_816 : vector<1x16xf32> to vector<16xf32>
        %swap3A_818 = vector.shape_cast %mul3A_813 : vector<16xf32> to vector<1x16xf32>
        tpu.vector_store %arg11[%swap3A_814, %swap3A_815], %swap3A_818 {strides = array<i32>} : memref<128x128xf32, #tpu.memory_space<vmem>>, vector<1x16xf32>,
        %get3A_819 = arith.index_cast %add3A_785 : i32 to index
        %get3A_820 = arith.constant 48 : index
        %get3A_821 = tpu.vector_load %arg11[%get3A_819, %get3A_820] {strides = array<i32>} : memref<128x128xf32, #tpu.memory_space<vmem>>, vector<1x16xf32>,
        %get3A_822 = vector.shape_cast %get3A_821 : vector<1x16xf32> to vector<16xf32>
        %mul3A_823 = vector.broadcast %squeeze3A_781 : f32 to vector<16xf32>
        %mul3A_824 = arith.mulf %get3A_822, %mul3A_823 : vector<16xf32>
        %swap3A_825 = arith.index_cast %add3A_785 : i32 to index
        %swap3A_826 = arith.constant 48 : index
        %swap3A_827 = tpu.vector_load %arg11[%swap3A_825, %swap3A_826] {strides = array<i32>} : memref<128x128xf32, #tpu.memory_space<vmem>>, vector<1x16xf32>,
        %swap3A_828 = vector.shape_cast %swap3A_827 : vector<1x16xf32> to vector<16xf32>
        %swap3A_829 = vector.shape_cast %mul3A_824 : vector<16xf32> to vector<1x16xf32>
        tpu.vector_store %arg11[%swap3A_825, %swap3A_826], %swap3A_829 {strides = array<i32>} : memref<128x128xf32, #tpu.memory_space<vmem>>, vector<1x16xf32>,
        %get3A_830 = arith.index_cast %add3A_785 : i32 to index
        %get3A_831 = arith.constant 64 : index
        %get3A_832 = tpu.vector_load %arg11[%get3A_830, %get3A_831] {strides = array<i32>} : memref<128x128xf32, #tpu.memory_space<vmem>>, vector<1x16xf32>,
        %get3A_833 = vector.shape_cast %get3A_832 : vector<1x16xf32> to vector<16xf32>
        %mul3A_834 = vector.broadcast %squeeze3A_781 : f32 to vector<16xf32>
        %mul3A_835 = arith.mulf %get3A_833, %mul3A_834 : vector<16xf32>
        %swap3A_836 = arith.index_cast %add3A_785 : i32 to index
        %swap3A_837 = arith.constant 64 : index
        %swap3A_838 = tpu.vector_load %arg11[%swap3A_836, %swap3A_837] {strides = array<i32>} : memref<128x128xf32, #tpu.memory_space<vmem>>, vector<1x16xf32>,
        %swap3A_839 = vector.shape_cast %swap3A_838 : vector<1x16xf32> to vector<16xf32>
        %swap3A_840 = vector.shape_cast %mul3A_835 : vector<16xf32> to vector<1x16xf32>
        tpu.vector_store %arg11[%swap3A_836, %swap3A_837], %swap3A_840 {strides = array<i32>} : memref<128x128xf32, #tpu.memory_space<vmem>>, vector<1x16xf32>,
        %get3A_841 = arith.index_cast %add3A_785 : i32 to index
        %get3A_842 = arith.constant 80 : index
        %get3A_843 = tpu.vector_load %arg11[%get3A_841, %get3A_842] {strides = array<i32>} : memref<128x128xf32, #tpu.memory_space<vmem>>, vector<1x16xf32>,
        %get3A_844 = vector.shape_cast %get3A_843 : vector<1x16xf32> to vector<16xf32>
        %mul3A_845 = vector.broadcast %squeeze3A_781 : f32 to vector<16xf32>
        %mul3A_846 = arith.mulf %get3A_844, %mul3A_845 : vector<16xf32>
        %swap3A_847 = arith.index_cast %add3A_785 : i32 to index
        %swap3A_848 = arith.constant 80 : index
        %swap3A_849 = tpu.vector_load %arg11[%swap3A_847, %swap3A_848] {strides = array<i32>} : memref<128x128xf32, #tpu.memory_space<vmem>>, vector<1x16xf32>,
        %swap3A_850 = vector.shape_cast %swap3A_849 : vector<1x16xf32> to vector<16xf32>
        %swap3A_851 = vector.shape_cast %mul3A_846 : vector<16xf32> to vector<1x16xf32>
        tpu.vector_store %arg11[%swap3A_847, %swap3A_848], %swap3A_851 {strides = array<i32>} : memref<128x128xf32, #tpu.memory_space<vmem>>, vector<1x16xf32>,
        %get3A_852 = arith.index_cast %add3A_785 : i32 to index
        %get3A_853 = arith.constant 96 : index
        %get3A_854 = tpu.vector_load %arg11[%get3A_852, %get3A_853] {strides = array<i32>} : memref<128x128xf32, #tpu.memory_space<vmem>>, vector<1x16xf32>,
        %get3A_855 = vector.shape_cast %get3A_854 : vector<1x16xf32> to vector<16xf32>
        %mul3A_856 = vector.broadcast %squeeze3A_781 : f32 to vector<16xf32>
        %mul3A_857 = arith.mulf %get3A_855, %mul3A_856 : vector<16xf32>
        %swap3A_858 = arith.index_cast %add3A_785 : i32 to index
        %swap3A_859 = arith.constant 96 : index
        %swap3A_860 = tpu.vector_load %arg11[%swap3A_858, %swap3A_859] {strides = array<i32>} : memref<128x128xf32, #tpu.memory_space<vmem>>, vector<1x16xf32>,
        %swap3A_861 = vector.shape_cast %swap3A_860 : vector<1x16xf32> to vector<16xf32>
        %swap3A_862 = vector.shape_cast %mul3A_857 : vector<16xf32> to vector<1x16xf32>
        tpu.vector_store %arg11[%swap3A_858, %swap3A_859], %swap3A_862 {strides = array<i32>} : memref<128x128xf32, #tpu.memory_space<vmem>>, vector<1x16xf32>,
        %get3A_863 = arith.index_cast %add3A_785 : i32 to index
        %get3A_864 = arith.constant 112 : index
        %get3A_865 = tpu.vector_load %arg11[%get3A_863, %get3A_864] {strides = array<i32>} : memref<128x128xf32, #tpu.memory_space<vmem>>, vector<1x16xf32>,
        %get3A_866 = vector.shape_cast %get3A_865 : vector<1x16xf32> to vector<16xf32>
        %mul3A_867 = vector.broadcast %squeeze3A_781 : f32 to vector<16xf32>
        %mul3A_868 = arith.mulf %get3A_866, %mul3A_867 : vector<16xf32>
        %swap3A_869 = arith.index_cast %add3A_785 : i32 to index
        %swap3A_870 = arith.constant 112 : index
        %swap3A_871 = tpu.vector_load %arg11[%swap3A_869, %swap3A_870] {strides = array<i32>} : memref<128x128xf32, #tpu.memory_space<vmem>>, vector<1x16xf32>,
        %swap3A_872 = vector.shape_cast %swap3A_871 : vector<1x16xf32> to vector<16xf32>
        %swap3A_873 = vector.shape_cast %mul3A_868 : vector<16xf32> to vector<1x16xf32>
        tpu.vector_store %arg11[%swap3A_869, %swap3A_870], %swap3A_873 {strides = array<i32>} : memref<128x128xf32, #tpu.memory_space<vmem>>, vector<1x16xf32>,
        %slice3A_874 = vector.extract_strided_slice %get3A_30 {offsets = [9], sizes = [1], strides = [1]} : vector<16xf32> to vector<1xf32>
        %squeeze3A_875 = vector.extract %slice3A_874[0] : f32 from vector<1xf32>
        %mul3A_876 = arith.constant 16 : i32
        %mul3A_877 = arith.muli %scan3A_26, %mul3A_876 : i32
        %add3A_878 = arith.constant 9 : i32
        %add3A_879 = arith.addi %mul3A_877, %add3A_878 : i32
        %get3A_880 = arith.index_cast %add3A_879 : i32 to index
        %get3A_881 = arith.constant 0 : index
        %get3A_882 = tpu.vector_load %arg11[%get3A_880, %get3A_881] {strides = array<i32>} : memref<128x128xf32, #tpu.memory_space<vmem>>, vector<1x16xf32>,
        %get3A_883 = vector.shape_cast %get3A_882 : vector<1x16xf32> to vector<16xf32>
        %mul3A_884 = vector.broadcast %squeeze3A_875 : f32 to vector<16xf32>
        %mul3A_885 = arith.mulf %get3A_883, %mul3A_884 : vector<16xf32>
        %swap3A_886 = arith.index_cast %add3A_879 : i32 to index
        %swap3A_887 = arith.constant 0 : index
        %swap3A_888 = tpu.vector_load %arg11[%swap3A_886, %swap3A_887] {strides = array<i32>} : memref<128x128xf32, #tpu.memory_space<vmem>>, vector<1x16xf32>,
        %swap3A_889 = vector.shape_cast %swap3A_888 : vector<1x16xf32> to vector<16xf32>
        %swap3A_890 = vector.shape_cast %mul3A_885 : vector<16xf32> to vector<1x16xf32>
        tpu.vector_store %arg11[%swap3A_886, %swap3A_887], %swap3A_890 {strides = array<i32>} : memref<128x128xf32, #tpu.memory_space<vmem>>, vector<1x16xf32>,
        %get3A_891 = arith.index_cast %add3A_879 : i32 to index
        %get3A_892 = arith.constant 16 : index
        %get3A_893 = tpu.vector_load %arg11[%get3A_891, %get3A_892] {strides = array<i32>} : memref<128x128xf32, #tpu.memory_space<vmem>>, vector<1x16xf32>,
        %get3A_894 = vector.shape_cast %get3A_893 : vector<1x16xf32> to vector<16xf32>
        %mul3A_895 = vector.broadcast %squeeze3A_875 : f32 to vector<16xf32>
        %mul3A_896 = arith.mulf %get3A_894, %mul3A_895 : vector<16xf32>
        %swap3A_897 = arith.index_cast %add3A_879 : i32 to index
        %swap3A_898 = arith.constant 16 : index
        %swap3A_899 = tpu.vector_load %arg11[%swap3A_897, %swap3A_898] {strides = array<i32>} : memref<128x128xf32, #tpu.memory_space<vmem>>, vector<1x16xf32>,
        %swap3A_900 = vector.shape_cast %swap3A_899 : vector<1x16xf32> to vector<16xf32>
        %swap3A_901 = vector.shape_cast %mul3A_896 : vector<16xf32> to vector<1x16xf32>
        tpu.vector_store %arg11[%swap3A_897, %swap3A_898], %swap3A_901 {strides = array<i32>} : memref<128x128xf32, #tpu.memory_space<vmem>>, vector<1x16xf32>,
        %get3A_902 = arith.index_cast %add3A_879 : i32 to index
        %get3A_903 = arith.constant 32 : index
        %get3A_904 = tpu.vector_load %arg11[%get3A_902, %get3A_903] {strides = array<i32>} : memref<128x128xf32, #tpu.memory_space<vmem>>, vector<1x16xf32>,
        %get3A_905 = vector.shape_cast %get3A_904 : vector<1x16xf32> to vector<16xf32>
        %mul3A_906 = vector.broadcast %squeeze3A_875 : f32 to vector<16xf32>
        %mul3A_907 = arith.mulf %get3A_905, %mul3A_906 : vector<16xf32>
        %swap3A_908 = arith.index_cast %add3A_879 : i32 to index
        %swap3A_909 = arith.constant 32 : index
        %swap3A_910 = tpu.vector_load %arg11[%swap3A_908, %swap3A_909] {strides = array<i32>} : memref<128x128xf32, #tpu.memory_space<vmem>>, vector<1x16xf32>,
        %swap3A_911 = vector.shape_cast %swap3A_910 : vector<1x16xf32> to vector<16xf32>
        %swap3A_912 = vector.shape_cast %mul3A_907 : vector<16xf32> to vector<1x16xf32>
        tpu.vector_store %arg11[%swap3A_908, %swap3A_909], %swap3A_912 {strides = array<i32>} : memref<128x128xf32, #tpu.memory_space<vmem>>, vector<1x16xf32>,
        %get3A_913 = arith.index_cast %add3A_879 : i32 to index
        %get3A_914 = arith.constant 48 : index
        %get3A_915 = tpu.vector_load %arg11[%get3A_913, %get3A_914] {strides = array<i32>} : memref<128x128xf32, #tpu.memory_space<vmem>>, vector<1x16xf32>,
        %get3A_916 = vector.shape_cast %get3A_915 : vector<1x16xf32> to vector<16xf32>
        %mul3A_917 = vector.broadcast %squeeze3A_875 : f32 to vector<16xf32>
        %mul3A_918 = arith.mulf %get3A_916, %mul3A_917 : vector<16xf32>
        %swap3A_919 = arith.index_cast %add3A_879 : i32 to index
        %swap3A_920 = arith.constant 48 : index
        %swap3A_921 = tpu.vector_load %arg11[%swap3A_919, %swap3A_920] {strides = array<i32>} : memref<128x128xf32, #tpu.memory_space<vmem>>, vector<1x16xf32>,
        %swap3A_922 = vector.shape_cast %swap3A_921 : vector<1x16xf32> to vector<16xf32>
        %swap3A_923 = vector.shape_cast %mul3A_918 : vector<16xf32> to vector<1x16xf32>
        tpu.vector_store %arg11[%swap3A_919, %swap3A_920], %swap3A_923 {strides = array<i32>} : memref<128x128xf32, #tpu.memory_space<vmem>>, vector<1x16xf32>,
        %get3A_924 = arith.index_cast %add3A_879 : i32 to index
        %get3A_925 = arith.constant 64 : index
        %get3A_926 = tpu.vector_load %arg11[%get3A_924, %get3A_925] {strides = array<i32>} : memref<128x128xf32, #tpu.memory_space<vmem>>, vector<1x16xf32>,
        %get3A_927 = vector.shape_cast %get3A_926 : vector<1x16xf32> to vector<16xf32>
        %mul3A_928 = vector.broadcast %squeeze3A_875 : f32 to vector<16xf32>
        %mul3A_929 = arith.mulf %get3A_927, %mul3A_928 : vector<16xf32>
        %swap3A_930 = arith.index_cast %add3A_879 : i32 to index
        %swap3A_931 = arith.constant 64 : index
        %swap3A_932 = tpu.vector_load %arg11[%swap3A_930, %swap3A_931] {strides = array<i32>} : memref<128x128xf32, #tpu.memory_space<vmem>>, vector<1x16xf32>,
        %swap3A_933 = vector.shape_cast %swap3A_932 : vector<1x16xf32> to vector<16xf32>
        %swap3A_934 = vector.shape_cast %mul3A_929 : vector<16xf32> to vector<1x16xf32>
        tpu.vector_store %arg11[%swap3A_930, %swap3A_931], %swap3A_934 {strides = array<i32>} : memref<128x128xf32, #tpu.memory_space<vmem>>, vector<1x16xf32>,
        %get3A_935 = arith.index_cast %add3A_879 : i32 to index
        %get3A_936 = arith.constant 80 : index
        %get3A_937 = tpu.vector_load %arg11[%get3A_935, %get3A_936] {strides = array<i32>} : memref<128x128xf32, #tpu.memory_space<vmem>>, vector<1x16xf32>,
        %get3A_938 = vector.shape_cast %get3A_937 : vector<1x16xf32> to vector<16xf32>
        %mul3A_939 = vector.broadcast %squeeze3A_875 : f32 to vector<16xf32>
        %mul3A_940 = arith.mulf %get3A_938, %mul3A_939 : vector<16xf32>
        %swap3A_941 = arith.index_cast %add3A_879 : i32 to index
        %swap3A_942 = arith.constant 80 : index
        %swap3A_943 = tpu.vector_load %arg11[%swap3A_941, %swap3A_942] {strides = array<i32>} : memref<128x128xf32, #tpu.memory_space<vmem>>, vector<1x16xf32>,
        %swap3A_944 = vector.shape_cast %swap3A_943 : vector<1x16xf32> to vector<16xf32>
        %swap3A_945 = vector.shape_cast %mul3A_940 : vector<16xf32> to vector<1x16xf32>
        tpu.vector_store %arg11[%swap3A_941, %swap3A_942], %swap3A_945 {strides = array<i32>} : memref<128x128xf32, #tpu.memory_space<vmem>>, vector<1x16xf32>,
        %get3A_946 = arith.index_cast %add3A_879 : i32 to index
        %get3A_947 = arith.constant 96 : index
        %get3A_948 = tpu.vector_load %arg11[%get3A_946, %get3A_947] {strides = array<i32>} : memref<128x128xf32, #tpu.memory_space<vmem>>, vector<1x16xf32>,
        %get3A_949 = vector.shape_cast %get3A_948 : vector<1x16xf32> to vector<16xf32>
        %mul3A_950 = vector.broadcast %squeeze3A_875 : f32 to vector<16xf32>
        %mul3A_951 = arith.mulf %get3A_949, %mul3A_950 : vector<16xf32>
        %swap3A_952 = arith.index_cast %add3A_879 : i32 to index
        %swap3A_953 = arith.constant 96 : index
        %swap3A_954 = tpu.vector_load %arg11[%swap3A_952, %swap3A_953] {strides = array<i32>} : memref<128x128xf32, #tpu.memory_space<vmem>>, vector<1x16xf32>,
        %swap3A_955 = vector.shape_cast %swap3A_954 : vector<1x16xf32> to vector<16xf32>
        %swap3A_956 = vector.shape_cast %mul3A_951 : vector<16xf32> to vector<1x16xf32>
        tpu.vector_store %arg11[%swap3A_952, %swap3A_953], %swap3A_956 {strides = array<i32>} : memref<128x128xf32, #tpu.memory_space<vmem>>, vector<1x16xf32>,
        %get3A_957 = arith.index_cast %add3A_879 : i32 to index
        %get3A_958 = arith.constant 112 : index
        %get3A_959 = tpu.vector_load %arg11[%get3A_957, %get3A_958] {strides = array<i32>} : memref<128x128xf32, #tpu.memory_space<vmem>>, vector<1x16xf32>,
        %get3A_960 = vector.shape_cast %get3A_959 : vector<1x16xf32> to vector<16xf32>
        %mul3A_961 = vector.broadcast %squeeze3A_875 : f32 to vector<16xf32>
        %mul3A_962 = arith.mulf %get3A_960, %mul3A_961 : vector<16xf32>
        %swap3A_963 = arith.index_cast %add3A_879 : i32 to index
        %swap3A_964 = arith.constant 112 : index
        %swap3A_965 = tpu.vector_load %arg11[%swap3A_963, %swap3A_964] {strides = array<i32>} : memref<128x128xf32, #tpu.memory_space<vmem>>, vector<1x16xf32>,
        %swap3A_966 = vector.shape_cast %swap3A_965 : vector<1x16xf32> to vector<16xf32>
        %swap3A_967 = vector.shape_cast %mul3A_962 : vector<16xf32> to vector<1x16xf32>
        tpu.vector_store %arg11[%swap3A_963, %swap3A_964], %swap3A_967 {strides = array<i32>} : memref<128x128xf32, #tpu.memory_space<vmem>>, vector<1x16xf32>,
        %slice3A_968 = vector.extract_strided_slice %get3A_30 {offsets = [10], sizes = [1], strides = [1]} : vector<16xf32> to vector<1xf32>
        %squeeze3A_969 = vector.extract %slice3A_968[0] : f32 from vector<1xf32>
        %mul3A_970 = arith.constant 16 : i32
        %mul3A_971 = arith.muli %scan3A_26, %mul3A_970 : i32
        %add3A_972 = arith.constant 10 : i32
        %add3A_973 = arith.addi %mul3A_971, %add3A_972 : i32
        %get3A_974 = arith.index_cast %add3A_973 : i32 to index
        %get3A_975 = arith.constant 0 : index
        %get3A_976 = tpu.vector_load %arg11[%get3A_974, %get3A_975] {strides = array<i32>} : memref<128x128xf32, #tpu.memory_space<vmem>>, vector<1x16xf32>,
        %get3A_977 = vector.shape_cast %get3A_976 : vector<1x16xf32> to vector<16xf32>
        %mul3A_978 = vector.broadcast %squeeze3A_969 : f32 to vector<16xf32>
        %mul3A_979 = arith.mulf %get3A_977, %mul3A_978 : vector<16xf32>
        %swap3A_980 = arith.index_cast %add3A_973 : i32 to index
        %swap3A_981 = arith.constant 0 : index
        %swap3A_982 = tpu.vector_load %arg11[%swap3A_980, %swap3A_981] {strides = array<i32>} : memref<128x128xf32, #tpu.memory_space<vmem>>, vector<1x16xf32>,
        %swap3A_983 = vector.shape_cast %swap3A_982 : vector<1x16xf32> to vector<16xf32>
        %swap3A_984 = vector.shape_cast %mul3A_979 : vector<16xf32> to vector<1x16xf32>
        tpu.vector_store %arg11[%swap3A_980, %swap3A_981], %swap3A_984 {strides = array<i32>} : memref<128x128xf32, #tpu.memory_space<vmem>>, vector<1x16xf32>,
        %get3A_985 = arith.index_cast %add3A_973 : i32 to index
        %get3A_986 = arith.constant 16 : index
        %get3A_987 = tpu.vector_load %arg11[%get3A_985, %get3A_986] {strides = array<i32>} : memref<128x128xf32, #tpu.memory_space<vmem>>, vector<1x16xf32>,
        %get3A_988 = vector.shape_cast %get3A_987 : vector<1x16xf32> to vector<16xf32>
        %mul3A_989 = vector.broadcast %squeeze3A_969 : f32 to vector<16xf32>
        %mul3A_990 = arith.mulf %get3A_988, %mul3A_989 : vector<16xf32>
        %swap3A_991 = arith.index_cast %add3A_973 : i32 to index
        %swap3A_992 = arith.constant 16 : index
        %swap3A_993 = tpu.vector_load %arg11[%swap3A_991, %swap3A_992] {strides = array<i32>} : memref<128x128xf32, #tpu.memory_space<vmem>>, vector<1x16xf32>,
        %swap3A_994 = vector.shape_cast %swap3A_993 : vector<1x16xf32> to vector<16xf32>
        %swap3A_995 = vector.shape_cast %mul3A_990 : vector<16xf32> to vector<1x16xf32>
        tpu.vector_store %arg11[%swap3A_991, %swap3A_992], %swap3A_995 {strides = array<i32>} : memref<128x128xf32, #tpu.memory_space<vmem>>, vector<1x16xf32>,
        %get3A_996 = arith.index_cast %add3A_973 : i32 to index
        %get3A_997 = arith.constant 32 : index
        %get3A_998 = tpu.vector_load %arg11[%get3A_996, %get3A_997] {strides = array<i32>} : memref<128x128xf32, #tpu.memory_space<vmem>>, vector<1x16xf32>,
        %get3A_999 = vector.shape_cast %get3A_998 : vector<1x16xf32> to vector<16xf32>
        %mul3A_1000 = vector.broadcast %squeeze3A_969 : f32 to vector<16xf32>
        %mul3A_1001 = arith.mulf %get3A_999, %mul3A_1000 : vector<16xf32>
        %swap3A_1002 = arith.index_cast %add3A_973 : i32 to index
        %swap3A_1003 = arith.constant 32 : index
        %swap3A_1004 = tpu.vector_load %arg11[%swap3A_1002, %swap3A_1003] {strides = array<i32>} : memref<128x128xf32, #tpu.memory_space<vmem>>, vector<1x16xf32>,
        %swap3A_1005 = vector.shape_cast %swap3A_1004 : vector<1x16xf32> to vector<16xf32>
        %swap3A_1006 = vector.shape_cast %mul3A_1001 : vector<16xf32> to vector<1x16xf32>
        tpu.vector_store %arg11[%swap3A_1002, %swap3A_1003], %swap3A_1006 {strides = array<i32>} : memref<128x128xf32, #tpu.memory_space<vmem>>, vector<1x16xf32>,
        %get3A_1007 = arith.index_cast %add3A_973 : i32 to index
        %get3A_1008 = arith.constant 48 : index
        %get3A_1009 = tpu.vector_load %arg11[%get3A_1007, %get3A_1008] {strides = array<i32>} : memref<128x128xf32, #tpu.memory_space<vmem>>, vector<1x16xf32>,
        %get3A_1010 = vector.shape_cast %get3A_1009 : vector<1x16xf32> to vector<16xf32>
        %mul3A_1011 = vector.broadcast %squeeze3A_969 : f32 to vector<16xf32>
        %mul3A_1012 = arith.mulf %get3A_1010, %mul3A_1011 : vector<16xf32>
        %swap3A_1013 = arith.index_cast %add3A_973 : i32 to index
        %swap3A_1014 = arith.constant 48 : index
        %swap3A_1015 = tpu.vector_load %arg11[%swap3A_1013, %swap3A_1014] {strides = array<i32>} : memref<128x128xf32, #tpu.memory_space<vmem>>, vector<1x16xf32>,
        %swap3A_1016 = vector.shape_cast %swap3A_1015 : vector<1x16xf32> to vector<16xf32>
        %swap3A_1017 = vector.shape_cast %mul3A_1012 : vector<16xf32> to vector<1x16xf32>
        tpu.vector_store %arg11[%swap3A_1013, %swap3A_1014], %swap3A_1017 {strides = array<i32>} : memref<128x128xf32, #tpu.memory_space<vmem>>, vector<1x16xf32>,
        %get3A_1018 = arith.index_cast %add3A_973 : i32 to index
        %get3A_1019 = arith.constant 64 : index
        %get3A_1020 = tpu.vector_load %arg11[%get3A_1018, %get3A_1019] {strides = array<i32>} : memref<128x128xf32, #tpu.memory_space<vmem>>, vector<1x16xf32>,
        %get3A_1021 = vector.shape_cast %get3A_1020 : vector<1x16xf32> to vector<16xf32>
        %mul3A_1022 = vector.broadcast %squeeze3A_969 : f32 to vector<16xf32>
        %mul3A_1023 = arith.mulf %get3A_1021, %mul3A_1022 : vector<16xf32>
        %swap3A_1024 = arith.index_cast %add3A_973 : i32 to index
        %swap3A_1025 = arith.constant 64 : index
        %swap3A_1026 = tpu.vector_load %arg11[%swap3A_1024, %swap3A_1025] {strides = array<i32>} : memref<128x128xf32, #tpu.memory_space<vmem>>, vector<1x16xf32>,
        %swap3A_1027 = vector.shape_cast %swap3A_1026 : vector<1x16xf32> to vector<16xf32>
        %swap3A_1028 = vector.shape_cast %mul3A_1023 : vector<16xf32> to vector<1x16xf32>
        tpu.vector_store %arg11[%swap3A_1024, %swap3A_1025], %swap3A_1028 {strides = array<i32>} : memref<128x128xf32, #tpu.memory_space<vmem>>, vector<1x16xf32>,
        %get3A_1029 = arith.index_cast %add3A_973 : i32 to index
        %get3A_1030 = arith.constant 80 : index
        %get3A_1031 = tpu.vector_load %arg11[%get3A_1029, %get3A_1030] {strides = array<i32>} : memref<128x128xf32, #tpu.memory_space<vmem>>, vector<1x16xf32>,
        %get3A_1032 = vector.shape_cast %get3A_1031 : vector<1x16xf32> to vector<16xf32>
        %mul3A_1033 = vector.broadcast %squeeze3A_969 : f32 to vector<16xf32>
        %mul3A_1034 = arith.mulf %get3A_1032, %mul3A_1033 : vector<16xf32>
        %swap3A_1035 = arith.index_cast %add3A_973 : i32 to index
        %swap3A_1036 = arith.constant 80 : index
        %swap3A_1037 = tpu.vector_load %arg11[%swap3A_1035, %swap3A_1036] {strides = array<i32>} : memref<128x128xf32, #tpu.memory_space<vmem>>, vector<1x16xf32>,
        %swap3A_1038 = vector.shape_cast %swap3A_1037 : vector<1x16xf32> to vector<16xf32>
        %swap3A_1039 = vector.shape_cast %mul3A_1034 : vector<16xf32> to vector<1x16xf32>
        tpu.vector_store %arg11[%swap3A_1035, %swap3A_1036], %swap3A_1039 {strides = array<i32>} : memref<128x128xf32, #tpu.memory_space<vmem>>, vector<1x16xf32>,
        %get3A_1040 = arith.index_cast %add3A_973 : i32 to index
        %get3A_1041 = arith.constant 96 : index
        %get3A_1042 = tpu.vector_load %arg11[%get3A_1040, %get3A_1041] {strides = array<i32>} : memref<128x128xf32, #tpu.memory_space<vmem>>, vector<1x16xf32>,
        %get3A_1043 = vector.shape_cast %get3A_1042 : vector<1x16xf32> to vector<16xf32>
        %mul3A_1044 = vector.broadcast %squeeze3A_969 : f32 to vector<16xf32>
        %mul3A_1045 = arith.mulf %get3A_1043, %mul3A_1044 : vector<16xf32>
        %swap3A_1046 = arith.index_cast %add3A_973 : i32 to index
        %swap3A_1047 = arith.constant 96 : index
        %swap3A_1048 = tpu.vector_load %arg11[%swap3A_1046, %swap3A_1047] {strides = array<i32>} : memref<128x128xf32, #tpu.memory_space<vmem>>, vector<1x16xf32>,
        %swap3A_1049 = vector.shape_cast %swap3A_1048 : vector<1x16xf32> to vector<16xf32>
        %swap3A_1050 = vector.shape_cast %mul3A_1045 : vector<16xf32> to vector<1x16xf32>
        tpu.vector_store %arg11[%swap3A_1046, %swap3A_1047], %swap3A_1050 {strides = array<i32>} : memref<128x128xf32, #tpu.memory_space<vmem>>, vector<1x16xf32>,
        %get3A_1051 = arith.index_cast %add3A_973 : i32 to index
        %get3A_1052 = arith.constant 112 : index
        %get3A_1053 = tpu.vector_load %arg11[%get3A_1051, %get3A_1052] {strides = array<i32>} : memref<128x128xf32, #tpu.memory_space<vmem>>, vector<1x16xf32>,
        %get3A_1054 = vector.shape_cast %get3A_1053 : vector<1x16xf32> to vector<16xf32>
        %mul3A_1055 = vector.broadcast %squeeze3A_969 : f32 to vector<16xf32>
        %mul3A_1056 = arith.mulf %get3A_1054, %mul3A_1055 : vector<16xf32>
        %swap3A_1057 = arith.index_cast %add3A_973 : i32 to index
        %swap3A_1058 = arith.constant 112 : index
        %swap3A_1059 = tpu.vector_load %arg11[%swap3A_1057, %swap3A_1058] {strides = array<i32>} : memref<128x128xf32, #tpu.memory_space<vmem>>, vector<1x16xf32>,
        %swap3A_1060 = vector.shape_cast %swap3A_1059 : vector<1x16xf32> to vector<16xf32>
        %swap3A_1061 = vector.shape_cast %mul3A_1056 : vector<16xf32> to vector<1x16xf32>
        tpu.vector_store %arg11[%swap3A_1057, %swap3A_1058], %swap3A_1061 {strides = array<i32>} : memref<128x128xf32, #tpu.memory_space<vmem>>, vector<1x16xf32>,
        %slice3A_1062 = vector.extract_strided_slice %get3A_30 {offsets = [11], sizes = [1], strides = [1]} : vector<16xf32> to vector<1xf32>
        %squeeze3A_1063 = vector.extract %slice3A_1062[0] : f32 from vector<1xf32>
        %mul3A_1064 = arith.constant 16 : i32
        %mul3A_1065 = arith.muli %scan3A_26, %mul3A_1064 : i32
        %add3A_1066 = arith.constant 11 : i32
        %add3A_1067 = arith.addi %mul3A_1065, %add3A_1066 : i32
        %get3A_1068 = arith.index_cast %add3A_1067 : i32 to index
        %get3A_1069 = arith.constant 0 : index
        %get3A_1070 = tpu.vector_load %arg11[%get3A_1068, %get3A_1069] {strides = array<i32>} : memref<128x128xf32, #tpu.memory_space<vmem>>, vector<1x16xf32>,
        %get3A_1071 = vector.shape_cast %get3A_1070 : vector<1x16xf32> to vector<16xf32>
        %mul3A_1072 = vector.broadcast %squeeze3A_1063 : f32 to vector<16xf32>
        %mul3A_1073 = arith.mulf %get3A_1071, %mul3A_1072 : vector<16xf32>
        %swap3A_1074 = arith.index_cast %add3A_1067 : i32 to index
        %swap3A_1075 = arith.constant 0 : index
        %swap3A_1076 = tpu.vector_load %arg11[%swap3A_1074, %swap3A_1075] {strides = array<i32>} : memref<128x128xf32, #tpu.memory_space<vmem>>, vector<1x16xf32>,
        %swap3A_1077 = vector.shape_cast %swap3A_1076 : vector<1x16xf32> to vector<16xf32>
        %swap3A_1078 = vector.shape_cast %mul3A_1073 : vector<16xf32> to vector<1x16xf32>
        tpu.vector_store %arg11[%swap3A_1074, %swap3A_1075], %swap3A_1078 {strides = array<i32>} : memref<128x128xf32, #tpu.memory_space<vmem>>, vector<1x16xf32>,
        %get3A_1079 = arith.index_cast %add3A_1067 : i32 to index
        %get3A_1080 = arith.constant 16 : index
        %get3A_1081 = tpu.vector_load %arg11[%get3A_1079, %get3A_1080] {strides = array<i32>} : memref<128x128xf32, #tpu.memory_space<vmem>>, vector<1x16xf32>,
        %get3A_1082 = vector.shape_cast %get3A_1081 : vector<1x16xf32> to vector<16xf32>
        %mul3A_1083 = vector.broadcast %squeeze3A_1063 : f32 to vector<16xf32>
        %mul3A_1084 = arith.mulf %get3A_1082, %mul3A_1083 : vector<16xf32>
        %swap3A_1085 = arith.index_cast %add3A_1067 : i32 to index
        %swap3A_1086 = arith.constant 16 : index
        %swap3A_1087 = tpu.vector_load %arg11[%swap3A_1085, %swap3A_1086] {strides = array<i32>} : memref<128x128xf32, #tpu.memory_space<vmem>>, vector<1x16xf32>,
        %swap3A_1088 = vector.shape_cast %swap3A_1087 : vector<1x16xf32> to vector<16xf32>
        %swap3A_1089 = vector.shape_cast %mul3A_1084 : vector<16xf32> to vector<1x16xf32>
        tpu.vector_store %arg11[%swap3A_1085, %swap3A_1086], %swap3A_1089 {strides = array<i32>} : memref<128x128xf32, #tpu.memory_space<vmem>>, vector<1x16xf32>,
        %get3A_1090 = arith.index_cast %add3A_1067 : i32 to index
        %get3A_1091 = arith.constant 32 : index
        %get3A_1092 = tpu.vector_load %arg11[%get3A_1090, %get3A_1091] {strides = array<i32>} : memref<128x128xf32, #tpu.memory_space<vmem>>, vector<1x16xf32>,
        %get3A_1093 = vector.shape_cast %get3A_1092 : vector<1x16xf32> to vector<16xf32>
        %mul3A_1094 = vector.broadcast %squeeze3A_1063 : f32 to vector<16xf32>
        %mul3A_1095 = arith.mulf %get3A_1093, %mul3A_1094 : vector<16xf32>
        %swap3A_1096 = arith.index_cast %add3A_1067 : i32 to index
        %swap3A_1097 = arith.constant 32 : index
        %swap3A_1098 = tpu.vector_load %arg11[%swap3A_1096, %swap3A_1097] {strides = array<i32>} : memref<128x128xf32, #tpu.memory_space<vmem>>, vector<1x16xf32>,
        %swap3A_1099 = vector.shape_cast %swap3A_1098 : vector<1x16xf32> to vector<16xf32>
        %swap3A_1100 = vector.shape_cast %mul3A_1095 : vector<16xf32> to vector<1x16xf32>
        tpu.vector_store %arg11[%swap3A_1096, %swap3A_1097], %swap3A_1100 {strides = array<i32>} : memref<128x128xf32, #tpu.memory_space<vmem>>, vector<1x16xf32>,
        %get3A_1101 = arith.index_cast %add3A_1067 : i32 to index
        %get3A_1102 = arith.constant 48 : index
        %get3A_1103 = tpu.vector_load %arg11[%get3A_1101, %get3A_1102] {strides = array<i32>} : memref<128x128xf32, #tpu.memory_space<vmem>>, vector<1x16xf32>,
        %get3A_1104 = vector.shape_cast %get3A_1103 : vector<1x16xf32> to vector<16xf32>
        %mul3A_1105 = vector.broadcast %squeeze3A_1063 : f32 to vector<16xf32>
        %mul3A_1106 = arith.mulf %get3A_1104, %mul3A_1105 : vector<16xf32>
        %swap3A_1107 = arith.index_cast %add3A_1067 : i32 to index
        %swap3A_1108 = arith.constant 48 : index
        %swap3A_1109 = tpu.vector_load %arg11[%swap3A_1107, %swap3A_1108] {strides = array<i32>} : memref<128x128xf32, #tpu.memory_space<vmem>>, vector<1x16xf32>,
        %swap3A_1110 = vector.shape_cast %swap3A_1109 : vector<1x16xf32> to vector<16xf32>
        %swap3A_1111 = vector.shape_cast %mul3A_1106 : vector<16xf32> to vector<1x16xf32>
        tpu.vector_store %arg11[%swap3A_1107, %swap3A_1108], %swap3A_1111 {strides = array<i32>} : memref<128x128xf32, #tpu.memory_space<vmem>>, vector<1x16xf32>,
        %get3A_1112 = arith.index_cast %add3A_1067 : i32 to index
        %get3A_1113 = arith.constant 64 : index
        %get3A_1114 = tpu.vector_load %arg11[%get3A_1112, %get3A_1113] {strides = array<i32>} : memref<128x128xf32, #tpu.memory_space<vmem>>, vector<1x16xf32>,
        %get3A_1115 = vector.shape_cast %get3A_1114 : vector<1x16xf32> to vector<16xf32>
        %mul3A_1116 = vector.broadcast %squeeze3A_1063 : f32 to vector<16xf32>
        %mul3A_1117 = arith.mulf %get3A_1115, %mul3A_1116 : vector<16xf32>
        %swap3A_1118 = arith.index_cast %add3A_1067 : i32 to index
        %swap3A_1119 = arith.constant 64 : index
        %swap3A_1120 = tpu.vector_load %arg11[%swap3A_1118, %swap3A_1119] {strides = array<i32>} : memref<128x128xf32, #tpu.memory_space<vmem>>, vector<1x16xf32>,
        %swap3A_1121 = vector.shape_cast %swap3A_1120 : vector<1x16xf32> to vector<16xf32>
        %swap3A_1122 = vector.shape_cast %mul3A_1117 : vector<16xf32> to vector<1x16xf32>
        tpu.vector_store %arg11[%swap3A_1118, %swap3A_1119], %swap3A_1122 {strides = array<i32>} : memref<128x128xf32, #tpu.memory_space<vmem>>, vector<1x16xf32>,
        %get3A_1123 = arith.index_cast %add3A_1067 : i32 to index
        %get3A_1124 = arith.constant 80 : index
        %get3A_1125 = tpu.vector_load %arg11[%get3A_1123, %get3A_1124] {strides = array<i32>} : memref<128x128xf32, #tpu.memory_space<vmem>>, vector<1x16xf32>,
        %get3A_1126 = vector.shape_cast %get3A_1125 : vector<1x16xf32> to vector<16xf32>
        %mul3A_1127 = vector.broadcast %squeeze3A_1063 : f32 to vector<16xf32>
        %mul3A_1128 = arith.mulf %get3A_1126, %mul3A_1127 : vector<16xf32>
        %swap3A_1129 = arith.index_cast %add3A_1067 : i32 to index
        %swap3A_1130 = arith.constant 80 : index
        %swap3A_1131 = tpu.vector_load %arg11[%swap3A_1129, %swap3A_1130] {strides = array<i32>} : memref<128x128xf32, #tpu.memory_space<vmem>>, vector<1x16xf32>,
        %swap3A_1132 = vector.shape_cast %swap3A_1131 : vector<1x16xf32> to vector<16xf32>
        %swap3A_1133 = vector.shape_cast %mul3A_1128 : vector<16xf32> to vector<1x16xf32>
        tpu.vector_store %arg11[%swap3A_1129, %swap3A_1130], %swap3A_1133 {strides = array<i32>} : memref<128x128xf32, #tpu.memory_space<vmem>>, vector<1x16xf32>,
        %get3A_1134 = arith.index_cast %add3A_1067 : i32 to index
        %get3A_1135 = arith.constant 96 : index
        %get3A_1136 = tpu.vector_load %arg11[%get3A_1134, %get3A_1135] {strides = array<i32>} : memref<128x128xf32, #tpu.memory_space<vmem>>, vector<1x16xf32>,
        %get3A_1137 = vector.shape_cast %get3A_1136 : vector<1x16xf32> to vector<16xf32>
        %mul3A_1138 = vector.broadcast %squeeze3A_1063 : f32 to vector<16xf32>
        %mul3A_1139 = arith.mulf %get3A_1137, %mul3A_1138 : vector<16xf32>
        %swap3A_1140 = arith.index_cast %add3A_1067 : i32 to index
        %swap3A_1141 = arith.constant 96 : index
        %swap3A_1142 = tpu.vector_load %arg11[%swap3A_1140, %swap3A_1141] {strides = array<i32>} : memref<128x128xf32, #tpu.memory_space<vmem>>, vector<1x16xf32>,
        %swap3A_1143 = vector.shape_cast %swap3A_1142 : vector<1x16xf32> to vector<16xf32>
        %swap3A_1144 = vector.shape_cast %mul3A_1139 : vector<16xf32> to vector<1x16xf32>
        tpu.vector_store %arg11[%swap3A_1140, %swap3A_1141], %swap3A_1144 {strides = array<i32>} : memref<128x128xf32, #tpu.memory_space<vmem>>, vector<1x16xf32>,
        %get3A_1145 = arith.index_cast %add3A_1067 : i32 to index
        %get3A_1146 = arith.constant 112 : index
        %get3A_1147 = tpu.vector_load %arg11[%get3A_1145, %get3A_1146] {strides = array<i32>} : memref<128x128xf32, #tpu.memory_space<vmem>>, vector<1x16xf32>,
        %get3A_1148 = vector.shape_cast %get3A_1147 : vector<1x16xf32> to vector<16xf32>
        %mul3A_1149 = vector.broadcast %squeeze3A_1063 : f32 to vector<16xf32>
        %mul3A_1150 = arith.mulf %get3A_1148, %mul3A_1149 : vector<16xf32>
        %swap3A_1151 = arith.index_cast %add3A_1067 : i32 to index
        %swap3A_1152 = arith.constant 112 : index
        %swap3A_1153 = tpu.vector_load %arg11[%swap3A_1151, %swap3A_1152] {strides = array<i32>} : memref<128x128xf32, #tpu.memory_space<vmem>>, vector<1x16xf32>,
        %swap3A_1154 = vector.shape_cast %swap3A_1153 : vector<1x16xf32> to vector<16xf32>
        %swap3A_1155 = vector.shape_cast %mul3A_1150 : vector<16xf32> to vector<1x16xf32>
        tpu.vector_store %arg11[%swap3A_1151, %swap3A_1152], %swap3A_1155 {strides = array<i32>} : memref<128x128xf32, #tpu.memory_space<vmem>>, vector<1x16xf32>,
        %slice3A_1156 = vector.extract_strided_slice %get3A_30 {offsets = [12], sizes = [1], strides = [1]} : vector<16xf32> to vector<1xf32>
        %squeeze3A_1157 = vector.extract %slice3A_1156[0] : f32 from vector<1xf32>
        %mul3A_1158 = arith.constant 16 : i32
        %mul3A_1159 = arith.muli %scan3A_26, %mul3A_1158 : i32
        %add3A_1160 = arith.constant 12 : i32
        %add3A_1161 = arith.addi %mul3A_1159, %add3A_1160 : i32
        %get3A_1162 = arith.index_cast %add3A_1161 : i32 to index
        %get3A_1163 = arith.constant 0 : index
        %get3A_1164 = tpu.vector_load %arg11[%get3A_1162, %get3A_1163] {strides = array<i32>} : memref<128x128xf32, #tpu.memory_space<vmem>>, vector<1x16xf32>,
        %get3A_1165 = vector.shape_cast %get3A_1164 : vector<1x16xf32> to vector<16xf32>
        %mul3A_1166 = vector.broadcast %squeeze3A_1157 : f32 to vector<16xf32>
        %mul3A_1167 = arith.mulf %get3A_1165, %mul3A_1166 : vector<16xf32>
        %swap3A_1168 = arith.index_cast %add3A_1161 : i32 to index
        %swap3A_1169 = arith.constant 0 : index
        %swap3A_1170 = tpu.vector_load %arg11[%swap3A_1168, %swap3A_1169] {strides = array<i32>} : memref<128x128xf32, #tpu.memory_space<vmem>>, vector<1x16xf32>,
        %swap3A_1171 = vector.shape_cast %swap3A_1170 : vector<1x16xf32> to vector<16xf32>
        %swap3A_1172 = vector.shape_cast %mul3A_1167 : vector<16xf32> to vector<1x16xf32>
        tpu.vector_store %arg11[%swap3A_1168, %swap3A_1169], %swap3A_1172 {strides = array<i32>} : memref<128x128xf32, #tpu.memory_space<vmem>>, vector<1x16xf32>,
        %get3A_1173 = arith.index_cast %add3A_1161 : i32 to index
        %get3A_1174 = arith.constant 16 : index
        %get3A_1175 = tpu.vector_load %arg11[%get3A_1173, %get3A_1174] {strides = array<i32>} : memref<128x128xf32, #tpu.memory_space<vmem>>, vector<1x16xf32>,
        %get3A_1176 = vector.shape_cast %get3A_1175 : vector<1x16xf32> to vector<16xf32>
        %mul3A_1177 = vector.broadcast %squeeze3A_1157 : f32 to vector<16xf32>
        %mul3A_1178 = arith.mulf %get3A_1176, %mul3A_1177 : vector<16xf32>
        %swap3A_1179 = arith.index_cast %add3A_1161 : i32 to index
        %swap3A_1180 = arith.constant 16 : index
        %swap3A_1181 = tpu.vector_load %arg11[%swap3A_1179, %swap3A_1180] {strides = array<i32>} : memref<128x128xf32, #tpu.memory_space<vmem>>, vector<1x16xf32>,
        %swap3A_1182 = vector.shape_cast %swap3A_1181 : vector<1x16xf32> to vector<16xf32>
        %swap3A_1183 = vector.shape_cast %mul3A_1178 : vector<16xf32> to vector<1x16xf32>
        tpu.vector_store %arg11[%swap3A_1179, %swap3A_1180], %swap3A_1183 {strides = array<i32>} : memref<128x128xf32, #tpu.memory_space<vmem>>, vector<1x16xf32>,
        %get3A_1184 = arith.index_cast %add3A_1161 : i32 to index
        %get3A_1185 = arith.constant 32 : index
        %get3A_1186 = tpu.vector_load %arg11[%get3A_1184, %get3A_1185] {strides = array<i32>} : memref<128x128xf32, #tpu.memory_space<vmem>>, vector<1x16xf32>,
        %get3A_1187 = vector.shape_cast %get3A_1186 : vector<1x16xf32> to vector<16xf32>
        %mul3A_1188 = vector.broadcast %squeeze3A_1157 : f32 to vector<16xf32>
        %mul3A_1189 = arith.mulf %get3A_1187, %mul3A_1188 : vector<16xf32>
        %swap3A_1190 = arith.index_cast %add3A_1161 : i32 to index
        %swap3A_1191 = arith.constant 32 : index
        %swap3A_1192 = tpu.vector_load %arg11[%swap3A_1190, %swap3A_1191] {strides = array<i32>} : memref<128x128xf32, #tpu.memory_space<vmem>>, vector<1x16xf32>,
        %swap3A_1193 = vector.shape_cast %swap3A_1192 : vector<1x16xf32> to vector<16xf32>
        %swap3A_1194 = vector.shape_cast %mul3A_1189 : vector<16xf32> to vector<1x16xf32>
        tpu.vector_store %arg11[%swap3A_1190, %swap3A_1191], %swap3A_1194 {strides = array<i32>} : memref<128x128xf32, #tpu.memory_space<vmem>>, vector<1x16xf32>,
        %get3A_1195 = arith.index_cast %add3A_1161 : i32 to index
        %get3A_1196 = arith.constant 48 : index
        %get3A_1197 = tpu.vector_load %arg11[%get3A_1195, %get3A_1196] {strides = array<i32>} : memref<128x128xf32, #tpu.memory_space<vmem>>, vector<1x16xf32>,
        %get3A_1198 = vector.shape_cast %get3A_1197 : vector<1x16xf32> to vector<16xf32>
        %mul3A_1199 = vector.broadcast %squeeze3A_1157 : f32 to vector<16xf32>
        %mul3A_1200 = arith.mulf %get3A_1198, %mul3A_1199 : vector<16xf32>
        %swap3A_1201 = arith.index_cast %add3A_1161 : i32 to index
        %swap3A_1202 = arith.constant 48 : index
        %swap3A_1203 = tpu.vector_load %arg11[%swap3A_1201, %swap3A_1202] {strides = array<i32>} : memref<128x128xf32, #tpu.memory_space<vmem>>, vector<1x16xf32>,
        %swap3A_1204 = vector.shape_cast %swap3A_1203 : vector<1x16xf32> to vector<16xf32>
        %swap3A_1205 = vector.shape_cast %mul3A_1200 : vector<16xf32> to vector<1x16xf32>
        tpu.vector_store %arg11[%swap3A_1201, %swap3A_1202], %swap3A_1205 {strides = array<i32>} : memref<128x128xf32, #tpu.memory_space<vmem>>, vector<1x16xf32>,
        %get3A_1206 = arith.index_cast %add3A_1161 : i32 to index
        %get3A_1207 = arith.constant 64 : index
        %get3A_1208 = tpu.vector_load %arg11[%get3A_1206, %get3A_1207] {strides = array<i32>} : memref<128x128xf32, #tpu.memory_space<vmem>>, vector<1x16xf32>,
        %get3A_1209 = vector.shape_cast %get3A_1208 : vector<1x16xf32> to vector<16xf32>
        %mul3A_1210 = vector.broadcast %squeeze3A_1157 : f32 to vector<16xf32>
        %mul3A_1211 = arith.mulf %get3A_1209, %mul3A_1210 : vector<16xf32>
        %swap3A_1212 = arith.index_cast %add3A_1161 : i32 to index
        %swap3A_1213 = arith.constant 64 : index
        %swap3A_1214 = tpu.vector_load %arg11[%swap3A_1212, %swap3A_1213] {strides = array<i32>} : memref<128x128xf32, #tpu.memory_space<vmem>>, vector<1x16xf32>,
        %swap3A_1215 = vector.shape_cast %swap3A_1214 : vector<1x16xf32> to vector<16xf32>
        %swap3A_1216 = vector.shape_cast %mul3A_1211 : vector<16xf32> to vector<1x16xf32>
        tpu.vector_store %arg11[%swap3A_1212, %swap3A_1213], %swap3A_1216 {strides = array<i32>} : memref<128x128xf32, #tpu.memory_space<vmem>>, vector<1x16xf32>,
        %get3A_1217 = arith.index_cast %add3A_1161 : i32 to index
        %get3A_1218 = arith.constant 80 : index
        %get3A_1219 = tpu.vector_load %arg11[%get3A_1217, %get3A_1218] {strides = array<i32>} : memref<128x128xf32, #tpu.memory_space<vmem>>, vector<1x16xf32>,
        %get3A_1220 = vector.shape_cast %get3A_1219 : vector<1x16xf32> to vector<16xf32>
        %mul3A_1221 = vector.broadcast %squeeze3A_1157 : f32 to vector<16xf32>
        %mul3A_1222 = arith.mulf %get3A_1220, %mul3A_1221 : vector<16xf32>
        %swap3A_1223 = arith.index_cast %add3A_1161 : i32 to index
        %swap3A_1224 = arith.constant 80 : index
        %swap3A_1225 = tpu.vector_load %arg11[%swap3A_1223, %swap3A_1224] {strides = array<i32>} : memref<128x128xf32, #tpu.memory_space<vmem>>, vector<1x16xf32>,
        %swap3A_1226 = vector.shape_cast %swap3A_1225 : vector<1x16xf32> to vector<16xf32>
        %swap3A_1227 = vector.shape_cast %mul3A_1222 : vector<16xf32> to vector<1x16xf32>
        tpu.vector_store %arg11[%swap3A_1223, %swap3A_1224], %swap3A_1227 {strides = array<i32>} : memref<128x128xf32, #tpu.memory_space<vmem>>, vector<1x16xf32>,
        %get3A_1228 = arith.index_cast %add3A_1161 : i32 to index
        %get3A_1229 = arith.constant 96 : index
        %get3A_1230 = tpu.vector_load %arg11[%get3A_1228, %get3A_1229] {strides = array<i32>} : memref<128x128xf32, #tpu.memory_space<vmem>>, vector<1x16xf32>,
        %get3A_1231 = vector.shape_cast %get3A_1230 : vector<1x16xf32> to vector<16xf32>
        %mul3A_1232 = vector.broadcast %squeeze3A_1157 : f32 to vector<16xf32>
        %mul3A_1233 = arith.mulf %get3A_1231, %mul3A_1232 : vector<16xf32>
        %swap3A_1234 = arith.index_cast %add3A_1161 : i32 to index
        %swap3A_1235 = arith.constant 96 : index
        %swap3A_1236 = tpu.vector_load %arg11[%swap3A_1234, %swap3A_1235] {strides = array<i32>} : memref<128x128xf32, #tpu.memory_space<vmem>>, vector<1x16xf32>,
        %swap3A_1237 = vector.shape_cast %swap3A_1236 : vector<1x16xf32> to vector<16xf32>
        %swap3A_1238 = vector.shape_cast %mul3A_1233 : vector<16xf32> to vector<1x16xf32>
        tpu.vector_store %arg11[%swap3A_1234, %swap3A_1235], %swap3A_1238 {strides = array<i32>} : memref<128x128xf32, #tpu.memory_space<vmem>>, vector<1x16xf32>,
        %get3A_1239 = arith.index_cast %add3A_1161 : i32 to index
        %get3A_1240 = arith.constant 112 : index
        %get3A_1241 = tpu.vector_load %arg11[%get3A_1239, %get3A_1240] {strides = array<i32>} : memref<128x128xf32, #tpu.memory_space<vmem>>, vector<1x16xf32>,
        %get3A_1242 = vector.shape_cast %get3A_1241 : vector<1x16xf32> to vector<16xf32>
        %mul3A_1243 = vector.broadcast %squeeze3A_1157 : f32 to vector<16xf32>
        %mul3A_1244 = arith.mulf %get3A_1242, %mul3A_1243 : vector<16xf32>
        %swap3A_1245 = arith.index_cast %add3A_1161 : i32 to index
        %swap3A_1246 = arith.constant 112 : index
        %swap3A_1247 = tpu.vector_load %arg11[%swap3A_1245, %swap3A_1246] {strides = array<i32>} : memref<128x128xf32, #tpu.memory_space<vmem>>, vector<1x16xf32>,
        %swap3A_1248 = vector.shape_cast %swap3A_1247 : vector<1x16xf32> to vector<16xf32>
        %swap3A_1249 = vector.shape_cast %mul3A_1244 : vector<16xf32> to vector<1x16xf32>
        tpu.vector_store %arg11[%swap3A_1245, %swap3A_1246], %swap3A_1249 {strides = array<i32>} : memref<128x128xf32, #tpu.memory_space<vmem>>, vector<1x16xf32>,
        %slice3A_1250 = vector.extract_strided_slice %get3A_30 {offsets = [13], sizes = [1], strides = [1]} : vector<16xf32> to vector<1xf32>
        %squeeze3A_1251 = vector.extract %slice3A_1250[0] : f32 from vector<1xf32>
        %mul3A_1252 = arith.constant 16 : i32
        %mul3A_1253 = arith.muli %scan3A_26, %mul3A_1252 : i32
        %add3A_1254 = arith.constant 13 : i32
        %add3A_1255 = arith.addi %mul3A_1253, %add3A_1254 : i32
        %get3A_1256 = arith.index_cast %add3A_1255 : i32 to index
        %get3A_1257 = arith.constant 0 : index
        %get3A_1258 = tpu.vector_load %arg11[%get3A_1256, %get3A_1257] {strides = array<i32>} : memref<128x128xf32, #tpu.memory_space<vmem>>, vector<1x16xf32>,
        %get3A_1259 = vector.shape_cast %get3A_1258 : vector<1x16xf32> to vector<16xf32>
        %mul3A_1260 = vector.broadcast %squeeze3A_1251 : f32 to vector<16xf32>
        %mul3A_1261 = arith.mulf %get3A_1259, %mul3A_1260 : vector<16xf32>
        %swap3A_1262 = arith.index_cast %add3A_1255 : i32 to index
        %swap3A_1263 = arith.constant 0 : index
        %swap3A_1264 = tpu.vector_load %arg11[%swap3A_1262, %swap3A_1263] {strides = array<i32>} : memref<128x128xf32, #tpu.memory_space<vmem>>, vector<1x16xf32>,
        %swap3A_1265 = vector.shape_cast %swap3A_1264 : vector<1x16xf32> to vector<16xf32>
        %swap3A_1266 = vector.shape_cast %mul3A_1261 : vector<16xf32> to vector<1x16xf32>
        tpu.vector_store %arg11[%swap3A_1262, %swap3A_1263], %swap3A_1266 {strides = array<i32>} : memref<128x128xf32, #tpu.memory_space<vmem>>, vector<1x16xf32>,
        %get3A_1267 = arith.index_cast %add3A_1255 : i32 to index
        %get3A_1268 = arith.constant 16 : index
        %get3A_1269 = tpu.vector_load %arg11[%get3A_1267, %get3A_1268] {strides = array<i32>} : memref<128x128xf32, #tpu.memory_space<vmem>>, vector<1x16xf32>,
        %get3A_1270 = vector.shape_cast %get3A_1269 : vector<1x16xf32> to vector<16xf32>
        %mul3A_1271 = vector.broadcast %squeeze3A_1251 : f32 to vector<16xf32>
        %mul3A_1272 = arith.mulf %get3A_1270, %mul3A_1271 : vector<16xf32>
        %swap3A_1273 = arith.index_cast %add3A_1255 : i32 to index
        %swap3A_1274 = arith.constant 16 : index
        %swap3A_1275 = tpu.vector_load %arg11[%swap3A_1273, %swap3A_1274] {strides = array<i32>} : memref<128x128xf32, #tpu.memory_space<vmem>>, vector<1x16xf32>,
        %swap3A_1276 = vector.shape_cast %swap3A_1275 : vector<1x16xf32> to vector<16xf32>
        %swap3A_1277 = vector.shape_cast %mul3A_1272 : vector<16xf32> to vector<1x16xf32>
        tpu.vector_store %arg11[%swap3A_1273, %swap3A_1274], %swap3A_1277 {strides = array<i32>} : memref<128x128xf32, #tpu.memory_space<vmem>>, vector<1x16xf32>,
        %get3A_1278 = arith.index_cast %add3A_1255 : i32 to index
        %get3A_1279 = arith.constant 32 : index
        %get3A_1280 = tpu.vector_load %arg11[%get3A_1278, %get3A_1279] {strides = array<i32>} : memref<128x128xf32, #tpu.memory_space<vmem>>, vector<1x16xf32>,
        %get3A_1281 = vector.shape_cast %get3A_1280 : vector<1x16xf32> to vector<16xf32>
        %mul3A_1282 = vector.broadcast %squeeze3A_1251 : f32 to vector<16xf32>
        %mul3A_1283 = arith.mulf %get3A_1281, %mul3A_1282 : vector<16xf32>
        %swap3A_1284 = arith.index_cast %add3A_1255 : i32 to index
        %swap3A_1285 = arith.constant 32 : index
        %swap3A_1286 = tpu.vector_load %arg11[%swap3A_1284, %swap3A_1285] {strides = array<i32>} : memref<128x128xf32, #tpu.memory_space<vmem>>, vector<1x16xf32>,
        %swap3A_1287 = vector.shape_cast %swap3A_1286 : vector<1x16xf32> to vector<16xf32>
        %swap3A_1288 = vector.shape_cast %mul3A_1283 : vector<16xf32> to vector<1x16xf32>
        tpu.vector_store %arg11[%swap3A_1284, %swap3A_1285], %swap3A_1288 {strides = array<i32>} : memref<128x128xf32, #tpu.memory_space<vmem>>, vector<1x16xf32>,
        %get3A_1289 = arith.index_cast %add3A_1255 : i32 to index
        %get3A_1290 = arith.constant 48 : index
        %get3A_1291 = tpu.vector_load %arg11[%get3A_1289, %get3A_1290] {strides = array<i32>} : memref<128x128xf32, #tpu.memory_space<vmem>>, vector<1x16xf32>,
        %get3A_1292 = vector.shape_cast %get3A_1291 : vector<1x16xf32> to vector<16xf32>
        %mul3A_1293 = vector.broadcast %squeeze3A_1251 : f32 to vector<16xf32>
        %mul3A_1294 = arith.mulf %get3A_1292, %mul3A_1293 : vector<16xf32>
        %swap3A_1295 = arith.index_cast %add3A_1255 : i32 to index
        %swap3A_1296 = arith.constant 48 : index
        %swap3A_1297 = tpu.vector_load %arg11[%swap3A_1295, %swap3A_1296] {strides = array<i32>} : memref<128x128xf32, #tpu.memory_space<vmem>>, vector<1x16xf32>,
        %swap3A_1298 = vector.shape_cast %swap3A_1297 : vector<1x16xf32> to vector<16xf32>
        %swap3A_1299 = vector.shape_cast %mul3A_1294 : vector<16xf32> to vector<1x16xf32>
        tpu.vector_store %arg11[%swap3A_1295, %swap3A_1296], %swap3A_1299 {strides = array<i32>} : memref<128x128xf32, #tpu.memory_space<vmem>>, vector<1x16xf32>,
        %get3A_1300 = arith.index_cast %add3A_1255 : i32 to index
        %get3A_1301 = arith.constant 64 : index
        %get3A_1302 = tpu.vector_load %arg11[%get3A_1300, %get3A_1301] {strides = array<i32>} : memref<128x128xf32, #tpu.memory_space<vmem>>, vector<1x16xf32>,
        %get3A_1303 = vector.shape_cast %get3A_1302 : vector<1x16xf32> to vector<16xf32>
        %mul3A_1304 = vector.broadcast %squeeze3A_1251 : f32 to vector<16xf32>
        %mul3A_1305 = arith.mulf %get3A_1303, %mul3A_1304 : vector<16xf32>
        %swap3A_1306 = arith.index_cast %add3A_1255 : i32 to index
        %swap3A_1307 = arith.constant 64 : index
        %swap3A_1308 = tpu.vector_load %arg11[%swap3A_1306, %swap3A_1307] {strides = array<i32>} : memref<128x128xf32, #tpu.memory_space<vmem>>, vector<1x16xf32>,
        %swap3A_1309 = vector.shape_cast %swap3A_1308 : vector<1x16xf32> to vector<16xf32>
        %swap3A_1310 = vector.shape_cast %mul3A_1305 : vector<16xf32> to vector<1x16xf32>
        tpu.vector_store %arg11[%swap3A_1306, %swap3A_1307], %swap3A_1310 {strides = array<i32>} : memref<128x128xf32, #tpu.memory_space<vmem>>, vector<1x16xf32>,
        %get3A_1311 = arith.index_cast %add3A_1255 : i32 to index
        %get3A_1312 = arith.constant 80 : index
        %get3A_1313 = tpu.vector_load %arg11[%get3A_1311, %get3A_1312] {strides = array<i32>} : memref<128x128xf32, #tpu.memory_space<vmem>>, vector<1x16xf32>,
        %get3A_1314 = vector.shape_cast %get3A_1313 : vector<1x16xf32> to vector<16xf32>
        %mul3A_1315 = vector.broadcast %squeeze3A_1251 : f32 to vector<16xf32>
        %mul3A_1316 = arith.mulf %get3A_1314, %mul3A_1315 : vector<16xf32>
        %swap3A_1317 = arith.index_cast %add3A_1255 : i32 to index
        %swap3A_1318 = arith.constant 80 : index
        %swap3A_1319 = tpu.vector_load %arg11[%swap3A_1317, %swap3A_1318] {strides = array<i32>} : memref<128x128xf32, #tpu.memory_space<vmem>>, vector<1x16xf32>,
        %swap3A_1320 = vector.shape_cast %swap3A_1319 : vector<1x16xf32> to vector<16xf32>
        %swap3A_1321 = vector.shape_cast %mul3A_1316 : vector<16xf32> to vector<1x16xf32>
        tpu.vector_store %arg11[%swap3A_1317, %swap3A_1318], %swap3A_1321 {strides = array<i32>} : memref<128x128xf32, #tpu.memory_space<vmem>>, vector<1x16xf32>,
        %get3A_1322 = arith.index_cast %add3A_1255 : i32 to index
        %get3A_1323 = arith.constant 96 : index
        %get3A_1324 = tpu.vector_load %arg11[%get3A_1322, %get3A_1323] {strides = array<i32>} : memref<128x128xf32, #tpu.memory_space<vmem>>, vector<1x16xf32>,
        %get3A_1325 = vector.shape_cast %get3A_1324 : vector<1x16xf32> to vector<16xf32>
        %mul3A_1326 = vector.broadcast %squeeze3A_1251 : f32 to vector<16xf32>
        %mul3A_1327 = arith.mulf %get3A_1325, %mul3A_1326 : vector<16xf32>
        %swap3A_1328 = arith.index_cast %add3A_1255 : i32 to index
        %swap3A_1329 = arith.constant 96 : index
        %swap3A_1330 = tpu.vector_load %arg11[%swap3A_1328, %swap3A_1329] {strides = array<i32>} : memref<128x128xf32, #tpu.memory_space<vmem>>, vector<1x16xf32>,
        %swap3A_1331 = vector.shape_cast %swap3A_1330 : vector<1x16xf32> to vector<16xf32>
        %swap3A_1332 = vector.shape_cast %mul3A_1327 : vector<16xf32> to vector<1x16xf32>
        tpu.vector_store %arg11[%swap3A_1328, %swap3A_1329], %swap3A_1332 {strides = array<i32>} : memref<128x128xf32, #tpu.memory_space<vmem>>, vector<1x16xf32>,
        %get3A_1333 = arith.index_cast %add3A_1255 : i32 to index
        %get3A_1334 = arith.constant 112 : index
        %get3A_1335 = tpu.vector_load %arg11[%get3A_1333, %get3A_1334] {strides = array<i32>} : memref<128x128xf32, #tpu.memory_space<vmem>>, vector<1x16xf32>,
        %get3A_1336 = vector.shape_cast %get3A_1335 : vector<1x16xf32> to vector<16xf32>
        %mul3A_1337 = vector.broadcast %squeeze3A_1251 : f32 to vector<16xf32>
        %mul3A_1338 = arith.mulf %get3A_1336, %mul3A_1337 : vector<16xf32>
        %swap3A_1339 = arith.index_cast %add3A_1255 : i32 to index
        %swap3A_1340 = arith.constant 112 : index
        %swap3A_1341 = tpu.vector_load %arg11[%swap3A_1339, %swap3A_1340] {strides = array<i32>} : memref<128x128xf32, #tpu.memory_space<vmem>>, vector<1x16xf32>,
        %swap3A_1342 = vector.shape_cast %swap3A_1341 : vector<1x16xf32> to vector<16xf32>
        %swap3A_1343 = vector.shape_cast %mul3A_1338 : vector<16xf32> to vector<1x16xf32>
        tpu.vector_store %arg11[%swap3A_1339, %swap3A_1340], %swap3A_1343 {strides = array<i32>} : memref<128x128xf32, #tpu.memory_space<vmem>>, vector<1x16xf32>,
        %slice3A_1344 = vector.extract_strided_slice %get3A_30 {offsets = [14], sizes = [1], strides = [1]} : vector<16xf32> to vector<1xf32>
        %squeeze3A_1345 = vector.extract %slice3A_1344[0] : f32 from vector<1xf32>
        %mul3A_1346 = arith.constant 16 : i32
        %mul3A_1347 = arith.muli %scan3A_26, %mul3A_1346 : i32
        %add3A_1348 = arith.constant 14 : i32
        %add3A_1349 = arith.addi %mul3A_1347, %add3A_1348 : i32
        %get3A_1350 = arith.index_cast %add3A_1349 : i32 to index
        %get3A_1351 = arith.constant 0 : index
        %get3A_1352 = tpu.vector_load %arg11[%get3A_1350, %get3A_1351] {strides = array<i32>} : memref<128x128xf32, #tpu.memory_space<vmem>>, vector<1x16xf32>,
        %get3A_1353 = vector.shape_cast %get3A_1352 : vector<1x16xf32> to vector<16xf32>
        %mul3A_1354 = vector.broadcast %squeeze3A_1345 : f32 to vector<16xf32>
        %mul3A_1355 = arith.mulf %get3A_1353, %mul3A_1354 : vector<16xf32>
        %swap3A_1356 = arith.index_cast %add3A_1349 : i32 to index
        %swap3A_1357 = arith.constant 0 : index
        %swap3A_1358 = tpu.vector_load %arg11[%swap3A_1356, %swap3A_1357] {strides = array<i32>} : memref<128x128xf32, #tpu.memory_space<vmem>>, vector<1x16xf32>,
        %swap3A_1359 = vector.shape_cast %swap3A_1358 : vector<1x16xf32> to vector<16xf32>
        %swap3A_1360 = vector.shape_cast %mul3A_1355 : vector<16xf32> to vector<1x16xf32>
        tpu.vector_store %arg11[%swap3A_1356, %swap3A_1357], %swap3A_1360 {strides = array<i32>} : memref<128x128xf32, #tpu.memory_space<vmem>>, vector<1x16xf32>,
        %get3A_1361 = arith.index_cast %add3A_1349 : i32 to index
        %get3A_1362 = arith.constant 16 : index
        %get3A_1363 = tpu.vector_load %arg11[%get3A_1361, %get3A_1362] {strides = array<i32>} : memref<128x128xf32, #tpu.memory_space<vmem>>, vector<1x16xf32>,
        %get3A_1364 = vector.shape_cast %get3A_1363 : vector<1x16xf32> to vector<16xf32>
        %mul3A_1365 = vector.broadcast %squeeze3A_1345 : f32 to vector<16xf32>
        %mul3A_1366 = arith.mulf %get3A_1364, %mul3A_1365 : vector<16xf32>
        %swap3A_1367 = arith.index_cast %add3A_1349 : i32 to index
        %swap3A_1368 = arith.constant 16 : index
        %swap3A_1369 = tpu.vector_load %arg11[%swap3A_1367, %swap3A_1368] {strides = array<i32>} : memref<128x128xf32, #tpu.memory_space<vmem>>, vector<1x16xf32>,
        %swap3A_1370 = vector.shape_cast %swap3A_1369 : vector<1x16xf32> to vector<16xf32>
        %swap3A_1371 = vector.shape_cast %mul3A_1366 : vector<16xf32> to vector<1x16xf32>
        tpu.vector_store %arg11[%swap3A_1367, %swap3A_1368], %swap3A_1371 {strides = array<i32>} : memref<128x128xf32, #tpu.memory_space<vmem>>, vector<1x16xf32>,
        %get3A_1372 = arith.index_cast %add3A_1349 : i32 to index
        %get3A_1373 = arith.constant 32 : index
        %get3A_1374 = tpu.vector_load %arg11[%get3A_1372, %get3A_1373] {strides = array<i32>} : memref<128x128xf32, #tpu.memory_space<vmem>>, vector<1x16xf32>,
        %get3A_1375 = vector.shape_cast %get3A_1374 : vector<1x16xf32> to vector<16xf32>
        %mul3A_1376 = vector.broadcast %squeeze3A_1345 : f32 to vector<16xf32>
        %mul3A_1377 = arith.mulf %get3A_1375, %mul3A_1376 : vector<16xf32>
        %swap3A_1378 = arith.index_cast %add3A_1349 : i32 to index
        %swap3A_1379 = arith.constant 32 : index
        %swap3A_1380 = tpu.vector_load %arg11[%swap3A_1378, %swap3A_1379] {strides = array<i32>} : memref<128x128xf32, #tpu.memory_space<vmem>>, vector<1x16xf32>,
        %swap3A_1381 = vector.shape_cast %swap3A_1380 : vector<1x16xf32> to vector<16xf32>
        %swap3A_1382 = vector.shape_cast %mul3A_1377 : vector<16xf32> to vector<1x16xf32>
        tpu.vector_store %arg11[%swap3A_1378, %swap3A_1379], %swap3A_1382 {strides = array<i32>} : memref<128x128xf32, #tpu.memory_space<vmem>>, vector<1x16xf32>,
        %get3A_1383 = arith.index_cast %add3A_1349 : i32 to index
        %get3A_1384 = arith.constant 48 : index
        %get3A_1385 = tpu.vector_load %arg11[%get3A_1383, %get3A_1384] {strides = array<i32>} : memref<128x128xf32, #tpu.memory_space<vmem>>, vector<1x16xf32>,
        %get3A_1386 = vector.shape_cast %get3A_1385 : vector<1x16xf32> to vector<16xf32>
        %mul3A_1387 = vector.broadcast %squeeze3A_1345 : f32 to vector<16xf32>
        %mul3A_1388 = arith.mulf %get3A_1386, %mul3A_1387 : vector<16xf32>
        %swap3A_1389 = arith.index_cast %add3A_1349 : i32 to index
        %swap3A_1390 = arith.constant 48 : index
        %swap3A_1391 = tpu.vector_load %arg11[%swap3A_1389, %swap3A_1390] {strides = array<i32>} : memref<128x128xf32, #tpu.memory_space<vmem>>, vector<1x16xf32>,
        %swap3A_1392 = vector.shape_cast %swap3A_1391 : vector<1x16xf32> to vector<16xf32>
        %swap3A_1393 = vector.shape_cast %mul3A_1388 : vector<16xf32> to vector<1x16xf32>
        tpu.vector_store %arg11[%swap3A_1389, %swap3A_1390], %swap3A_1393 {strides = array<i32>} : memref<128x128xf32, #tpu.memory_space<vmem>>, vector<1x16xf32>,
        %get3A_1394 = arith.index_cast %add3A_1349 : i32 to index
        %get3A_1395 = arith.constant 64 : index
        %get3A_1396 = tpu.vector_load %arg11[%get3A_1394, %get3A_1395] {strides = array<i32>} : memref<128x128xf32, #tpu.memory_space<vmem>>, vector<1x16xf32>,
        %get3A_1397 = vector.shape_cast %get3A_1396 : vector<1x16xf32> to vector<16xf32>
        %mul3A_1398 = vector.broadcast %squeeze3A_1345 : f32 to vector<16xf32>
        %mul3A_1399 = arith.mulf %get3A_1397, %mul3A_1398 : vector<16xf32>
        %swap3A_1400 = arith.index_cast %add3A_1349 : i32 to index
        %swap3A_1401 = arith.constant 64 : index
        %swap3A_1402 = tpu.vector_load %arg11[%swap3A_1400, %swap3A_1401] {strides = array<i32>} : memref<128x128xf32, #tpu.memory_space<vmem>>, vector<1x16xf32>,
        %swap3A_1403 = vector.shape_cast %swap3A_1402 : vector<1x16xf32> to vector<16xf32>
        %swap3A_1404 = vector.shape_cast %mul3A_1399 : vector<16xf32> to vector<1x16xf32>
        tpu.vector_store %arg11[%swap3A_1400, %swap3A_1401], %swap3A_1404 {strides = array<i32>} : memref<128x128xf32, #tpu.memory_space<vmem>>, vector<1x16xf32>,
        %get3A_1405 = arith.index_cast %add3A_1349 : i32 to index
        %get3A_1406 = arith.constant 80 : index
        %get3A_1407 = tpu.vector_load %arg11[%get3A_1405, %get3A_1406] {strides = array<i32>} : memref<128x128xf32, #tpu.memory_space<vmem>>, vector<1x16xf32>,
        %get3A_1408 = vector.shape_cast %get3A_1407 : vector<1x16xf32> to vector<16xf32>
        %mul3A_1409 = vector.broadcast %squeeze3A_1345 : f32 to vector<16xf32>
        %mul3A_1410 = arith.mulf %get3A_1408, %mul3A_1409 : vector<16xf32>
        %swap3A_1411 = arith.index_cast %add3A_1349 : i32 to index
        %swap3A_1412 = arith.constant 80 : index
        %swap3A_1413 = tpu.vector_load %arg11[%swap3A_1411, %swap3A_1412] {strides = array<i32>} : memref<128x128xf32, #tpu.memory_space<vmem>>, vector<1x16xf32>,
        %swap3A_1414 = vector.shape_cast %swap3A_1413 : vector<1x16xf32> to vector<16xf32>
        %swap3A_1415 = vector.shape_cast %mul3A_1410 : vector<16xf32> to vector<1x16xf32>
        tpu.vector_store %arg11[%swap3A_1411, %swap3A_1412], %swap3A_1415 {strides = array<i32>} : memref<128x128xf32, #tpu.memory_space<vmem>>, vector<1x16xf32>,
        %get3A_1416 = arith.index_cast %add3A_1349 : i32 to index
        %get3A_1417 = arith.constant 96 : index
        %get3A_1418 = tpu.vector_load %arg11[%get3A_1416, %get3A_1417] {strides = array<i32>} : memref<128x128xf32, #tpu.memory_space<vmem>>, vector<1x16xf32>,
        %get3A_1419 = vector.shape_cast %get3A_1418 : vector<1x16xf32> to vector<16xf32>
        %mul3A_1420 = vector.broadcast %squeeze3A_1345 : f32 to vector<16xf32>
        %mul3A_1421 = arith.mulf %get3A_1419, %mul3A_1420 : vector<16xf32>
        %swap3A_1422 = arith.index_cast %add3A_1349 : i32 to index
        %swap3A_1423 = arith.constant 96 : index
        %swap3A_1424 = tpu.vector_load %arg11[%swap3A_1422, %swap3A_1423] {strides = array<i32>} : memref<128x128xf32, #tpu.memory_space<vmem>>, vector<1x16xf32>,
        %swap3A_1425 = vector.shape_cast %swap3A_1424 : vector<1x16xf32> to vector<16xf32>
        %swap3A_1426 = vector.shape_cast %mul3A_1421 : vector<16xf32> to vector<1x16xf32>
        tpu.vector_store %arg11[%swap3A_1422, %swap3A_1423], %swap3A_1426 {strides = array<i32>} : memref<128x128xf32, #tpu.memory_space<vmem>>, vector<1x16xf32>,
        %get3A_1427 = arith.index_cast %add3A_1349 : i32 to index
        %get3A_1428 = arith.constant 112 : index
        %get3A_1429 = tpu.vector_load %arg11[%get3A_1427, %get3A_1428] {strides = array<i32>} : memref<128x128xf32, #tpu.memory_space<vmem>>, vector<1x16xf32>,
        %get3A_1430 = vector.shape_cast %get3A_1429 : vector<1x16xf32> to vector<16xf32>
        %mul3A_1431 = vector.broadcast %squeeze3A_1345 : f32 to vector<16xf32>
        %mul3A_1432 = arith.mulf %get3A_1430, %mul3A_1431 : vector<16xf32>
        %swap3A_1433 = arith.index_cast %add3A_1349 : i32 to index
        %swap3A_1434 = arith.constant 112 : index
        %swap3A_1435 = tpu.vector_load %arg11[%swap3A_1433, %swap3A_1434] {strides = array<i32>} : memref<128x128xf32, #tpu.memory_space<vmem>>, vector<1x16xf32>,
        %swap3A_1436 = vector.shape_cast %swap3A_1435 : vector<1x16xf32> to vector<16xf32>
        %swap3A_1437 = vector.shape_cast %mul3A_1432 : vector<16xf32> to vector<1x16xf32>
        tpu.vector_store %arg11[%swap3A_1433, %swap3A_1434], %swap3A_1437 {strides = array<i32>} : memref<128x128xf32, #tpu.memory_space<vmem>>, vector<1x16xf32>,
        %slice3A_1438 = vector.extract_strided_slice %get3A_30 {offsets = [15], sizes = [1], strides = [1]} : vector<16xf32> to vector<1xf32>
        %squeeze3A_1439 = vector.extract %slice3A_1438[0] : f32 from vector<1xf32>
        %mul3A_1440 = arith.constant 16 : i32
        %mul3A_1441 = arith.muli %scan3A_26, %mul3A_1440 : i32
        %add3A_1442 = arith.constant 15 : i32
        %add3A_1443 = arith.addi %mul3A_1441, %add3A_1442 : i32
        %get3A_1444 = arith.index_cast %add3A_1443 : i32 to index
        %get3A_1445 = arith.constant 0 : index
        %get3A_1446 = tpu.vector_load %arg11[%get3A_1444, %get3A_1445] {strides = array<i32>} : memref<128x128xf32, #tpu.memory_space<vmem>>, vector<1x16xf32>,
        %get3A_1447 = vector.shape_cast %get3A_1446 : vector<1x16xf32> to vector<16xf32>
        %mul3A_1448 = vector.broadcast %squeeze3A_1439 : f32 to vector<16xf32>
        %mul3A_1449 = arith.mulf %get3A_1447, %mul3A_1448 : vector<16xf32>
        %swap3A_1450 = arith.index_cast %add3A_1443 : i32 to index
        %swap3A_1451 = arith.constant 0 : index
        %swap3A_1452 = tpu.vector_load %arg11[%swap3A_1450, %swap3A_1451] {strides = array<i32>} : memref<128x128xf32, #tpu.memory_space<vmem>>, vector<1x16xf32>,
        %swap3A_1453 = vector.shape_cast %swap3A_1452 : vector<1x16xf32> to vector<16xf32>
        %swap3A_1454 = vector.shape_cast %mul3A_1449 : vector<16xf32> to vector<1x16xf32>
        tpu.vector_store %arg11[%swap3A_1450, %swap3A_1451], %swap3A_1454 {strides = array<i32>} : memref<128x128xf32, #tpu.memory_space<vmem>>, vector<1x16xf32>,
        %get3A_1455 = arith.index_cast %add3A_1443 : i32 to index
        %get3A_1456 = arith.constant 16 : index
        %get3A_1457 = tpu.vector_load %arg11[%get3A_1455, %get3A_1456] {strides = array<i32>} : memref<128x128xf32, #tpu.memory_space<vmem>>, vector<1x16xf32>,
        %get3A_1458 = vector.shape_cast %get3A_1457 : vector<1x16xf32> to vector<16xf32>
        %mul3A_1459 = vector.broadcast %squeeze3A_1439 : f32 to vector<16xf32>
        %mul3A_1460 = arith.mulf %get3A_1458, %mul3A_1459 : vector<16xf32>
        %swap3A_1461 = arith.index_cast %add3A_1443 : i32 to index
        %swap3A_1462 = arith.constant 16 : index
        %swap3A_1463 = tpu.vector_load %arg11[%swap3A_1461, %swap3A_1462] {strides = array<i32>} : memref<128x128xf32, #tpu.memory_space<vmem>>, vector<1x16xf32>,
        %swap3A_1464 = vector.shape_cast %swap3A_1463 : vector<1x16xf32> to vector<16xf32>
        %swap3A_1465 = vector.shape_cast %mul3A_1460 : vector<16xf32> to vector<1x16xf32>
        tpu.vector_store %arg11[%swap3A_1461, %swap3A_1462], %swap3A_1465 {strides = array<i32>} : memref<128x128xf32, #tpu.memory_space<vmem>>, vector<1x16xf32>,
        %get3A_1466 = arith.index_cast %add3A_1443 : i32 to index
        %get3A_1467 = arith.constant 32 : index
        %get3A_1468 = tpu.vector_load %arg11[%get3A_1466, %get3A_1467] {strides = array<i32>} : memref<128x128xf32, #tpu.memory_space<vmem>>, vector<1x16xf32>,
        %get3A_1469 = vector.shape_cast %get3A_1468 : vector<1x16xf32> to vector<16xf32>
        %mul3A_1470 = vector.broadcast %squeeze3A_1439 : f32 to vector<16xf32>
        %mul3A_1471 = arith.mulf %get3A_1469, %mul3A_1470 : vector<16xf32>
        %swap3A_1472 = arith.index_cast %add3A_1443 : i32 to index
        %swap3A_1473 = arith.constant 32 : index
        %swap3A_1474 = tpu.vector_load %arg11[%swap3A_1472, %swap3A_1473] {strides = array<i32>} : memref<128x128xf32, #tpu.memory_space<vmem>>, vector<1x16xf32>,
        %swap3A_1475 = vector.shape_cast %swap3A_1474 : vector<1x16xf32> to vector<16xf32>
        %swap3A_1476 = vector.shape_cast %mul3A_1471 : vector<16xf32> to vector<1x16xf32>
        tpu.vector_store %arg11[%swap3A_1472, %swap3A_1473], %swap3A_1476 {strides = array<i32>} : memref<128x128xf32, #tpu.memory_space<vmem>>, vector<1x16xf32>,
        %get3A_1477 = arith.index_cast %add3A_1443 : i32 to index
        %get3A_1478 = arith.constant 48 : index
        %get3A_1479 = tpu.vector_load %arg11[%get3A_1477, %get3A_1478] {strides = array<i32>} : memref<128x128xf32, #tpu.memory_space<vmem>>, vector<1x16xf32>,
        %get3A_1480 = vector.shape_cast %get3A_1479 : vector<1x16xf32> to vector<16xf32>
        %mul3A_1481 = vector.broadcast %squeeze3A_1439 : f32 to vector<16xf32>
        %mul3A_1482 = arith.mulf %get3A_1480, %mul3A_1481 : vector<16xf32>
        %swap3A_1483 = arith.index_cast %add3A_1443 : i32 to index
        %swap3A_1484 = arith.constant 48 : index
        %swap3A_1485 = tpu.vector_load %arg11[%swap3A_1483, %swap3A_1484] {strides = array<i32>} : memref<128x128xf32, #tpu.memory_space<vmem>>, vector<1x16xf32>,
        %swap3A_1486 = vector.shape_cast %swap3A_1485 : vector<1x16xf32> to vector<16xf32>
        %swap3A_1487 = vector.shape_cast %mul3A_1482 : vector<16xf32> to vector<1x16xf32>
        tpu.vector_store %arg11[%swap3A_1483, %swap3A_1484], %swap3A_1487 {strides = array<i32>} : memref<128x128xf32, #tpu.memory_space<vmem>>, vector<1x16xf32>,
        %get3A_1488 = arith.index_cast %add3A_1443 : i32 to index
        %get3A_1489 = arith.constant 64 : index
        %get3A_1490 = tpu.vector_load %arg11[%get3A_1488, %get3A_1489] {strides = array<i32>} : memref<128x128xf32, #tpu.memory_space<vmem>>, vector<1x16xf32>,
        %get3A_1491 = vector.shape_cast %get3A_1490 : vector<1x16xf32> to vector<16xf32>
        %mul3A_1492 = vector.broadcast %squeeze3A_1439 : f32 to vector<16xf32>
        %mul3A_1493 = arith.mulf %get3A_1491, %mul3A_1492 : vector<16xf32>
        %swap3A_1494 = arith.index_cast %add3A_1443 : i32 to index
        %swap3A_1495 = arith.constant 64 : index
        %swap3A_1496 = tpu.vector_load %arg11[%swap3A_1494, %swap3A_1495] {strides = array<i32>} : memref<128x128xf32, #tpu.memory_space<vmem>>, vector<1x16xf32>,
        %swap3A_1497 = vector.shape_cast %swap3A_1496 : vector<1x16xf32> to vector<16xf32>
        %swap3A_1498 = vector.shape_cast %mul3A_1493 : vector<16xf32> to vector<1x16xf32>
        tpu.vector_store %arg11[%swap3A_1494, %swap3A_1495], %swap3A_1498 {strides = array<i32>} : memref<128x128xf32, #tpu.memory_space<vmem>>, vector<1x16xf32>,
        %get3A_1499 = arith.index_cast %add3A_1443 : i32 to index
        %get3A_1500 = arith.constant 80 : index
        %get3A_1501 = tpu.vector_load %arg11[%get3A_1499, %get3A_1500] {strides = array<i32>} : memref<128x128xf32, #tpu.memory_space<vmem>>, vector<1x16xf32>,
        %get3A_1502 = vector.shape_cast %get3A_1501 : vector<1x16xf32> to vector<16xf32>
        %mul3A_1503 = vector.broadcast %squeeze3A_1439 : f32 to vector<16xf32>
        %mul3A_1504 = arith.mulf %get3A_1502, %mul3A_1503 : vector<16xf32>
        %swap3A_1505 = arith.index_cast %add3A_1443 : i32 to index
        %swap3A_1506 = arith.constant 80 : index
        %swap3A_1507 = tpu.vector_load %arg11[%swap3A_1505, %swap3A_1506] {strides = array<i32>} : memref<128x128xf32, #tpu.memory_space<vmem>>, vector<1x16xf32>,
        %swap3A_1508 = vector.shape_cast %swap3A_1507 : vector<1x16xf32> to vector<16xf32>
        %swap3A_1509 = vector.shape_cast %mul3A_1504 : vector<16xf32> to vector<1x16xf32>
        tpu.vector_store %arg11[%swap3A_1505, %swap3A_1506], %swap3A_1509 {strides = array<i32>} : memref<128x128xf32, #tpu.memory_space<vmem>>, vector<1x16xf32>,
        %get3A_1510 = arith.index_cast %add3A_1443 : i32 to index
        %get3A_1511 = arith.constant 96 : index
        %get3A_1512 = tpu.vector_load %arg11[%get3A_1510, %get3A_1511] {strides = array<i32>} : memref<128x128xf32, #tpu.memory_space<vmem>>, vector<1x16xf32>,
        %get3A_1513 = vector.shape_cast %get3A_1512 : vector<1x16xf32> to vector<16xf32>
        %mul3A_1514 = vector.broadcast %squeeze3A_1439 : f32 to vector<16xf32>
        %mul3A_1515 = arith.mulf %get3A_1513, %mul3A_1514 : vector<16xf32>
        %swap3A_1516 = arith.index_cast %add3A_1443 : i32 to index
        %swap3A_1517 = arith.constant 96 : index
        %swap3A_1518 = tpu.vector_load %arg11[%swap3A_1516, %swap3A_1517] {strides = array<i32>} : memref<128x128xf32, #tpu.memory_space<vmem>>, vector<1x16xf32>,
        %swap3A_1519 = vector.shape_cast %swap3A_1518 : vector<1x16xf32> to vector<16xf32>
        %swap3A_1520 = vector.shape_cast %mul3A_1515 : vector<16xf32> to vector<1x16xf32>
        tpu.vector_store %arg11[%swap3A_1516, %swap3A_1517], %swap3A_1520 {strides = array<i32>} : memref<128x128xf32, #tpu.memory_space<vmem>>, vector<1x16xf32>,
        %get3A_1521 = arith.index_cast %add3A_1443 : i32 to index
        %get3A_1522 = arith.constant 112 : index
        %get3A_1523 = tpu.vector_load %arg11[%get3A_1521, %get3A_1522] {strides = array<i32>} : memref<128x128xf32, #tpu.memory_space<vmem>>, vector<1x16xf32>,
        %get3A_1524 = vector.shape_cast %get3A_1523 : vector<1x16xf32> to vector<16xf32>
        %mul3A_1525 = vector.broadcast %squeeze3A_1439 : f32 to vector<16xf32>
        %mul3A_1526 = arith.mulf %get3A_1524, %mul3A_1525 : vector<16xf32>
        %swap3A_1527 = arith.index_cast %add3A_1443 : i32 to index
        %swap3A_1528 = arith.constant 112 : index
        %swap3A_1529 = tpu.vector_load %arg11[%swap3A_1527, %swap3A_1528] {strides = array<i32>} : memref<128x128xf32, #tpu.memory_space<vmem>>, vector<1x16xf32>,
        %swap3A_1530 = vector.shape_cast %swap3A_1529 : vector<1x16xf32> to vector<16xf32>
        %swap3A_1531 = vector.shape_cast %mul3A_1526 : vector<16xf32> to vector<1x16xf32>
        tpu.vector_store %arg11[%swap3A_1527, %swap3A_1528], %swap3A_1531 {strides = array<i32>} : memref<128x128xf32, #tpu.memory_space<vmem>>, vector<1x16xf32>,
      }
      %scan3A_25 = arith.constant 8 : i32
      "tpu.region"() ({
        %run_scoped3A = tpu.sem_alloc : memref<!tpu.dma_semaphore, #tpu.memory_space<semaphore_mem>>
        %dma_start3A_26 = arith.constant 0 : i32
        %dma_start3A_27 = arith.constant 0 : i32
        %dma_start3A_28 = tpu.memref_slice %arg13[%dma_start3A_26, %dma_start3A_27] : memref<10240x128xf32, #tpu.memory_space<vmem_shared>> -> memref<10240x128xf32, #tpu.memory_space<vmem_shared>>
        tpu.enqueue_indirect_dma source(%arg11 : memref<128x128xf32, #tpu.memory_space<vmem>>) target(%dma_start3A_28 : memref<10240x128xf32, #tpu.memory_space<vmem_shared>>) offsets(%arg9 : memref<128xi32, #tpu.memory_space<vmem>>) semaphore(%run_scoped3A : memref<!tpu.dma_semaphore, #tpu.memory_space<semaphore_mem>>) {add = true}
        %dma_wait3A_29 = arith.constant 0 : i32
        %dma_wait3A_30 = arith.constant 0 : i32
        %dma_wait3A_31 = tpu.memref_slice %arg13[%dma_wait3A_29, %dma_wait3A_30] : memref<10240x128xf32, #tpu.memory_space<vmem_shared>> -> memref<10240x128xf32, #tpu.memory_space<vmem_shared>>
        tpu.wait_indirect_dma semaphore(%run_scoped3A : memref<!tpu.dma_semaphore, #tpu.memory_space<semaphore_mem>>) src(%arg11 : memref<128x128xf32, #tpu.memory_space<vmem>>) dst(%dma_wait3A_31 : memref<10240x128xf32, #tpu.memory_space<vmem_shared>>)
        tpu.yield
      }) : () -> ()
    }
    %scan3A_9 = arith.constant 79 : i32
    %barrier3A_10 = arith.constant 0 : index
    tpu.barrier barrier_id(%barrier3A_10)
    %mul3A_11 = arith.constant 640 : i32
    %mul3A_12 = arith.muli %arg1, %mul3A_11 : i32
    %mul3A_13 = arith.constant 640 : i32
    %mul3A_14 = arith.muli %arg1, %mul3A_13 : i32
    "tpu.region"() ({
      %run_scoped3A = tpu.sem_alloc : memref<!tpu.dma_semaphore, #tpu.memory_space<semaphore_mem>>
      %dma_start3A = arith.constant 0 : i32
      %dma_start3A_15 = tpu.memref_slice %arg7[%arg0, %mul3A_14, %dma_start3A] : memref<2x10240x128xf32, #tpu.memory_space<hbm>> -> memref<1x640x128xf32, #tpu.memory_space<hbm>>
      %dma_start3A_16 = tpu.memref_squeeze %dma_start3A_15 : memref<1x640x128xf32, #tpu.memory_space<hbm>> -> memref<640x128xf32, #tpu.memory_space<hbm>>
      %dma_start3A_17 = arith.constant 0 : i32
      %dma_start3A_18 = tpu.memref_slice %arg13[%mul3A_12, %dma_start3A_17] : memref<10240x128xf32, #tpu.memory_space<vmem_shared>> -> memref<640x128xf32, #tpu.memory_space<vmem_shared>>
      tpu.enqueue_dma source(%dma_start3A_18 : memref<640x128xf32, #tpu.memory_space<vmem_shared>>) target(%dma_start3A_16 : memref<640x128xf32, #tpu.memory_space<hbm>>) target_semaphore(%run_scoped3A : memref<!tpu.dma_semaphore, #tpu.memory_space<semaphore_mem>>)
      %dma_wait3A = arith.constant 0 : i32
      %dma_wait3A_19 = tpu.memref_slice %arg7[%arg0, %mul3A_14, %dma_wait3A] : memref<2x10240x128xf32, #tpu.memory_space<hbm>> -> memref<1x640x128xf32, #tpu.memory_space<hbm>>
      %dma_wait3A_20 = tpu.memref_squeeze %dma_wait3A_19 : memref<1x640x128xf32, #tpu.memory_space<hbm>> -> memref<640x128xf32, #tpu.memory_space<hbm>>
      %dma_wait3A_21 = arith.constant 0 : i32
      %dma_wait3A_22 = tpu.memref_slice %arg13[%mul3A_12, %dma_wait3A_21] : memref<10240x128xf32, #tpu.memory_space<vmem_shared>> -> memref<640x128xf32, #tpu.memory_space<vmem_shared>>
      tpu.wait_dma2 semaphore(%run_scoped3A : memref<!tpu.dma_semaphore, #tpu.memory_space<semaphore_mem>>) src(%dma_wait3A_22 : memref<640x128xf32, #tpu.memory_space<vmem_shared>>) dst(%dma_wait3A_20 : memref<640x128xf32, #tpu.memory_space<hbm>>)
      tpu.yield
    }) : () -> ()
    return
  }
}

#map = affine_map<(d0, d1) -> (0, 0, 0)>
#map1 = affine_map<(d0, d1) -> (0, 0)>
module attributes {stable_mosaic.version = 14 : i64} {
  func.func @_sc_count_body(%arg0: i32, %arg1: i32, %arg2: memref<32x79x128xi32, #tpu.memory_space<hbm>>, %arg3: memref<10240x128xf32, #tpu.memory_space<hbm>>, %arg4: memref<128x128xf32, #tpu.memory_space<hbm>>, %arg5: memref<2x10240x128xf32, #tpu.memory_space<hbm>>, %arg6: memref<128xi32, #tpu.memory_space<vmem>>, %arg7: memref<128x128xf32, #tpu.memory_space<vmem>>, %arg8: memref<10240x128xf32, #tpu.memory_space<vmem_shared>>) attributes {dimension_semantics = [#tpu.dimension_semantics<core_parallel>, #tpu.dimension_semantics<subcore_parallel>], iteration_bounds = array<i64: 2, 16>, scalar_prefetch = 0 : i64, scratch_operands = 3 : i64, tpu.core_type = #tpu.core_type<sc_vector_subcore>, window_params = [{transform_indices = #map}, {transform_indices = #map1}, {transform_indices = #map1}, {transform_indices = #map}]} {
    %mul3A = arith.constant 16 : i32
    %mul3A_0 = arith.muli %arg0, %mul3A : i32
    %add3A = arith.addi %mul3A_0, %arg1 : i32
    %mul3A_1 = arith.constant 640 : i32
    %mul3A_2 = arith.muli %arg1, %mul3A_1 : i32
    %mul3A_3 = arith.constant 640 : i32
    %mul3A_4 = arith.muli %arg1, %mul3A_3 : i32
    "tpu.region"() ({
      %run_scoped3A = tpu.sem_alloc : memref<!tpu.dma_semaphore, #tpu.memory_space<semaphore_mem>>
      %dma_start3A = arith.constant 0 : i32
      %dma_start3A_15 = tpu.memref_slice %arg8[%mul3A_4, %dma_start3A] : memref<10240x128xf32, #tpu.memory_space<vmem_shared>> -> memref<640x128xf32, #tpu.memory_space<vmem_shared>>
      %dma_start3A_16 = arith.constant 0 : i32
      %dma_start3A_17 = tpu.memref_slice %arg3[%mul3A_2, %dma_start3A_16] : memref<10240x128xf32, #tpu.memory_space<hbm>> -> memref<640x128xf32, #tpu.memory_space<hbm>>
      tpu.enqueue_dma source(%dma_start3A_17 : memref<640x128xf32, #tpu.memory_space<hbm>>) target(%dma_start3A_15 : memref<640x128xf32, #tpu.memory_space<vmem_shared>>) target_semaphore(%run_scoped3A : memref<!tpu.dma_semaphore, #tpu.memory_space<semaphore_mem>>)
      %dma_wait3A = arith.constant 0 : i32
      %dma_wait3A_18 = tpu.memref_slice %arg8[%mul3A_4, %dma_wait3A] : memref<10240x128xf32, #tpu.memory_space<vmem_shared>> -> memref<640x128xf32, #tpu.memory_space<vmem_shared>>
      %dma_wait3A_19 = arith.constant 0 : i32
      %dma_wait3A_20 = tpu.memref_slice %arg3[%mul3A_2, %dma_wait3A_19] : memref<10240x128xf32, #tpu.memory_space<hbm>> -> memref<640x128xf32, #tpu.memory_space<hbm>>
      tpu.wait_dma2 semaphore(%run_scoped3A : memref<!tpu.dma_semaphore, #tpu.memory_space<semaphore_mem>>) src(%dma_wait3A_20 : memref<640x128xf32, #tpu.memory_space<hbm>>) dst(%dma_wait3A_18 : memref<640x128xf32, #tpu.memory_space<vmem_shared>>)
      tpu.yield
    }) : () -> ()
    "tpu.region"() ({
      %run_scoped3A = tpu.sem_alloc : memref<!tpu.dma_semaphore, #tpu.memory_space<semaphore_mem>>
      tpu.enqueue_dma source(%arg4 : memref<128x128xf32, #tpu.memory_space<hbm>>) target(%arg7 : memref<128x128xf32, #tpu.memory_space<vmem>>) target_semaphore(%run_scoped3A : memref<!tpu.dma_semaphore, #tpu.memory_space<semaphore_mem>>)
      tpu.wait_dma2 semaphore(%run_scoped3A : memref<!tpu.dma_semaphore, #tpu.memory_space<semaphore_mem>>) src(%arg4 : memref<128x128xf32, #tpu.memory_space<hbm>>) dst(%arg7 : memref<128x128xf32, #tpu.memory_space<vmem>>)
      tpu.yield
    }) : () -> ()
    %barrier3A = arith.constant 0 : index
    tpu.barrier barrier_id(%barrier3A)
    %scan3A = arith.constant 0 : i32
    %scan3A_5 = arith.constant 0 : i32
    %scan3A_6 = arith.constant 79 : i32
    %scan3A_7 = arith.addi %scan3A_5, %scan3A_6 : i32
    %scan3A_8 = arith.constant 1 : i32
    scf.for %scan3A_15 = %scan3A_5 to %scan3A_7 step %scan3A_8  : i32 {
      "tpu.region"() ({
        %run_scoped3A = tpu.sem_alloc : memref<!tpu.dma_semaphore, #tpu.memory_space<semaphore_mem>>
        %dma_start3A = arith.constant 0 : i32
        %dma_start3A_16 = tpu.memref_slice %arg2[%add3A, %scan3A_15, %dma_start3A] : memref<32x79x128xi32, #tpu.memory_space<hbm>> -> memref<1x1x128xi32, #tpu.memory_space<hbm>>
        %dma_start3A_17 = tpu.memref_squeeze %dma_start3A_16 : memref<1x1x128xi32, #tpu.memory_space<hbm>> -> memref<128xi32, #tpu.memory_space<hbm>>
        %dma_start3A_18 = arith.constant 0 : i32
        %dma_start3A_19 = tpu.memref_slice %arg2[%add3A, %scan3A_15, %dma_start3A_18] : memref<32x79x128xi32, #tpu.memory_space<hbm>> -> memref<1x1x128xi32, #tpu.memory_space<hbm>>
        %dma_start3A_20 = tpu.memref_squeeze %dma_start3A_19 : memref<1x1x128xi32, #tpu.memory_space<hbm>> -> memref<128xi32, #tpu.memory_space<hbm>>
        tpu.enqueue_dma source(%dma_start3A_20 : memref<128xi32, #tpu.memory_space<hbm>>) target(%arg6 : memref<128xi32, #tpu.memory_space<vmem>>) target_semaphore(%run_scoped3A : memref<!tpu.dma_semaphore, #tpu.memory_space<semaphore_mem>>)
        %dma_wait3A = arith.constant 0 : i32
        %dma_wait3A_21 = tpu.memref_slice %arg2[%add3A, %scan3A_15, %dma_wait3A] : memref<32x79x128xi32, #tpu.memory_space<hbm>> -> memref<1x1x128xi32, #tpu.memory_space<hbm>>
        %dma_wait3A_22 = tpu.memref_squeeze %dma_wait3A_21 : memref<1x1x128xi32, #tpu.memory_space<hbm>> -> memref<128xi32, #tpu.memory_space<hbm>>
        %dma_wait3A_23 = arith.constant 0 : i32
        %dma_wait3A_24 = tpu.memref_slice %arg2[%add3A, %scan3A_15, %dma_wait3A_23] : memref<32x79x128xi32, #tpu.memory_space<hbm>> -> memref<1x1x128xi32, #tpu.memory_space<hbm>>
        %dma_wait3A_25 = tpu.memref_squeeze %dma_wait3A_24 : memref<1x1x128xi32, #tpu.memory_space<hbm>> -> memref<128xi32, #tpu.memory_space<hbm>>
        tpu.wait_dma2 semaphore(%run_scoped3A : memref<!tpu.dma_semaphore, #tpu.memory_space<semaphore_mem>>) src(%dma_wait3A_25 : memref<128xi32, #tpu.memory_space<hbm>>) dst(%arg6 : memref<128xi32, #tpu.memory_space<vmem>>)
        tpu.yield
      }) : () -> ()
      "tpu.region"() ({
        %run_scoped3A = tpu.sem_alloc : memref<!tpu.dma_semaphore, #tpu.memory_space<semaphore_mem>>
        %dma_start3A = arith.constant 0 : i32
        %dma_start3A_16 = arith.constant 0 : i32
        %dma_start3A_17 = tpu.memref_slice %arg8[%dma_start3A, %dma_start3A_16] : memref<10240x128xf32, #tpu.memory_space<vmem_shared>> -> memref<10240x128xf32, #tpu.memory_space<vmem_shared>>
        tpu.enqueue_indirect_dma source(%arg7 : memref<128x128xf32, #tpu.memory_space<vmem>>) target(%dma_start3A_17 : memref<10240x128xf32, #tpu.memory_space<vmem_shared>>) offsets(%arg6 : memref<128xi32, #tpu.memory_space<vmem>>) semaphore(%run_scoped3A : memref<!tpu.dma_semaphore, #tpu.memory_space<semaphore_mem>>) {add = true}
        %dma_wait3A = arith.constant 0 : i32
        %dma_wait3A_18 = arith.constant 0 : i32
        %dma_wait3A_19 = tpu.memref_slice %arg8[%dma_wait3A, %dma_wait3A_18] : memref<10240x128xf32, #tpu.memory_space<vmem_shared>> -> memref<10240x128xf32, #tpu.memory_space<vmem_shared>>
        tpu.wait_indirect_dma semaphore(%run_scoped3A : memref<!tpu.dma_semaphore, #tpu.memory_space<semaphore_mem>>) src(%arg7 : memref<128x128xf32, #tpu.memory_space<vmem>>) dst(%dma_wait3A_19 : memref<10240x128xf32, #tpu.memory_space<vmem_shared>>)
        tpu.yield
      }) : () -> ()
    }
    %scan3A_9 = arith.constant 79 : i32
    %barrier3A_10 = arith.constant 0 : index
    tpu.barrier barrier_id(%barrier3A_10)
    %mul3A_11 = arith.constant 640 : i32
    %mul3A_12 = arith.muli %arg1, %mul3A_11 : i32
    %mul3A_13 = arith.constant 640 : i32
    %mul3A_14 = arith.muli %arg1, %mul3A_13 : i32
    "tpu.region"() ({
      %run_scoped3A = tpu.sem_alloc : memref<!tpu.dma_semaphore, #tpu.memory_space<semaphore_mem>>
      %dma_start3A = arith.constant 0 : i32
      %dma_start3A_15 = tpu.memref_slice %arg5[%arg0, %mul3A_14, %dma_start3A] : memref<2x10240x128xf32, #tpu.memory_space<hbm>> -> memref<1x640x128xf32, #tpu.memory_space<hbm>>
      %dma_start3A_16 = tpu.memref_squeeze %dma_start3A_15 : memref<1x640x128xf32, #tpu.memory_space<hbm>> -> memref<640x128xf32, #tpu.memory_space<hbm>>
      %dma_start3A_17 = arith.constant 0 : i32
      %dma_start3A_18 = tpu.memref_slice %arg8[%mul3A_12, %dma_start3A_17] : memref<10240x128xf32, #tpu.memory_space<vmem_shared>> -> memref<640x128xf32, #tpu.memory_space<vmem_shared>>
      tpu.enqueue_dma source(%dma_start3A_18 : memref<640x128xf32, #tpu.memory_space<vmem_shared>>) target(%dma_start3A_16 : memref<640x128xf32, #tpu.memory_space<hbm>>) target_semaphore(%run_scoped3A : memref<!tpu.dma_semaphore, #tpu.memory_space<semaphore_mem>>)
      %dma_wait3A = arith.constant 0 : i32
      %dma_wait3A_19 = tpu.memref_slice %arg5[%arg0, %mul3A_14, %dma_wait3A] : memref<2x10240x128xf32, #tpu.memory_space<hbm>> -> memref<1x640x128xf32, #tpu.memory_space<hbm>>
      %dma_wait3A_20 = tpu.memref_squeeze %dma_wait3A_19 : memref<1x640x128xf32, #tpu.memory_space<hbm>> -> memref<640x128xf32, #tpu.memory_space<hbm>>
      %dma_wait3A_21 = arith.constant 0 : i32
      %dma_wait3A_22 = tpu.memref_slice %arg8[%mul3A_12, %dma_wait3A_21] : memref<10240x128xf32, #tpu.memory_space<vmem_shared>> -> memref<640x128xf32, #tpu.memory_space<vmem_shared>>
      tpu.wait_dma2 semaphore(%run_scoped3A : memref<!tpu.dma_semaphore, #tpu.memory_space<semaphore_mem>>) src(%dma_wait3A_22 : memref<640x128xf32, #tpu.memory_space<vmem_shared>>) dst(%dma_wait3A_20 : memref<640x128xf32, #tpu.memory_space<hbm>>)
      tpu.yield
    }) : () -> ()
    return
  }
}

#map = affine_map<(d0, d1) -> (0, 0)>
#map1 = affine_map<(d0, d1) -> (0, 0, 0)>
module attributes {stable_mosaic.version = 14 : i64} {
  func.func @_sc_body(%arg0: i32, %arg1: i32, %arg2: memref<10000x128xf32, #tpu.memory_space<hbm>>, %arg3: memref<32x79x128xi32, #tpu.memory_space<hbm>>, %arg4: memref<32x79x128xi32, #tpu.memory_space<hbm>>, %arg5: memref<32x79x128xf32, #tpu.memory_space<hbm>>, %arg6: memref<10240x128xf32, #tpu.memory_space<hbm>>, %arg7: memref<2x10240x128xf32, #tpu.memory_space<hbm>>, %arg8: memref<128xi32, #tpu.memory_space<vmem>>, %arg9: memref<128xi32, #tpu.memory_space<vmem>>, %arg10: memref<128xf32, #tpu.memory_space<vmem>>, %arg11: memref<128x128xf32, #tpu.memory_space<vmem>>, %arg12: memref<!tpu.dma_semaphore, #tpu.memory_space<semaphore_mem>>, %arg13: memref<10240x128xf32, #tpu.memory_space<vmem_shared>>) attributes {dimension_semantics = [#tpu.dimension_semantics<core_parallel>, #tpu.dimension_semantics<subcore_parallel>], iteration_bounds = array<i64: 2, 16>, scalar_prefetch = 0 : i64, scratch_operands = 6 : i64, tpu.core_type = #tpu.core_type<sc_vector_subcore>, window_params = [{transform_indices = #map}, {transform_indices = #map1}, {transform_indices = #map1}, {transform_indices = #map1}, {transform_indices = #map}, {transform_indices = #map1}]} {
    %mul3A = arith.constant 16 : i32
    %mul3A_0 = arith.muli %arg0, %mul3A : i32
    %add3A = arith.addi %mul3A_0, %arg1 : i32
    %mul3A_1 = arith.constant 640 : i32
    %mul3A_2 = arith.muli %arg1, %mul3A_1 : i32
    %mul3A_3 = arith.constant 640 : i32
    %mul3A_4 = arith.muli %arg1, %mul3A_3 : i32
    "tpu.region"() ({
      %run_scoped3A = tpu.sem_alloc : memref<!tpu.dma_semaphore, #tpu.memory_space<semaphore_mem>>
      %dma_start3A = arith.constant 0 : i32
      %dma_start3A_15 = tpu.memref_slice %arg13[%mul3A_4, %dma_start3A] : memref<10240x128xf32, #tpu.memory_space<vmem_shared>> -> memref<640x128xf32, #tpu.memory_space<vmem_shared>>
      %dma_start3A_16 = arith.constant 0 : i32
      %dma_start3A_17 = tpu.memref_slice %arg6[%mul3A_2, %dma_start3A_16] : memref<10240x128xf32, #tpu.memory_space<hbm>> -> memref<640x128xf32, #tpu.memory_space<hbm>>
      tpu.enqueue_dma source(%dma_start3A_17 : memref<640x128xf32, #tpu.memory_space<hbm>>) target(%dma_start3A_15 : memref<640x128xf32, #tpu.memory_space<vmem_shared>>) target_semaphore(%run_scoped3A : memref<!tpu.dma_semaphore, #tpu.memory_space<semaphore_mem>>)
      %dma_wait3A = arith.constant 0 : i32
      %dma_wait3A_18 = tpu.memref_slice %arg13[%mul3A_4, %dma_wait3A] : memref<10240x128xf32, #tpu.memory_space<vmem_shared>> -> memref<640x128xf32, #tpu.memory_space<vmem_shared>>
      %dma_wait3A_19 = arith.constant 0 : i32
      %dma_wait3A_20 = tpu.memref_slice %arg6[%mul3A_2, %dma_wait3A_19] : memref<10240x128xf32, #tpu.memory_space<hbm>> -> memref<640x128xf32, #tpu.memory_space<hbm>>
      tpu.wait_dma2 semaphore(%run_scoped3A : memref<!tpu.dma_semaphore, #tpu.memory_space<semaphore_mem>>) src(%dma_wait3A_20 : memref<640x128xf32, #tpu.memory_space<hbm>>) dst(%dma_wait3A_18 : memref<640x128xf32, #tpu.memory_space<vmem_shared>>)
      tpu.yield
    }) : () -> ()
    %barrier3A = arith.constant 0 : index
    tpu.barrier barrier_id(%barrier3A)
    %scan3A = arith.constant 0 : i32
    %scan3A_5 = arith.constant 0 : i32
    %scan3A_6 = arith.constant 79 : i32
    %scan3A_7 = arith.addi %scan3A_5, %scan3A_6 : i32
    %scan3A_8 = arith.constant 1 : i32
    scf.for %scan3A_15 = %scan3A_5 to %scan3A_7 step %scan3A_8  : i32 {
      "tpu.region"() ({
        %run_scoped3A = tpu.sem_alloc : memref<!tpu.dma_semaphore, #tpu.memory_space<semaphore_mem>>
        %dma_start3A_26 = arith.constant 0 : i32
        %dma_start3A_27 = tpu.memref_slice %arg3[%add3A, %scan3A_15, %dma_start3A_26] : memref<32x79x128xi32, #tpu.memory_space<hbm>> -> memref<1x1x128xi32, #tpu.memory_space<hbm>>
        %dma_start3A_28 = tpu.memref_squeeze %dma_start3A_27 : memref<1x1x128xi32, #tpu.memory_space<hbm>> -> memref<128xi32, #tpu.memory_space<hbm>>
        %dma_start3A_29 = arith.constant 0 : i32
        %dma_start3A_30 = tpu.memref_slice %arg3[%add3A, %scan3A_15, %dma_start3A_29] : memref<32x79x128xi32, #tpu.memory_space<hbm>> -> memref<1x1x128xi32, #tpu.memory_space<hbm>>
        %dma_start3A_31 = tpu.memref_squeeze %dma_start3A_30 : memref<1x1x128xi32, #tpu.memory_space<hbm>> -> memref<128xi32, #tpu.memory_space<hbm>>
        tpu.enqueue_dma source(%dma_start3A_31 : memref<128xi32, #tpu.memory_space<hbm>>) target(%arg8 : memref<128xi32, #tpu.memory_space<vmem>>) target_semaphore(%run_scoped3A : memref<!tpu.dma_semaphore, #tpu.memory_space<semaphore_mem>>)
        %dma_wait3A_32 = arith.constant 0 : i32
        %dma_wait3A_33 = tpu.memref_slice %arg3[%add3A, %scan3A_15, %dma_wait3A_32] : memref<32x79x128xi32, #tpu.memory_space<hbm>> -> memref<1x1x128xi32, #tpu.memory_space<hbm>>
        %dma_wait3A_34 = tpu.memref_squeeze %dma_wait3A_33 : memref<1x1x128xi32, #tpu.memory_space<hbm>> -> memref<128xi32, #tpu.memory_space<hbm>>
        %dma_wait3A_35 = arith.constant 0 : i32
        %dma_wait3A_36 = tpu.memref_slice %arg3[%add3A, %scan3A_15, %dma_wait3A_35] : memref<32x79x128xi32, #tpu.memory_space<hbm>> -> memref<1x1x128xi32, #tpu.memory_space<hbm>>
        %dma_wait3A_37 = tpu.memref_squeeze %dma_wait3A_36 : memref<1x1x128xi32, #tpu.memory_space<hbm>> -> memref<128xi32, #tpu.memory_space<hbm>>
        tpu.wait_dma2 semaphore(%run_scoped3A : memref<!tpu.dma_semaphore, #tpu.memory_space<semaphore_mem>>) src(%dma_wait3A_37 : memref<128xi32, #tpu.memory_space<hbm>>) dst(%arg8 : memref<128xi32, #tpu.memory_space<vmem>>)
        tpu.yield
      }) : () -> ()
      "tpu.region"() ({
        %run_scoped3A = tpu.sem_alloc : memref<!tpu.dma_semaphore, #tpu.memory_space<semaphore_mem>>
        %dma_start3A_26 = arith.constant 0 : i32
        %dma_start3A_27 = tpu.memref_slice %arg4[%add3A, %scan3A_15, %dma_start3A_26] : memref<32x79x128xi32, #tpu.memory_space<hbm>> -> memref<1x1x128xi32, #tpu.memory_space<hbm>>
        %dma_start3A_28 = tpu.memref_squeeze %dma_start3A_27 : memref<1x1x128xi32, #tpu.memory_space<hbm>> -> memref<128xi32, #tpu.memory_space<hbm>>
        %dma_start3A_29 = arith.constant 0 : i32
        %dma_start3A_30 = tpu.memref_slice %arg4[%add3A, %scan3A_15, %dma_start3A_29] : memref<32x79x128xi32, #tpu.memory_space<hbm>> -> memref<1x1x128xi32, #tpu.memory_space<hbm>>
        %dma_start3A_31 = tpu.memref_squeeze %dma_start3A_30 : memref<1x1x128xi32, #tpu.memory_space<hbm>> -> memref<128xi32, #tpu.memory_space<hbm>>
        tpu.enqueue_dma source(%dma_start3A_31 : memref<128xi32, #tpu.memory_space<hbm>>) target(%arg9 : memref<128xi32, #tpu.memory_space<vmem>>) target_semaphore(%run_scoped3A : memref<!tpu.dma_semaphore, #tpu.memory_space<semaphore_mem>>)
        %dma_wait3A_32 = arith.constant 0 : i32
        %dma_wait3A_33 = tpu.memref_slice %arg4[%add3A, %scan3A_15, %dma_wait3A_32] : memref<32x79x128xi32, #tpu.memory_space<hbm>> -> memref<1x1x128xi32, #tpu.memory_space<hbm>>
        %dma_wait3A_34 = tpu.memref_squeeze %dma_wait3A_33 : memref<1x1x128xi32, #tpu.memory_space<hbm>> -> memref<128xi32, #tpu.memory_space<hbm>>
        %dma_wait3A_35 = arith.constant 0 : i32
        %dma_wait3A_36 = tpu.memref_slice %arg4[%add3A, %scan3A_15, %dma_wait3A_35] : memref<32x79x128xi32, #tpu.memory_space<hbm>> -> memref<1x1x128xi32, #tpu.memory_space<hbm>>
        %dma_wait3A_37 = tpu.memref_squeeze %dma_wait3A_36 : memref<1x1x128xi32, #tpu.memory_space<hbm>> -> memref<128xi32, #tpu.memory_space<hbm>>
        tpu.wait_dma2 semaphore(%run_scoped3A : memref<!tpu.dma_semaphore, #tpu.memory_space<semaphore_mem>>) src(%dma_wait3A_37 : memref<128xi32, #tpu.memory_space<hbm>>) dst(%arg9 : memref<128xi32, #tpu.memory_space<vmem>>)
        tpu.yield
      }) : () -> ()
      "tpu.region"() ({
        %run_scoped3A = tpu.sem_alloc : memref<!tpu.dma_semaphore, #tpu.memory_space<semaphore_mem>>
        %dma_start3A_26 = arith.constant 0 : i32
        %dma_start3A_27 = tpu.memref_slice %arg5[%add3A, %scan3A_15, %dma_start3A_26] : memref<32x79x128xf32, #tpu.memory_space<hbm>> -> memref<1x1x128xf32, #tpu.memory_space<hbm>>
        %dma_start3A_28 = tpu.memref_squeeze %dma_start3A_27 : memref<1x1x128xf32, #tpu.memory_space<hbm>> -> memref<128xf32, #tpu.memory_space<hbm>>
        %dma_start3A_29 = arith.constant 0 : i32
        %dma_start3A_30 = tpu.memref_slice %arg5[%add3A, %scan3A_15, %dma_start3A_29] : memref<32x79x128xf32, #tpu.memory_space<hbm>> -> memref<1x1x128xf32, #tpu.memory_space<hbm>>
        %dma_start3A_31 = tpu.memref_squeeze %dma_start3A_30 : memref<1x1x128xf32, #tpu.memory_space<hbm>> -> memref<128xf32, #tpu.memory_space<hbm>>
        tpu.enqueue_dma source(%dma_start3A_31 : memref<128xf32, #tpu.memory_space<hbm>>) target(%arg10 : memref<128xf32, #tpu.memory_space<vmem>>) target_semaphore(%run_scoped3A : memref<!tpu.dma_semaphore, #tpu.memory_space<semaphore_mem>>)
        %dma_wait3A_32 = arith.constant 0 : i32
        %dma_wait3A_33 = tpu.memref_slice %arg5[%add3A, %scan3A_15, %dma_wait3A_32] : memref<32x79x128xf32, #tpu.memory_space<hbm>> -> memref<1x1x128xf32, #tpu.memory_space<hbm>>
        %dma_wait3A_34 = tpu.memref_squeeze %dma_wait3A_33 : memref<1x1x128xf32, #tpu.memory_space<hbm>> -> memref<128xf32, #tpu.memory_space<hbm>>
        %dma_wait3A_35 = arith.constant 0 : i32
        %dma_wait3A_36 = tpu.memref_slice %arg5[%add3A, %scan3A_15, %dma_wait3A_35] : memref<32x79x128xf32, #tpu.memory_space<hbm>> -> memref<1x1x128xf32, #tpu.memory_space<hbm>>
        %dma_wait3A_37 = tpu.memref_squeeze %dma_wait3A_36 : memref<1x1x128xf32, #tpu.memory_space<hbm>> -> memref<128xf32, #tpu.memory_space<hbm>>
        tpu.wait_dma2 semaphore(%run_scoped3A : memref<!tpu.dma_semaphore, #tpu.memory_space<semaphore_mem>>) src(%dma_wait3A_37 : memref<128xf32, #tpu.memory_space<hbm>>) dst(%arg10 : memref<128xf32, #tpu.memory_space<vmem>>)
        tpu.yield
      }) : () -> ()
      %dma_start3A = arith.constant 0 : i32
      %dma_start3A_16 = arith.constant 0 : i32
      %dma_start3A_17 = tpu.memref_slice %arg2[%dma_start3A, %dma_start3A_16] : memref<10000x128xf32, #tpu.memory_space<hbm>> -> memref<10000x128xf32, #tpu.memory_space<hbm>>
      tpu.enqueue_indirect_dma source(%dma_start3A_17 : memref<10000x128xf32, #tpu.memory_space<hbm>>) target(%arg11 : memref<128x128xf32, #tpu.memory_space<vmem>>) offsets(%arg8 : memref<128xi32, #tpu.memory_space<vmem>>) semaphore(%arg12 : memref<!tpu.dma_semaphore, #tpu.memory_space<semaphore_mem>>)
      %dma_wait3A = arith.constant 0 : i32
      %dma_wait3A_18 = arith.constant 0 : i32
      %dma_wait3A_19 = tpu.memref_slice %arg2[%dma_wait3A, %dma_wait3A_18] : memref<10000x128xf32, #tpu.memory_space<hbm>> -> memref<10000x128xf32, #tpu.memory_space<hbm>>
      tpu.wait_indirect_dma semaphore(%arg12 : memref<!tpu.dma_semaphore, #tpu.memory_space<semaphore_mem>>) src(%dma_wait3A_19 : memref<10000x128xf32, #tpu.memory_space<hbm>>) dst(%arg11 : memref<128x128xf32, #tpu.memory_space<vmem>>)
      %scan3A_20 = arith.constant 0 : i32
      %scan3A_21 = arith.constant 0 : i32
      %scan3A_22 = arith.constant 8 : i32
      %scan3A_23 = arith.addi %scan3A_21, %scan3A_22 : i32
      %scan3A_24 = arith.constant 1 : i32
      scf.for %scan3A_26 = %scan3A_21 to %scan3A_23 step %scan3A_24  : i32 {
        %mul3A_27 = arith.constant 16 : i32
        %mul3A_28 = arith.muli %scan3A_26, %mul3A_27 : i32
        %get3A = arith.index_cast %mul3A_28 : i32 to index
        %get3A_29 = tpu.vector_load %arg10[%get3A] {strides = array<i32>} : memref<128xf32, #tpu.memory_space<vmem>>, vector<16xf32>,
        %get3A_30 = vector.shape_cast %get3A_29 : vector<16xf32> to vector<16xf32>
        %slice3A = vector.extract_strided_slice %get3A_30 {offsets = [0], sizes = [1], strides = [1]} : vector<16xf32> to vector<1xf32>
        %squeeze3A = vector.extract %slice3A[0] : f32 from vector<1xf32>
        %mul3A_31 = arith.constant 16 : i32
        %mul3A_32 = arith.muli %scan3A_26, %mul3A_31 : i32
        %add3A_33 = arith.constant 0 : i32
        %add3A_34 = arith.addi %mul3A_32, %add3A_33 : i32
        %get3A_35 = arith.index_cast %add3A_34 : i32 to index
        %get3A_36 = arith.constant 0 : index
        %get3A_37 = tpu.vector_load %arg11[%get3A_35, %get3A_36] {strides = array<i32>} : memref<128x128xf32, #tpu.memory_space<vmem>>, vector<1x16xf32>,
        %get3A_38 = vector.shape_cast %get3A_37 : vector<1x16xf32> to vector<16xf32>
        %mul3A_39 = vector.broadcast %squeeze3A : f32 to vector<16xf32>
        %mul3A_40 = arith.mulf %get3A_38, %mul3A_39 : vector<16xf32>
        %swap3A = arith.index_cast %add3A_34 : i32 to index
        %swap3A_41 = arith.constant 0 : index
        %swap3A_42 = tpu.vector_load %arg11[%swap3A, %swap3A_41] {strides = array<i32>} : memref<128x128xf32, #tpu.memory_space<vmem>>, vector<1x16xf32>,
        %swap3A_43 = vector.shape_cast %swap3A_42 : vector<1x16xf32> to vector<16xf32>
        %swap3A_44 = vector.shape_cast %mul3A_40 : vector<16xf32> to vector<1x16xf32>
        tpu.vector_store %arg11[%swap3A, %swap3A_41], %swap3A_44 {strides = array<i32>} : memref<128x128xf32, #tpu.memory_space<vmem>>, vector<1x16xf32>,
        %get3A_45 = arith.index_cast %add3A_34 : i32 to index
        %get3A_46 = arith.constant 16 : index
        %get3A_47 = tpu.vector_load %arg11[%get3A_45, %get3A_46] {strides = array<i32>} : memref<128x128xf32, #tpu.memory_space<vmem>>, vector<1x16xf32>,
        %get3A_48 = vector.shape_cast %get3A_47 : vector<1x16xf32> to vector<16xf32>
        %mul3A_49 = vector.broadcast %squeeze3A : f32 to vector<16xf32>
        %mul3A_50 = arith.mulf %get3A_48, %mul3A_49 : vector<16xf32>
        %swap3A_51 = arith.index_cast %add3A_34 : i32 to index
        %swap3A_52 = arith.constant 16 : index
        %swap3A_53 = tpu.vector_load %arg11[%swap3A_51, %swap3A_52] {strides = array<i32>} : memref<128x128xf32, #tpu.memory_space<vmem>>, vector<1x16xf32>,
        %swap3A_54 = vector.shape_cast %swap3A_53 : vector<1x16xf32> to vector<16xf32>
        %swap3A_55 = vector.shape_cast %mul3A_50 : vector<16xf32> to vector<1x16xf32>
        tpu.vector_store %arg11[%swap3A_51, %swap3A_52], %swap3A_55 {strides = array<i32>} : memref<128x128xf32, #tpu.memory_space<vmem>>, vector<1x16xf32>,
        %get3A_56 = arith.index_cast %add3A_34 : i32 to index
        %get3A_57 = arith.constant 32 : index
        %get3A_58 = tpu.vector_load %arg11[%get3A_56, %get3A_57] {strides = array<i32>} : memref<128x128xf32, #tpu.memory_space<vmem>>, vector<1x16xf32>,
        %get3A_59 = vector.shape_cast %get3A_58 : vector<1x16xf32> to vector<16xf32>
        %mul3A_60 = vector.broadcast %squeeze3A : f32 to vector<16xf32>
        %mul3A_61 = arith.mulf %get3A_59, %mul3A_60 : vector<16xf32>
        %swap3A_62 = arith.index_cast %add3A_34 : i32 to index
        %swap3A_63 = arith.constant 32 : index
        %swap3A_64 = tpu.vector_load %arg11[%swap3A_62, %swap3A_63] {strides = array<i32>} : memref<128x128xf32, #tpu.memory_space<vmem>>, vector<1x16xf32>,
        %swap3A_65 = vector.shape_cast %swap3A_64 : vector<1x16xf32> to vector<16xf32>
        %swap3A_66 = vector.shape_cast %mul3A_61 : vector<16xf32> to vector<1x16xf32>
        tpu.vector_store %arg11[%swap3A_62, %swap3A_63], %swap3A_66 {strides = array<i32>} : memref<128x128xf32, #tpu.memory_space<vmem>>, vector<1x16xf32>,
        %get3A_67 = arith.index_cast %add3A_34 : i32 to index
        %get3A_68 = arith.constant 48 : index
        %get3A_69 = tpu.vector_load %arg11[%get3A_67, %get3A_68] {strides = array<i32>} : memref<128x128xf32, #tpu.memory_space<vmem>>, vector<1x16xf32>,
        %get3A_70 = vector.shape_cast %get3A_69 : vector<1x16xf32> to vector<16xf32>
        %mul3A_71 = vector.broadcast %squeeze3A : f32 to vector<16xf32>
        %mul3A_72 = arith.mulf %get3A_70, %mul3A_71 : vector<16xf32>
        %swap3A_73 = arith.index_cast %add3A_34 : i32 to index
        %swap3A_74 = arith.constant 48 : index
        %swap3A_75 = tpu.vector_load %arg11[%swap3A_73, %swap3A_74] {strides = array<i32>} : memref<128x128xf32, #tpu.memory_space<vmem>>, vector<1x16xf32>,
        %swap3A_76 = vector.shape_cast %swap3A_75 : vector<1x16xf32> to vector<16xf32>
        %swap3A_77 = vector.shape_cast %mul3A_72 : vector<16xf32> to vector<1x16xf32>
        tpu.vector_store %arg11[%swap3A_73, %swap3A_74], %swap3A_77 {strides = array<i32>} : memref<128x128xf32, #tpu.memory_space<vmem>>, vector<1x16xf32>,
        %get3A_78 = arith.index_cast %add3A_34 : i32 to index
        %get3A_79 = arith.constant 64 : index
        %get3A_80 = tpu.vector_load %arg11[%get3A_78, %get3A_79] {strides = array<i32>} : memref<128x128xf32, #tpu.memory_space<vmem>>, vector<1x16xf32>,
        %get3A_81 = vector.shape_cast %get3A_80 : vector<1x16xf32> to vector<16xf32>
        %mul3A_82 = vector.broadcast %squeeze3A : f32 to vector<16xf32>
        %mul3A_83 = arith.mulf %get3A_81, %mul3A_82 : vector<16xf32>
        %swap3A_84 = arith.index_cast %add3A_34 : i32 to index
        %swap3A_85 = arith.constant 64 : index
        %swap3A_86 = tpu.vector_load %arg11[%swap3A_84, %swap3A_85] {strides = array<i32>} : memref<128x128xf32, #tpu.memory_space<vmem>>, vector<1x16xf32>,
        %swap3A_87 = vector.shape_cast %swap3A_86 : vector<1x16xf32> to vector<16xf32>
        %swap3A_88 = vector.shape_cast %mul3A_83 : vector<16xf32> to vector<1x16xf32>
        tpu.vector_store %arg11[%swap3A_84, %swap3A_85], %swap3A_88 {strides = array<i32>} : memref<128x128xf32, #tpu.memory_space<vmem>>, vector<1x16xf32>,
        %get3A_89 = arith.index_cast %add3A_34 : i32 to index
        %get3A_90 = arith.constant 80 : index
        %get3A_91 = tpu.vector_load %arg11[%get3A_89, %get3A_90] {strides = array<i32>} : memref<128x128xf32, #tpu.memory_space<vmem>>, vector<1x16xf32>,
        %get3A_92 = vector.shape_cast %get3A_91 : vector<1x16xf32> to vector<16xf32>
        %mul3A_93 = vector.broadcast %squeeze3A : f32 to vector<16xf32>
        %mul3A_94 = arith.mulf %get3A_92, %mul3A_93 : vector<16xf32>
        %swap3A_95 = arith.index_cast %add3A_34 : i32 to index
        %swap3A_96 = arith.constant 80 : index
        %swap3A_97 = tpu.vector_load %arg11[%swap3A_95, %swap3A_96] {strides = array<i32>} : memref<128x128xf32, #tpu.memory_space<vmem>>, vector<1x16xf32>,
        %swap3A_98 = vector.shape_cast %swap3A_97 : vector<1x16xf32> to vector<16xf32>
        %swap3A_99 = vector.shape_cast %mul3A_94 : vector<16xf32> to vector<1x16xf32>
        tpu.vector_store %arg11[%swap3A_95, %swap3A_96], %swap3A_99 {strides = array<i32>} : memref<128x128xf32, #tpu.memory_space<vmem>>, vector<1x16xf32>,
        %get3A_100 = arith.index_cast %add3A_34 : i32 to index
        %get3A_101 = arith.constant 96 : index
        %get3A_102 = tpu.vector_load %arg11[%get3A_100, %get3A_101] {strides = array<i32>} : memref<128x128xf32, #tpu.memory_space<vmem>>, vector<1x16xf32>,
        %get3A_103 = vector.shape_cast %get3A_102 : vector<1x16xf32> to vector<16xf32>
        %mul3A_104 = vector.broadcast %squeeze3A : f32 to vector<16xf32>
        %mul3A_105 = arith.mulf %get3A_103, %mul3A_104 : vector<16xf32>
        %swap3A_106 = arith.index_cast %add3A_34 : i32 to index
        %swap3A_107 = arith.constant 96 : index
        %swap3A_108 = tpu.vector_load %arg11[%swap3A_106, %swap3A_107] {strides = array<i32>} : memref<128x128xf32, #tpu.memory_space<vmem>>, vector<1x16xf32>,
        %swap3A_109 = vector.shape_cast %swap3A_108 : vector<1x16xf32> to vector<16xf32>
        %swap3A_110 = vector.shape_cast %mul3A_105 : vector<16xf32> to vector<1x16xf32>
        tpu.vector_store %arg11[%swap3A_106, %swap3A_107], %swap3A_110 {strides = array<i32>} : memref<128x128xf32, #tpu.memory_space<vmem>>, vector<1x16xf32>,
        %get3A_111 = arith.index_cast %add3A_34 : i32 to index
        %get3A_112 = arith.constant 112 : index
        %get3A_113 = tpu.vector_load %arg11[%get3A_111, %get3A_112] {strides = array<i32>} : memref<128x128xf32, #tpu.memory_space<vmem>>, vector<1x16xf32>,
        %get3A_114 = vector.shape_cast %get3A_113 : vector<1x16xf32> to vector<16xf32>
        %mul3A_115 = vector.broadcast %squeeze3A : f32 to vector<16xf32>
        %mul3A_116 = arith.mulf %get3A_114, %mul3A_115 : vector<16xf32>
        %swap3A_117 = arith.index_cast %add3A_34 : i32 to index
        %swap3A_118 = arith.constant 112 : index
        %swap3A_119 = tpu.vector_load %arg11[%swap3A_117, %swap3A_118] {strides = array<i32>} : memref<128x128xf32, #tpu.memory_space<vmem>>, vector<1x16xf32>,
        %swap3A_120 = vector.shape_cast %swap3A_119 : vector<1x16xf32> to vector<16xf32>
        %swap3A_121 = vector.shape_cast %mul3A_116 : vector<16xf32> to vector<1x16xf32>
        tpu.vector_store %arg11[%swap3A_117, %swap3A_118], %swap3A_121 {strides = array<i32>} : memref<128x128xf32, #tpu.memory_space<vmem>>, vector<1x16xf32>,
        %slice3A_122 = vector.extract_strided_slice %get3A_30 {offsets = [1], sizes = [1], strides = [1]} : vector<16xf32> to vector<1xf32>
        %squeeze3A_123 = vector.extract %slice3A_122[0] : f32 from vector<1xf32>
        %mul3A_124 = arith.constant 16 : i32
        %mul3A_125 = arith.muli %scan3A_26, %mul3A_124 : i32
        %add3A_126 = arith.constant 1 : i32
        %add3A_127 = arith.addi %mul3A_125, %add3A_126 : i32
        %get3A_128 = arith.index_cast %add3A_127 : i32 to index
        %get3A_129 = arith.constant 0 : index
        %get3A_130 = tpu.vector_load %arg11[%get3A_128, %get3A_129] {strides = array<i32>} : memref<128x128xf32, #tpu.memory_space<vmem>>, vector<1x16xf32>,
        %get3A_131 = vector.shape_cast %get3A_130 : vector<1x16xf32> to vector<16xf32>
        %mul3A_132 = vector.broadcast %squeeze3A_123 : f32 to vector<16xf32>
        %mul3A_133 = arith.mulf %get3A_131, %mul3A_132 : vector<16xf32>
        %swap3A_134 = arith.index_cast %add3A_127 : i32 to index
        %swap3A_135 = arith.constant 0 : index
        %swap3A_136 = tpu.vector_load %arg11[%swap3A_134, %swap3A_135] {strides = array<i32>} : memref<128x128xf32, #tpu.memory_space<vmem>>, vector<1x16xf32>,
        %swap3A_137 = vector.shape_cast %swap3A_136 : vector<1x16xf32> to vector<16xf32>
        %swap3A_138 = vector.shape_cast %mul3A_133 : vector<16xf32> to vector<1x16xf32>
        tpu.vector_store %arg11[%swap3A_134, %swap3A_135], %swap3A_138 {strides = array<i32>} : memref<128x128xf32, #tpu.memory_space<vmem>>, vector<1x16xf32>,
        %get3A_139 = arith.index_cast %add3A_127 : i32 to index
        %get3A_140 = arith.constant 16 : index
        %get3A_141 = tpu.vector_load %arg11[%get3A_139, %get3A_140] {strides = array<i32>} : memref<128x128xf32, #tpu.memory_space<vmem>>, vector<1x16xf32>,
        %get3A_142 = vector.shape_cast %get3A_141 : vector<1x16xf32> to vector<16xf32>
        %mul3A_143 = vector.broadcast %squeeze3A_123 : f32 to vector<16xf32>
        %mul3A_144 = arith.mulf %get3A_142, %mul3A_143 : vector<16xf32>
        %swap3A_145 = arith.index_cast %add3A_127 : i32 to index
        %swap3A_146 = arith.constant 16 : index
        %swap3A_147 = tpu.vector_load %arg11[%swap3A_145, %swap3A_146] {strides = array<i32>} : memref<128x128xf32, #tpu.memory_space<vmem>>, vector<1x16xf32>,
        %swap3A_148 = vector.shape_cast %swap3A_147 : vector<1x16xf32> to vector<16xf32>
        %swap3A_149 = vector.shape_cast %mul3A_144 : vector<16xf32> to vector<1x16xf32>
        tpu.vector_store %arg11[%swap3A_145, %swap3A_146], %swap3A_149 {strides = array<i32>} : memref<128x128xf32, #tpu.memory_space<vmem>>, vector<1x16xf32>,
        %get3A_150 = arith.index_cast %add3A_127 : i32 to index
        %get3A_151 = arith.constant 32 : index
        %get3A_152 = tpu.vector_load %arg11[%get3A_150, %get3A_151] {strides = array<i32>} : memref<128x128xf32, #tpu.memory_space<vmem>>, vector<1x16xf32>,
        %get3A_153 = vector.shape_cast %get3A_152 : vector<1x16xf32> to vector<16xf32>
        %mul3A_154 = vector.broadcast %squeeze3A_123 : f32 to vector<16xf32>
        %mul3A_155 = arith.mulf %get3A_153, %mul3A_154 : vector<16xf32>
        %swap3A_156 = arith.index_cast %add3A_127 : i32 to index
        %swap3A_157 = arith.constant 32 : index
        %swap3A_158 = tpu.vector_load %arg11[%swap3A_156, %swap3A_157] {strides = array<i32>} : memref<128x128xf32, #tpu.memory_space<vmem>>, vector<1x16xf32>,
        %swap3A_159 = vector.shape_cast %swap3A_158 : vector<1x16xf32> to vector<16xf32>
        %swap3A_160 = vector.shape_cast %mul3A_155 : vector<16xf32> to vector<1x16xf32>
        tpu.vector_store %arg11[%swap3A_156, %swap3A_157], %swap3A_160 {strides = array<i32>} : memref<128x128xf32, #tpu.memory_space<vmem>>, vector<1x16xf32>,
        %get3A_161 = arith.index_cast %add3A_127 : i32 to index
        %get3A_162 = arith.constant 48 : index
        %get3A_163 = tpu.vector_load %arg11[%get3A_161, %get3A_162] {strides = array<i32>} : memref<128x128xf32, #tpu.memory_space<vmem>>, vector<1x16xf32>,
        %get3A_164 = vector.shape_cast %get3A_163 : vector<1x16xf32> to vector<16xf32>
        %mul3A_165 = vector.broadcast %squeeze3A_123 : f32 to vector<16xf32>
        %mul3A_166 = arith.mulf %get3A_164, %mul3A_165 : vector<16xf32>
        %swap3A_167 = arith.index_cast %add3A_127 : i32 to index
        %swap3A_168 = arith.constant 48 : index
        %swap3A_169 = tpu.vector_load %arg11[%swap3A_167, %swap3A_168] {strides = array<i32>} : memref<128x128xf32, #tpu.memory_space<vmem>>, vector<1x16xf32>,
        %swap3A_170 = vector.shape_cast %swap3A_169 : vector<1x16xf32> to vector<16xf32>
        %swap3A_171 = vector.shape_cast %mul3A_166 : vector<16xf32> to vector<1x16xf32>
        tpu.vector_store %arg11[%swap3A_167, %swap3A_168], %swap3A_171 {strides = array<i32>} : memref<128x128xf32, #tpu.memory_space<vmem>>, vector<1x16xf32>,
        %get3A_172 = arith.index_cast %add3A_127 : i32 to index
        %get3A_173 = arith.constant 64 : index
        %get3A_174 = tpu.vector_load %arg11[%get3A_172, %get3A_173] {strides = array<i32>} : memref<128x128xf32, #tpu.memory_space<vmem>>, vector<1x16xf32>,
        %get3A_175 = vector.shape_cast %get3A_174 : vector<1x16xf32> to vector<16xf32>
        %mul3A_176 = vector.broadcast %squeeze3A_123 : f32 to vector<16xf32>
        %mul3A_177 = arith.mulf %get3A_175, %mul3A_176 : vector<16xf32>
        %swap3A_178 = arith.index_cast %add3A_127 : i32 to index
        %swap3A_179 = arith.constant 64 : index
        %swap3A_180 = tpu.vector_load %arg11[%swap3A_178, %swap3A_179] {strides = array<i32>} : memref<128x128xf32, #tpu.memory_space<vmem>>, vector<1x16xf32>,
        %swap3A_181 = vector.shape_cast %swap3A_180 : vector<1x16xf32> to vector<16xf32>
        %swap3A_182 = vector.shape_cast %mul3A_177 : vector<16xf32> to vector<1x16xf32>
        tpu.vector_store %arg11[%swap3A_178, %swap3A_179], %swap3A_182 {strides = array<i32>} : memref<128x128xf32, #tpu.memory_space<vmem>>, vector<1x16xf32>,
        %get3A_183 = arith.index_cast %add3A_127 : i32 to index
        %get3A_184 = arith.constant 80 : index
        %get3A_185 = tpu.vector_load %arg11[%get3A_183, %get3A_184] {strides = array<i32>} : memref<128x128xf32, #tpu.memory_space<vmem>>, vector<1x16xf32>,
        %get3A_186 = vector.shape_cast %get3A_185 : vector<1x16xf32> to vector<16xf32>
        %mul3A_187 = vector.broadcast %squeeze3A_123 : f32 to vector<16xf32>
        %mul3A_188 = arith.mulf %get3A_186, %mul3A_187 : vector<16xf32>
        %swap3A_189 = arith.index_cast %add3A_127 : i32 to index
        %swap3A_190 = arith.constant 80 : index
        %swap3A_191 = tpu.vector_load %arg11[%swap3A_189, %swap3A_190] {strides = array<i32>} : memref<128x128xf32, #tpu.memory_space<vmem>>, vector<1x16xf32>,
        %swap3A_192 = vector.shape_cast %swap3A_191 : vector<1x16xf32> to vector<16xf32>
        %swap3A_193 = vector.shape_cast %mul3A_188 : vector<16xf32> to vector<1x16xf32>
        tpu.vector_store %arg11[%swap3A_189, %swap3A_190], %swap3A_193 {strides = array<i32>} : memref<128x128xf32, #tpu.memory_space<vmem>>, vector<1x16xf32>,
        %get3A_194 = arith.index_cast %add3A_127 : i32 to index
        %get3A_195 = arith.constant 96 : index
        %get3A_196 = tpu.vector_load %arg11[%get3A_194, %get3A_195] {strides = array<i32>} : memref<128x128xf32, #tpu.memory_space<vmem>>, vector<1x16xf32>,
        %get3A_197 = vector.shape_cast %get3A_196 : vector<1x16xf32> to vector<16xf32>
        %mul3A_198 = vector.broadcast %squeeze3A_123 : f32 to vector<16xf32>
        %mul3A_199 = arith.mulf %get3A_197, %mul3A_198 : vector<16xf32>
        %swap3A_200 = arith.index_cast %add3A_127 : i32 to index
        %swap3A_201 = arith.constant 96 : index
        %swap3A_202 = tpu.vector_load %arg11[%swap3A_200, %swap3A_201] {strides = array<i32>} : memref<128x128xf32, #tpu.memory_space<vmem>>, vector<1x16xf32>,
        %swap3A_203 = vector.shape_cast %swap3A_202 : vector<1x16xf32> to vector<16xf32>
        %swap3A_204 = vector.shape_cast %mul3A_199 : vector<16xf32> to vector<1x16xf32>
        tpu.vector_store %arg11[%swap3A_200, %swap3A_201], %swap3A_204 {strides = array<i32>} : memref<128x128xf32, #tpu.memory_space<vmem>>, vector<1x16xf32>,
        %get3A_205 = arith.index_cast %add3A_127 : i32 to index
        %get3A_206 = arith.constant 112 : index
        %get3A_207 = tpu.vector_load %arg11[%get3A_205, %get3A_206] {strides = array<i32>} : memref<128x128xf32, #tpu.memory_space<vmem>>, vector<1x16xf32>,
        %get3A_208 = vector.shape_cast %get3A_207 : vector<1x16xf32> to vector<16xf32>
        %mul3A_209 = vector.broadcast %squeeze3A_123 : f32 to vector<16xf32>
        %mul3A_210 = arith.mulf %get3A_208, %mul3A_209 : vector<16xf32>
        %swap3A_211 = arith.index_cast %add3A_127 : i32 to index
        %swap3A_212 = arith.constant 112 : index
        %swap3A_213 = tpu.vector_load %arg11[%swap3A_211, %swap3A_212] {strides = array<i32>} : memref<128x128xf32, #tpu.memory_space<vmem>>, vector<1x16xf32>,
        %swap3A_214 = vector.shape_cast %swap3A_213 : vector<1x16xf32> to vector<16xf32>
        %swap3A_215 = vector.shape_cast %mul3A_210 : vector<16xf32> to vector<1x16xf32>
        tpu.vector_store %arg11[%swap3A_211, %swap3A_212], %swap3A_215 {strides = array<i32>} : memref<128x128xf32, #tpu.memory_space<vmem>>, vector<1x16xf32>,
        %slice3A_216 = vector.extract_strided_slice %get3A_30 {offsets = [2], sizes = [1], strides = [1]} : vector<16xf32> to vector<1xf32>
        %squeeze3A_217 = vector.extract %slice3A_216[0] : f32 from vector<1xf32>
        %mul3A_218 = arith.constant 16 : i32
        %mul3A_219 = arith.muli %scan3A_26, %mul3A_218 : i32
        %add3A_220 = arith.constant 2 : i32
        %add3A_221 = arith.addi %mul3A_219, %add3A_220 : i32
        %get3A_222 = arith.index_cast %add3A_221 : i32 to index
        %get3A_223 = arith.constant 0 : index
        %get3A_224 = tpu.vector_load %arg11[%get3A_222, %get3A_223] {strides = array<i32>} : memref<128x128xf32, #tpu.memory_space<vmem>>, vector<1x16xf32>,
        %get3A_225 = vector.shape_cast %get3A_224 : vector<1x16xf32> to vector<16xf32>
        %mul3A_226 = vector.broadcast %squeeze3A_217 : f32 to vector<16xf32>
        %mul3A_227 = arith.mulf %get3A_225, %mul3A_226 : vector<16xf32>
        %swap3A_228 = arith.index_cast %add3A_221 : i32 to index
        %swap3A_229 = arith.constant 0 : index
        %swap3A_230 = tpu.vector_load %arg11[%swap3A_228, %swap3A_229] {strides = array<i32>} : memref<128x128xf32, #tpu.memory_space<vmem>>, vector<1x16xf32>,
        %swap3A_231 = vector.shape_cast %swap3A_230 : vector<1x16xf32> to vector<16xf32>
        %swap3A_232 = vector.shape_cast %mul3A_227 : vector<16xf32> to vector<1x16xf32>
        tpu.vector_store %arg11[%swap3A_228, %swap3A_229], %swap3A_232 {strides = array<i32>} : memref<128x128xf32, #tpu.memory_space<vmem>>, vector<1x16xf32>,
        %get3A_233 = arith.index_cast %add3A_221 : i32 to index
        %get3A_234 = arith.constant 16 : index
        %get3A_235 = tpu.vector_load %arg11[%get3A_233, %get3A_234] {strides = array<i32>} : memref<128x128xf32, #tpu.memory_space<vmem>>, vector<1x16xf32>,
        %get3A_236 = vector.shape_cast %get3A_235 : vector<1x16xf32> to vector<16xf32>
        %mul3A_237 = vector.broadcast %squeeze3A_217 : f32 to vector<16xf32>
        %mul3A_238 = arith.mulf %get3A_236, %mul3A_237 : vector<16xf32>
        %swap3A_239 = arith.index_cast %add3A_221 : i32 to index
        %swap3A_240 = arith.constant 16 : index
        %swap3A_241 = tpu.vector_load %arg11[%swap3A_239, %swap3A_240] {strides = array<i32>} : memref<128x128xf32, #tpu.memory_space<vmem>>, vector<1x16xf32>,
        %swap3A_242 = vector.shape_cast %swap3A_241 : vector<1x16xf32> to vector<16xf32>
        %swap3A_243 = vector.shape_cast %mul3A_238 : vector<16xf32> to vector<1x16xf32>
        tpu.vector_store %arg11[%swap3A_239, %swap3A_240], %swap3A_243 {strides = array<i32>} : memref<128x128xf32, #tpu.memory_space<vmem>>, vector<1x16xf32>,
        %get3A_244 = arith.index_cast %add3A_221 : i32 to index
        %get3A_245 = arith.constant 32 : index
        %get3A_246 = tpu.vector_load %arg11[%get3A_244, %get3A_245] {strides = array<i32>} : memref<128x128xf32, #tpu.memory_space<vmem>>, vector<1x16xf32>,
        %get3A_247 = vector.shape_cast %get3A_246 : vector<1x16xf32> to vector<16xf32>
        %mul3A_248 = vector.broadcast %squeeze3A_217 : f32 to vector<16xf32>
        %mul3A_249 = arith.mulf %get3A_247, %mul3A_248 : vector<16xf32>
        %swap3A_250 = arith.index_cast %add3A_221 : i32 to index
        %swap3A_251 = arith.constant 32 : index
        %swap3A_252 = tpu.vector_load %arg11[%swap3A_250, %swap3A_251] {strides = array<i32>} : memref<128x128xf32, #tpu.memory_space<vmem>>, vector<1x16xf32>,
        %swap3A_253 = vector.shape_cast %swap3A_252 : vector<1x16xf32> to vector<16xf32>
        %swap3A_254 = vector.shape_cast %mul3A_249 : vector<16xf32> to vector<1x16xf32>
        tpu.vector_store %arg11[%swap3A_250, %swap3A_251], %swap3A_254 {strides = array<i32>} : memref<128x128xf32, #tpu.memory_space<vmem>>, vector<1x16xf32>,
        %get3A_255 = arith.index_cast %add3A_221 : i32 to index
        %get3A_256 = arith.constant 48 : index
        %get3A_257 = tpu.vector_load %arg11[%get3A_255, %get3A_256] {strides = array<i32>} : memref<128x128xf32, #tpu.memory_space<vmem>>, vector<1x16xf32>,
        %get3A_258 = vector.shape_cast %get3A_257 : vector<1x16xf32> to vector<16xf32>
        %mul3A_259 = vector.broadcast %squeeze3A_217 : f32 to vector<16xf32>
        %mul3A_260 = arith.mulf %get3A_258, %mul3A_259 : vector<16xf32>
        %swap3A_261 = arith.index_cast %add3A_221 : i32 to index
        %swap3A_262 = arith.constant 48 : index
        %swap3A_263 = tpu.vector_load %arg11[%swap3A_261, %swap3A_262] {strides = array<i32>} : memref<128x128xf32, #tpu.memory_space<vmem>>, vector<1x16xf32>,
        %swap3A_264 = vector.shape_cast %swap3A_263 : vector<1x16xf32> to vector<16xf32>
        %swap3A_265 = vector.shape_cast %mul3A_260 : vector<16xf32> to vector<1x16xf32>
        tpu.vector_store %arg11[%swap3A_261, %swap3A_262], %swap3A_265 {strides = array<i32>} : memref<128x128xf32, #tpu.memory_space<vmem>>, vector<1x16xf32>,
        %get3A_266 = arith.index_cast %add3A_221 : i32 to index
        %get3A_267 = arith.constant 64 : index
        %get3A_268 = tpu.vector_load %arg11[%get3A_266, %get3A_267] {strides = array<i32>} : memref<128x128xf32, #tpu.memory_space<vmem>>, vector<1x16xf32>,
        %get3A_269 = vector.shape_cast %get3A_268 : vector<1x16xf32> to vector<16xf32>
        %mul3A_270 = vector.broadcast %squeeze3A_217 : f32 to vector<16xf32>
        %mul3A_271 = arith.mulf %get3A_269, %mul3A_270 : vector<16xf32>
        %swap3A_272 = arith.index_cast %add3A_221 : i32 to index
        %swap3A_273 = arith.constant 64 : index
        %swap3A_274 = tpu.vector_load %arg11[%swap3A_272, %swap3A_273] {strides = array<i32>} : memref<128x128xf32, #tpu.memory_space<vmem>>, vector<1x16xf32>,
        %swap3A_275 = vector.shape_cast %swap3A_274 : vector<1x16xf32> to vector<16xf32>
        %swap3A_276 = vector.shape_cast %mul3A_271 : vector<16xf32> to vector<1x16xf32>
        tpu.vector_store %arg11[%swap3A_272, %swap3A_273], %swap3A_276 {strides = array<i32>} : memref<128x128xf32, #tpu.memory_space<vmem>>, vector<1x16xf32>,
        %get3A_277 = arith.index_cast %add3A_221 : i32 to index
        %get3A_278 = arith.constant 80 : index
        %get3A_279 = tpu.vector_load %arg11[%get3A_277, %get3A_278] {strides = array<i32>} : memref<128x128xf32, #tpu.memory_space<vmem>>, vector<1x16xf32>,
        %get3A_280 = vector.shape_cast %get3A_279 : vector<1x16xf32> to vector<16xf32>
        %mul3A_281 = vector.broadcast %squeeze3A_217 : f32 to vector<16xf32>
        %mul3A_282 = arith.mulf %get3A_280, %mul3A_281 : vector<16xf32>
        %swap3A_283 = arith.index_cast %add3A_221 : i32 to index
        %swap3A_284 = arith.constant 80 : index
        %swap3A_285 = tpu.vector_load %arg11[%swap3A_283, %swap3A_284] {strides = array<i32>} : memref<128x128xf32, #tpu.memory_space<vmem>>, vector<1x16xf32>,
        %swap3A_286 = vector.shape_cast %swap3A_285 : vector<1x16xf32> to vector<16xf32>
        %swap3A_287 = vector.shape_cast %mul3A_282 : vector<16xf32> to vector<1x16xf32>
        tpu.vector_store %arg11[%swap3A_283, %swap3A_284], %swap3A_287 {strides = array<i32>} : memref<128x128xf32, #tpu.memory_space<vmem>>, vector<1x16xf32>,
        %get3A_288 = arith.index_cast %add3A_221 : i32 to index
        %get3A_289 = arith.constant 96 : index
        %get3A_290 = tpu.vector_load %arg11[%get3A_288, %get3A_289] {strides = array<i32>} : memref<128x128xf32, #tpu.memory_space<vmem>>, vector<1x16xf32>,
        %get3A_291 = vector.shape_cast %get3A_290 : vector<1x16xf32> to vector<16xf32>
        %mul3A_292 = vector.broadcast %squeeze3A_217 : f32 to vector<16xf32>
        %mul3A_293 = arith.mulf %get3A_291, %mul3A_292 : vector<16xf32>
        %swap3A_294 = arith.index_cast %add3A_221 : i32 to index
        %swap3A_295 = arith.constant 96 : index
        %swap3A_296 = tpu.vector_load %arg11[%swap3A_294, %swap3A_295] {strides = array<i32>} : memref<128x128xf32, #tpu.memory_space<vmem>>, vector<1x16xf32>,
        %swap3A_297 = vector.shape_cast %swap3A_296 : vector<1x16xf32> to vector<16xf32>
        %swap3A_298 = vector.shape_cast %mul3A_293 : vector<16xf32> to vector<1x16xf32>
        tpu.vector_store %arg11[%swap3A_294, %swap3A_295], %swap3A_298 {strides = array<i32>} : memref<128x128xf32, #tpu.memory_space<vmem>>, vector<1x16xf32>,
        %get3A_299 = arith.index_cast %add3A_221 : i32 to index
        %get3A_300 = arith.constant 112 : index
        %get3A_301 = tpu.vector_load %arg11[%get3A_299, %get3A_300] {strides = array<i32>} : memref<128x128xf32, #tpu.memory_space<vmem>>, vector<1x16xf32>,
        %get3A_302 = vector.shape_cast %get3A_301 : vector<1x16xf32> to vector<16xf32>
        %mul3A_303 = vector.broadcast %squeeze3A_217 : f32 to vector<16xf32>
        %mul3A_304 = arith.mulf %get3A_302, %mul3A_303 : vector<16xf32>
        %swap3A_305 = arith.index_cast %add3A_221 : i32 to index
        %swap3A_306 = arith.constant 112 : index
        %swap3A_307 = tpu.vector_load %arg11[%swap3A_305, %swap3A_306] {strides = array<i32>} : memref<128x128xf32, #tpu.memory_space<vmem>>, vector<1x16xf32>,
        %swap3A_308 = vector.shape_cast %swap3A_307 : vector<1x16xf32> to vector<16xf32>
        %swap3A_309 = vector.shape_cast %mul3A_304 : vector<16xf32> to vector<1x16xf32>
        tpu.vector_store %arg11[%swap3A_305, %swap3A_306], %swap3A_309 {strides = array<i32>} : memref<128x128xf32, #tpu.memory_space<vmem>>, vector<1x16xf32>,
        %slice3A_310 = vector.extract_strided_slice %get3A_30 {offsets = [3], sizes = [1], strides = [1]} : vector<16xf32> to vector<1xf32>
        %squeeze3A_311 = vector.extract %slice3A_310[0] : f32 from vector<1xf32>
        %mul3A_312 = arith.constant 16 : i32
        %mul3A_313 = arith.muli %scan3A_26, %mul3A_312 : i32
        %add3A_314 = arith.constant 3 : i32
        %add3A_315 = arith.addi %mul3A_313, %add3A_314 : i32
        %get3A_316 = arith.index_cast %add3A_315 : i32 to index
        %get3A_317 = arith.constant 0 : index
        %get3A_318 = tpu.vector_load %arg11[%get3A_316, %get3A_317] {strides = array<i32>} : memref<128x128xf32, #tpu.memory_space<vmem>>, vector<1x16xf32>,
        %get3A_319 = vector.shape_cast %get3A_318 : vector<1x16xf32> to vector<16xf32>
        %mul3A_320 = vector.broadcast %squeeze3A_311 : f32 to vector<16xf32>
        %mul3A_321 = arith.mulf %get3A_319, %mul3A_320 : vector<16xf32>
        %swap3A_322 = arith.index_cast %add3A_315 : i32 to index
        %swap3A_323 = arith.constant 0 : index
        %swap3A_324 = tpu.vector_load %arg11[%swap3A_322, %swap3A_323] {strides = array<i32>} : memref<128x128xf32, #tpu.memory_space<vmem>>, vector<1x16xf32>,
        %swap3A_325 = vector.shape_cast %swap3A_324 : vector<1x16xf32> to vector<16xf32>
        %swap3A_326 = vector.shape_cast %mul3A_321 : vector<16xf32> to vector<1x16xf32>
        tpu.vector_store %arg11[%swap3A_322, %swap3A_323], %swap3A_326 {strides = array<i32>} : memref<128x128xf32, #tpu.memory_space<vmem>>, vector<1x16xf32>,
        %get3A_327 = arith.index_cast %add3A_315 : i32 to index
        %get3A_328 = arith.constant 16 : index
        %get3A_329 = tpu.vector_load %arg11[%get3A_327, %get3A_328] {strides = array<i32>} : memref<128x128xf32, #tpu.memory_space<vmem>>, vector<1x16xf32>,
        %get3A_330 = vector.shape_cast %get3A_329 : vector<1x16xf32> to vector<16xf32>
        %mul3A_331 = vector.broadcast %squeeze3A_311 : f32 to vector<16xf32>
        %mul3A_332 = arith.mulf %get3A_330, %mul3A_331 : vector<16xf32>
        %swap3A_333 = arith.index_cast %add3A_315 : i32 to index
        %swap3A_334 = arith.constant 16 : index
        %swap3A_335 = tpu.vector_load %arg11[%swap3A_333, %swap3A_334] {strides = array<i32>} : memref<128x128xf32, #tpu.memory_space<vmem>>, vector<1x16xf32>,
        %swap3A_336 = vector.shape_cast %swap3A_335 : vector<1x16xf32> to vector<16xf32>
        %swap3A_337 = vector.shape_cast %mul3A_332 : vector<16xf32> to vector<1x16xf32>
        tpu.vector_store %arg11[%swap3A_333, %swap3A_334], %swap3A_337 {strides = array<i32>} : memref<128x128xf32, #tpu.memory_space<vmem>>, vector<1x16xf32>,
        %get3A_338 = arith.index_cast %add3A_315 : i32 to index
        %get3A_339 = arith.constant 32 : index
        %get3A_340 = tpu.vector_load %arg11[%get3A_338, %get3A_339] {strides = array<i32>} : memref<128x128xf32, #tpu.memory_space<vmem>>, vector<1x16xf32>,
        %get3A_341 = vector.shape_cast %get3A_340 : vector<1x16xf32> to vector<16xf32>
        %mul3A_342 = vector.broadcast %squeeze3A_311 : f32 to vector<16xf32>
        %mul3A_343 = arith.mulf %get3A_341, %mul3A_342 : vector<16xf32>
        %swap3A_344 = arith.index_cast %add3A_315 : i32 to index
        %swap3A_345 = arith.constant 32 : index
        %swap3A_346 = tpu.vector_load %arg11[%swap3A_344, %swap3A_345] {strides = array<i32>} : memref<128x128xf32, #tpu.memory_space<vmem>>, vector<1x16xf32>,
        %swap3A_347 = vector.shape_cast %swap3A_346 : vector<1x16xf32> to vector<16xf32>
        %swap3A_348 = vector.shape_cast %mul3A_343 : vector<16xf32> to vector<1x16xf32>
        tpu.vector_store %arg11[%swap3A_344, %swap3A_345], %swap3A_348 {strides = array<i32>} : memref<128x128xf32, #tpu.memory_space<vmem>>, vector<1x16xf32>,
        %get3A_349 = arith.index_cast %add3A_315 : i32 to index
        %get3A_350 = arith.constant 48 : index
        %get3A_351 = tpu.vector_load %arg11[%get3A_349, %get3A_350] {strides = array<i32>} : memref<128x128xf32, #tpu.memory_space<vmem>>, vector<1x16xf32>,
        %get3A_352 = vector.shape_cast %get3A_351 : vector<1x16xf32> to vector<16xf32>
        %mul3A_353 = vector.broadcast %squeeze3A_311 : f32 to vector<16xf32>
        %mul3A_354 = arith.mulf %get3A_352, %mul3A_353 : vector<16xf32>
        %swap3A_355 = arith.index_cast %add3A_315 : i32 to index
        %swap3A_356 = arith.constant 48 : index
        %swap3A_357 = tpu.vector_load %arg11[%swap3A_355, %swap3A_356] {strides = array<i32>} : memref<128x128xf32, #tpu.memory_space<vmem>>, vector<1x16xf32>,
        %swap3A_358 = vector.shape_cast %swap3A_357 : vector<1x16xf32> to vector<16xf32>
        %swap3A_359 = vector.shape_cast %mul3A_354 : vector<16xf32> to vector<1x16xf32>
        tpu.vector_store %arg11[%swap3A_355, %swap3A_356], %swap3A_359 {strides = array<i32>} : memref<128x128xf32, #tpu.memory_space<vmem>>, vector<1x16xf32>,
        %get3A_360 = arith.index_cast %add3A_315 : i32 to index
        %get3A_361 = arith.constant 64 : index
        %get3A_362 = tpu.vector_load %arg11[%get3A_360, %get3A_361] {strides = array<i32>} : memref<128x128xf32, #tpu.memory_space<vmem>>, vector<1x16xf32>,
        %get3A_363 = vector.shape_cast %get3A_362 : vector<1x16xf32> to vector<16xf32>
        %mul3A_364 = vector.broadcast %squeeze3A_311 : f32 to vector<16xf32>
        %mul3A_365 = arith.mulf %get3A_363, %mul3A_364 : vector<16xf32>
        %swap3A_366 = arith.index_cast %add3A_315 : i32 to index
        %swap3A_367 = arith.constant 64 : index
        %swap3A_368 = tpu.vector_load %arg11[%swap3A_366, %swap3A_367] {strides = array<i32>} : memref<128x128xf32, #tpu.memory_space<vmem>>, vector<1x16xf32>,
        %swap3A_369 = vector.shape_cast %swap3A_368 : vector<1x16xf32> to vector<16xf32>
        %swap3A_370 = vector.shape_cast %mul3A_365 : vector<16xf32> to vector<1x16xf32>
        tpu.vector_store %arg11[%swap3A_366, %swap3A_367], %swap3A_370 {strides = array<i32>} : memref<128x128xf32, #tpu.memory_space<vmem>>, vector<1x16xf32>,
        %get3A_371 = arith.index_cast %add3A_315 : i32 to index
        %get3A_372 = arith.constant 80 : index
        %get3A_373 = tpu.vector_load %arg11[%get3A_371, %get3A_372] {strides = array<i32>} : memref<128x128xf32, #tpu.memory_space<vmem>>, vector<1x16xf32>,
        %get3A_374 = vector.shape_cast %get3A_373 : vector<1x16xf32> to vector<16xf32>
        %mul3A_375 = vector.broadcast %squeeze3A_311 : f32 to vector<16xf32>
        %mul3A_376 = arith.mulf %get3A_374, %mul3A_375 : vector<16xf32>
        %swap3A_377 = arith.index_cast %add3A_315 : i32 to index
        %swap3A_378 = arith.constant 80 : index
        %swap3A_379 = tpu.vector_load %arg11[%swap3A_377, %swap3A_378] {strides = array<i32>} : memref<128x128xf32, #tpu.memory_space<vmem>>, vector<1x16xf32>,
        %swap3A_380 = vector.shape_cast %swap3A_379 : vector<1x16xf32> to vector<16xf32>
        %swap3A_381 = vector.shape_cast %mul3A_376 : vector<16xf32> to vector<1x16xf32>
        tpu.vector_store %arg11[%swap3A_377, %swap3A_378], %swap3A_381 {strides = array<i32>} : memref<128x128xf32, #tpu.memory_space<vmem>>, vector<1x16xf32>,
        %get3A_382 = arith.index_cast %add3A_315 : i32 to index
        %get3A_383 = arith.constant 96 : index
        %get3A_384 = tpu.vector_load %arg11[%get3A_382, %get3A_383] {strides = array<i32>} : memref<128x128xf32, #tpu.memory_space<vmem>>, vector<1x16xf32>,
        %get3A_385 = vector.shape_cast %get3A_384 : vector<1x16xf32> to vector<16xf32>
        %mul3A_386 = vector.broadcast %squeeze3A_311 : f32 to vector<16xf32>
        %mul3A_387 = arith.mulf %get3A_385, %mul3A_386 : vector<16xf32>
        %swap3A_388 = arith.index_cast %add3A_315 : i32 to index
        %swap3A_389 = arith.constant 96 : index
        %swap3A_390 = tpu.vector_load %arg11[%swap3A_388, %swap3A_389] {strides = array<i32>} : memref<128x128xf32, #tpu.memory_space<vmem>>, vector<1x16xf32>,
        %swap3A_391 = vector.shape_cast %swap3A_390 : vector<1x16xf32> to vector<16xf32>
        %swap3A_392 = vector.shape_cast %mul3A_387 : vector<16xf32> to vector<1x16xf32>
        tpu.vector_store %arg11[%swap3A_388, %swap3A_389], %swap3A_392 {strides = array<i32>} : memref<128x128xf32, #tpu.memory_space<vmem>>, vector<1x16xf32>,
        %get3A_393 = arith.index_cast %add3A_315 : i32 to index
        %get3A_394 = arith.constant 112 : index
        %get3A_395 = tpu.vector_load %arg11[%get3A_393, %get3A_394] {strides = array<i32>} : memref<128x128xf32, #tpu.memory_space<vmem>>, vector<1x16xf32>,
        %get3A_396 = vector.shape_cast %get3A_395 : vector<1x16xf32> to vector<16xf32>
        %mul3A_397 = vector.broadcast %squeeze3A_311 : f32 to vector<16xf32>
        %mul3A_398 = arith.mulf %get3A_396, %mul3A_397 : vector<16xf32>
        %swap3A_399 = arith.index_cast %add3A_315 : i32 to index
        %swap3A_400 = arith.constant 112 : index
        %swap3A_401 = tpu.vector_load %arg11[%swap3A_399, %swap3A_400] {strides = array<i32>} : memref<128x128xf32, #tpu.memory_space<vmem>>, vector<1x16xf32>,
        %swap3A_402 = vector.shape_cast %swap3A_401 : vector<1x16xf32> to vector<16xf32>
        %swap3A_403 = vector.shape_cast %mul3A_398 : vector<16xf32> to vector<1x16xf32>
        tpu.vector_store %arg11[%swap3A_399, %swap3A_400], %swap3A_403 {strides = array<i32>} : memref<128x128xf32, #tpu.memory_space<vmem>>, vector<1x16xf32>,
        %slice3A_404 = vector.extract_strided_slice %get3A_30 {offsets = [4], sizes = [1], strides = [1]} : vector<16xf32> to vector<1xf32>
        %squeeze3A_405 = vector.extract %slice3A_404[0] : f32 from vector<1xf32>
        %mul3A_406 = arith.constant 16 : i32
        %mul3A_407 = arith.muli %scan3A_26, %mul3A_406 : i32
        %add3A_408 = arith.constant 4 : i32
        %add3A_409 = arith.addi %mul3A_407, %add3A_408 : i32
        %get3A_410 = arith.index_cast %add3A_409 : i32 to index
        %get3A_411 = arith.constant 0 : index
        %get3A_412 = tpu.vector_load %arg11[%get3A_410, %get3A_411] {strides = array<i32>} : memref<128x128xf32, #tpu.memory_space<vmem>>, vector<1x16xf32>,
        %get3A_413 = vector.shape_cast %get3A_412 : vector<1x16xf32> to vector<16xf32>
        %mul3A_414 = vector.broadcast %squeeze3A_405 : f32 to vector<16xf32>
        %mul3A_415 = arith.mulf %get3A_413, %mul3A_414 : vector<16xf32>
        %swap3A_416 = arith.index_cast %add3A_409 : i32 to index
        %swap3A_417 = arith.constant 0 : index
        %swap3A_418 = tpu.vector_load %arg11[%swap3A_416, %swap3A_417] {strides = array<i32>} : memref<128x128xf32, #tpu.memory_space<vmem>>, vector<1x16xf32>,
        %swap3A_419 = vector.shape_cast %swap3A_418 : vector<1x16xf32> to vector<16xf32>
        %swap3A_420 = vector.shape_cast %mul3A_415 : vector<16xf32> to vector<1x16xf32>
        tpu.vector_store %arg11[%swap3A_416, %swap3A_417], %swap3A_420 {strides = array<i32>} : memref<128x128xf32, #tpu.memory_space<vmem>>, vector<1x16xf32>,
        %get3A_421 = arith.index_cast %add3A_409 : i32 to index
        %get3A_422 = arith.constant 16 : index
        %get3A_423 = tpu.vector_load %arg11[%get3A_421, %get3A_422] {strides = array<i32>} : memref<128x128xf32, #tpu.memory_space<vmem>>, vector<1x16xf32>,
        %get3A_424 = vector.shape_cast %get3A_423 : vector<1x16xf32> to vector<16xf32>
        %mul3A_425 = vector.broadcast %squeeze3A_405 : f32 to vector<16xf32>
        %mul3A_426 = arith.mulf %get3A_424, %mul3A_425 : vector<16xf32>
        %swap3A_427 = arith.index_cast %add3A_409 : i32 to index
        %swap3A_428 = arith.constant 16 : index
        %swap3A_429 = tpu.vector_load %arg11[%swap3A_427, %swap3A_428] {strides = array<i32>} : memref<128x128xf32, #tpu.memory_space<vmem>>, vector<1x16xf32>,
        %swap3A_430 = vector.shape_cast %swap3A_429 : vector<1x16xf32> to vector<16xf32>
        %swap3A_431 = vector.shape_cast %mul3A_426 : vector<16xf32> to vector<1x16xf32>
        tpu.vector_store %arg11[%swap3A_427, %swap3A_428], %swap3A_431 {strides = array<i32>} : memref<128x128xf32, #tpu.memory_space<vmem>>, vector<1x16xf32>,
        %get3A_432 = arith.index_cast %add3A_409 : i32 to index
        %get3A_433 = arith.constant 32 : index
        %get3A_434 = tpu.vector_load %arg11[%get3A_432, %get3A_433] {strides = array<i32>} : memref<128x128xf32, #tpu.memory_space<vmem>>, vector<1x16xf32>,
        %get3A_435 = vector.shape_cast %get3A_434 : vector<1x16xf32> to vector<16xf32>
        %mul3A_436 = vector.broadcast %squeeze3A_405 : f32 to vector<16xf32>
        %mul3A_437 = arith.mulf %get3A_435, %mul3A_436 : vector<16xf32>
        %swap3A_438 = arith.index_cast %add3A_409 : i32 to index
        %swap3A_439 = arith.constant 32 : index
        %swap3A_440 = tpu.vector_load %arg11[%swap3A_438, %swap3A_439] {strides = array<i32>} : memref<128x128xf32, #tpu.memory_space<vmem>>, vector<1x16xf32>,
        %swap3A_441 = vector.shape_cast %swap3A_440 : vector<1x16xf32> to vector<16xf32>
        %swap3A_442 = vector.shape_cast %mul3A_437 : vector<16xf32> to vector<1x16xf32>
        tpu.vector_store %arg11[%swap3A_438, %swap3A_439], %swap3A_442 {strides = array<i32>} : memref<128x128xf32, #tpu.memory_space<vmem>>, vector<1x16xf32>,
        %get3A_443 = arith.index_cast %add3A_409 : i32 to index
        %get3A_444 = arith.constant 48 : index
        %get3A_445 = tpu.vector_load %arg11[%get3A_443, %get3A_444] {strides = array<i32>} : memref<128x128xf32, #tpu.memory_space<vmem>>, vector<1x16xf32>,
        %get3A_446 = vector.shape_cast %get3A_445 : vector<1x16xf32> to vector<16xf32>
        %mul3A_447 = vector.broadcast %squeeze3A_405 : f32 to vector<16xf32>
        %mul3A_448 = arith.mulf %get3A_446, %mul3A_447 : vector<16xf32>
        %swap3A_449 = arith.index_cast %add3A_409 : i32 to index
        %swap3A_450 = arith.constant 48 : index
        %swap3A_451 = tpu.vector_load %arg11[%swap3A_449, %swap3A_450] {strides = array<i32>} : memref<128x128xf32, #tpu.memory_space<vmem>>, vector<1x16xf32>,
        %swap3A_452 = vector.shape_cast %swap3A_451 : vector<1x16xf32> to vector<16xf32>
        %swap3A_453 = vector.shape_cast %mul3A_448 : vector<16xf32> to vector<1x16xf32>
        tpu.vector_store %arg11[%swap3A_449, %swap3A_450], %swap3A_453 {strides = array<i32>} : memref<128x128xf32, #tpu.memory_space<vmem>>, vector<1x16xf32>,
        %get3A_454 = arith.index_cast %add3A_409 : i32 to index
        %get3A_455 = arith.constant 64 : index
        %get3A_456 = tpu.vector_load %arg11[%get3A_454, %get3A_455] {strides = array<i32>} : memref<128x128xf32, #tpu.memory_space<vmem>>, vector<1x16xf32>,
        %get3A_457 = vector.shape_cast %get3A_456 : vector<1x16xf32> to vector<16xf32>
        %mul3A_458 = vector.broadcast %squeeze3A_405 : f32 to vector<16xf32>
        %mul3A_459 = arith.mulf %get3A_457, %mul3A_458 : vector<16xf32>
        %swap3A_460 = arith.index_cast %add3A_409 : i32 to index
        %swap3A_461 = arith.constant 64 : index
        %swap3A_462 = tpu.vector_load %arg11[%swap3A_460, %swap3A_461] {strides = array<i32>} : memref<128x128xf32, #tpu.memory_space<vmem>>, vector<1x16xf32>,
        %swap3A_463 = vector.shape_cast %swap3A_462 : vector<1x16xf32> to vector<16xf32>
        %swap3A_464 = vector.shape_cast %mul3A_459 : vector<16xf32> to vector<1x16xf32>
        tpu.vector_store %arg11[%swap3A_460, %swap3A_461], %swap3A_464 {strides = array<i32>} : memref<128x128xf32, #tpu.memory_space<vmem>>, vector<1x16xf32>,
        %get3A_465 = arith.index_cast %add3A_409 : i32 to index
        %get3A_466 = arith.constant 80 : index
        %get3A_467 = tpu.vector_load %arg11[%get3A_465, %get3A_466] {strides = array<i32>} : memref<128x128xf32, #tpu.memory_space<vmem>>, vector<1x16xf32>,
        %get3A_468 = vector.shape_cast %get3A_467 : vector<1x16xf32> to vector<16xf32>
        %mul3A_469 = vector.broadcast %squeeze3A_405 : f32 to vector<16xf32>
        %mul3A_470 = arith.mulf %get3A_468, %mul3A_469 : vector<16xf32>
        %swap3A_471 = arith.index_cast %add3A_409 : i32 to index
        %swap3A_472 = arith.constant 80 : index
        %swap3A_473 = tpu.vector_load %arg11[%swap3A_471, %swap3A_472] {strides = array<i32>} : memref<128x128xf32, #tpu.memory_space<vmem>>, vector<1x16xf32>,
        %swap3A_474 = vector.shape_cast %swap3A_473 : vector<1x16xf32> to vector<16xf32>
        %swap3A_475 = vector.shape_cast %mul3A_470 : vector<16xf32> to vector<1x16xf32>
        tpu.vector_store %arg11[%swap3A_471, %swap3A_472], %swap3A_475 {strides = array<i32>} : memref<128x128xf32, #tpu.memory_space<vmem>>, vector<1x16xf32>,
        %get3A_476 = arith.index_cast %add3A_409 : i32 to index
        %get3A_477 = arith.constant 96 : index
        %get3A_478 = tpu.vector_load %arg11[%get3A_476, %get3A_477] {strides = array<i32>} : memref<128x128xf32, #tpu.memory_space<vmem>>, vector<1x16xf32>,
        %get3A_479 = vector.shape_cast %get3A_478 : vector<1x16xf32> to vector<16xf32>
        %mul3A_480 = vector.broadcast %squeeze3A_405 : f32 to vector<16xf32>
        %mul3A_481 = arith.mulf %get3A_479, %mul3A_480 : vector<16xf32>
        %swap3A_482 = arith.index_cast %add3A_409 : i32 to index
        %swap3A_483 = arith.constant 96 : index
        %swap3A_484 = tpu.vector_load %arg11[%swap3A_482, %swap3A_483] {strides = array<i32>} : memref<128x128xf32, #tpu.memory_space<vmem>>, vector<1x16xf32>,
        %swap3A_485 = vector.shape_cast %swap3A_484 : vector<1x16xf32> to vector<16xf32>
        %swap3A_486 = vector.shape_cast %mul3A_481 : vector<16xf32> to vector<1x16xf32>
        tpu.vector_store %arg11[%swap3A_482, %swap3A_483], %swap3A_486 {strides = array<i32>} : memref<128x128xf32, #tpu.memory_space<vmem>>, vector<1x16xf32>,
        %get3A_487 = arith.index_cast %add3A_409 : i32 to index
        %get3A_488 = arith.constant 112 : index
        %get3A_489 = tpu.vector_load %arg11[%get3A_487, %get3A_488] {strides = array<i32>} : memref<128x128xf32, #tpu.memory_space<vmem>>, vector<1x16xf32>,
        %get3A_490 = vector.shape_cast %get3A_489 : vector<1x16xf32> to vector<16xf32>
        %mul3A_491 = vector.broadcast %squeeze3A_405 : f32 to vector<16xf32>
        %mul3A_492 = arith.mulf %get3A_490, %mul3A_491 : vector<16xf32>
        %swap3A_493 = arith.index_cast %add3A_409 : i32 to index
        %swap3A_494 = arith.constant 112 : index
        %swap3A_495 = tpu.vector_load %arg11[%swap3A_493, %swap3A_494] {strides = array<i32>} : memref<128x128xf32, #tpu.memory_space<vmem>>, vector<1x16xf32>,
        %swap3A_496 = vector.shape_cast %swap3A_495 : vector<1x16xf32> to vector<16xf32>
        %swap3A_497 = vector.shape_cast %mul3A_492 : vector<16xf32> to vector<1x16xf32>
        tpu.vector_store %arg11[%swap3A_493, %swap3A_494], %swap3A_497 {strides = array<i32>} : memref<128x128xf32, #tpu.memory_space<vmem>>, vector<1x16xf32>,
        %slice3A_498 = vector.extract_strided_slice %get3A_30 {offsets = [5], sizes = [1], strides = [1]} : vector<16xf32> to vector<1xf32>
        %squeeze3A_499 = vector.extract %slice3A_498[0] : f32 from vector<1xf32>
        %mul3A_500 = arith.constant 16 : i32
        %mul3A_501 = arith.muli %scan3A_26, %mul3A_500 : i32
        %add3A_502 = arith.constant 5 : i32
        %add3A_503 = arith.addi %mul3A_501, %add3A_502 : i32
        %get3A_504 = arith.index_cast %add3A_503 : i32 to index
        %get3A_505 = arith.constant 0 : index
        %get3A_506 = tpu.vector_load %arg11[%get3A_504, %get3A_505] {strides = array<i32>} : memref<128x128xf32, #tpu.memory_space<vmem>>, vector<1x16xf32>,
        %get3A_507 = vector.shape_cast %get3A_506 : vector<1x16xf32> to vector<16xf32>
        %mul3A_508 = vector.broadcast %squeeze3A_499 : f32 to vector<16xf32>
        %mul3A_509 = arith.mulf %get3A_507, %mul3A_508 : vector<16xf32>
        %swap3A_510 = arith.index_cast %add3A_503 : i32 to index
        %swap3A_511 = arith.constant 0 : index
        %swap3A_512 = tpu.vector_load %arg11[%swap3A_510, %swap3A_511] {strides = array<i32>} : memref<128x128xf32, #tpu.memory_space<vmem>>, vector<1x16xf32>,
        %swap3A_513 = vector.shape_cast %swap3A_512 : vector<1x16xf32> to vector<16xf32>
        %swap3A_514 = vector.shape_cast %mul3A_509 : vector<16xf32> to vector<1x16xf32>
        tpu.vector_store %arg11[%swap3A_510, %swap3A_511], %swap3A_514 {strides = array<i32>} : memref<128x128xf32, #tpu.memory_space<vmem>>, vector<1x16xf32>,
        %get3A_515 = arith.index_cast %add3A_503 : i32 to index
        %get3A_516 = arith.constant 16 : index
        %get3A_517 = tpu.vector_load %arg11[%get3A_515, %get3A_516] {strides = array<i32>} : memref<128x128xf32, #tpu.memory_space<vmem>>, vector<1x16xf32>,
        %get3A_518 = vector.shape_cast %get3A_517 : vector<1x16xf32> to vector<16xf32>
        %mul3A_519 = vector.broadcast %squeeze3A_499 : f32 to vector<16xf32>
        %mul3A_520 = arith.mulf %get3A_518, %mul3A_519 : vector<16xf32>
        %swap3A_521 = arith.index_cast %add3A_503 : i32 to index
        %swap3A_522 = arith.constant 16 : index
        %swap3A_523 = tpu.vector_load %arg11[%swap3A_521, %swap3A_522] {strides = array<i32>} : memref<128x128xf32, #tpu.memory_space<vmem>>, vector<1x16xf32>,
        %swap3A_524 = vector.shape_cast %swap3A_523 : vector<1x16xf32> to vector<16xf32>
        %swap3A_525 = vector.shape_cast %mul3A_520 : vector<16xf32> to vector<1x16xf32>
        tpu.vector_store %arg11[%swap3A_521, %swap3A_522], %swap3A_525 {strides = array<i32>} : memref<128x128xf32, #tpu.memory_space<vmem>>, vector<1x16xf32>,
        %get3A_526 = arith.index_cast %add3A_503 : i32 to index
        %get3A_527 = arith.constant 32 : index
        %get3A_528 = tpu.vector_load %arg11[%get3A_526, %get3A_527] {strides = array<i32>} : memref<128x128xf32, #tpu.memory_space<vmem>>, vector<1x16xf32>,
        %get3A_529 = vector.shape_cast %get3A_528 : vector<1x16xf32> to vector<16xf32>
        %mul3A_530 = vector.broadcast %squeeze3A_499 : f32 to vector<16xf32>
        %mul3A_531 = arith.mulf %get3A_529, %mul3A_530 : vector<16xf32>
        %swap3A_532 = arith.index_cast %add3A_503 : i32 to index
        %swap3A_533 = arith.constant 32 : index
        %swap3A_534 = tpu.vector_load %arg11[%swap3A_532, %swap3A_533] {strides = array<i32>} : memref<128x128xf32, #tpu.memory_space<vmem>>, vector<1x16xf32>,
        %swap3A_535 = vector.shape_cast %swap3A_534 : vector<1x16xf32> to vector<16xf32>
        %swap3A_536 = vector.shape_cast %mul3A_531 : vector<16xf32> to vector<1x16xf32>
        tpu.vector_store %arg11[%swap3A_532, %swap3A_533], %swap3A_536 {strides = array<i32>} : memref<128x128xf32, #tpu.memory_space<vmem>>, vector<1x16xf32>,
        %get3A_537 = arith.index_cast %add3A_503 : i32 to index
        %get3A_538 = arith.constant 48 : index
        %get3A_539 = tpu.vector_load %arg11[%get3A_537, %get3A_538] {strides = array<i32>} : memref<128x128xf32, #tpu.memory_space<vmem>>, vector<1x16xf32>,
        %get3A_540 = vector.shape_cast %get3A_539 : vector<1x16xf32> to vector<16xf32>
        %mul3A_541 = vector.broadcast %squeeze3A_499 : f32 to vector<16xf32>
        %mul3A_542 = arith.mulf %get3A_540, %mul3A_541 : vector<16xf32>
        %swap3A_543 = arith.index_cast %add3A_503 : i32 to index
        %swap3A_544 = arith.constant 48 : index
        %swap3A_545 = tpu.vector_load %arg11[%swap3A_543, %swap3A_544] {strides = array<i32>} : memref<128x128xf32, #tpu.memory_space<vmem>>, vector<1x16xf32>,
        %swap3A_546 = vector.shape_cast %swap3A_545 : vector<1x16xf32> to vector<16xf32>
        %swap3A_547 = vector.shape_cast %mul3A_542 : vector<16xf32> to vector<1x16xf32>
        tpu.vector_store %arg11[%swap3A_543, %swap3A_544], %swap3A_547 {strides = array<i32>} : memref<128x128xf32, #tpu.memory_space<vmem>>, vector<1x16xf32>,
        %get3A_548 = arith.index_cast %add3A_503 : i32 to index
        %get3A_549 = arith.constant 64 : index
        %get3A_550 = tpu.vector_load %arg11[%get3A_548, %get3A_549] {strides = array<i32>} : memref<128x128xf32, #tpu.memory_space<vmem>>, vector<1x16xf32>,
        %get3A_551 = vector.shape_cast %get3A_550 : vector<1x16xf32> to vector<16xf32>
        %mul3A_552 = vector.broadcast %squeeze3A_499 : f32 to vector<16xf32>
        %mul3A_553 = arith.mulf %get3A_551, %mul3A_552 : vector<16xf32>
        %swap3A_554 = arith.index_cast %add3A_503 : i32 to index
        %swap3A_555 = arith.constant 64 : index
        %swap3A_556 = tpu.vector_load %arg11[%swap3A_554, %swap3A_555] {strides = array<i32>} : memref<128x128xf32, #tpu.memory_space<vmem>>, vector<1x16xf32>,
        %swap3A_557 = vector.shape_cast %swap3A_556 : vector<1x16xf32> to vector<16xf32>
        %swap3A_558 = vector.shape_cast %mul3A_553 : vector<16xf32> to vector<1x16xf32>
        tpu.vector_store %arg11[%swap3A_554, %swap3A_555], %swap3A_558 {strides = array<i32>} : memref<128x128xf32, #tpu.memory_space<vmem>>, vector<1x16xf32>,
        %get3A_559 = arith.index_cast %add3A_503 : i32 to index
        %get3A_560 = arith.constant 80 : index
        %get3A_561 = tpu.vector_load %arg11[%get3A_559, %get3A_560] {strides = array<i32>} : memref<128x128xf32, #tpu.memory_space<vmem>>, vector<1x16xf32>,
        %get3A_562 = vector.shape_cast %get3A_561 : vector<1x16xf32> to vector<16xf32>
        %mul3A_563 = vector.broadcast %squeeze3A_499 : f32 to vector<16xf32>
        %mul3A_564 = arith.mulf %get3A_562, %mul3A_563 : vector<16xf32>
        %swap3A_565 = arith.index_cast %add3A_503 : i32 to index
        %swap3A_566 = arith.constant 80 : index
        %swap3A_567 = tpu.vector_load %arg11[%swap3A_565, %swap3A_566] {strides = array<i32>} : memref<128x128xf32, #tpu.memory_space<vmem>>, vector<1x16xf32>,
        %swap3A_568 = vector.shape_cast %swap3A_567 : vector<1x16xf32> to vector<16xf32>
        %swap3A_569 = vector.shape_cast %mul3A_564 : vector<16xf32> to vector<1x16xf32>
        tpu.vector_store %arg11[%swap3A_565, %swap3A_566], %swap3A_569 {strides = array<i32>} : memref<128x128xf32, #tpu.memory_space<vmem>>, vector<1x16xf32>,
        %get3A_570 = arith.index_cast %add3A_503 : i32 to index
        %get3A_571 = arith.constant 96 : index
        %get3A_572 = tpu.vector_load %arg11[%get3A_570, %get3A_571] {strides = array<i32>} : memref<128x128xf32, #tpu.memory_space<vmem>>, vector<1x16xf32>,
        %get3A_573 = vector.shape_cast %get3A_572 : vector<1x16xf32> to vector<16xf32>
        %mul3A_574 = vector.broadcast %squeeze3A_499 : f32 to vector<16xf32>
        %mul3A_575 = arith.mulf %get3A_573, %mul3A_574 : vector<16xf32>
        %swap3A_576 = arith.index_cast %add3A_503 : i32 to index
        %swap3A_577 = arith.constant 96 : index
        %swap3A_578 = tpu.vector_load %arg11[%swap3A_576, %swap3A_577] {strides = array<i32>} : memref<128x128xf32, #tpu.memory_space<vmem>>, vector<1x16xf32>,
        %swap3A_579 = vector.shape_cast %swap3A_578 : vector<1x16xf32> to vector<16xf32>
        %swap3A_580 = vector.shape_cast %mul3A_575 : vector<16xf32> to vector<1x16xf32>
        tpu.vector_store %arg11[%swap3A_576, %swap3A_577], %swap3A_580 {strides = array<i32>} : memref<128x128xf32, #tpu.memory_space<vmem>>, vector<1x16xf32>,
        %get3A_581 = arith.index_cast %add3A_503 : i32 to index
        %get3A_582 = arith.constant 112 : index
        %get3A_583 = tpu.vector_load %arg11[%get3A_581, %get3A_582] {strides = array<i32>} : memref<128x128xf32, #tpu.memory_space<vmem>>, vector<1x16xf32>,
        %get3A_584 = vector.shape_cast %get3A_583 : vector<1x16xf32> to vector<16xf32>
        %mul3A_585 = vector.broadcast %squeeze3A_499 : f32 to vector<16xf32>
        %mul3A_586 = arith.mulf %get3A_584, %mul3A_585 : vector<16xf32>
        %swap3A_587 = arith.index_cast %add3A_503 : i32 to index
        %swap3A_588 = arith.constant 112 : index
        %swap3A_589 = tpu.vector_load %arg11[%swap3A_587, %swap3A_588] {strides = array<i32>} : memref<128x128xf32, #tpu.memory_space<vmem>>, vector<1x16xf32>,
        %swap3A_590 = vector.shape_cast %swap3A_589 : vector<1x16xf32> to vector<16xf32>
        %swap3A_591 = vector.shape_cast %mul3A_586 : vector<16xf32> to vector<1x16xf32>
        tpu.vector_store %arg11[%swap3A_587, %swap3A_588], %swap3A_591 {strides = array<i32>} : memref<128x128xf32, #tpu.memory_space<vmem>>, vector<1x16xf32>,
        %slice3A_592 = vector.extract_strided_slice %get3A_30 {offsets = [6], sizes = [1], strides = [1]} : vector<16xf32> to vector<1xf32>
        %squeeze3A_593 = vector.extract %slice3A_592[0] : f32 from vector<1xf32>
        %mul3A_594 = arith.constant 16 : i32
        %mul3A_595 = arith.muli %scan3A_26, %mul3A_594 : i32
        %add3A_596 = arith.constant 6 : i32
        %add3A_597 = arith.addi %mul3A_595, %add3A_596 : i32
        %get3A_598 = arith.index_cast %add3A_597 : i32 to index
        %get3A_599 = arith.constant 0 : index
        %get3A_600 = tpu.vector_load %arg11[%get3A_598, %get3A_599] {strides = array<i32>} : memref<128x128xf32, #tpu.memory_space<vmem>>, vector<1x16xf32>,
        %get3A_601 = vector.shape_cast %get3A_600 : vector<1x16xf32> to vector<16xf32>
        %mul3A_602 = vector.broadcast %squeeze3A_593 : f32 to vector<16xf32>
        %mul3A_603 = arith.mulf %get3A_601, %mul3A_602 : vector<16xf32>
        %swap3A_604 = arith.index_cast %add3A_597 : i32 to index
        %swap3A_605 = arith.constant 0 : index
        %swap3A_606 = tpu.vector_load %arg11[%swap3A_604, %swap3A_605] {strides = array<i32>} : memref<128x128xf32, #tpu.memory_space<vmem>>, vector<1x16xf32>,
        %swap3A_607 = vector.shape_cast %swap3A_606 : vector<1x16xf32> to vector<16xf32>
        %swap3A_608 = vector.shape_cast %mul3A_603 : vector<16xf32> to vector<1x16xf32>
        tpu.vector_store %arg11[%swap3A_604, %swap3A_605], %swap3A_608 {strides = array<i32>} : memref<128x128xf32, #tpu.memory_space<vmem>>, vector<1x16xf32>,
        %get3A_609 = arith.index_cast %add3A_597 : i32 to index
        %get3A_610 = arith.constant 16 : index
        %get3A_611 = tpu.vector_load %arg11[%get3A_609, %get3A_610] {strides = array<i32>} : memref<128x128xf32, #tpu.memory_space<vmem>>, vector<1x16xf32>,
        %get3A_612 = vector.shape_cast %get3A_611 : vector<1x16xf32> to vector<16xf32>
        %mul3A_613 = vector.broadcast %squeeze3A_593 : f32 to vector<16xf32>
        %mul3A_614 = arith.mulf %get3A_612, %mul3A_613 : vector<16xf32>
        %swap3A_615 = arith.index_cast %add3A_597 : i32 to index
        %swap3A_616 = arith.constant 16 : index
        %swap3A_617 = tpu.vector_load %arg11[%swap3A_615, %swap3A_616] {strides = array<i32>} : memref<128x128xf32, #tpu.memory_space<vmem>>, vector<1x16xf32>,
        %swap3A_618 = vector.shape_cast %swap3A_617 : vector<1x16xf32> to vector<16xf32>
        %swap3A_619 = vector.shape_cast %mul3A_614 : vector<16xf32> to vector<1x16xf32>
        tpu.vector_store %arg11[%swap3A_615, %swap3A_616], %swap3A_619 {strides = array<i32>} : memref<128x128xf32, #tpu.memory_space<vmem>>, vector<1x16xf32>,
        %get3A_620 = arith.index_cast %add3A_597 : i32 to index
        %get3A_621 = arith.constant 32 : index
        %get3A_622 = tpu.vector_load %arg11[%get3A_620, %get3A_621] {strides = array<i32>} : memref<128x128xf32, #tpu.memory_space<vmem>>, vector<1x16xf32>,
        %get3A_623 = vector.shape_cast %get3A_622 : vector<1x16xf32> to vector<16xf32>
        %mul3A_624 = vector.broadcast %squeeze3A_593 : f32 to vector<16xf32>
        %mul3A_625 = arith.mulf %get3A_623, %mul3A_624 : vector<16xf32>
        %swap3A_626 = arith.index_cast %add3A_597 : i32 to index
        %swap3A_627 = arith.constant 32 : index
        %swap3A_628 = tpu.vector_load %arg11[%swap3A_626, %swap3A_627] {strides = array<i32>} : memref<128x128xf32, #tpu.memory_space<vmem>>, vector<1x16xf32>,
        %swap3A_629 = vector.shape_cast %swap3A_628 : vector<1x16xf32> to vector<16xf32>
        %swap3A_630 = vector.shape_cast %mul3A_625 : vector<16xf32> to vector<1x16xf32>
        tpu.vector_store %arg11[%swap3A_626, %swap3A_627], %swap3A_630 {strides = array<i32>} : memref<128x128xf32, #tpu.memory_space<vmem>>, vector<1x16xf32>,
        %get3A_631 = arith.index_cast %add3A_597 : i32 to index
        %get3A_632 = arith.constant 48 : index
        %get3A_633 = tpu.vector_load %arg11[%get3A_631, %get3A_632] {strides = array<i32>} : memref<128x128xf32, #tpu.memory_space<vmem>>, vector<1x16xf32>,
        %get3A_634 = vector.shape_cast %get3A_633 : vector<1x16xf32> to vector<16xf32>
        %mul3A_635 = vector.broadcast %squeeze3A_593 : f32 to vector<16xf32>
        %mul3A_636 = arith.mulf %get3A_634, %mul3A_635 : vector<16xf32>
        %swap3A_637 = arith.index_cast %add3A_597 : i32 to index
        %swap3A_638 = arith.constant 48 : index
        %swap3A_639 = tpu.vector_load %arg11[%swap3A_637, %swap3A_638] {strides = array<i32>} : memref<128x128xf32, #tpu.memory_space<vmem>>, vector<1x16xf32>,
        %swap3A_640 = vector.shape_cast %swap3A_639 : vector<1x16xf32> to vector<16xf32>
        %swap3A_641 = vector.shape_cast %mul3A_636 : vector<16xf32> to vector<1x16xf32>
        tpu.vector_store %arg11[%swap3A_637, %swap3A_638], %swap3A_641 {strides = array<i32>} : memref<128x128xf32, #tpu.memory_space<vmem>>, vector<1x16xf32>,
        %get3A_642 = arith.index_cast %add3A_597 : i32 to index
        %get3A_643 = arith.constant 64 : index
        %get3A_644 = tpu.vector_load %arg11[%get3A_642, %get3A_643] {strides = array<i32>} : memref<128x128xf32, #tpu.memory_space<vmem>>, vector<1x16xf32>,
        %get3A_645 = vector.shape_cast %get3A_644 : vector<1x16xf32> to vector<16xf32>
        %mul3A_646 = vector.broadcast %squeeze3A_593 : f32 to vector<16xf32>
        %mul3A_647 = arith.mulf %get3A_645, %mul3A_646 : vector<16xf32>
        %swap3A_648 = arith.index_cast %add3A_597 : i32 to index
        %swap3A_649 = arith.constant 64 : index
        %swap3A_650 = tpu.vector_load %arg11[%swap3A_648, %swap3A_649] {strides = array<i32>} : memref<128x128xf32, #tpu.memory_space<vmem>>, vector<1x16xf32>,
        %swap3A_651 = vector.shape_cast %swap3A_650 : vector<1x16xf32> to vector<16xf32>
        %swap3A_652 = vector.shape_cast %mul3A_647 : vector<16xf32> to vector<1x16xf32>
        tpu.vector_store %arg11[%swap3A_648, %swap3A_649], %swap3A_652 {strides = array<i32>} : memref<128x128xf32, #tpu.memory_space<vmem>>, vector<1x16xf32>,
        %get3A_653 = arith.index_cast %add3A_597 : i32 to index
        %get3A_654 = arith.constant 80 : index
        %get3A_655 = tpu.vector_load %arg11[%get3A_653, %get3A_654] {strides = array<i32>} : memref<128x128xf32, #tpu.memory_space<vmem>>, vector<1x16xf32>,
        %get3A_656 = vector.shape_cast %get3A_655 : vector<1x16xf32> to vector<16xf32>
        %mul3A_657 = vector.broadcast %squeeze3A_593 : f32 to vector<16xf32>
        %mul3A_658 = arith.mulf %get3A_656, %mul3A_657 : vector<16xf32>
        %swap3A_659 = arith.index_cast %add3A_597 : i32 to index
        %swap3A_660 = arith.constant 80 : index
        %swap3A_661 = tpu.vector_load %arg11[%swap3A_659, %swap3A_660] {strides = array<i32>} : memref<128x128xf32, #tpu.memory_space<vmem>>, vector<1x16xf32>,
        %swap3A_662 = vector.shape_cast %swap3A_661 : vector<1x16xf32> to vector<16xf32>
        %swap3A_663 = vector.shape_cast %mul3A_658 : vector<16xf32> to vector<1x16xf32>
        tpu.vector_store %arg11[%swap3A_659, %swap3A_660], %swap3A_663 {strides = array<i32>} : memref<128x128xf32, #tpu.memory_space<vmem>>, vector<1x16xf32>,
        %get3A_664 = arith.index_cast %add3A_597 : i32 to index
        %get3A_665 = arith.constant 96 : index
        %get3A_666 = tpu.vector_load %arg11[%get3A_664, %get3A_665] {strides = array<i32>} : memref<128x128xf32, #tpu.memory_space<vmem>>, vector<1x16xf32>,
        %get3A_667 = vector.shape_cast %get3A_666 : vector<1x16xf32> to vector<16xf32>
        %mul3A_668 = vector.broadcast %squeeze3A_593 : f32 to vector<16xf32>
        %mul3A_669 = arith.mulf %get3A_667, %mul3A_668 : vector<16xf32>
        %swap3A_670 = arith.index_cast %add3A_597 : i32 to index
        %swap3A_671 = arith.constant 96 : index
        %swap3A_672 = tpu.vector_load %arg11[%swap3A_670, %swap3A_671] {strides = array<i32>} : memref<128x128xf32, #tpu.memory_space<vmem>>, vector<1x16xf32>,
        %swap3A_673 = vector.shape_cast %swap3A_672 : vector<1x16xf32> to vector<16xf32>
        %swap3A_674 = vector.shape_cast %mul3A_669 : vector<16xf32> to vector<1x16xf32>
        tpu.vector_store %arg11[%swap3A_670, %swap3A_671], %swap3A_674 {strides = array<i32>} : memref<128x128xf32, #tpu.memory_space<vmem>>, vector<1x16xf32>,
        %get3A_675 = arith.index_cast %add3A_597 : i32 to index
        %get3A_676 = arith.constant 112 : index
        %get3A_677 = tpu.vector_load %arg11[%get3A_675, %get3A_676] {strides = array<i32>} : memref<128x128xf32, #tpu.memory_space<vmem>>, vector<1x16xf32>,
        %get3A_678 = vector.shape_cast %get3A_677 : vector<1x16xf32> to vector<16xf32>
        %mul3A_679 = vector.broadcast %squeeze3A_593 : f32 to vector<16xf32>
        %mul3A_680 = arith.mulf %get3A_678, %mul3A_679 : vector<16xf32>
        %swap3A_681 = arith.index_cast %add3A_597 : i32 to index
        %swap3A_682 = arith.constant 112 : index
        %swap3A_683 = tpu.vector_load %arg11[%swap3A_681, %swap3A_682] {strides = array<i32>} : memref<128x128xf32, #tpu.memory_space<vmem>>, vector<1x16xf32>,
        %swap3A_684 = vector.shape_cast %swap3A_683 : vector<1x16xf32> to vector<16xf32>
        %swap3A_685 = vector.shape_cast %mul3A_680 : vector<16xf32> to vector<1x16xf32>
        tpu.vector_store %arg11[%swap3A_681, %swap3A_682], %swap3A_685 {strides = array<i32>} : memref<128x128xf32, #tpu.memory_space<vmem>>, vector<1x16xf32>,
        %slice3A_686 = vector.extract_strided_slice %get3A_30 {offsets = [7], sizes = [1], strides = [1]} : vector<16xf32> to vector<1xf32>
        %squeeze3A_687 = vector.extract %slice3A_686[0] : f32 from vector<1xf32>
        %mul3A_688 = arith.constant 16 : i32
        %mul3A_689 = arith.muli %scan3A_26, %mul3A_688 : i32
        %add3A_690 = arith.constant 7 : i32
        %add3A_691 = arith.addi %mul3A_689, %add3A_690 : i32
        %get3A_692 = arith.index_cast %add3A_691 : i32 to index
        %get3A_693 = arith.constant 0 : index
        %get3A_694 = tpu.vector_load %arg11[%get3A_692, %get3A_693] {strides = array<i32>} : memref<128x128xf32, #tpu.memory_space<vmem>>, vector<1x16xf32>,
        %get3A_695 = vector.shape_cast %get3A_694 : vector<1x16xf32> to vector<16xf32>
        %mul3A_696 = vector.broadcast %squeeze3A_687 : f32 to vector<16xf32>
        %mul3A_697 = arith.mulf %get3A_695, %mul3A_696 : vector<16xf32>
        %swap3A_698 = arith.index_cast %add3A_691 : i32 to index
        %swap3A_699 = arith.constant 0 : index
        %swap3A_700 = tpu.vector_load %arg11[%swap3A_698, %swap3A_699] {strides = array<i32>} : memref<128x128xf32, #tpu.memory_space<vmem>>, vector<1x16xf32>,
        %swap3A_701 = vector.shape_cast %swap3A_700 : vector<1x16xf32> to vector<16xf32>
        %swap3A_702 = vector.shape_cast %mul3A_697 : vector<16xf32> to vector<1x16xf32>
        tpu.vector_store %arg11[%swap3A_698, %swap3A_699], %swap3A_702 {strides = array<i32>} : memref<128x128xf32, #tpu.memory_space<vmem>>, vector<1x16xf32>,
        %get3A_703 = arith.index_cast %add3A_691 : i32 to index
        %get3A_704 = arith.constant 16 : index
        %get3A_705 = tpu.vector_load %arg11[%get3A_703, %get3A_704] {strides = array<i32>} : memref<128x128xf32, #tpu.memory_space<vmem>>, vector<1x16xf32>,
        %get3A_706 = vector.shape_cast %get3A_705 : vector<1x16xf32> to vector<16xf32>
        %mul3A_707 = vector.broadcast %squeeze3A_687 : f32 to vector<16xf32>
        %mul3A_708 = arith.mulf %get3A_706, %mul3A_707 : vector<16xf32>
        %swap3A_709 = arith.index_cast %add3A_691 : i32 to index
        %swap3A_710 = arith.constant 16 : index
        %swap3A_711 = tpu.vector_load %arg11[%swap3A_709, %swap3A_710] {strides = array<i32>} : memref<128x128xf32, #tpu.memory_space<vmem>>, vector<1x16xf32>,
        %swap3A_712 = vector.shape_cast %swap3A_711 : vector<1x16xf32> to vector<16xf32>
        %swap3A_713 = vector.shape_cast %mul3A_708 : vector<16xf32> to vector<1x16xf32>
        tpu.vector_store %arg11[%swap3A_709, %swap3A_710], %swap3A_713 {strides = array<i32>} : memref<128x128xf32, #tpu.memory_space<vmem>>, vector<1x16xf32>,
        %get3A_714 = arith.index_cast %add3A_691 : i32 to index
        %get3A_715 = arith.constant 32 : index
        %get3A_716 = tpu.vector_load %arg11[%get3A_714, %get3A_715] {strides = array<i32>} : memref<128x128xf32, #tpu.memory_space<vmem>>, vector<1x16xf32>,
        %get3A_717 = vector.shape_cast %get3A_716 : vector<1x16xf32> to vector<16xf32>
        %mul3A_718 = vector.broadcast %squeeze3A_687 : f32 to vector<16xf32>
        %mul3A_719 = arith.mulf %get3A_717, %mul3A_718 : vector<16xf32>
        %swap3A_720 = arith.index_cast %add3A_691 : i32 to index
        %swap3A_721 = arith.constant 32 : index
        %swap3A_722 = tpu.vector_load %arg11[%swap3A_720, %swap3A_721] {strides = array<i32>} : memref<128x128xf32, #tpu.memory_space<vmem>>, vector<1x16xf32>,
        %swap3A_723 = vector.shape_cast %swap3A_722 : vector<1x16xf32> to vector<16xf32>
        %swap3A_724 = vector.shape_cast %mul3A_719 : vector<16xf32> to vector<1x16xf32>
        tpu.vector_store %arg11[%swap3A_720, %swap3A_721], %swap3A_724 {strides = array<i32>} : memref<128x128xf32, #tpu.memory_space<vmem>>, vector<1x16xf32>,
        %get3A_725 = arith.index_cast %add3A_691 : i32 to index
        %get3A_726 = arith.constant 48 : index
        %get3A_727 = tpu.vector_load %arg11[%get3A_725, %get3A_726] {strides = array<i32>} : memref<128x128xf32, #tpu.memory_space<vmem>>, vector<1x16xf32>,
        %get3A_728 = vector.shape_cast %get3A_727 : vector<1x16xf32> to vector<16xf32>
        %mul3A_729 = vector.broadcast %squeeze3A_687 : f32 to vector<16xf32>
        %mul3A_730 = arith.mulf %get3A_728, %mul3A_729 : vector<16xf32>
        %swap3A_731 = arith.index_cast %add3A_691 : i32 to index
        %swap3A_732 = arith.constant 48 : index
        %swap3A_733 = tpu.vector_load %arg11[%swap3A_731, %swap3A_732] {strides = array<i32>} : memref<128x128xf32, #tpu.memory_space<vmem>>, vector<1x16xf32>,
        %swap3A_734 = vector.shape_cast %swap3A_733 : vector<1x16xf32> to vector<16xf32>
        %swap3A_735 = vector.shape_cast %mul3A_730 : vector<16xf32> to vector<1x16xf32>
        tpu.vector_store %arg11[%swap3A_731, %swap3A_732], %swap3A_735 {strides = array<i32>} : memref<128x128xf32, #tpu.memory_space<vmem>>, vector<1x16xf32>,
        %get3A_736 = arith.index_cast %add3A_691 : i32 to index
        %get3A_737 = arith.constant 64 : index
        %get3A_738 = tpu.vector_load %arg11[%get3A_736, %get3A_737] {strides = array<i32>} : memref<128x128xf32, #tpu.memory_space<vmem>>, vector<1x16xf32>,
        %get3A_739 = vector.shape_cast %get3A_738 : vector<1x16xf32> to vector<16xf32>
        %mul3A_740 = vector.broadcast %squeeze3A_687 : f32 to vector<16xf32>
        %mul3A_741 = arith.mulf %get3A_739, %mul3A_740 : vector<16xf32>
        %swap3A_742 = arith.index_cast %add3A_691 : i32 to index
        %swap3A_743 = arith.constant 64 : index
        %swap3A_744 = tpu.vector_load %arg11[%swap3A_742, %swap3A_743] {strides = array<i32>} : memref<128x128xf32, #tpu.memory_space<vmem>>, vector<1x16xf32>,
        %swap3A_745 = vector.shape_cast %swap3A_744 : vector<1x16xf32> to vector<16xf32>
        %swap3A_746 = vector.shape_cast %mul3A_741 : vector<16xf32> to vector<1x16xf32>
        tpu.vector_store %arg11[%swap3A_742, %swap3A_743], %swap3A_746 {strides = array<i32>} : memref<128x128xf32, #tpu.memory_space<vmem>>, vector<1x16xf32>,
        %get3A_747 = arith.index_cast %add3A_691 : i32 to index
        %get3A_748 = arith.constant 80 : index
        %get3A_749 = tpu.vector_load %arg11[%get3A_747, %get3A_748] {strides = array<i32>} : memref<128x128xf32, #tpu.memory_space<vmem>>, vector<1x16xf32>,
        %get3A_750 = vector.shape_cast %get3A_749 : vector<1x16xf32> to vector<16xf32>
        %mul3A_751 = vector.broadcast %squeeze3A_687 : f32 to vector<16xf32>
        %mul3A_752 = arith.mulf %get3A_750, %mul3A_751 : vector<16xf32>
        %swap3A_753 = arith.index_cast %add3A_691 : i32 to index
        %swap3A_754 = arith.constant 80 : index
        %swap3A_755 = tpu.vector_load %arg11[%swap3A_753, %swap3A_754] {strides = array<i32>} : memref<128x128xf32, #tpu.memory_space<vmem>>, vector<1x16xf32>,
        %swap3A_756 = vector.shape_cast %swap3A_755 : vector<1x16xf32> to vector<16xf32>
        %swap3A_757 = vector.shape_cast %mul3A_752 : vector<16xf32> to vector<1x16xf32>
        tpu.vector_store %arg11[%swap3A_753, %swap3A_754], %swap3A_757 {strides = array<i32>} : memref<128x128xf32, #tpu.memory_space<vmem>>, vector<1x16xf32>,
        %get3A_758 = arith.index_cast %add3A_691 : i32 to index
        %get3A_759 = arith.constant 96 : index
        %get3A_760 = tpu.vector_load %arg11[%get3A_758, %get3A_759] {strides = array<i32>} : memref<128x128xf32, #tpu.memory_space<vmem>>, vector<1x16xf32>,
        %get3A_761 = vector.shape_cast %get3A_760 : vector<1x16xf32> to vector<16xf32>
        %mul3A_762 = vector.broadcast %squeeze3A_687 : f32 to vector<16xf32>
        %mul3A_763 = arith.mulf %get3A_761, %mul3A_762 : vector<16xf32>
        %swap3A_764 = arith.index_cast %add3A_691 : i32 to index
        %swap3A_765 = arith.constant 96 : index
        %swap3A_766 = tpu.vector_load %arg11[%swap3A_764, %swap3A_765] {strides = array<i32>} : memref<128x128xf32, #tpu.memory_space<vmem>>, vector<1x16xf32>,
        %swap3A_767 = vector.shape_cast %swap3A_766 : vector<1x16xf32> to vector<16xf32>
        %swap3A_768 = vector.shape_cast %mul3A_763 : vector<16xf32> to vector<1x16xf32>
        tpu.vector_store %arg11[%swap3A_764, %swap3A_765], %swap3A_768 {strides = array<i32>} : memref<128x128xf32, #tpu.memory_space<vmem>>, vector<1x16xf32>,
        %get3A_769 = arith.index_cast %add3A_691 : i32 to index
        %get3A_770 = arith.constant 112 : index
        %get3A_771 = tpu.vector_load %arg11[%get3A_769, %get3A_770] {strides = array<i32>} : memref<128x128xf32, #tpu.memory_space<vmem>>, vector<1x16xf32>,
        %get3A_772 = vector.shape_cast %get3A_771 : vector<1x16xf32> to vector<16xf32>
        %mul3A_773 = vector.broadcast %squeeze3A_687 : f32 to vector<16xf32>
        %mul3A_774 = arith.mulf %get3A_772, %mul3A_773 : vector<16xf32>
        %swap3A_775 = arith.index_cast %add3A_691 : i32 to index
        %swap3A_776 = arith.constant 112 : index
        %swap3A_777 = tpu.vector_load %arg11[%swap3A_775, %swap3A_776] {strides = array<i32>} : memref<128x128xf32, #tpu.memory_space<vmem>>, vector<1x16xf32>,
        %swap3A_778 = vector.shape_cast %swap3A_777 : vector<1x16xf32> to vector<16xf32>
        %swap3A_779 = vector.shape_cast %mul3A_774 : vector<16xf32> to vector<1x16xf32>
        tpu.vector_store %arg11[%swap3A_775, %swap3A_776], %swap3A_779 {strides = array<i32>} : memref<128x128xf32, #tpu.memory_space<vmem>>, vector<1x16xf32>,
        %slice3A_780 = vector.extract_strided_slice %get3A_30 {offsets = [8], sizes = [1], strides = [1]} : vector<16xf32> to vector<1xf32>
        %squeeze3A_781 = vector.extract %slice3A_780[0] : f32 from vector<1xf32>
        %mul3A_782 = arith.constant 16 : i32
        %mul3A_783 = arith.muli %scan3A_26, %mul3A_782 : i32
        %add3A_784 = arith.constant 8 : i32
        %add3A_785 = arith.addi %mul3A_783, %add3A_784 : i32
        %get3A_786 = arith.index_cast %add3A_785 : i32 to index
        %get3A_787 = arith.constant 0 : index
        %get3A_788 = tpu.vector_load %arg11[%get3A_786, %get3A_787] {strides = array<i32>} : memref<128x128xf32, #tpu.memory_space<vmem>>, vector<1x16xf32>,
        %get3A_789 = vector.shape_cast %get3A_788 : vector<1x16xf32> to vector<16xf32>
        %mul3A_790 = vector.broadcast %squeeze3A_781 : f32 to vector<16xf32>
        %mul3A_791 = arith.mulf %get3A_789, %mul3A_790 : vector<16xf32>
        %swap3A_792 = arith.index_cast %add3A_785 : i32 to index
        %swap3A_793 = arith.constant 0 : index
        %swap3A_794 = tpu.vector_load %arg11[%swap3A_792, %swap3A_793] {strides = array<i32>} : memref<128x128xf32, #tpu.memory_space<vmem>>, vector<1x16xf32>,
        %swap3A_795 = vector.shape_cast %swap3A_794 : vector<1x16xf32> to vector<16xf32>
        %swap3A_796 = vector.shape_cast %mul3A_791 : vector<16xf32> to vector<1x16xf32>
        tpu.vector_store %arg11[%swap3A_792, %swap3A_793], %swap3A_796 {strides = array<i32>} : memref<128x128xf32, #tpu.memory_space<vmem>>, vector<1x16xf32>,
        %get3A_797 = arith.index_cast %add3A_785 : i32 to index
        %get3A_798 = arith.constant 16 : index
        %get3A_799 = tpu.vector_load %arg11[%get3A_797, %get3A_798] {strides = array<i32>} : memref<128x128xf32, #tpu.memory_space<vmem>>, vector<1x16xf32>,
        %get3A_800 = vector.shape_cast %get3A_799 : vector<1x16xf32> to vector<16xf32>
        %mul3A_801 = vector.broadcast %squeeze3A_781 : f32 to vector<16xf32>
        %mul3A_802 = arith.mulf %get3A_800, %mul3A_801 : vector<16xf32>
        %swap3A_803 = arith.index_cast %add3A_785 : i32 to index
        %swap3A_804 = arith.constant 16 : index
        %swap3A_805 = tpu.vector_load %arg11[%swap3A_803, %swap3A_804] {strides = array<i32>} : memref<128x128xf32, #tpu.memory_space<vmem>>, vector<1x16xf32>,
        %swap3A_806 = vector.shape_cast %swap3A_805 : vector<1x16xf32> to vector<16xf32>
        %swap3A_807 = vector.shape_cast %mul3A_802 : vector<16xf32> to vector<1x16xf32>
        tpu.vector_store %arg11[%swap3A_803, %swap3A_804], %swap3A_807 {strides = array<i32>} : memref<128x128xf32, #tpu.memory_space<vmem>>, vector<1x16xf32>,
        %get3A_808 = arith.index_cast %add3A_785 : i32 to index
        %get3A_809 = arith.constant 32 : index
        %get3A_810 = tpu.vector_load %arg11[%get3A_808, %get3A_809] {strides = array<i32>} : memref<128x128xf32, #tpu.memory_space<vmem>>, vector<1x16xf32>,
        %get3A_811 = vector.shape_cast %get3A_810 : vector<1x16xf32> to vector<16xf32>
        %mul3A_812 = vector.broadcast %squeeze3A_781 : f32 to vector<16xf32>
        %mul3A_813 = arith.mulf %get3A_811, %mul3A_812 : vector<16xf32>
        %swap3A_814 = arith.index_cast %add3A_785 : i32 to index
        %swap3A_815 = arith.constant 32 : index
        %swap3A_816 = tpu.vector_load %arg11[%swap3A_814, %swap3A_815] {strides = array<i32>} : memref<128x128xf32, #tpu.memory_space<vmem>>, vector<1x16xf32>,
        %swap3A_817 = vector.shape_cast %swap3A_816 : vector<1x16xf32> to vector<16xf32>
        %swap3A_818 = vector.shape_cast %mul3A_813 : vector<16xf32> to vector<1x16xf32>
        tpu.vector_store %arg11[%swap3A_814, %swap3A_815], %swap3A_818 {strides = array<i32>} : memref<128x128xf32, #tpu.memory_space<vmem>>, vector<1x16xf32>,
        %get3A_819 = arith.index_cast %add3A_785 : i32 to index
        %get3A_820 = arith.constant 48 : index
        %get3A_821 = tpu.vector_load %arg11[%get3A_819, %get3A_820] {strides = array<i32>} : memref<128x128xf32, #tpu.memory_space<vmem>>, vector<1x16xf32>,
        %get3A_822 = vector.shape_cast %get3A_821 : vector<1x16xf32> to vector<16xf32>
        %mul3A_823 = vector.broadcast %squeeze3A_781 : f32 to vector<16xf32>
        %mul3A_824 = arith.mulf %get3A_822, %mul3A_823 : vector<16xf32>
        %swap3A_825 = arith.index_cast %add3A_785 : i32 to index
        %swap3A_826 = arith.constant 48 : index
        %swap3A_827 = tpu.vector_load %arg11[%swap3A_825, %swap3A_826] {strides = array<i32>} : memref<128x128xf32, #tpu.memory_space<vmem>>, vector<1x16xf32>,
        %swap3A_828 = vector.shape_cast %swap3A_827 : vector<1x16xf32> to vector<16xf32>
        %swap3A_829 = vector.shape_cast %mul3A_824 : vector<16xf32> to vector<1x16xf32>
        tpu.vector_store %arg11[%swap3A_825, %swap3A_826], %swap3A_829 {strides = array<i32>} : memref<128x128xf32, #tpu.memory_space<vmem>>, vector<1x16xf32>,
        %get3A_830 = arith.index_cast %add3A_785 : i32 to index
        %get3A_831 = arith.constant 64 : index
        %get3A_832 = tpu.vector_load %arg11[%get3A_830, %get3A_831] {strides = array<i32>} : memref<128x128xf32, #tpu.memory_space<vmem>>, vector<1x16xf32>,
        %get3A_833 = vector.shape_cast %get3A_832 : vector<1x16xf32> to vector<16xf32>
        %mul3A_834 = vector.broadcast %squeeze3A_781 : f32 to vector<16xf32>
        %mul3A_835 = arith.mulf %get3A_833, %mul3A_834 : vector<16xf32>
        %swap3A_836 = arith.index_cast %add3A_785 : i32 to index
        %swap3A_837 = arith.constant 64 : index
        %swap3A_838 = tpu.vector_load %arg11[%swap3A_836, %swap3A_837] {strides = array<i32>} : memref<128x128xf32, #tpu.memory_space<vmem>>, vector<1x16xf32>,
        %swap3A_839 = vector.shape_cast %swap3A_838 : vector<1x16xf32> to vector<16xf32>
        %swap3A_840 = vector.shape_cast %mul3A_835 : vector<16xf32> to vector<1x16xf32>
        tpu.vector_store %arg11[%swap3A_836, %swap3A_837], %swap3A_840 {strides = array<i32>} : memref<128x128xf32, #tpu.memory_space<vmem>>, vector<1x16xf32>,
        %get3A_841 = arith.index_cast %add3A_785 : i32 to index
        %get3A_842 = arith.constant 80 : index
        %get3A_843 = tpu.vector_load %arg11[%get3A_841, %get3A_842] {strides = array<i32>} : memref<128x128xf32, #tpu.memory_space<vmem>>, vector<1x16xf32>,
        %get3A_844 = vector.shape_cast %get3A_843 : vector<1x16xf32> to vector<16xf32>
        %mul3A_845 = vector.broadcast %squeeze3A_781 : f32 to vector<16xf32>
        %mul3A_846 = arith.mulf %get3A_844, %mul3A_845 : vector<16xf32>
        %swap3A_847 = arith.index_cast %add3A_785 : i32 to index
        %swap3A_848 = arith.constant 80 : index
        %swap3A_849 = tpu.vector_load %arg11[%swap3A_847, %swap3A_848] {strides = array<i32>} : memref<128x128xf32, #tpu.memory_space<vmem>>, vector<1x16xf32>,
        %swap3A_850 = vector.shape_cast %swap3A_849 : vector<1x16xf32> to vector<16xf32>
        %swap3A_851 = vector.shape_cast %mul3A_846 : vector<16xf32> to vector<1x16xf32>
        tpu.vector_store %arg11[%swap3A_847, %swap3A_848], %swap3A_851 {strides = array<i32>} : memref<128x128xf32, #tpu.memory_space<vmem>>, vector<1x16xf32>,
        %get3A_852 = arith.index_cast %add3A_785 : i32 to index
        %get3A_853 = arith.constant 96 : index
        %get3A_854 = tpu.vector_load %arg11[%get3A_852, %get3A_853] {strides = array<i32>} : memref<128x128xf32, #tpu.memory_space<vmem>>, vector<1x16xf32>,
        %get3A_855 = vector.shape_cast %get3A_854 : vector<1x16xf32> to vector<16xf32>
        %mul3A_856 = vector.broadcast %squeeze3A_781 : f32 to vector<16xf32>
        %mul3A_857 = arith.mulf %get3A_855, %mul3A_856 : vector<16xf32>
        %swap3A_858 = arith.index_cast %add3A_785 : i32 to index
        %swap3A_859 = arith.constant 96 : index
        %swap3A_860 = tpu.vector_load %arg11[%swap3A_858, %swap3A_859] {strides = array<i32>} : memref<128x128xf32, #tpu.memory_space<vmem>>, vector<1x16xf32>,
        %swap3A_861 = vector.shape_cast %swap3A_860 : vector<1x16xf32> to vector<16xf32>
        %swap3A_862 = vector.shape_cast %mul3A_857 : vector<16xf32> to vector<1x16xf32>
        tpu.vector_store %arg11[%swap3A_858, %swap3A_859], %swap3A_862 {strides = array<i32>} : memref<128x128xf32, #tpu.memory_space<vmem>>, vector<1x16xf32>,
        %get3A_863 = arith.index_cast %add3A_785 : i32 to index
        %get3A_864 = arith.constant 112 : index
        %get3A_865 = tpu.vector_load %arg11[%get3A_863, %get3A_864] {strides = array<i32>} : memref<128x128xf32, #tpu.memory_space<vmem>>, vector<1x16xf32>,
        %get3A_866 = vector.shape_cast %get3A_865 : vector<1x16xf32> to vector<16xf32>
        %mul3A_867 = vector.broadcast %squeeze3A_781 : f32 to vector<16xf32>
        %mul3A_868 = arith.mulf %get3A_866, %mul3A_867 : vector<16xf32>
        %swap3A_869 = arith.index_cast %add3A_785 : i32 to index
        %swap3A_870 = arith.constant 112 : index
        %swap3A_871 = tpu.vector_load %arg11[%swap3A_869, %swap3A_870] {strides = array<i32>} : memref<128x128xf32, #tpu.memory_space<vmem>>, vector<1x16xf32>,
        %swap3A_872 = vector.shape_cast %swap3A_871 : vector<1x16xf32> to vector<16xf32>
        %swap3A_873 = vector.shape_cast %mul3A_868 : vector<16xf32> to vector<1x16xf32>
        tpu.vector_store %arg11[%swap3A_869, %swap3A_870], %swap3A_873 {strides = array<i32>} : memref<128x128xf32, #tpu.memory_space<vmem>>, vector<1x16xf32>,
        %slice3A_874 = vector.extract_strided_slice %get3A_30 {offsets = [9], sizes = [1], strides = [1]} : vector<16xf32> to vector<1xf32>
        %squeeze3A_875 = vector.extract %slice3A_874[0] : f32 from vector<1xf32>
        %mul3A_876 = arith.constant 16 : i32
        %mul3A_877 = arith.muli %scan3A_26, %mul3A_876 : i32
        %add3A_878 = arith.constant 9 : i32
        %add3A_879 = arith.addi %mul3A_877, %add3A_878 : i32
        %get3A_880 = arith.index_cast %add3A_879 : i32 to index
        %get3A_881 = arith.constant 0 : index
        %get3A_882 = tpu.vector_load %arg11[%get3A_880, %get3A_881] {strides = array<i32>} : memref<128x128xf32, #tpu.memory_space<vmem>>, vector<1x16xf32>,
        %get3A_883 = vector.shape_cast %get3A_882 : vector<1x16xf32> to vector<16xf32>
        %mul3A_884 = vector.broadcast %squeeze3A_875 : f32 to vector<16xf32>
        %mul3A_885 = arith.mulf %get3A_883, %mul3A_884 : vector<16xf32>
        %swap3A_886 = arith.index_cast %add3A_879 : i32 to index
        %swap3A_887 = arith.constant 0 : index
        %swap3A_888 = tpu.vector_load %arg11[%swap3A_886, %swap3A_887] {strides = array<i32>} : memref<128x128xf32, #tpu.memory_space<vmem>>, vector<1x16xf32>,
        %swap3A_889 = vector.shape_cast %swap3A_888 : vector<1x16xf32> to vector<16xf32>
        %swap3A_890 = vector.shape_cast %mul3A_885 : vector<16xf32> to vector<1x16xf32>
        tpu.vector_store %arg11[%swap3A_886, %swap3A_887], %swap3A_890 {strides = array<i32>} : memref<128x128xf32, #tpu.memory_space<vmem>>, vector<1x16xf32>,
        %get3A_891 = arith.index_cast %add3A_879 : i32 to index
        %get3A_892 = arith.constant 16 : index
        %get3A_893 = tpu.vector_load %arg11[%get3A_891, %get3A_892] {strides = array<i32>} : memref<128x128xf32, #tpu.memory_space<vmem>>, vector<1x16xf32>,
        %get3A_894 = vector.shape_cast %get3A_893 : vector<1x16xf32> to vector<16xf32>
        %mul3A_895 = vector.broadcast %squeeze3A_875 : f32 to vector<16xf32>
        %mul3A_896 = arith.mulf %get3A_894, %mul3A_895 : vector<16xf32>
        %swap3A_897 = arith.index_cast %add3A_879 : i32 to index
        %swap3A_898 = arith.constant 16 : index
        %swap3A_899 = tpu.vector_load %arg11[%swap3A_897, %swap3A_898] {strides = array<i32>} : memref<128x128xf32, #tpu.memory_space<vmem>>, vector<1x16xf32>,
        %swap3A_900 = vector.shape_cast %swap3A_899 : vector<1x16xf32> to vector<16xf32>
        %swap3A_901 = vector.shape_cast %mul3A_896 : vector<16xf32> to vector<1x16xf32>
        tpu.vector_store %arg11[%swap3A_897, %swap3A_898], %swap3A_901 {strides = array<i32>} : memref<128x128xf32, #tpu.memory_space<vmem>>, vector<1x16xf32>,
        %get3A_902 = arith.index_cast %add3A_879 : i32 to index
        %get3A_903 = arith.constant 32 : index
        %get3A_904 = tpu.vector_load %arg11[%get3A_902, %get3A_903] {strides = array<i32>} : memref<128x128xf32, #tpu.memory_space<vmem>>, vector<1x16xf32>,
        %get3A_905 = vector.shape_cast %get3A_904 : vector<1x16xf32> to vector<16xf32>
        %mul3A_906 = vector.broadcast %squeeze3A_875 : f32 to vector<16xf32>
        %mul3A_907 = arith.mulf %get3A_905, %mul3A_906 : vector<16xf32>
        %swap3A_908 = arith.index_cast %add3A_879 : i32 to index
        %swap3A_909 = arith.constant 32 : index
        %swap3A_910 = tpu.vector_load %arg11[%swap3A_908, %swap3A_909] {strides = array<i32>} : memref<128x128xf32, #tpu.memory_space<vmem>>, vector<1x16xf32>,
        %swap3A_911 = vector.shape_cast %swap3A_910 : vector<1x16xf32> to vector<16xf32>
        %swap3A_912 = vector.shape_cast %mul3A_907 : vector<16xf32> to vector<1x16xf32>
        tpu.vector_store %arg11[%swap3A_908, %swap3A_909], %swap3A_912 {strides = array<i32>} : memref<128x128xf32, #tpu.memory_space<vmem>>, vector<1x16xf32>,
        %get3A_913 = arith.index_cast %add3A_879 : i32 to index
        %get3A_914 = arith.constant 48 : index
        %get3A_915 = tpu.vector_load %arg11[%get3A_913, %get3A_914] {strides = array<i32>} : memref<128x128xf32, #tpu.memory_space<vmem>>, vector<1x16xf32>,
        %get3A_916 = vector.shape_cast %get3A_915 : vector<1x16xf32> to vector<16xf32>
        %mul3A_917 = vector.broadcast %squeeze3A_875 : f32 to vector<16xf32>
        %mul3A_918 = arith.mulf %get3A_916, %mul3A_917 : vector<16xf32>
        %swap3A_919 = arith.index_cast %add3A_879 : i32 to index
        %swap3A_920 = arith.constant 48 : index
        %swap3A_921 = tpu.vector_load %arg11[%swap3A_919, %swap3A_920] {strides = array<i32>} : memref<128x128xf32, #tpu.memory_space<vmem>>, vector<1x16xf32>,
        %swap3A_922 = vector.shape_cast %swap3A_921 : vector<1x16xf32> to vector<16xf32>
        %swap3A_923 = vector.shape_cast %mul3A_918 : vector<16xf32> to vector<1x16xf32>
        tpu.vector_store %arg11[%swap3A_919, %swap3A_920], %swap3A_923 {strides = array<i32>} : memref<128x128xf32, #tpu.memory_space<vmem>>, vector<1x16xf32>,
        %get3A_924 = arith.index_cast %add3A_879 : i32 to index
        %get3A_925 = arith.constant 64 : index
        %get3A_926 = tpu.vector_load %arg11[%get3A_924, %get3A_925] {strides = array<i32>} : memref<128x128xf32, #tpu.memory_space<vmem>>, vector<1x16xf32>,
        %get3A_927 = vector.shape_cast %get3A_926 : vector<1x16xf32> to vector<16xf32>
        %mul3A_928 = vector.broadcast %squeeze3A_875 : f32 to vector<16xf32>
        %mul3A_929 = arith.mulf %get3A_927, %mul3A_928 : vector<16xf32>
        %swap3A_930 = arith.index_cast %add3A_879 : i32 to index
        %swap3A_931 = arith.constant 64 : index
        %swap3A_932 = tpu.vector_load %arg11[%swap3A_930, %swap3A_931] {strides = array<i32>} : memref<128x128xf32, #tpu.memory_space<vmem>>, vector<1x16xf32>,
        %swap3A_933 = vector.shape_cast %swap3A_932 : vector<1x16xf32> to vector<16xf32>
        %swap3A_934 = vector.shape_cast %mul3A_929 : vector<16xf32> to vector<1x16xf32>
        tpu.vector_store %arg11[%swap3A_930, %swap3A_931], %swap3A_934 {strides = array<i32>} : memref<128x128xf32, #tpu.memory_space<vmem>>, vector<1x16xf32>,
        %get3A_935 = arith.index_cast %add3A_879 : i32 to index
        %get3A_936 = arith.constant 80 : index
        %get3A_937 = tpu.vector_load %arg11[%get3A_935, %get3A_936] {strides = array<i32>} : memref<128x128xf32, #tpu.memory_space<vmem>>, vector<1x16xf32>,
        %get3A_938 = vector.shape_cast %get3A_937 : vector<1x16xf32> to vector<16xf32>
        %mul3A_939 = vector.broadcast %squeeze3A_875 : f32 to vector<16xf32>
        %mul3A_940 = arith.mulf %get3A_938, %mul3A_939 : vector<16xf32>
        %swap3A_941 = arith.index_cast %add3A_879 : i32 to index
        %swap3A_942 = arith.constant 80 : index
        %swap3A_943 = tpu.vector_load %arg11[%swap3A_941, %swap3A_942] {strides = array<i32>} : memref<128x128xf32, #tpu.memory_space<vmem>>, vector<1x16xf32>,
        %swap3A_944 = vector.shape_cast %swap3A_943 : vector<1x16xf32> to vector<16xf32>
        %swap3A_945 = vector.shape_cast %mul3A_940 : vector<16xf32> to vector<1x16xf32>
        tpu.vector_store %arg11[%swap3A_941, %swap3A_942], %swap3A_945 {strides = array<i32>} : memref<128x128xf32, #tpu.memory_space<vmem>>, vector<1x16xf32>,
        %get3A_946 = arith.index_cast %add3A_879 : i32 to index
        %get3A_947 = arith.constant 96 : index
        %get3A_948 = tpu.vector_load %arg11[%get3A_946, %get3A_947] {strides = array<i32>} : memref<128x128xf32, #tpu.memory_space<vmem>>, vector<1x16xf32>,
        %get3A_949 = vector.shape_cast %get3A_948 : vector<1x16xf32> to vector<16xf32>
        %mul3A_950 = vector.broadcast %squeeze3A_875 : f32 to vector<16xf32>
        %mul3A_951 = arith.mulf %get3A_949, %mul3A_950 : vector<16xf32>
        %swap3A_952 = arith.index_cast %add3A_879 : i32 to index
        %swap3A_953 = arith.constant 96 : index
        %swap3A_954 = tpu.vector_load %arg11[%swap3A_952, %swap3A_953] {strides = array<i32>} : memref<128x128xf32, #tpu.memory_space<vmem>>, vector<1x16xf32>,
        %swap3A_955 = vector.shape_cast %swap3A_954 : vector<1x16xf32> to vector<16xf32>
        %swap3A_956 = vector.shape_cast %mul3A_951 : vector<16xf32> to vector<1x16xf32>
        tpu.vector_store %arg11[%swap3A_952, %swap3A_953], %swap3A_956 {strides = array<i32>} : memref<128x128xf32, #tpu.memory_space<vmem>>, vector<1x16xf32>,
        %get3A_957 = arith.index_cast %add3A_879 : i32 to index
        %get3A_958 = arith.constant 112 : index
        %get3A_959 = tpu.vector_load %arg11[%get3A_957, %get3A_958] {strides = array<i32>} : memref<128x128xf32, #tpu.memory_space<vmem>>, vector<1x16xf32>,
        %get3A_960 = vector.shape_cast %get3A_959 : vector<1x16xf32> to vector<16xf32>
        %mul3A_961 = vector.broadcast %squeeze3A_875 : f32 to vector<16xf32>
        %mul3A_962 = arith.mulf %get3A_960, %mul3A_961 : vector<16xf32>
        %swap3A_963 = arith.index_cast %add3A_879 : i32 to index
        %swap3A_964 = arith.constant 112 : index
        %swap3A_965 = tpu.vector_load %arg11[%swap3A_963, %swap3A_964] {strides = array<i32>} : memref<128x128xf32, #tpu.memory_space<vmem>>, vector<1x16xf32>,
        %swap3A_966 = vector.shape_cast %swap3A_965 : vector<1x16xf32> to vector<16xf32>
        %swap3A_967 = vector.shape_cast %mul3A_962 : vector<16xf32> to vector<1x16xf32>
        tpu.vector_store %arg11[%swap3A_963, %swap3A_964], %swap3A_967 {strides = array<i32>} : memref<128x128xf32, #tpu.memory_space<vmem>>, vector<1x16xf32>,
        %slice3A_968 = vector.extract_strided_slice %get3A_30 {offsets = [10], sizes = [1], strides = [1]} : vector<16xf32> to vector<1xf32>
        %squeeze3A_969 = vector.extract %slice3A_968[0] : f32 from vector<1xf32>
        %mul3A_970 = arith.constant 16 : i32
        %mul3A_971 = arith.muli %scan3A_26, %mul3A_970 : i32
        %add3A_972 = arith.constant 10 : i32
        %add3A_973 = arith.addi %mul3A_971, %add3A_972 : i32
        %get3A_974 = arith.index_cast %add3A_973 : i32 to index
        %get3A_975 = arith.constant 0 : index
        %get3A_976 = tpu.vector_load %arg11[%get3A_974, %get3A_975] {strides = array<i32>} : memref<128x128xf32, #tpu.memory_space<vmem>>, vector<1x16xf32>,
        %get3A_977 = vector.shape_cast %get3A_976 : vector<1x16xf32> to vector<16xf32>
        %mul3A_978 = vector.broadcast %squeeze3A_969 : f32 to vector<16xf32>
        %mul3A_979 = arith.mulf %get3A_977, %mul3A_978 : vector<16xf32>
        %swap3A_980 = arith.index_cast %add3A_973 : i32 to index
        %swap3A_981 = arith.constant 0 : index
        %swap3A_982 = tpu.vector_load %arg11[%swap3A_980, %swap3A_981] {strides = array<i32>} : memref<128x128xf32, #tpu.memory_space<vmem>>, vector<1x16xf32>,
        %swap3A_983 = vector.shape_cast %swap3A_982 : vector<1x16xf32> to vector<16xf32>
        %swap3A_984 = vector.shape_cast %mul3A_979 : vector<16xf32> to vector<1x16xf32>
        tpu.vector_store %arg11[%swap3A_980, %swap3A_981], %swap3A_984 {strides = array<i32>} : memref<128x128xf32, #tpu.memory_space<vmem>>, vector<1x16xf32>,
        %get3A_985 = arith.index_cast %add3A_973 : i32 to index
        %get3A_986 = arith.constant 16 : index
        %get3A_987 = tpu.vector_load %arg11[%get3A_985, %get3A_986] {strides = array<i32>} : memref<128x128xf32, #tpu.memory_space<vmem>>, vector<1x16xf32>,
        %get3A_988 = vector.shape_cast %get3A_987 : vector<1x16xf32> to vector<16xf32>
        %mul3A_989 = vector.broadcast %squeeze3A_969 : f32 to vector<16xf32>
        %mul3A_990 = arith.mulf %get3A_988, %mul3A_989 : vector<16xf32>
        %swap3A_991 = arith.index_cast %add3A_973 : i32 to index
        %swap3A_992 = arith.constant 16 : index
        %swap3A_993 = tpu.vector_load %arg11[%swap3A_991, %swap3A_992] {strides = array<i32>} : memref<128x128xf32, #tpu.memory_space<vmem>>, vector<1x16xf32>,
        %swap3A_994 = vector.shape_cast %swap3A_993 : vector<1x16xf32> to vector<16xf32>
        %swap3A_995 = vector.shape_cast %mul3A_990 : vector<16xf32> to vector<1x16xf32>
        tpu.vector_store %arg11[%swap3A_991, %swap3A_992], %swap3A_995 {strides = array<i32>} : memref<128x128xf32, #tpu.memory_space<vmem>>, vector<1x16xf32>,
        %get3A_996 = arith.index_cast %add3A_973 : i32 to index
        %get3A_997 = arith.constant 32 : index
        %get3A_998 = tpu.vector_load %arg11[%get3A_996, %get3A_997] {strides = array<i32>} : memref<128x128xf32, #tpu.memory_space<vmem>>, vector<1x16xf32>,
        %get3A_999 = vector.shape_cast %get3A_998 : vector<1x16xf32> to vector<16xf32>
        %mul3A_1000 = vector.broadcast %squeeze3A_969 : f32 to vector<16xf32>
        %mul3A_1001 = arith.mulf %get3A_999, %mul3A_1000 : vector<16xf32>
        %swap3A_1002 = arith.index_cast %add3A_973 : i32 to index
        %swap3A_1003 = arith.constant 32 : index
        %swap3A_1004 = tpu.vector_load %arg11[%swap3A_1002, %swap3A_1003] {strides = array<i32>} : memref<128x128xf32, #tpu.memory_space<vmem>>, vector<1x16xf32>,
        %swap3A_1005 = vector.shape_cast %swap3A_1004 : vector<1x16xf32> to vector<16xf32>
        %swap3A_1006 = vector.shape_cast %mul3A_1001 : vector<16xf32> to vector<1x16xf32>
        tpu.vector_store %arg11[%swap3A_1002, %swap3A_1003], %swap3A_1006 {strides = array<i32>} : memref<128x128xf32, #tpu.memory_space<vmem>>, vector<1x16xf32>,
        %get3A_1007 = arith.index_cast %add3A_973 : i32 to index
        %get3A_1008 = arith.constant 48 : index
        %get3A_1009 = tpu.vector_load %arg11[%get3A_1007, %get3A_1008] {strides = array<i32>} : memref<128x128xf32, #tpu.memory_space<vmem>>, vector<1x16xf32>,
        %get3A_1010 = vector.shape_cast %get3A_1009 : vector<1x16xf32> to vector<16xf32>
        %mul3A_1011 = vector.broadcast %squeeze3A_969 : f32 to vector<16xf32>
        %mul3A_1012 = arith.mulf %get3A_1010, %mul3A_1011 : vector<16xf32>
        %swap3A_1013 = arith.index_cast %add3A_973 : i32 to index
        %swap3A_1014 = arith.constant 48 : index
        %swap3A_1015 = tpu.vector_load %arg11[%swap3A_1013, %swap3A_1014] {strides = array<i32>} : memref<128x128xf32, #tpu.memory_space<vmem>>, vector<1x16xf32>,
        %swap3A_1016 = vector.shape_cast %swap3A_1015 : vector<1x16xf32> to vector<16xf32>
        %swap3A_1017 = vector.shape_cast %mul3A_1012 : vector<16xf32> to vector<1x16xf32>
        tpu.vector_store %arg11[%swap3A_1013, %swap3A_1014], %swap3A_1017 {strides = array<i32>} : memref<128x128xf32, #tpu.memory_space<vmem>>, vector<1x16xf32>,
        %get3A_1018 = arith.index_cast %add3A_973 : i32 to index
        %get3A_1019 = arith.constant 64 : index
        %get3A_1020 = tpu.vector_load %arg11[%get3A_1018, %get3A_1019] {strides = array<i32>} : memref<128x128xf32, #tpu.memory_space<vmem>>, vector<1x16xf32>,
        %get3A_1021 = vector.shape_cast %get3A_1020 : vector<1x16xf32> to vector<16xf32>
        %mul3A_1022 = vector.broadcast %squeeze3A_969 : f32 to vector<16xf32>
        %mul3A_1023 = arith.mulf %get3A_1021, %mul3A_1022 : vector<16xf32>
        %swap3A_1024 = arith.index_cast %add3A_973 : i32 to index
        %swap3A_1025 = arith.constant 64 : index
        %swap3A_1026 = tpu.vector_load %arg11[%swap3A_1024, %swap3A_1025] {strides = array<i32>} : memref<128x128xf32, #tpu.memory_space<vmem>>, vector<1x16xf32>,
        %swap3A_1027 = vector.shape_cast %swap3A_1026 : vector<1x16xf32> to vector<16xf32>
        %swap3A_1028 = vector.shape_cast %mul3A_1023 : vector<16xf32> to vector<1x16xf32>
        tpu.vector_store %arg11[%swap3A_1024, %swap3A_1025], %swap3A_1028 {strides = array<i32>} : memref<128x128xf32, #tpu.memory_space<vmem>>, vector<1x16xf32>,
        %get3A_1029 = arith.index_cast %add3A_973 : i32 to index
        %get3A_1030 = arith.constant 80 : index
        %get3A_1031 = tpu.vector_load %arg11[%get3A_1029, %get3A_1030] {strides = array<i32>} : memref<128x128xf32, #tpu.memory_space<vmem>>, vector<1x16xf32>,
        %get3A_1032 = vector.shape_cast %get3A_1031 : vector<1x16xf32> to vector<16xf32>
        %mul3A_1033 = vector.broadcast %squeeze3A_969 : f32 to vector<16xf32>
        %mul3A_1034 = arith.mulf %get3A_1032, %mul3A_1033 : vector<16xf32>
        %swap3A_1035 = arith.index_cast %add3A_973 : i32 to index
        %swap3A_1036 = arith.constant 80 : index
        %swap3A_1037 = tpu.vector_load %arg11[%swap3A_1035, %swap3A_1036] {strides = array<i32>} : memref<128x128xf32, #tpu.memory_space<vmem>>, vector<1x16xf32>,
        %swap3A_1038 = vector.shape_cast %swap3A_1037 : vector<1x16xf32> to vector<16xf32>
        %swap3A_1039 = vector.shape_cast %mul3A_1034 : vector<16xf32> to vector<1x16xf32>
        tpu.vector_store %arg11[%swap3A_1035, %swap3A_1036], %swap3A_1039 {strides = array<i32>} : memref<128x128xf32, #tpu.memory_space<vmem>>, vector<1x16xf32>,
        %get3A_1040 = arith.index_cast %add3A_973 : i32 to index
        %get3A_1041 = arith.constant 96 : index
        %get3A_1042 = tpu.vector_load %arg11[%get3A_1040, %get3A_1041] {strides = array<i32>} : memref<128x128xf32, #tpu.memory_space<vmem>>, vector<1x16xf32>,
        %get3A_1043 = vector.shape_cast %get3A_1042 : vector<1x16xf32> to vector<16xf32>
        %mul3A_1044 = vector.broadcast %squeeze3A_969 : f32 to vector<16xf32>
        %mul3A_1045 = arith.mulf %get3A_1043, %mul3A_1044 : vector<16xf32>
        %swap3A_1046 = arith.index_cast %add3A_973 : i32 to index
        %swap3A_1047 = arith.constant 96 : index
        %swap3A_1048 = tpu.vector_load %arg11[%swap3A_1046, %swap3A_1047] {strides = array<i32>} : memref<128x128xf32, #tpu.memory_space<vmem>>, vector<1x16xf32>,
        %swap3A_1049 = vector.shape_cast %swap3A_1048 : vector<1x16xf32> to vector<16xf32>
        %swap3A_1050 = vector.shape_cast %mul3A_1045 : vector<16xf32> to vector<1x16xf32>
        tpu.vector_store %arg11[%swap3A_1046, %swap3A_1047], %swap3A_1050 {strides = array<i32>} : memref<128x128xf32, #tpu.memory_space<vmem>>, vector<1x16xf32>,
        %get3A_1051 = arith.index_cast %add3A_973 : i32 to index
        %get3A_1052 = arith.constant 112 : index
        %get3A_1053 = tpu.vector_load %arg11[%get3A_1051, %get3A_1052] {strides = array<i32>} : memref<128x128xf32, #tpu.memory_space<vmem>>, vector<1x16xf32>,
        %get3A_1054 = vector.shape_cast %get3A_1053 : vector<1x16xf32> to vector<16xf32>
        %mul3A_1055 = vector.broadcast %squeeze3A_969 : f32 to vector<16xf32>
        %mul3A_1056 = arith.mulf %get3A_1054, %mul3A_1055 : vector<16xf32>
        %swap3A_1057 = arith.index_cast %add3A_973 : i32 to index
        %swap3A_1058 = arith.constant 112 : index
        %swap3A_1059 = tpu.vector_load %arg11[%swap3A_1057, %swap3A_1058] {strides = array<i32>} : memref<128x128xf32, #tpu.memory_space<vmem>>, vector<1x16xf32>,
        %swap3A_1060 = vector.shape_cast %swap3A_1059 : vector<1x16xf32> to vector<16xf32>
        %swap3A_1061 = vector.shape_cast %mul3A_1056 : vector<16xf32> to vector<1x16xf32>
        tpu.vector_store %arg11[%swap3A_1057, %swap3A_1058], %swap3A_1061 {strides = array<i32>} : memref<128x128xf32, #tpu.memory_space<vmem>>, vector<1x16xf32>,
        %slice3A_1062 = vector.extract_strided_slice %get3A_30 {offsets = [11], sizes = [1], strides = [1]} : vector<16xf32> to vector<1xf32>
        %squeeze3A_1063 = vector.extract %slice3A_1062[0] : f32 from vector<1xf32>
        %mul3A_1064 = arith.constant 16 : i32
        %mul3A_1065 = arith.muli %scan3A_26, %mul3A_1064 : i32
        %add3A_1066 = arith.constant 11 : i32
        %add3A_1067 = arith.addi %mul3A_1065, %add3A_1066 : i32
        %get3A_1068 = arith.index_cast %add3A_1067 : i32 to index
        %get3A_1069 = arith.constant 0 : index
        %get3A_1070 = tpu.vector_load %arg11[%get3A_1068, %get3A_1069] {strides = array<i32>} : memref<128x128xf32, #tpu.memory_space<vmem>>, vector<1x16xf32>,
        %get3A_1071 = vector.shape_cast %get3A_1070 : vector<1x16xf32> to vector<16xf32>
        %mul3A_1072 = vector.broadcast %squeeze3A_1063 : f32 to vector<16xf32>
        %mul3A_1073 = arith.mulf %get3A_1071, %mul3A_1072 : vector<16xf32>
        %swap3A_1074 = arith.index_cast %add3A_1067 : i32 to index
        %swap3A_1075 = arith.constant 0 : index
        %swap3A_1076 = tpu.vector_load %arg11[%swap3A_1074, %swap3A_1075] {strides = array<i32>} : memref<128x128xf32, #tpu.memory_space<vmem>>, vector<1x16xf32>,
        %swap3A_1077 = vector.shape_cast %swap3A_1076 : vector<1x16xf32> to vector<16xf32>
        %swap3A_1078 = vector.shape_cast %mul3A_1073 : vector<16xf32> to vector<1x16xf32>
        tpu.vector_store %arg11[%swap3A_1074, %swap3A_1075], %swap3A_1078 {strides = array<i32>} : memref<128x128xf32, #tpu.memory_space<vmem>>, vector<1x16xf32>,
        %get3A_1079 = arith.index_cast %add3A_1067 : i32 to index
        %get3A_1080 = arith.constant 16 : index
        %get3A_1081 = tpu.vector_load %arg11[%get3A_1079, %get3A_1080] {strides = array<i32>} : memref<128x128xf32, #tpu.memory_space<vmem>>, vector<1x16xf32>,
        %get3A_1082 = vector.shape_cast %get3A_1081 : vector<1x16xf32> to vector<16xf32>
        %mul3A_1083 = vector.broadcast %squeeze3A_1063 : f32 to vector<16xf32>
        %mul3A_1084 = arith.mulf %get3A_1082, %mul3A_1083 : vector<16xf32>
        %swap3A_1085 = arith.index_cast %add3A_1067 : i32 to index
        %swap3A_1086 = arith.constant 16 : index
        %swap3A_1087 = tpu.vector_load %arg11[%swap3A_1085, %swap3A_1086] {strides = array<i32>} : memref<128x128xf32, #tpu.memory_space<vmem>>, vector<1x16xf32>,
        %swap3A_1088 = vector.shape_cast %swap3A_1087 : vector<1x16xf32> to vector<16xf32>
        %swap3A_1089 = vector.shape_cast %mul3A_1084 : vector<16xf32> to vector<1x16xf32>
        tpu.vector_store %arg11[%swap3A_1085, %swap3A_1086], %swap3A_1089 {strides = array<i32>} : memref<128x128xf32, #tpu.memory_space<vmem>>, vector<1x16xf32>,
        %get3A_1090 = arith.index_cast %add3A_1067 : i32 to index
        %get3A_1091 = arith.constant 32 : index
        %get3A_1092 = tpu.vector_load %arg11[%get3A_1090, %get3A_1091] {strides = array<i32>} : memref<128x128xf32, #tpu.memory_space<vmem>>, vector<1x16xf32>,
        %get3A_1093 = vector.shape_cast %get3A_1092 : vector<1x16xf32> to vector<16xf32>
        %mul3A_1094 = vector.broadcast %squeeze3A_1063 : f32 to vector<16xf32>
        %mul3A_1095 = arith.mulf %get3A_1093, %mul3A_1094 : vector<16xf32>
        %swap3A_1096 = arith.index_cast %add3A_1067 : i32 to index
        %swap3A_1097 = arith.constant 32 : index
        %swap3A_1098 = tpu.vector_load %arg11[%swap3A_1096, %swap3A_1097] {strides = array<i32>} : memref<128x128xf32, #tpu.memory_space<vmem>>, vector<1x16xf32>,
        %swap3A_1099 = vector.shape_cast %swap3A_1098 : vector<1x16xf32> to vector<16xf32>
        %swap3A_1100 = vector.shape_cast %mul3A_1095 : vector<16xf32> to vector<1x16xf32>
        tpu.vector_store %arg11[%swap3A_1096, %swap3A_1097], %swap3A_1100 {strides = array<i32>} : memref<128x128xf32, #tpu.memory_space<vmem>>, vector<1x16xf32>,
        %get3A_1101 = arith.index_cast %add3A_1067 : i32 to index
        %get3A_1102 = arith.constant 48 : index
        %get3A_1103 = tpu.vector_load %arg11[%get3A_1101, %get3A_1102] {strides = array<i32>} : memref<128x128xf32, #tpu.memory_space<vmem>>, vector<1x16xf32>,
        %get3A_1104 = vector.shape_cast %get3A_1103 : vector<1x16xf32> to vector<16xf32>
        %mul3A_1105 = vector.broadcast %squeeze3A_1063 : f32 to vector<16xf32>
        %mul3A_1106 = arith.mulf %get3A_1104, %mul3A_1105 : vector<16xf32>
        %swap3A_1107 = arith.index_cast %add3A_1067 : i32 to index
        %swap3A_1108 = arith.constant 48 : index
        %swap3A_1109 = tpu.vector_load %arg11[%swap3A_1107, %swap3A_1108] {strides = array<i32>} : memref<128x128xf32, #tpu.memory_space<vmem>>, vector<1x16xf32>,
        %swap3A_1110 = vector.shape_cast %swap3A_1109 : vector<1x16xf32> to vector<16xf32>
        %swap3A_1111 = vector.shape_cast %mul3A_1106 : vector<16xf32> to vector<1x16xf32>
        tpu.vector_store %arg11[%swap3A_1107, %swap3A_1108], %swap3A_1111 {strides = array<i32>} : memref<128x128xf32, #tpu.memory_space<vmem>>, vector<1x16xf32>,
        %get3A_1112 = arith.index_cast %add3A_1067 : i32 to index
        %get3A_1113 = arith.constant 64 : index
        %get3A_1114 = tpu.vector_load %arg11[%get3A_1112, %get3A_1113] {strides = array<i32>} : memref<128x128xf32, #tpu.memory_space<vmem>>, vector<1x16xf32>,
        %get3A_1115 = vector.shape_cast %get3A_1114 : vector<1x16xf32> to vector<16xf32>
        %mul3A_1116 = vector.broadcast %squeeze3A_1063 : f32 to vector<16xf32>
        %mul3A_1117 = arith.mulf %get3A_1115, %mul3A_1116 : vector<16xf32>
        %swap3A_1118 = arith.index_cast %add3A_1067 : i32 to index
        %swap3A_1119 = arith.constant 64 : index
        %swap3A_1120 = tpu.vector_load %arg11[%swap3A_1118, %swap3A_1119] {strides = array<i32>} : memref<128x128xf32, #tpu.memory_space<vmem>>, vector<1x16xf32>,
        %swap3A_1121 = vector.shape_cast %swap3A_1120 : vector<1x16xf32> to vector<16xf32>
        %swap3A_1122 = vector.shape_cast %mul3A_1117 : vector<16xf32> to vector<1x16xf32>
        tpu.vector_store %arg11[%swap3A_1118, %swap3A_1119], %swap3A_1122 {strides = array<i32>} : memref<128x128xf32, #tpu.memory_space<vmem>>, vector<1x16xf32>,
        %get3A_1123 = arith.index_cast %add3A_1067 : i32 to index
        %get3A_1124 = arith.constant 80 : index
        %get3A_1125 = tpu.vector_load %arg11[%get3A_1123, %get3A_1124] {strides = array<i32>} : memref<128x128xf32, #tpu.memory_space<vmem>>, vector<1x16xf32>,
        %get3A_1126 = vector.shape_cast %get3A_1125 : vector<1x16xf32> to vector<16xf32>
        %mul3A_1127 = vector.broadcast %squeeze3A_1063 : f32 to vector<16xf32>
        %mul3A_1128 = arith.mulf %get3A_1126, %mul3A_1127 : vector<16xf32>
        %swap3A_1129 = arith.index_cast %add3A_1067 : i32 to index
        %swap3A_1130 = arith.constant 80 : index
        %swap3A_1131 = tpu.vector_load %arg11[%swap3A_1129, %swap3A_1130] {strides = array<i32>} : memref<128x128xf32, #tpu.memory_space<vmem>>, vector<1x16xf32>,
        %swap3A_1132 = vector.shape_cast %swap3A_1131 : vector<1x16xf32> to vector<16xf32>
        %swap3A_1133 = vector.shape_cast %mul3A_1128 : vector<16xf32> to vector<1x16xf32>
        tpu.vector_store %arg11[%swap3A_1129, %swap3A_1130], %swap3A_1133 {strides = array<i32>} : memref<128x128xf32, #tpu.memory_space<vmem>>, vector<1x16xf32>,
        %get3A_1134 = arith.index_cast %add3A_1067 : i32 to index
        %get3A_1135 = arith.constant 96 : index
        %get3A_1136 = tpu.vector_load %arg11[%get3A_1134, %get3A_1135] {strides = array<i32>} : memref<128x128xf32, #tpu.memory_space<vmem>>, vector<1x16xf32>,
        %get3A_1137 = vector.shape_cast %get3A_1136 : vector<1x16xf32> to vector<16xf32>
        %mul3A_1138 = vector.broadcast %squeeze3A_1063 : f32 to vector<16xf32>
        %mul3A_1139 = arith.mulf %get3A_1137, %mul3A_1138 : vector<16xf32>
        %swap3A_1140 = arith.index_cast %add3A_1067 : i32 to index
        %swap3A_1141 = arith.constant 96 : index
        %swap3A_1142 = tpu.vector_load %arg11[%swap3A_1140, %swap3A_1141] {strides = array<i32>} : memref<128x128xf32, #tpu.memory_space<vmem>>, vector<1x16xf32>,
        %swap3A_1143 = vector.shape_cast %swap3A_1142 : vector<1x16xf32> to vector<16xf32>
        %swap3A_1144 = vector.shape_cast %mul3A_1139 : vector<16xf32> to vector<1x16xf32>
        tpu.vector_store %arg11[%swap3A_1140, %swap3A_1141], %swap3A_1144 {strides = array<i32>} : memref<128x128xf32, #tpu.memory_space<vmem>>, vector<1x16xf32>,
        %get3A_1145 = arith.index_cast %add3A_1067 : i32 to index
        %get3A_1146 = arith.constant 112 : index
        %get3A_1147 = tpu.vector_load %arg11[%get3A_1145, %get3A_1146] {strides = array<i32>} : memref<128x128xf32, #tpu.memory_space<vmem>>, vector<1x16xf32>,
        %get3A_1148 = vector.shape_cast %get3A_1147 : vector<1x16xf32> to vector<16xf32>
        %mul3A_1149 = vector.broadcast %squeeze3A_1063 : f32 to vector<16xf32>
        %mul3A_1150 = arith.mulf %get3A_1148, %mul3A_1149 : vector<16xf32>
        %swap3A_1151 = arith.index_cast %add3A_1067 : i32 to index
        %swap3A_1152 = arith.constant 112 : index
        %swap3A_1153 = tpu.vector_load %arg11[%swap3A_1151, %swap3A_1152] {strides = array<i32>} : memref<128x128xf32, #tpu.memory_space<vmem>>, vector<1x16xf32>,
        %swap3A_1154 = vector.shape_cast %swap3A_1153 : vector<1x16xf32> to vector<16xf32>
        %swap3A_1155 = vector.shape_cast %mul3A_1150 : vector<16xf32> to vector<1x16xf32>
        tpu.vector_store %arg11[%swap3A_1151, %swap3A_1152], %swap3A_1155 {strides = array<i32>} : memref<128x128xf32, #tpu.memory_space<vmem>>, vector<1x16xf32>,
        %slice3A_1156 = vector.extract_strided_slice %get3A_30 {offsets = [12], sizes = [1], strides = [1]} : vector<16xf32> to vector<1xf32>
        %squeeze3A_1157 = vector.extract %slice3A_1156[0] : f32 from vector<1xf32>
        %mul3A_1158 = arith.constant 16 : i32
        %mul3A_1159 = arith.muli %scan3A_26, %mul3A_1158 : i32
        %add3A_1160 = arith.constant 12 : i32
        %add3A_1161 = arith.addi %mul3A_1159, %add3A_1160 : i32
        %get3A_1162 = arith.index_cast %add3A_1161 : i32 to index
        %get3A_1163 = arith.constant 0 : index
        %get3A_1164 = tpu.vector_load %arg11[%get3A_1162, %get3A_1163] {strides = array<i32>} : memref<128x128xf32, #tpu.memory_space<vmem>>, vector<1x16xf32>,
        %get3A_1165 = vector.shape_cast %get3A_1164 : vector<1x16xf32> to vector<16xf32>
        %mul3A_1166 = vector.broadcast %squeeze3A_1157 : f32 to vector<16xf32>
        %mul3A_1167 = arith.mulf %get3A_1165, %mul3A_1166 : vector<16xf32>
        %swap3A_1168 = arith.index_cast %add3A_1161 : i32 to index
        %swap3A_1169 = arith.constant 0 : index
        %swap3A_1170 = tpu.vector_load %arg11[%swap3A_1168, %swap3A_1169] {strides = array<i32>} : memref<128x128xf32, #tpu.memory_space<vmem>>, vector<1x16xf32>,
        %swap3A_1171 = vector.shape_cast %swap3A_1170 : vector<1x16xf32> to vector<16xf32>
        %swap3A_1172 = vector.shape_cast %mul3A_1167 : vector<16xf32> to vector<1x16xf32>
        tpu.vector_store %arg11[%swap3A_1168, %swap3A_1169], %swap3A_1172 {strides = array<i32>} : memref<128x128xf32, #tpu.memory_space<vmem>>, vector<1x16xf32>,
        %get3A_1173 = arith.index_cast %add3A_1161 : i32 to index
        %get3A_1174 = arith.constant 16 : index
        %get3A_1175 = tpu.vector_load %arg11[%get3A_1173, %get3A_1174] {strides = array<i32>} : memref<128x128xf32, #tpu.memory_space<vmem>>, vector<1x16xf32>,
        %get3A_1176 = vector.shape_cast %get3A_1175 : vector<1x16xf32> to vector<16xf32>
        %mul3A_1177 = vector.broadcast %squeeze3A_1157 : f32 to vector<16xf32>
        %mul3A_1178 = arith.mulf %get3A_1176, %mul3A_1177 : vector<16xf32>
        %swap3A_1179 = arith.index_cast %add3A_1161 : i32 to index
        %swap3A_1180 = arith.constant 16 : index
        %swap3A_1181 = tpu.vector_load %arg11[%swap3A_1179, %swap3A_1180] {strides = array<i32>} : memref<128x128xf32, #tpu.memory_space<vmem>>, vector<1x16xf32>,
        %swap3A_1182 = vector.shape_cast %swap3A_1181 : vector<1x16xf32> to vector<16xf32>
        %swap3A_1183 = vector.shape_cast %mul3A_1178 : vector<16xf32> to vector<1x16xf32>
        tpu.vector_store %arg11[%swap3A_1179, %swap3A_1180], %swap3A_1183 {strides = array<i32>} : memref<128x128xf32, #tpu.memory_space<vmem>>, vector<1x16xf32>,
        %get3A_1184 = arith.index_cast %add3A_1161 : i32 to index
        %get3A_1185 = arith.constant 32 : index
        %get3A_1186 = tpu.vector_load %arg11[%get3A_1184, %get3A_1185] {strides = array<i32>} : memref<128x128xf32, #tpu.memory_space<vmem>>, vector<1x16xf32>,
        %get3A_1187 = vector.shape_cast %get3A_1186 : vector<1x16xf32> to vector<16xf32>
        %mul3A_1188 = vector.broadcast %squeeze3A_1157 : f32 to vector<16xf32>
        %mul3A_1189 = arith.mulf %get3A_1187, %mul3A_1188 : vector<16xf32>
        %swap3A_1190 = arith.index_cast %add3A_1161 : i32 to index
        %swap3A_1191 = arith.constant 32 : index
        %swap3A_1192 = tpu.vector_load %arg11[%swap3A_1190, %swap3A_1191] {strides = array<i32>} : memref<128x128xf32, #tpu.memory_space<vmem>>, vector<1x16xf32>,
        %swap3A_1193 = vector.shape_cast %swap3A_1192 : vector<1x16xf32> to vector<16xf32>
        %swap3A_1194 = vector.shape_cast %mul3A_1189 : vector<16xf32> to vector<1x16xf32>
        tpu.vector_store %arg11[%swap3A_1190, %swap3A_1191], %swap3A_1194 {strides = array<i32>} : memref<128x128xf32, #tpu.memory_space<vmem>>, vector<1x16xf32>,
        %get3A_1195 = arith.index_cast %add3A_1161 : i32 to index
        %get3A_1196 = arith.constant 48 : index
        %get3A_1197 = tpu.vector_load %arg11[%get3A_1195, %get3A_1196] {strides = array<i32>} : memref<128x128xf32, #tpu.memory_space<vmem>>, vector<1x16xf32>,
        %get3A_1198 = vector.shape_cast %get3A_1197 : vector<1x16xf32> to vector<16xf32>
        %mul3A_1199 = vector.broadcast %squeeze3A_1157 : f32 to vector<16xf32>
        %mul3A_1200 = arith.mulf %get3A_1198, %mul3A_1199 : vector<16xf32>
        %swap3A_1201 = arith.index_cast %add3A_1161 : i32 to index
        %swap3A_1202 = arith.constant 48 : index
        %swap3A_1203 = tpu.vector_load %arg11[%swap3A_1201, %swap3A_1202] {strides = array<i32>} : memref<128x128xf32, #tpu.memory_space<vmem>>, vector<1x16xf32>,
        %swap3A_1204 = vector.shape_cast %swap3A_1203 : vector<1x16xf32> to vector<16xf32>
        %swap3A_1205 = vector.shape_cast %mul3A_1200 : vector<16xf32> to vector<1x16xf32>
        tpu.vector_store %arg11[%swap3A_1201, %swap3A_1202], %swap3A_1205 {strides = array<i32>} : memref<128x128xf32, #tpu.memory_space<vmem>>, vector<1x16xf32>,
        %get3A_1206 = arith.index_cast %add3A_1161 : i32 to index
        %get3A_1207 = arith.constant 64 : index
        %get3A_1208 = tpu.vector_load %arg11[%get3A_1206, %get3A_1207] {strides = array<i32>} : memref<128x128xf32, #tpu.memory_space<vmem>>, vector<1x16xf32>,
        %get3A_1209 = vector.shape_cast %get3A_1208 : vector<1x16xf32> to vector<16xf32>
        %mul3A_1210 = vector.broadcast %squeeze3A_1157 : f32 to vector<16xf32>
        %mul3A_1211 = arith.mulf %get3A_1209, %mul3A_1210 : vector<16xf32>
        %swap3A_1212 = arith.index_cast %add3A_1161 : i32 to index
        %swap3A_1213 = arith.constant 64 : index
        %swap3A_1214 = tpu.vector_load %arg11[%swap3A_1212, %swap3A_1213] {strides = array<i32>} : memref<128x128xf32, #tpu.memory_space<vmem>>, vector<1x16xf32>,
        %swap3A_1215 = vector.shape_cast %swap3A_1214 : vector<1x16xf32> to vector<16xf32>
        %swap3A_1216 = vector.shape_cast %mul3A_1211 : vector<16xf32> to vector<1x16xf32>
        tpu.vector_store %arg11[%swap3A_1212, %swap3A_1213], %swap3A_1216 {strides = array<i32>} : memref<128x128xf32, #tpu.memory_space<vmem>>, vector<1x16xf32>,
        %get3A_1217 = arith.index_cast %add3A_1161 : i32 to index
        %get3A_1218 = arith.constant 80 : index
        %get3A_1219 = tpu.vector_load %arg11[%get3A_1217, %get3A_1218] {strides = array<i32>} : memref<128x128xf32, #tpu.memory_space<vmem>>, vector<1x16xf32>,
        %get3A_1220 = vector.shape_cast %get3A_1219 : vector<1x16xf32> to vector<16xf32>
        %mul3A_1221 = vector.broadcast %squeeze3A_1157 : f32 to vector<16xf32>
        %mul3A_1222 = arith.mulf %get3A_1220, %mul3A_1221 : vector<16xf32>
        %swap3A_1223 = arith.index_cast %add3A_1161 : i32 to index
        %swap3A_1224 = arith.constant 80 : index
        %swap3A_1225 = tpu.vector_load %arg11[%swap3A_1223, %swap3A_1224] {strides = array<i32>} : memref<128x128xf32, #tpu.memory_space<vmem>>, vector<1x16xf32>,
        %swap3A_1226 = vector.shape_cast %swap3A_1225 : vector<1x16xf32> to vector<16xf32>
        %swap3A_1227 = vector.shape_cast %mul3A_1222 : vector<16xf32> to vector<1x16xf32>
        tpu.vector_store %arg11[%swap3A_1223, %swap3A_1224], %swap3A_1227 {strides = array<i32>} : memref<128x128xf32, #tpu.memory_space<vmem>>, vector<1x16xf32>,
        %get3A_1228 = arith.index_cast %add3A_1161 : i32 to index
        %get3A_1229 = arith.constant 96 : index
        %get3A_1230 = tpu.vector_load %arg11[%get3A_1228, %get3A_1229] {strides = array<i32>} : memref<128x128xf32, #tpu.memory_space<vmem>>, vector<1x16xf32>,
        %get3A_1231 = vector.shape_cast %get3A_1230 : vector<1x16xf32> to vector<16xf32>
        %mul3A_1232 = vector.broadcast %squeeze3A_1157 : f32 to vector<16xf32>
        %mul3A_1233 = arith.mulf %get3A_1231, %mul3A_1232 : vector<16xf32>
        %swap3A_1234 = arith.index_cast %add3A_1161 : i32 to index
        %swap3A_1235 = arith.constant 96 : index
        %swap3A_1236 = tpu.vector_load %arg11[%swap3A_1234, %swap3A_1235] {strides = array<i32>} : memref<128x128xf32, #tpu.memory_space<vmem>>, vector<1x16xf32>,
        %swap3A_1237 = vector.shape_cast %swap3A_1236 : vector<1x16xf32> to vector<16xf32>
        %swap3A_1238 = vector.shape_cast %mul3A_1233 : vector<16xf32> to vector<1x16xf32>
        tpu.vector_store %arg11[%swap3A_1234, %swap3A_1235], %swap3A_1238 {strides = array<i32>} : memref<128x128xf32, #tpu.memory_space<vmem>>, vector<1x16xf32>,
        %get3A_1239 = arith.index_cast %add3A_1161 : i32 to index
        %get3A_1240 = arith.constant 112 : index
        %get3A_1241 = tpu.vector_load %arg11[%get3A_1239, %get3A_1240] {strides = array<i32>} : memref<128x128xf32, #tpu.memory_space<vmem>>, vector<1x16xf32>,
        %get3A_1242 = vector.shape_cast %get3A_1241 : vector<1x16xf32> to vector<16xf32>
        %mul3A_1243 = vector.broadcast %squeeze3A_1157 : f32 to vector<16xf32>
        %mul3A_1244 = arith.mulf %get3A_1242, %mul3A_1243 : vector<16xf32>
        %swap3A_1245 = arith.index_cast %add3A_1161 : i32 to index
        %swap3A_1246 = arith.constant 112 : index
        %swap3A_1247 = tpu.vector_load %arg11[%swap3A_1245, %swap3A_1246] {strides = array<i32>} : memref<128x128xf32, #tpu.memory_space<vmem>>, vector<1x16xf32>,
        %swap3A_1248 = vector.shape_cast %swap3A_1247 : vector<1x16xf32> to vector<16xf32>
        %swap3A_1249 = vector.shape_cast %mul3A_1244 : vector<16xf32> to vector<1x16xf32>
        tpu.vector_store %arg11[%swap3A_1245, %swap3A_1246], %swap3A_1249 {strides = array<i32>} : memref<128x128xf32, #tpu.memory_space<vmem>>, vector<1x16xf32>,
        %slice3A_1250 = vector.extract_strided_slice %get3A_30 {offsets = [13], sizes = [1], strides = [1]} : vector<16xf32> to vector<1xf32>
        %squeeze3A_1251 = vector.extract %slice3A_1250[0] : f32 from vector<1xf32>
        %mul3A_1252 = arith.constant 16 : i32
        %mul3A_1253 = arith.muli %scan3A_26, %mul3A_1252 : i32
        %add3A_1254 = arith.constant 13 : i32
        %add3A_1255 = arith.addi %mul3A_1253, %add3A_1254 : i32
        %get3A_1256 = arith.index_cast %add3A_1255 : i32 to index
        %get3A_1257 = arith.constant 0 : index
        %get3A_1258 = tpu.vector_load %arg11[%get3A_1256, %get3A_1257] {strides = array<i32>} : memref<128x128xf32, #tpu.memory_space<vmem>>, vector<1x16xf32>,
        %get3A_1259 = vector.shape_cast %get3A_1258 : vector<1x16xf32> to vector<16xf32>
        %mul3A_1260 = vector.broadcast %squeeze3A_1251 : f32 to vector<16xf32>
        %mul3A_1261 = arith.mulf %get3A_1259, %mul3A_1260 : vector<16xf32>
        %swap3A_1262 = arith.index_cast %add3A_1255 : i32 to index
        %swap3A_1263 = arith.constant 0 : index
        %swap3A_1264 = tpu.vector_load %arg11[%swap3A_1262, %swap3A_1263] {strides = array<i32>} : memref<128x128xf32, #tpu.memory_space<vmem>>, vector<1x16xf32>,
        %swap3A_1265 = vector.shape_cast %swap3A_1264 : vector<1x16xf32> to vector<16xf32>
        %swap3A_1266 = vector.shape_cast %mul3A_1261 : vector<16xf32> to vector<1x16xf32>
        tpu.vector_store %arg11[%swap3A_1262, %swap3A_1263], %swap3A_1266 {strides = array<i32>} : memref<128x128xf32, #tpu.memory_space<vmem>>, vector<1x16xf32>,
        %get3A_1267 = arith.index_cast %add3A_1255 : i32 to index
        %get3A_1268 = arith.constant 16 : index
        %get3A_1269 = tpu.vector_load %arg11[%get3A_1267, %get3A_1268] {strides = array<i32>} : memref<128x128xf32, #tpu.memory_space<vmem>>, vector<1x16xf32>,
        %get3A_1270 = vector.shape_cast %get3A_1269 : vector<1x16xf32> to vector<16xf32>
        %mul3A_1271 = vector.broadcast %squeeze3A_1251 : f32 to vector<16xf32>
        %mul3A_1272 = arith.mulf %get3A_1270, %mul3A_1271 : vector<16xf32>
        %swap3A_1273 = arith.index_cast %add3A_1255 : i32 to index
        %swap3A_1274 = arith.constant 16 : index
        %swap3A_1275 = tpu.vector_load %arg11[%swap3A_1273, %swap3A_1274] {strides = array<i32>} : memref<128x128xf32, #tpu.memory_space<vmem>>, vector<1x16xf32>,
        %swap3A_1276 = vector.shape_cast %swap3A_1275 : vector<1x16xf32> to vector<16xf32>
        %swap3A_1277 = vector.shape_cast %mul3A_1272 : vector<16xf32> to vector<1x16xf32>
        tpu.vector_store %arg11[%swap3A_1273, %swap3A_1274], %swap3A_1277 {strides = array<i32>} : memref<128x128xf32, #tpu.memory_space<vmem>>, vector<1x16xf32>,
        %get3A_1278 = arith.index_cast %add3A_1255 : i32 to index
        %get3A_1279 = arith.constant 32 : index
        %get3A_1280 = tpu.vector_load %arg11[%get3A_1278, %get3A_1279] {strides = array<i32>} : memref<128x128xf32, #tpu.memory_space<vmem>>, vector<1x16xf32>,
        %get3A_1281 = vector.shape_cast %get3A_1280 : vector<1x16xf32> to vector<16xf32>
        %mul3A_1282 = vector.broadcast %squeeze3A_1251 : f32 to vector<16xf32>
        %mul3A_1283 = arith.mulf %get3A_1281, %mul3A_1282 : vector<16xf32>
        %swap3A_1284 = arith.index_cast %add3A_1255 : i32 to index
        %swap3A_1285 = arith.constant 32 : index
        %swap3A_1286 = tpu.vector_load %arg11[%swap3A_1284, %swap3A_1285] {strides = array<i32>} : memref<128x128xf32, #tpu.memory_space<vmem>>, vector<1x16xf32>,
        %swap3A_1287 = vector.shape_cast %swap3A_1286 : vector<1x16xf32> to vector<16xf32>
        %swap3A_1288 = vector.shape_cast %mul3A_1283 : vector<16xf32> to vector<1x16xf32>
        tpu.vector_store %arg11[%swap3A_1284, %swap3A_1285], %swap3A_1288 {strides = array<i32>} : memref<128x128xf32, #tpu.memory_space<vmem>>, vector<1x16xf32>,
        %get3A_1289 = arith.index_cast %add3A_1255 : i32 to index
        %get3A_1290 = arith.constant 48 : index
        %get3A_1291 = tpu.vector_load %arg11[%get3A_1289, %get3A_1290] {strides = array<i32>} : memref<128x128xf32, #tpu.memory_space<vmem>>, vector<1x16xf32>,
        %get3A_1292 = vector.shape_cast %get3A_1291 : vector<1x16xf32> to vector<16xf32>
        %mul3A_1293 = vector.broadcast %squeeze3A_1251 : f32 to vector<16xf32>
        %mul3A_1294 = arith.mulf %get3A_1292, %mul3A_1293 : vector<16xf32>
        %swap3A_1295 = arith.index_cast %add3A_1255 : i32 to index
        %swap3A_1296 = arith.constant 48 : index
        %swap3A_1297 = tpu.vector_load %arg11[%swap3A_1295, %swap3A_1296] {strides = array<i32>} : memref<128x128xf32, #tpu.memory_space<vmem>>, vector<1x16xf32>,
        %swap3A_1298 = vector.shape_cast %swap3A_1297 : vector<1x16xf32> to vector<16xf32>
        %swap3A_1299 = vector.shape_cast %mul3A_1294 : vector<16xf32> to vector<1x16xf32>
        tpu.vector_store %arg11[%swap3A_1295, %swap3A_1296], %swap3A_1299 {strides = array<i32>} : memref<128x128xf32, #tpu.memory_space<vmem>>, vector<1x16xf32>,
        %get3A_1300 = arith.index_cast %add3A_1255 : i32 to index
        %get3A_1301 = arith.constant 64 : index
        %get3A_1302 = tpu.vector_load %arg11[%get3A_1300, %get3A_1301] {strides = array<i32>} : memref<128x128xf32, #tpu.memory_space<vmem>>, vector<1x16xf32>,
        %get3A_1303 = vector.shape_cast %get3A_1302 : vector<1x16xf32> to vector<16xf32>
        %mul3A_1304 = vector.broadcast %squeeze3A_1251 : f32 to vector<16xf32>
        %mul3A_1305 = arith.mulf %get3A_1303, %mul3A_1304 : vector<16xf32>
        %swap3A_1306 = arith.index_cast %add3A_1255 : i32 to index
        %swap3A_1307 = arith.constant 64 : index
        %swap3A_1308 = tpu.vector_load %arg11[%swap3A_1306, %swap3A_1307] {strides = array<i32>} : memref<128x128xf32, #tpu.memory_space<vmem>>, vector<1x16xf32>,
        %swap3A_1309 = vector.shape_cast %swap3A_1308 : vector<1x16xf32> to vector<16xf32>
        %swap3A_1310 = vector.shape_cast %mul3A_1305 : vector<16xf32> to vector<1x16xf32>
        tpu.vector_store %arg11[%swap3A_1306, %swap3A_1307], %swap3A_1310 {strides = array<i32>} : memref<128x128xf32, #tpu.memory_space<vmem>>, vector<1x16xf32>,
        %get3A_1311 = arith.index_cast %add3A_1255 : i32 to index
        %get3A_1312 = arith.constant 80 : index
        %get3A_1313 = tpu.vector_load %arg11[%get3A_1311, %get3A_1312] {strides = array<i32>} : memref<128x128xf32, #tpu.memory_space<vmem>>, vector<1x16xf32>,
        %get3A_1314 = vector.shape_cast %get3A_1313 : vector<1x16xf32> to vector<16xf32>
        %mul3A_1315 = vector.broadcast %squeeze3A_1251 : f32 to vector<16xf32>
        %mul3A_1316 = arith.mulf %get3A_1314, %mul3A_1315 : vector<16xf32>
        %swap3A_1317 = arith.index_cast %add3A_1255 : i32 to index
        %swap3A_1318 = arith.constant 80 : index
        %swap3A_1319 = tpu.vector_load %arg11[%swap3A_1317, %swap3A_1318] {strides = array<i32>} : memref<128x128xf32, #tpu.memory_space<vmem>>, vector<1x16xf32>,
        %swap3A_1320 = vector.shape_cast %swap3A_1319 : vector<1x16xf32> to vector<16xf32>
        %swap3A_1321 = vector.shape_cast %mul3A_1316 : vector<16xf32> to vector<1x16xf32>
        tpu.vector_store %arg11[%swap3A_1317, %swap3A_1318], %swap3A_1321 {strides = array<i32>} : memref<128x128xf32, #tpu.memory_space<vmem>>, vector<1x16xf32>,
        %get3A_1322 = arith.index_cast %add3A_1255 : i32 to index
        %get3A_1323 = arith.constant 96 : index
        %get3A_1324 = tpu.vector_load %arg11[%get3A_1322, %get3A_1323] {strides = array<i32>} : memref<128x128xf32, #tpu.memory_space<vmem>>, vector<1x16xf32>,
        %get3A_1325 = vector.shape_cast %get3A_1324 : vector<1x16xf32> to vector<16xf32>
        %mul3A_1326 = vector.broadcast %squeeze3A_1251 : f32 to vector<16xf32>
        %mul3A_1327 = arith.mulf %get3A_1325, %mul3A_1326 : vector<16xf32>
        %swap3A_1328 = arith.index_cast %add3A_1255 : i32 to index
        %swap3A_1329 = arith.constant 96 : index
        %swap3A_1330 = tpu.vector_load %arg11[%swap3A_1328, %swap3A_1329] {strides = array<i32>} : memref<128x128xf32, #tpu.memory_space<vmem>>, vector<1x16xf32>,
        %swap3A_1331 = vector.shape_cast %swap3A_1330 : vector<1x16xf32> to vector<16xf32>
        %swap3A_1332 = vector.shape_cast %mul3A_1327 : vector<16xf32> to vector<1x16xf32>
        tpu.vector_store %arg11[%swap3A_1328, %swap3A_1329], %swap3A_1332 {strides = array<i32>} : memref<128x128xf32, #tpu.memory_space<vmem>>, vector<1x16xf32>,
        %get3A_1333 = arith.index_cast %add3A_1255 : i32 to index
        %get3A_1334 = arith.constant 112 : index
        %get3A_1335 = tpu.vector_load %arg11[%get3A_1333, %get3A_1334] {strides = array<i32>} : memref<128x128xf32, #tpu.memory_space<vmem>>, vector<1x16xf32>,
        %get3A_1336 = vector.shape_cast %get3A_1335 : vector<1x16xf32> to vector<16xf32>
        %mul3A_1337 = vector.broadcast %squeeze3A_1251 : f32 to vector<16xf32>
        %mul3A_1338 = arith.mulf %get3A_1336, %mul3A_1337 : vector<16xf32>
        %swap3A_1339 = arith.index_cast %add3A_1255 : i32 to index
        %swap3A_1340 = arith.constant 112 : index
        %swap3A_1341 = tpu.vector_load %arg11[%swap3A_1339, %swap3A_1340] {strides = array<i32>} : memref<128x128xf32, #tpu.memory_space<vmem>>, vector<1x16xf32>,
        %swap3A_1342 = vector.shape_cast %swap3A_1341 : vector<1x16xf32> to vector<16xf32>
        %swap3A_1343 = vector.shape_cast %mul3A_1338 : vector<16xf32> to vector<1x16xf32>
        tpu.vector_store %arg11[%swap3A_1339, %swap3A_1340], %swap3A_1343 {strides = array<i32>} : memref<128x128xf32, #tpu.memory_space<vmem>>, vector<1x16xf32>,
        %slice3A_1344 = vector.extract_strided_slice %get3A_30 {offsets = [14], sizes = [1], strides = [1]} : vector<16xf32> to vector<1xf32>
        %squeeze3A_1345 = vector.extract %slice3A_1344[0] : f32 from vector<1xf32>
        %mul3A_1346 = arith.constant 16 : i32
        %mul3A_1347 = arith.muli %scan3A_26, %mul3A_1346 : i32
        %add3A_1348 = arith.constant 14 : i32
        %add3A_1349 = arith.addi %mul3A_1347, %add3A_1348 : i32
        %get3A_1350 = arith.index_cast %add3A_1349 : i32 to index
        %get3A_1351 = arith.constant 0 : index
        %get3A_1352 = tpu.vector_load %arg11[%get3A_1350, %get3A_1351] {strides = array<i32>} : memref<128x128xf32, #tpu.memory_space<vmem>>, vector<1x16xf32>,
        %get3A_1353 = vector.shape_cast %get3A_1352 : vector<1x16xf32> to vector<16xf32>
        %mul3A_1354 = vector.broadcast %squeeze3A_1345 : f32 to vector<16xf32>
        %mul3A_1355 = arith.mulf %get3A_1353, %mul3A_1354 : vector<16xf32>
        %swap3A_1356 = arith.index_cast %add3A_1349 : i32 to index
        %swap3A_1357 = arith.constant 0 : index
        %swap3A_1358 = tpu.vector_load %arg11[%swap3A_1356, %swap3A_1357] {strides = array<i32>} : memref<128x128xf32, #tpu.memory_space<vmem>>, vector<1x16xf32>,
        %swap3A_1359 = vector.shape_cast %swap3A_1358 : vector<1x16xf32> to vector<16xf32>
        %swap3A_1360 = vector.shape_cast %mul3A_1355 : vector<16xf32> to vector<1x16xf32>
        tpu.vector_store %arg11[%swap3A_1356, %swap3A_1357], %swap3A_1360 {strides = array<i32>} : memref<128x128xf32, #tpu.memory_space<vmem>>, vector<1x16xf32>,
        %get3A_1361 = arith.index_cast %add3A_1349 : i32 to index
        %get3A_1362 = arith.constant 16 : index
        %get3A_1363 = tpu.vector_load %arg11[%get3A_1361, %get3A_1362] {strides = array<i32>} : memref<128x128xf32, #tpu.memory_space<vmem>>, vector<1x16xf32>,
        %get3A_1364 = vector.shape_cast %get3A_1363 : vector<1x16xf32> to vector<16xf32>
        %mul3A_1365 = vector.broadcast %squeeze3A_1345 : f32 to vector<16xf32>
        %mul3A_1366 = arith.mulf %get3A_1364, %mul3A_1365 : vector<16xf32>
        %swap3A_1367 = arith.index_cast %add3A_1349 : i32 to index
        %swap3A_1368 = arith.constant 16 : index
        %swap3A_1369 = tpu.vector_load %arg11[%swap3A_1367, %swap3A_1368] {strides = array<i32>} : memref<128x128xf32, #tpu.memory_space<vmem>>, vector<1x16xf32>,
        %swap3A_1370 = vector.shape_cast %swap3A_1369 : vector<1x16xf32> to vector<16xf32>
        %swap3A_1371 = vector.shape_cast %mul3A_1366 : vector<16xf32> to vector<1x16xf32>
        tpu.vector_store %arg11[%swap3A_1367, %swap3A_1368], %swap3A_1371 {strides = array<i32>} : memref<128x128xf32, #tpu.memory_space<vmem>>, vector<1x16xf32>,
        %get3A_1372 = arith.index_cast %add3A_1349 : i32 to index
        %get3A_1373 = arith.constant 32 : index
        %get3A_1374 = tpu.vector_load %arg11[%get3A_1372, %get3A_1373] {strides = array<i32>} : memref<128x128xf32, #tpu.memory_space<vmem>>, vector<1x16xf32>,
        %get3A_1375 = vector.shape_cast %get3A_1374 : vector<1x16xf32> to vector<16xf32>
        %mul3A_1376 = vector.broadcast %squeeze3A_1345 : f32 to vector<16xf32>
        %mul3A_1377 = arith.mulf %get3A_1375, %mul3A_1376 : vector<16xf32>
        %swap3A_1378 = arith.index_cast %add3A_1349 : i32 to index
        %swap3A_1379 = arith.constant 32 : index
        %swap3A_1380 = tpu.vector_load %arg11[%swap3A_1378, %swap3A_1379] {strides = array<i32>} : memref<128x128xf32, #tpu.memory_space<vmem>>, vector<1x16xf32>,
        %swap3A_1381 = vector.shape_cast %swap3A_1380 : vector<1x16xf32> to vector<16xf32>
        %swap3A_1382 = vector.shape_cast %mul3A_1377 : vector<16xf32> to vector<1x16xf32>
        tpu.vector_store %arg11[%swap3A_1378, %swap3A_1379], %swap3A_1382 {strides = array<i32>} : memref<128x128xf32, #tpu.memory_space<vmem>>, vector<1x16xf32>,
        %get3A_1383 = arith.index_cast %add3A_1349 : i32 to index
        %get3A_1384 = arith.constant 48 : index
        %get3A_1385 = tpu.vector_load %arg11[%get3A_1383, %get3A_1384] {strides = array<i32>} : memref<128x128xf32, #tpu.memory_space<vmem>>, vector<1x16xf32>,
        %get3A_1386 = vector.shape_cast %get3A_1385 : vector<1x16xf32> to vector<16xf32>
        %mul3A_1387 = vector.broadcast %squeeze3A_1345 : f32 to vector<16xf32>
        %mul3A_1388 = arith.mulf %get3A_1386, %mul3A_1387 : vector<16xf32>
        %swap3A_1389 = arith.index_cast %add3A_1349 : i32 to index
        %swap3A_1390 = arith.constant 48 : index
        %swap3A_1391 = tpu.vector_load %arg11[%swap3A_1389, %swap3A_1390] {strides = array<i32>} : memref<128x128xf32, #tpu.memory_space<vmem>>, vector<1x16xf32>,
        %swap3A_1392 = vector.shape_cast %swap3A_1391 : vector<1x16xf32> to vector<16xf32>
        %swap3A_1393 = vector.shape_cast %mul3A_1388 : vector<16xf32> to vector<1x16xf32>
        tpu.vector_store %arg11[%swap3A_1389, %swap3A_1390], %swap3A_1393 {strides = array<i32>} : memref<128x128xf32, #tpu.memory_space<vmem>>, vector<1x16xf32>,
        %get3A_1394 = arith.index_cast %add3A_1349 : i32 to index
        %get3A_1395 = arith.constant 64 : index
        %get3A_1396 = tpu.vector_load %arg11[%get3A_1394, %get3A_1395] {strides = array<i32>} : memref<128x128xf32, #tpu.memory_space<vmem>>, vector<1x16xf32>,
        %get3A_1397 = vector.shape_cast %get3A_1396 : vector<1x16xf32> to vector<16xf32>
        %mul3A_1398 = vector.broadcast %squeeze3A_1345 : f32 to vector<16xf32>
        %mul3A_1399 = arith.mulf %get3A_1397, %mul3A_1398 : vector<16xf32>
        %swap3A_1400 = arith.index_cast %add3A_1349 : i32 to index
        %swap3A_1401 = arith.constant 64 : index
        %swap3A_1402 = tpu.vector_load %arg11[%swap3A_1400, %swap3A_1401] {strides = array<i32>} : memref<128x128xf32, #tpu.memory_space<vmem>>, vector<1x16xf32>,
        %swap3A_1403 = vector.shape_cast %swap3A_1402 : vector<1x16xf32> to vector<16xf32>
        %swap3A_1404 = vector.shape_cast %mul3A_1399 : vector<16xf32> to vector<1x16xf32>
        tpu.vector_store %arg11[%swap3A_1400, %swap3A_1401], %swap3A_1404 {strides = array<i32>} : memref<128x128xf32, #tpu.memory_space<vmem>>, vector<1x16xf32>,
        %get3A_1405 = arith.index_cast %add3A_1349 : i32 to index
        %get3A_1406 = arith.constant 80 : index
        %get3A_1407 = tpu.vector_load %arg11[%get3A_1405, %get3A_1406] {strides = array<i32>} : memref<128x128xf32, #tpu.memory_space<vmem>>, vector<1x16xf32>,
        %get3A_1408 = vector.shape_cast %get3A_1407 : vector<1x16xf32> to vector<16xf32>
        %mul3A_1409 = vector.broadcast %squeeze3A_1345 : f32 to vector<16xf32>
        %mul3A_1410 = arith.mulf %get3A_1408, %mul3A_1409 : vector<16xf32>
        %swap3A_1411 = arith.index_cast %add3A_1349 : i32 to index
        %swap3A_1412 = arith.constant 80 : index
        %swap3A_1413 = tpu.vector_load %arg11[%swap3A_1411, %swap3A_1412] {strides = array<i32>} : memref<128x128xf32, #tpu.memory_space<vmem>>, vector<1x16xf32>,
        %swap3A_1414 = vector.shape_cast %swap3A_1413 : vector<1x16xf32> to vector<16xf32>
        %swap3A_1415 = vector.shape_cast %mul3A_1410 : vector<16xf32> to vector<1x16xf32>
        tpu.vector_store %arg11[%swap3A_1411, %swap3A_1412], %swap3A_1415 {strides = array<i32>} : memref<128x128xf32, #tpu.memory_space<vmem>>, vector<1x16xf32>,
        %get3A_1416 = arith.index_cast %add3A_1349 : i32 to index
        %get3A_1417 = arith.constant 96 : index
        %get3A_1418 = tpu.vector_load %arg11[%get3A_1416, %get3A_1417] {strides = array<i32>} : memref<128x128xf32, #tpu.memory_space<vmem>>, vector<1x16xf32>,
        %get3A_1419 = vector.shape_cast %get3A_1418 : vector<1x16xf32> to vector<16xf32>
        %mul3A_1420 = vector.broadcast %squeeze3A_1345 : f32 to vector<16xf32>
        %mul3A_1421 = arith.mulf %get3A_1419, %mul3A_1420 : vector<16xf32>
        %swap3A_1422 = arith.index_cast %add3A_1349 : i32 to index
        %swap3A_1423 = arith.constant 96 : index
        %swap3A_1424 = tpu.vector_load %arg11[%swap3A_1422, %swap3A_1423] {strides = array<i32>} : memref<128x128xf32, #tpu.memory_space<vmem>>, vector<1x16xf32>,
        %swap3A_1425 = vector.shape_cast %swap3A_1424 : vector<1x16xf32> to vector<16xf32>
        %swap3A_1426 = vector.shape_cast %mul3A_1421 : vector<16xf32> to vector<1x16xf32>
        tpu.vector_store %arg11[%swap3A_1422, %swap3A_1423], %swap3A_1426 {strides = array<i32>} : memref<128x128xf32, #tpu.memory_space<vmem>>, vector<1x16xf32>,
        %get3A_1427 = arith.index_cast %add3A_1349 : i32 to index
        %get3A_1428 = arith.constant 112 : index
        %get3A_1429 = tpu.vector_load %arg11[%get3A_1427, %get3A_1428] {strides = array<i32>} : memref<128x128xf32, #tpu.memory_space<vmem>>, vector<1x16xf32>,
        %get3A_1430 = vector.shape_cast %get3A_1429 : vector<1x16xf32> to vector<16xf32>
        %mul3A_1431 = vector.broadcast %squeeze3A_1345 : f32 to vector<16xf32>
        %mul3A_1432 = arith.mulf %get3A_1430, %mul3A_1431 : vector<16xf32>
        %swap3A_1433 = arith.index_cast %add3A_1349 : i32 to index
        %swap3A_1434 = arith.constant 112 : index
        %swap3A_1435 = tpu.vector_load %arg11[%swap3A_1433, %swap3A_1434] {strides = array<i32>} : memref<128x128xf32, #tpu.memory_space<vmem>>, vector<1x16xf32>,
        %swap3A_1436 = vector.shape_cast %swap3A_1435 : vector<1x16xf32> to vector<16xf32>
        %swap3A_1437 = vector.shape_cast %mul3A_1432 : vector<16xf32> to vector<1x16xf32>
        tpu.vector_store %arg11[%swap3A_1433, %swap3A_1434], %swap3A_1437 {strides = array<i32>} : memref<128x128xf32, #tpu.memory_space<vmem>>, vector<1x16xf32>,
        %slice3A_1438 = vector.extract_strided_slice %get3A_30 {offsets = [15], sizes = [1], strides = [1]} : vector<16xf32> to vector<1xf32>
        %squeeze3A_1439 = vector.extract %slice3A_1438[0] : f32 from vector<1xf32>
        %mul3A_1440 = arith.constant 16 : i32
        %mul3A_1441 = arith.muli %scan3A_26, %mul3A_1440 : i32
        %add3A_1442 = arith.constant 15 : i32
        %add3A_1443 = arith.addi %mul3A_1441, %add3A_1442 : i32
        %get3A_1444 = arith.index_cast %add3A_1443 : i32 to index
        %get3A_1445 = arith.constant 0 : index
        %get3A_1446 = tpu.vector_load %arg11[%get3A_1444, %get3A_1445] {strides = array<i32>} : memref<128x128xf32, #tpu.memory_space<vmem>>, vector<1x16xf32>,
        %get3A_1447 = vector.shape_cast %get3A_1446 : vector<1x16xf32> to vector<16xf32>
        %mul3A_1448 = vector.broadcast %squeeze3A_1439 : f32 to vector<16xf32>
        %mul3A_1449 = arith.mulf %get3A_1447, %mul3A_1448 : vector<16xf32>
        %swap3A_1450 = arith.index_cast %add3A_1443 : i32 to index
        %swap3A_1451 = arith.constant 0 : index
        %swap3A_1452 = tpu.vector_load %arg11[%swap3A_1450, %swap3A_1451] {strides = array<i32>} : memref<128x128xf32, #tpu.memory_space<vmem>>, vector<1x16xf32>,
        %swap3A_1453 = vector.shape_cast %swap3A_1452 : vector<1x16xf32> to vector<16xf32>
        %swap3A_1454 = vector.shape_cast %mul3A_1449 : vector<16xf32> to vector<1x16xf32>
        tpu.vector_store %arg11[%swap3A_1450, %swap3A_1451], %swap3A_1454 {strides = array<i32>} : memref<128x128xf32, #tpu.memory_space<vmem>>, vector<1x16xf32>,
        %get3A_1455 = arith.index_cast %add3A_1443 : i32 to index
        %get3A_1456 = arith.constant 16 : index
        %get3A_1457 = tpu.vector_load %arg11[%get3A_1455, %get3A_1456] {strides = array<i32>} : memref<128x128xf32, #tpu.memory_space<vmem>>, vector<1x16xf32>,
        %get3A_1458 = vector.shape_cast %get3A_1457 : vector<1x16xf32> to vector<16xf32>
        %mul3A_1459 = vector.broadcast %squeeze3A_1439 : f32 to vector<16xf32>
        %mul3A_1460 = arith.mulf %get3A_1458, %mul3A_1459 : vector<16xf32>
        %swap3A_1461 = arith.index_cast %add3A_1443 : i32 to index
        %swap3A_1462 = arith.constant 16 : index
        %swap3A_1463 = tpu.vector_load %arg11[%swap3A_1461, %swap3A_1462] {strides = array<i32>} : memref<128x128xf32, #tpu.memory_space<vmem>>, vector<1x16xf32>,
        %swap3A_1464 = vector.shape_cast %swap3A_1463 : vector<1x16xf32> to vector<16xf32>
        %swap3A_1465 = vector.shape_cast %mul3A_1460 : vector<16xf32> to vector<1x16xf32>
        tpu.vector_store %arg11[%swap3A_1461, %swap3A_1462], %swap3A_1465 {strides = array<i32>} : memref<128x128xf32, #tpu.memory_space<vmem>>, vector<1x16xf32>,
        %get3A_1466 = arith.index_cast %add3A_1443 : i32 to index
        %get3A_1467 = arith.constant 32 : index
        %get3A_1468 = tpu.vector_load %arg11[%get3A_1466, %get3A_1467] {strides = array<i32>} : memref<128x128xf32, #tpu.memory_space<vmem>>, vector<1x16xf32>,
        %get3A_1469 = vector.shape_cast %get3A_1468 : vector<1x16xf32> to vector<16xf32>
        %mul3A_1470 = vector.broadcast %squeeze3A_1439 : f32 to vector<16xf32>
        %mul3A_1471 = arith.mulf %get3A_1469, %mul3A_1470 : vector<16xf32>
        %swap3A_1472 = arith.index_cast %add3A_1443 : i32 to index
        %swap3A_1473 = arith.constant 32 : index
        %swap3A_1474 = tpu.vector_load %arg11[%swap3A_1472, %swap3A_1473] {strides = array<i32>} : memref<128x128xf32, #tpu.memory_space<vmem>>, vector<1x16xf32>,
        %swap3A_1475 = vector.shape_cast %swap3A_1474 : vector<1x16xf32> to vector<16xf32>
        %swap3A_1476 = vector.shape_cast %mul3A_1471 : vector<16xf32> to vector<1x16xf32>
        tpu.vector_store %arg11[%swap3A_1472, %swap3A_1473], %swap3A_1476 {strides = array<i32>} : memref<128x128xf32, #tpu.memory_space<vmem>>, vector<1x16xf32>,
        %get3A_1477 = arith.index_cast %add3A_1443 : i32 to index
        %get3A_1478 = arith.constant 48 : index
        %get3A_1479 = tpu.vector_load %arg11[%get3A_1477, %get3A_1478] {strides = array<i32>} : memref<128x128xf32, #tpu.memory_space<vmem>>, vector<1x16xf32>,
        %get3A_1480 = vector.shape_cast %get3A_1479 : vector<1x16xf32> to vector<16xf32>
        %mul3A_1481 = vector.broadcast %squeeze3A_1439 : f32 to vector<16xf32>
        %mul3A_1482 = arith.mulf %get3A_1480, %mul3A_1481 : vector<16xf32>
        %swap3A_1483 = arith.index_cast %add3A_1443 : i32 to index
        %swap3A_1484 = arith.constant 48 : index
        %swap3A_1485 = tpu.vector_load %arg11[%swap3A_1483, %swap3A_1484] {strides = array<i32>} : memref<128x128xf32, #tpu.memory_space<vmem>>, vector<1x16xf32>,
        %swap3A_1486 = vector.shape_cast %swap3A_1485 : vector<1x16xf32> to vector<16xf32>
        %swap3A_1487 = vector.shape_cast %mul3A_1482 : vector<16xf32> to vector<1x16xf32>
        tpu.vector_store %arg11[%swap3A_1483, %swap3A_1484], %swap3A_1487 {strides = array<i32>} : memref<128x128xf32, #tpu.memory_space<vmem>>, vector<1x16xf32>,
        %get3A_1488 = arith.index_cast %add3A_1443 : i32 to index
        %get3A_1489 = arith.constant 64 : index
        %get3A_1490 = tpu.vector_load %arg11[%get3A_1488, %get3A_1489] {strides = array<i32>} : memref<128x128xf32, #tpu.memory_space<vmem>>, vector<1x16xf32>,
        %get3A_1491 = vector.shape_cast %get3A_1490 : vector<1x16xf32> to vector<16xf32>
        %mul3A_1492 = vector.broadcast %squeeze3A_1439 : f32 to vector<16xf32>
        %mul3A_1493 = arith.mulf %get3A_1491, %mul3A_1492 : vector<16xf32>
        %swap3A_1494 = arith.index_cast %add3A_1443 : i32 to index
        %swap3A_1495 = arith.constant 64 : index
        %swap3A_1496 = tpu.vector_load %arg11[%swap3A_1494, %swap3A_1495] {strides = array<i32>} : memref<128x128xf32, #tpu.memory_space<vmem>>, vector<1x16xf32>,
        %swap3A_1497 = vector.shape_cast %swap3A_1496 : vector<1x16xf32> to vector<16xf32>
        %swap3A_1498 = vector.shape_cast %mul3A_1493 : vector<16xf32> to vector<1x16xf32>
        tpu.vector_store %arg11[%swap3A_1494, %swap3A_1495], %swap3A_1498 {strides = array<i32>} : memref<128x128xf32, #tpu.memory_space<vmem>>, vector<1x16xf32>,
        %get3A_1499 = arith.index_cast %add3A_1443 : i32 to index
        %get3A_1500 = arith.constant 80 : index
        %get3A_1501 = tpu.vector_load %arg11[%get3A_1499, %get3A_1500] {strides = array<i32>} : memref<128x128xf32, #tpu.memory_space<vmem>>, vector<1x16xf32>,
        %get3A_1502 = vector.shape_cast %get3A_1501 : vector<1x16xf32> to vector<16xf32>
        %mul3A_1503 = vector.broadcast %squeeze3A_1439 : f32 to vector<16xf32>
        %mul3A_1504 = arith.mulf %get3A_1502, %mul3A_1503 : vector<16xf32>
        %swap3A_1505 = arith.index_cast %add3A_1443 : i32 to index
        %swap3A_1506 = arith.constant 80 : index
        %swap3A_1507 = tpu.vector_load %arg11[%swap3A_1505, %swap3A_1506] {strides = array<i32>} : memref<128x128xf32, #tpu.memory_space<vmem>>, vector<1x16xf32>,
        %swap3A_1508 = vector.shape_cast %swap3A_1507 : vector<1x16xf32> to vector<16xf32>
        %swap3A_1509 = vector.shape_cast %mul3A_1504 : vector<16xf32> to vector<1x16xf32>
        tpu.vector_store %arg11[%swap3A_1505, %swap3A_1506], %swap3A_1509 {strides = array<i32>} : memref<128x128xf32, #tpu.memory_space<vmem>>, vector<1x16xf32>,
        %get3A_1510 = arith.index_cast %add3A_1443 : i32 to index
        %get3A_1511 = arith.constant 96 : index
        %get3A_1512 = tpu.vector_load %arg11[%get3A_1510, %get3A_1511] {strides = array<i32>} : memref<128x128xf32, #tpu.memory_space<vmem>>, vector<1x16xf32>,
        %get3A_1513 = vector.shape_cast %get3A_1512 : vector<1x16xf32> to vector<16xf32>
        %mul3A_1514 = vector.broadcast %squeeze3A_1439 : f32 to vector<16xf32>
        %mul3A_1515 = arith.mulf %get3A_1513, %mul3A_1514 : vector<16xf32>
        %swap3A_1516 = arith.index_cast %add3A_1443 : i32 to index
        %swap3A_1517 = arith.constant 96 : index
        %swap3A_1518 = tpu.vector_load %arg11[%swap3A_1516, %swap3A_1517] {strides = array<i32>} : memref<128x128xf32, #tpu.memory_space<vmem>>, vector<1x16xf32>,
        %swap3A_1519 = vector.shape_cast %swap3A_1518 : vector<1x16xf32> to vector<16xf32>
        %swap3A_1520 = vector.shape_cast %mul3A_1515 : vector<16xf32> to vector<1x16xf32>
        tpu.vector_store %arg11[%swap3A_1516, %swap3A_1517], %swap3A_1520 {strides = array<i32>} : memref<128x128xf32, #tpu.memory_space<vmem>>, vector<1x16xf32>,
        %get3A_1521 = arith.index_cast %add3A_1443 : i32 to index
        %get3A_1522 = arith.constant 112 : index
        %get3A_1523 = tpu.vector_load %arg11[%get3A_1521, %get3A_1522] {strides = array<i32>} : memref<128x128xf32, #tpu.memory_space<vmem>>, vector<1x16xf32>,
        %get3A_1524 = vector.shape_cast %get3A_1523 : vector<1x16xf32> to vector<16xf32>
        %mul3A_1525 = vector.broadcast %squeeze3A_1439 : f32 to vector<16xf32>
        %mul3A_1526 = arith.mulf %get3A_1524, %mul3A_1525 : vector<16xf32>
        %swap3A_1527 = arith.index_cast %add3A_1443 : i32 to index
        %swap3A_1528 = arith.constant 112 : index
        %swap3A_1529 = tpu.vector_load %arg11[%swap3A_1527, %swap3A_1528] {strides = array<i32>} : memref<128x128xf32, #tpu.memory_space<vmem>>, vector<1x16xf32>,
        %swap3A_1530 = vector.shape_cast %swap3A_1529 : vector<1x16xf32> to vector<16xf32>
        %swap3A_1531 = vector.shape_cast %mul3A_1526 : vector<16xf32> to vector<1x16xf32>
        tpu.vector_store %arg11[%swap3A_1527, %swap3A_1528], %swap3A_1531 {strides = array<i32>} : memref<128x128xf32, #tpu.memory_space<vmem>>, vector<1x16xf32>,
      }
      %scan3A_25 = arith.constant 8 : i32
      "tpu.region"() ({
        %run_scoped3A = tpu.sem_alloc : memref<!tpu.dma_semaphore, #tpu.memory_space<semaphore_mem>>
        %dma_start3A_26 = arith.constant 0 : i32
        %dma_start3A_27 = arith.constant 0 : i32
        %dma_start3A_28 = tpu.memref_slice %arg13[%dma_start3A_26, %dma_start3A_27] : memref<10240x128xf32, #tpu.memory_space<vmem_shared>> -> memref<10240x128xf32, #tpu.memory_space<vmem_shared>>
        tpu.enqueue_indirect_dma source(%arg11 : memref<128x128xf32, #tpu.memory_space<vmem>>) target(%dma_start3A_28 : memref<10240x128xf32, #tpu.memory_space<vmem_shared>>) offsets(%arg9 : memref<128xi32, #tpu.memory_space<vmem>>) semaphore(%run_scoped3A : memref<!tpu.dma_semaphore, #tpu.memory_space<semaphore_mem>>) {add = true}
        %dma_wait3A_29 = arith.constant 0 : i32
        %dma_wait3A_30 = arith.constant 0 : i32
        %dma_wait3A_31 = tpu.memref_slice %arg13[%dma_wait3A_29, %dma_wait3A_30] : memref<10240x128xf32, #tpu.memory_space<vmem_shared>> -> memref<10240x128xf32, #tpu.memory_space<vmem_shared>>
        tpu.wait_indirect_dma semaphore(%run_scoped3A : memref<!tpu.dma_semaphore, #tpu.memory_space<semaphore_mem>>) src(%arg11 : memref<128x128xf32, #tpu.memory_space<vmem>>) dst(%dma_wait3A_31 : memref<10240x128xf32, #tpu.memory_space<vmem_shared>>)
        tpu.yield
      }) : () -> ()
    }
    %scan3A_9 = arith.constant 79 : i32
    %barrier3A_10 = arith.constant 0 : index
    tpu.barrier barrier_id(%barrier3A_10)
    %mul3A_11 = arith.constant 640 : i32
    %mul3A_12 = arith.muli %arg1, %mul3A_11 : i32
    %mul3A_13 = arith.constant 640 : i32
    %mul3A_14 = arith.muli %arg1, %mul3A_13 : i32
    "tpu.region"() ({
      %run_scoped3A = tpu.sem_alloc : memref<!tpu.dma_semaphore, #tpu.memory_space<semaphore_mem>>
      %dma_start3A = arith.constant 0 : i32
      %dma_start3A_15 = tpu.memref_slice %arg7[%arg0, %mul3A_14, %dma_start3A] : memref<2x10240x128xf32, #tpu.memory_space<hbm>> -> memref<1x640x128xf32, #tpu.memory_space<hbm>>
      %dma_start3A_16 = tpu.memref_squeeze %dma_start3A_15 : memref<1x640x128xf32, #tpu.memory_space<hbm>> -> memref<640x128xf32, #tpu.memory_space<hbm>>
      %dma_start3A_17 = arith.constant 0 : i32
      %dma_start3A_18 = tpu.memref_slice %arg13[%mul3A_12, %dma_start3A_17] : memref<10240x128xf32, #tpu.memory_space<vmem_shared>> -> memref<640x128xf32, #tpu.memory_space<vmem_shared>>
      tpu.enqueue_dma source(%dma_start3A_18 : memref<640x128xf32, #tpu.memory_space<vmem_shared>>) target(%dma_start3A_16 : memref<640x128xf32, #tpu.memory_space<hbm>>) target_semaphore(%run_scoped3A : memref<!tpu.dma_semaphore, #tpu.memory_space<semaphore_mem>>)
      %dma_wait3A = arith.constant 0 : i32
      %dma_wait3A_19 = tpu.memref_slice %arg7[%arg0, %mul3A_14, %dma_wait3A] : memref<2x10240x128xf32, #tpu.memory_space<hbm>> -> memref<1x640x128xf32, #tpu.memory_space<hbm>>
      %dma_wait3A_20 = tpu.memref_squeeze %dma_wait3A_19 : memref<1x640x128xf32, #tpu.memory_space<hbm>> -> memref<640x128xf32, #tpu.memory_space<hbm>>
      %dma_wait3A_21 = arith.constant 0 : i32
      %dma_wait3A_22 = tpu.memref_slice %arg13[%mul3A_12, %dma_wait3A_21] : memref<10240x128xf32, #tpu.memory_space<vmem_shared>> -> memref<640x128xf32, #tpu.memory_space<vmem_shared>>
      tpu.wait_dma2 semaphore(%run_scoped3A : memref<!tpu.dma_semaphore, #tpu.memory_space<semaphore_mem>>) src(%dma_wait3A_22 : memref<640x128xf32, #tpu.memory_space<vmem_shared>>) dst(%dma_wait3A_20 : memref<640x128xf32, #tpu.memory_space<hbm>>)
      tpu.yield
    }) : () -> ()
    return
  }
}

module attributes {stable_mosaic.version = 14 : i64} {
  func.func @_tc1_body(%arg0: i32, %arg1: memref<2000x128xf32, #tpu.memory_space<vmem>>, %arg2: memref<128x128xf32, #tpu.memory_space<vmem>>, %arg3: memref<1x128xf32, #tpu.memory_space<vmem>>, %arg4: memref<2000x128xf32, #tpu.memory_space<vmem>>) attributes {dimension_semantics = [#tpu.dimension_semantics<arbitrary>], iteration_bounds = array<i64: 5>, scalar_prefetch = 0 : i64, scratch_operands = 0 : i64, tpu.core_type = #tpu.core_type<tc>, window_params = [{transform_indices = @transform_0, window_bounds = array<i64: 2000, 128>}, {pipeline_mode = #tpu.pipeline_mode<synchronous>, transform_indices = @transform_1, window_bounds = array<i64: 128, 128>}, {pipeline_mode = #tpu.pipeline_mode<synchronous>, transform_indices = @transform_2, window_bounds = array<i64: 1, 128>}, {transform_indices = @transform_3, window_bounds = array<i64: 2000, 128>}]} {
    %get3A = arith.constant 0 : index
    %get3A_0 = arith.constant 0 : index
    %get3A_1 = vector.load %arg1[%get3A, %get3A_0] : memref<2000x128xf32, #tpu.memory_space<vmem>>, vector<2000x128xf32>
    %get3A_2 = arith.constant 0 : index
    %get3A_3 = arith.constant 0 : index
    %get3A_4 = vector.load %arg2[%get3A_2, %get3A_3] : memref<128x128xf32, #tpu.memory_space<vmem>>, vector<128x128xf32>
    %dot_general3A = arith.constant dense<0.000000e+00> : vector<2000x128xf32>
    %dot_general3A_5 = tpu.matmul %get3A_1, %get3A_4, %dot_general3A {dimension_numbers = #tpu.dot_dimension_numbers<[1], [1], [0], [0], [0, 0, 1, 0], [], []>, transpose_lhs_hint = false} : vector<2000x128xf32>, vector<128x128xf32>, vector<2000x128xf32> -> vector<2000x128xf32>
    %get3A_6 = arith.constant 0 : index
    %get3A_7 = arith.constant 0 : index
    %get3A_8 = vector.load %arg3[%get3A_6, %get3A_7] : memref<1x128xf32, #tpu.memory_space<vmem>>, vector<1x128xf32>
    %add3A = vector.broadcast %get3A_8 : vector<1x128xf32> to vector<2000x128xf32>
    %add3A_9 = arith.addf %dot_general3A_5, %add3A : vector<2000x128xf32>
    %swap3A = arith.constant 0 : index
    %swap3A_10 = arith.constant 0 : index
    %swap3A_11 = vector.load %arg4[%swap3A, %swap3A_10] : memref<2000x128xf32, #tpu.memory_space<vmem>>, vector<2000x128xf32>
    tpu.vector_store %arg4[%swap3A, %swap3A_10], %add3A_9 {strides = array<i32>} : memref<2000x128xf32, #tpu.memory_space<vmem>>, vector<2000x128xf32>,
    return
  }
  func.func @transform_0(%arg0: i32) -> (i32, i32) {
    %c0_i32 = arith.constant 0 : i32
    %c0_i32_0 = arith.constant 0 : i32
    return %arg0, %c0_i32 : i32, i32
  }
  func.func @transform_1(%arg0: i32) -> (i32, i32) {
    %c0_i32 = arith.constant 0 : i32
    %c0_i32_0 = arith.constant 0 : i32
    %c0_i32_1 = arith.constant 0 : i32
    return %c0_i32, %c0_i32_0 : i32, i32
  }
  func.func @transform_2(%arg0: i32) -> (i32, i32) {
    %c0_i32 = arith.constant 0 : i32
    %c0_i32_0 = arith.constant 0 : i32
    %c0_i32_1 = arith.constant 0 : i32
    return %c0_i32, %c0_i32_0 : i32, i32
  }
  func.func @transform_3(%arg0: i32) -> (i32, i32) {
    %c0_i32 = arith.constant 0 : i32
    %c0_i32_0 = arith.constant 0 : i32
    return %arg0, %c0_i32 : i32, i32
  }
}

module attributes {stable_mosaic.version = 14 : i64} {
  func.func @_tc2_body(%arg0: i32, %arg1: memref<2000x128xf32, #tpu.memory_space<vmem>>, %arg2: memref<2000x128xf32, #tpu.memory_space<vmem>>, %arg3: memref<2000x128xf32, #tpu.memory_space<vmem>>, %arg4: memref<2000x128xf32, #tpu.memory_space<vmem>>, %arg5: memref<128x128xf32, #tpu.memory_space<vmem>>, %arg6: memref<1x128xf32, #tpu.memory_space<vmem>>, %arg7: memref<2000x128xf32, #tpu.memory_space<vmem>>, %arg8: memref<2000x128xf32, #tpu.memory_space<vmem>>) attributes {dimension_semantics = [#tpu.dimension_semantics<arbitrary>], iteration_bounds = array<i64: 5>, scalar_prefetch = 0 : i64, scratch_operands = 0 : i64, tpu.core_type = #tpu.core_type<tc>, window_params = [{transform_indices = @transform_0, window_bounds = array<i64: 2000, 128>}, {transform_indices = @transform_1, window_bounds = array<i64: 2000, 128>}, {transform_indices = @transform_2, window_bounds = array<i64: 2000, 128>}, {transform_indices = @transform_3, window_bounds = array<i64: 2000, 128>}, {pipeline_mode = #tpu.pipeline_mode<synchronous>, transform_indices = @transform_4, window_bounds = array<i64: 128, 128>}, {pipeline_mode = #tpu.pipeline_mode<synchronous>, transform_indices = @transform_5, window_bounds = array<i64: 1, 128>}, {transform_indices = @transform_6, window_bounds = array<i64: 2000, 128>}, {transform_indices = @transform_7, window_bounds = array<i64: 2000, 128>}]} {
    %get3A = arith.constant 0 : index
    %get3A_0 = arith.constant 0 : index
    %get3A_1 = vector.load %arg3[%get3A, %get3A_0] : memref<2000x128xf32, #tpu.memory_space<vmem>>, vector<2000x128xf32>
    %get3A_2 = arith.constant 0 : index
    %get3A_3 = arith.constant 0 : index
    %get3A_4 = vector.load %arg4[%get3A_2, %get3A_3] : memref<2000x128xf32, #tpu.memory_space<vmem>>, vector<2000x128xf32>
    %add3A = arith.addf %get3A_1, %get3A_4 : vector<2000x128xf32>
    %slice3A = vector.extract_strided_slice %add3A {offsets = [0, 0], sizes = [2000, 1], strides = [1, 1]} : vector<2000x128xf32> to vector<2000x1xf32>
    %max3A = arith.constant 1.000000e+00 : f32
    %max3A_5 = vector.broadcast %max3A : f32 to vector<2000x1xf32>
    %max3A_6 = arith.maximumf %slice3A, %max3A_5 : vector<2000x1xf32>
    %get3A_7 = arith.constant 0 : index
    %get3A_8 = arith.constant 0 : index
    %get3A_9 = vector.load %arg1[%get3A_7, %get3A_8] : memref<2000x128xf32, #tpu.memory_space<vmem>>, vector<2000x128xf32>
    %get3A_10 = arith.constant 0 : index
    %get3A_11 = arith.constant 0 : index
    %get3A_12 = vector.load %arg2[%get3A_10, %get3A_11] : memref<2000x128xf32, #tpu.memory_space<vmem>>, vector<2000x128xf32>
    %add3A_13 = arith.addf %get3A_9, %get3A_12 : vector<2000x128xf32>
    %div3A = vector.broadcast %max3A_6 : vector<2000x1xf32> to vector<2000x128xf32>
    %div3A_14 = arith.divf %add3A_13, %div3A : vector<2000x128xf32>
    %swap3A = arith.constant 0 : index
    %swap3A_15 = arith.constant 0 : index
    %swap3A_16 = vector.load %arg7[%swap3A, %swap3A_15] : memref<2000x128xf32, #tpu.memory_space<vmem>>, vector<2000x128xf32>
    tpu.vector_store %arg7[%swap3A, %swap3A_15], %div3A_14 {strides = array<i32>} : memref<2000x128xf32, #tpu.memory_space<vmem>>, vector<2000x128xf32>,
    %get3A_17 = arith.constant 0 : index
    %get3A_18 = arith.constant 0 : index
    %get3A_19 = vector.load %arg5[%get3A_17, %get3A_18] : memref<128x128xf32, #tpu.memory_space<vmem>>, vector<128x128xf32>
    %dot_general3A = arith.constant dense<0.000000e+00> : vector<2000x128xf32>
    %dot_general3A_20 = tpu.matmul %div3A_14, %get3A_19, %dot_general3A {dimension_numbers = #tpu.dot_dimension_numbers<[1], [1], [0], [0], [0, 0, 1, 0], [], []>, transpose_lhs_hint = false} : vector<2000x128xf32>, vector<128x128xf32>, vector<2000x128xf32> -> vector<2000x128xf32>
    %get3A_21 = arith.constant 0 : index
    %get3A_22 = arith.constant 0 : index
    %get3A_23 = vector.load %arg6[%get3A_21, %get3A_22] : memref<1x128xf32, #tpu.memory_space<vmem>>, vector<1x128xf32>
    %add3A_24 = vector.broadcast %get3A_23 : vector<1x128xf32> to vector<2000x128xf32>
    %add3A_25 = arith.addf %dot_general3A_20, %add3A_24 : vector<2000x128xf32>
    %swap3A_26 = arith.constant 0 : index
    %swap3A_27 = arith.constant 0 : index
    %swap3A_28 = vector.load %arg8[%swap3A_26, %swap3A_27] : memref<2000x128xf32, #tpu.memory_space<vmem>>, vector<2000x128xf32>
    tpu.vector_store %arg8[%swap3A_26, %swap3A_27], %add3A_25 {strides = array<i32>} : memref<2000x128xf32, #tpu.memory_space<vmem>>, vector<2000x128xf32>,
    return
  }
  func.func @transform_0(%arg0: i32) -> (i32, i32) {
    %c0_i32 = arith.constant 0 : i32
    %c0_i32_0 = arith.constant 0 : i32
    return %arg0, %c0_i32 : i32, i32
  }
  func.func @transform_1(%arg0: i32) -> (i32, i32) {
    %c0_i32 = arith.constant 0 : i32
    %c0_i32_0 = arith.constant 0 : i32
    return %arg0, %c0_i32 : i32, i32
  }
  func.func @transform_2(%arg0: i32) -> (i32, i32) {
    %c0_i32 = arith.constant 0 : i32
    %c0_i32_0 = arith.constant 0 : i32
    return %arg0, %c0_i32 : i32, i32
  }
  func.func @transform_3(%arg0: i32) -> (i32, i32) {
    %c0_i32 = arith.constant 0 : i32
    %c0_i32_0 = arith.constant 0 : i32
    return %arg0, %c0_i32 : i32, i32
  }
  func.func @transform_4(%arg0: i32) -> (i32, i32) {
    %c0_i32 = arith.constant 0 : i32
    %c0_i32_0 = arith.constant 0 : i32
    %c0_i32_1 = arith.constant 0 : i32
    return %c0_i32, %c0_i32_0 : i32, i32
  }
  func.func @transform_5(%arg0: i32) -> (i32, i32) {
    %c0_i32 = arith.constant 0 : i32
    %c0_i32_0 = arith.constant 0 : i32
    %c0_i32_1 = arith.constant 0 : i32
    return %c0_i32, %c0_i32_0 : i32, i32
  }
  func.func @transform_6(%arg0: i32) -> (i32, i32) {
    %c0_i32 = arith.constant 0 : i32
    %c0_i32_0 = arith.constant 0 : i32
    return %arg0, %c0_i32 : i32, i32
  }
  func.func @transform_7(%arg0: i32) -> (i32, i32) {
    %c0_i32 = arith.constant 0 : i32
    %c0_i32_0 = arith.constant 0 : i32
    return %arg0, %c0_i32 : i32, i32
  }
}

module attributes {stable_mosaic.version = 14 : i64} {
  func.func @_tc3_body(%arg0: i32, %arg1: memref<2000x128xf32, #tpu.memory_space<vmem>>, %arg2: memref<2000x128xf32, #tpu.memory_space<vmem>>, %arg3: memref<2000x128xf32, #tpu.memory_space<vmem>>, %arg4: memref<2000x128xf32, #tpu.memory_space<vmem>>, %arg5: memref<2000x128xf32, #tpu.memory_space<vmem>>, %arg6: memref<2000x128xf32, #tpu.memory_space<vmem>>, %arg7: memref<1x128xf32, #tpu.memory_space<vmem>>, %arg8: memref<1x128xf32, #tpu.memory_space<vmem>>, %arg9: memref<2000x128xf32, #tpu.memory_space<vmem>>) attributes {dimension_semantics = [#tpu.dimension_semantics<arbitrary>], iteration_bounds = array<i64: 5>, scalar_prefetch = 0 : i64, scratch_operands = 0 : i64, tpu.core_type = #tpu.core_type<tc>, window_params = [{transform_indices = @transform_0, window_bounds = array<i64: 2000, 128>}, {transform_indices = @transform_1, window_bounds = array<i64: 2000, 128>}, {transform_indices = @transform_2, window_bounds = array<i64: 2000, 128>}, {transform_indices = @transform_3, window_bounds = array<i64: 2000, 128>}, {transform_indices = @transform_4, window_bounds = array<i64: 2000, 128>}, {transform_indices = @transform_5, window_bounds = array<i64: 2000, 128>}, {pipeline_mode = #tpu.pipeline_mode<synchronous>, transform_indices = @transform_6, window_bounds = array<i64: 1, 128>}, {pipeline_mode = #tpu.pipeline_mode<synchronous>, transform_indices = @transform_7, window_bounds = array<i64: 1, 128>}, {transform_indices = @transform_8, window_bounds = array<i64: 2000, 128>}]} {
    %get3A = arith.constant 0 : index
    %get3A_0 = arith.constant 0 : index
    %get3A_1 = vector.load %arg5[%get3A, %get3A_0] : memref<2000x128xf32, #tpu.memory_space<vmem>>, vector<2000x128xf32>
    %get3A_2 = arith.constant 0 : index
    %get3A_3 = arith.constant 0 : index
    %get3A_4 = vector.load %arg6[%get3A_2, %get3A_3] : memref<2000x128xf32, #tpu.memory_space<vmem>>, vector<2000x128xf32>
    %add3A = arith.addf %get3A_1, %get3A_4 : vector<2000x128xf32>
    %slice3A = vector.extract_strided_slice %add3A {offsets = [0, 0], sizes = [2000, 1], strides = [1, 1]} : vector<2000x128xf32> to vector<2000x1xf32>
    %add3A_5 = arith.constant 1.000000e+00 : f32
    %add3A_6 = vector.broadcast %add3A_5 : f32 to vector<2000x1xf32>
    %add3A_7 = arith.addf %slice3A, %add3A_6 : vector<2000x1xf32>
    %get3A_8 = arith.constant 0 : index
    %get3A_9 = arith.constant 0 : index
    %get3A_10 = vector.load %arg1[%get3A_8, %get3A_9] : memref<2000x128xf32, #tpu.memory_space<vmem>>, vector<2000x128xf32>
    %get3A_11 = arith.constant 0 : index
    %get3A_12 = arith.constant 0 : index
    %get3A_13 = vector.load %arg2[%get3A_11, %get3A_12] : memref<2000x128xf32, #tpu.memory_space<vmem>>, vector<2000x128xf32>
    %add3A_14 = arith.addf %get3A_10, %get3A_13 : vector<2000x128xf32>
    %get3A_15 = arith.constant 0 : index
    %get3A_16 = arith.constant 0 : index
    %get3A_17 = vector.load %arg3[%get3A_15, %get3A_16] : memref<2000x128xf32, #tpu.memory_space<vmem>>, vector<2000x128xf32>
    %add3A_18 = arith.addf %add3A_14, %get3A_17 : vector<2000x128xf32>
    %div3A = vector.broadcast %add3A_7 : vector<2000x1xf32> to vector<2000x128xf32>
    %div3A_19 = arith.divf %add3A_18, %div3A : vector<2000x128xf32>
    %get3A_20 = arith.constant 0 : index
    %get3A_21 = arith.constant 0 : index
    %get3A_22 = vector.load %arg4[%get3A_20, %get3A_21] : memref<2000x128xf32, #tpu.memory_space<vmem>>, vector<2000x128xf32>
    %add3A_23 = arith.addf %div3A_19, %get3A_22 : vector<2000x128xf32>
    %reduce_sum3A = arith.constant dense<0.000000e+00> : vector<2000xf32>
    %reduce_sum3A_24 = vector.multi_reduction <add>, %add3A_23, %reduce_sum3A [1] : vector<2000x128xf32> to vector<2000xf32>
    %broadcast_in_dim3A = vector.shape_cast %reduce_sum3A_24 : vector<2000xf32> to vector<2000x1xf32>
    %div3A_25 = arith.constant 1.280000e+02 : f32
    %div3A_26 = vector.broadcast %div3A_25 : f32 to vector<2000x1xf32>
    %div3A_27 = arith.divf %broadcast_in_dim3A, %div3A_26 : vector<2000x1xf32>
    %sub3A = vector.broadcast %div3A_27 : vector<2000x1xf32> to vector<2000x128xf32>
    %sub3A_28 = arith.subf %add3A_23, %sub3A : vector<2000x128xf32>
    %integer_pow3A = arith.mulf %sub3A_28, %sub3A_28 : vector<2000x128xf32>
    %reduce_sum3A_29 = arith.constant dense<0.000000e+00> : vector<2000xf32>
    %reduce_sum3A_30 = vector.multi_reduction <add>, %integer_pow3A, %reduce_sum3A_29 [1] : vector<2000x128xf32> to vector<2000xf32>
    %broadcast_in_dim3A_31 = vector.shape_cast %reduce_sum3A_30 : vector<2000xf32> to vector<2000x1xf32>
    %div3A_32 = arith.constant 1.280000e+02 : f32
    %div3A_33 = vector.broadcast %div3A_32 : f32 to vector<2000x1xf32>
    %div3A_34 = arith.divf %broadcast_in_dim3A_31, %div3A_33 : vector<2000x1xf32>
    %sub3A_35 = vector.broadcast %div3A_27 : vector<2000x1xf32> to vector<2000x128xf32>
    %sub3A_36 = arith.subf %add3A_23, %sub3A_35 : vector<2000x128xf32>
    %add3A_37 = arith.constant 9.99999974E-6 : f32
    %add3A_38 = vector.broadcast %add3A_37 : f32 to vector<2000x1xf32>
    %add3A_39 = arith.addf %div3A_34, %add3A_38 : vector<2000x1xf32>
    %rsqrt3A = math.rsqrt %add3A_39 : vector<2000x1xf32>
    %mul3A = vector.broadcast %rsqrt3A : vector<2000x1xf32> to vector<2000x128xf32>
    %mul3A_40 = arith.mulf %sub3A_36, %mul3A : vector<2000x128xf32>
    %get3A_41 = arith.constant 0 : index
    %get3A_42 = arith.constant 0 : index
    %get3A_43 = vector.load %arg7[%get3A_41, %get3A_42] : memref<1x128xf32, #tpu.memory_space<vmem>>, vector<1x128xf32>
    %mul3A_44 = vector.broadcast %get3A_43 : vector<1x128xf32> to vector<2000x128xf32>
    %mul3A_45 = arith.mulf %mul3A_40, %mul3A_44 : vector<2000x128xf32>
    %get3A_46 = arith.constant 0 : index
    %get3A_47 = arith.constant 0 : index
    %get3A_48 = vector.load %arg8[%get3A_46, %get3A_47] : memref<1x128xf32, #tpu.memory_space<vmem>>, vector<1x128xf32>
    %add3A_49 = vector.broadcast %get3A_48 : vector<1x128xf32> to vector<2000x128xf32>
    %add3A_50 = arith.addf %mul3A_45, %add3A_49 : vector<2000x128xf32>
    %mul3A_51 = arith.constant 5.000000e-01 : f32
    %mul3A_52 = vector.broadcast %mul3A_51 : f32 to vector<2000x128xf32>
    %mul3A_53 = arith.mulf %add3A_50, %mul3A_52 : vector<2000x128xf32>
    %mul3A_54 = arith.constant 0.707106769 : f32
    %mul3A_55 = vector.broadcast %mul3A_54 : f32 to vector<2000x128xf32>
    %mul3A_56 = arith.mulf %add3A_50, %mul3A_55 : vector<2000x128xf32>
    %erf3A = math.erf %mul3A_56 : vector<2000x128xf32>
    %add3A_57 = arith.constant 1.000000e+00 : f32
    %add3A_58 = vector.broadcast %add3A_57 : f32 to vector<2000x128xf32>
    %add3A_59 = arith.addf %add3A_58, %erf3A : vector<2000x128xf32>
    %mul3A_60 = arith.mulf %mul3A_53, %add3A_59 : vector<2000x128xf32>
    %swap3A = arith.constant 0 : index
    %swap3A_61 = arith.constant 0 : index
    %swap3A_62 = vector.load %arg9[%swap3A, %swap3A_61] : memref<2000x128xf32, #tpu.memory_space<vmem>>, vector<2000x128xf32>
    tpu.vector_store %arg9[%swap3A, %swap3A_61], %mul3A_60 {strides = array<i32>} : memref<2000x128xf32, #tpu.memory_space<vmem>>, vector<2000x128xf32>,
    return
  }
  func.func @transform_0(%arg0: i32) -> (i32, i32) {
    %c0_i32 = arith.constant 0 : i32
    %c0_i32_0 = arith.constant 0 : i32
    return %arg0, %c0_i32 : i32, i32
  }
  func.func @transform_1(%arg0: i32) -> (i32, i32) {
    %c0_i32 = arith.constant 0 : i32
    %c0_i32_0 = arith.constant 0 : i32
    return %arg0, %c0_i32 : i32, i32
  }
  func.func @transform_2(%arg0: i32) -> (i32, i32) {
    %c0_i32 = arith.constant 0 : i32
    %c0_i32_0 = arith.constant 0 : i32
    return %arg0, %c0_i32 : i32, i32
  }
  func.func @transform_3(%arg0: i32) -> (i32, i32) {
    %c0_i32 = arith.constant 0 : i32
    %c0_i32_0 = arith.constant 0 : i32
    return %arg0, %c0_i32 : i32, i32
  }
  func.func @transform_4(%arg0: i32) -> (i32, i32) {
    %c0_i32 = arith.constant 0 : i32
    %c0_i32_0 = arith.constant 0 : i32
    return %arg0, %c0_i32 : i32, i32
  }
  func.func @transform_5(%arg0: i32) -> (i32, i32) {
    %c0_i32 = arith.constant 0 : i32
    %c0_i32_0 = arith.constant 0 : i32
    return %arg0, %c0_i32 : i32, i32
  }
  func.func @transform_6(%arg0: i32) -> (i32, i32) {
    %c0_i32 = arith.constant 0 : i32
    %c0_i32_0 = arith.constant 0 : i32
    %c0_i32_1 = arith.constant 0 : i32
    return %c0_i32, %c0_i32_0 : i32, i32
  }
  func.func @transform_7(%arg0: i32) -> (i32, i32) {
    %c0_i32 = arith.constant 0 : i32
    %c0_i32_0 = arith.constant 0 : i32
    %c0_i32_1 = arith.constant 0 : i32
    return %c0_i32, %c0_i32_0 : i32, i32
  }
  func.func @transform_8(%arg0: i32) -> (i32, i32) {
    %c0_i32 = arith.constant 0 : i32
    %c0_i32_0 = arith.constant 0 : i32
    return %arg0, %c0_i32 : i32, i32
  }
}

</mosaic_0001>

<sc_bundles>
// kernel: kernel.11.cloned.1.call-start
scs
__scs_entry_jumppad:
0x0: {  	(pc) =	sbr.rel $0x88, $3  }
0x1: {  	(tag) =	ssettag $0x0;
	lr =	simm.s32 $0x1  }
0x2: {  	[smem:$0x3F98] =	sst lr;
	_ =	strace $0xD0000000  }
0x3: {  	_ = 	snop  }
0x4: {  	_ = 	snop  }
0x5: {  	_ = 	snop  }
0x6: {  	_ = 	snop  }
0x7: {  	_ = 	snop  }
__scs_overlays_trampoline_lowered:
0x8: {  	[smem:$0x3FA7] =	sst s0  }
0x9: {  	[smem:$0x3FA8] =	sst s1  }
0xa: {  	[smem:$0x3FA9] =	sst s2  }
0xb: {  	[smem:$0x3FAA] =	sst s3  }
0xc: {  	[smem:$0x3FAB] =	sst s4  }
0xd: {  	[smem:$0x3FAC] =	sst s5  }
0xe: {  	[smem:$0x3FAD] =	sst s6  }
0xf: {  	[smem:$0x3FAE] =	sst s7  }
0x10: {  	[smem:$0x3FAF] =	sst s8  }
0x11: {  	[smem:$0x3FB0] =	sst s9;
	s0 =	simm.s32 @!p0 $0x0  }
0x12: {  	s1 =	sld [smem:$0x3F96];
	s0 =	simm.s32 @p0 $0x1  }
0x13: {  	[smem:$0x3FB1] =	sst s0;
	s0 =	simm.s32 @!p1 $0x0  }
0x14: {  	s2 =	sld [smem:$0x3F95];
	s0 =	simm.s32 @p1 $0x1  }
0x15: {  	[smem:$0x3FB2] =	sst s0;
	s0 =	simm.s32 @!p2 $0x0  }
0x16: {  	s3 =	sld [smem:$0x3FDB];
	s0 =	simm.s32 @p2 $0x1  }
0x17: {  	s4 =	simm.s32 $0x1BF5;
	[smem:$0x3FB4] =	sst s0  }
0x18: {  	s0 =	sld [smem:$0x3F97];
	_ =	swait.ge [sflag:s4], $0x0  }
0x19: {  	s7 =	sld [smem:$0x3F98]  }
0x1a: {  	s8 =	sadd.s32 $0xFFFFE003, lr  }
0x1b: {  	s9 =	sadd.s32 $0xFFFFFEF7, lr;
	s5 =	simm.s32 $0xFFFFFFFF;
	p2 =	slt.u32 s8, $0xFFFFF086  }
0x1c: {  	p1 =	slt.u32 s9, $0xF7A;
	s5 =	simm.s32 @!p2 $0x0  }
0x1d: {  	s5 =	simm.s32 @p1 $0x1;
	p0 =	seq.s32 s7, s2  }
0x1e: {  	s7 =	smul.u32 @!p0 $0xF7A, s2;
	p2 =	seq.s32 @!p0 s5, $0x0  }
0x1f: {  	s9 =	smul.u32 $0xF7A, s1;
	s8 =	simm.s32 @!p0 $0x1BF5;
	p2 =	por !p2, p0  }
0x20: {  	[sflag:s8] =	ssyncset.s32 @!p0 $0xFFFFF086;
	s6 =	sadd.s32 @!p0 s3, s7;
	s7 =	simm.s32 @!p0 $0x108  }
0x21: {  	s3 =	sadd.s32 s3, s9;
	s6 =	sadd.s32 @!p0 $0x88, s6;
	s7 =	simm.s32 @p2 $0x1082  }
0x22: {  	[simem:s7], [sflag:s8] =	dma.local @!p0 [hbm:s6], $0xF7A  }
0x23: {  	s9 =	sor.u32 $0xD0000000, s2;
	s6 =	simm.s32 $0x108;
	_ =	swait.ge @!p0 [sflag:s8], $0x0  }
0x24: {  	s3 =	sadd.s32 $0x88, s3;
	s6 =	simm.s32 @!p1 $0x1082;
	[sflag:s4] =	ssyncset.s32 $0xFFFFF086  }
0x25: {  	[simem:s6], [sflag:s4] =	dma.local [hbm:s3], $0xF7A  }
0x26: {  	[smem:$0x3F98] =	sst s1;
	(tag) =	ssettag s2;
	_ =	strace s9  }
0x27: {  	s1 =	sld [smem:$0x3FA8]  }
0x28: {  	s2 =	sld [smem:$0x3FA9]  }
0x29: {  	s4 =	sld [smem:$0x3FAB]  }
0x2a: {  	p0 =	seq.s32 s5, $0x0;
	s5 =	sld [smem:$0x3FAC]  }
0x2b: {  	s6 =	sld [smem:$0x3FAD]  }
0x2c: {  	s7 =	sld [smem:$0x3FAE]  }
0x2d: {  	s3 =	simm.s32 $0x108;
	s8 =	sld [smem:$0x3FAF]  }
0x2e: {  	s3 =	simm.s32 @!p0 $0x1082;
	s9 =	sld [smem:$0x3FB0]  }
0x2f: {  	lr =	sadd.s32 s0, s3;
	s0 =	sld [smem:$0x3FA7]  }
0x30: {  	s3 =	sld [smem:$0x3FAA]  }
0x31: {  	[smem:$0x3FB3] =	sst s10  }
0x32: {  	s10 =	sld [smem:$0x3FB1];
	_ =	sdelay $0x3  }
0x33: {  	p0 =	seq.s32 s10, $0x1;
	s10 =	sld [smem:$0x3FB3];
	_ =	sdelay $0x3  }
0x34: {  	[smem:$0x3FB3] =	sst s10  }
0x35: {  	s10 =	sld [smem:$0x3FB2];
	_ =	sdelay $0x3  }
0x36: {  	p1 =	seq.s32 s10, $0x1;
	s10 =	sld [smem:$0x3FB3];
	_ =	sdelay $0x3  }
0x37: {  	[smem:$0x3FB3] =	sst s10  }
0x38: {  	s10 =	sld [smem:$0x3FB4]  }
0x39: {  	_ = 	snop;
	(pc) =	sbr.ind lr, $3  }
0x3a: {  	_ = 	snop  }
0x3b: {  	_ = 	snop  }
0x3c: {  	p2 =	seq.s32 s10, $0x1;
	s10 =	sld [smem:$0x3FB3]  }
0x3d: {  	_ =	shalt  }
0x3e: {  	_ =	shalt  }
0x3f: {  	_ =	shalt  }
0x40: {  	_ =	shalt  }
0x41: {  	_ =	shalt  }
0x42: {  	_ =	shalt  }
0x43: {  	_ =	shalt  }
0x44: {  	_ =	shalt  }
0x45: {  	_ =	shalt  }
0x46: {  	_ =	shalt  }
0x47: {  	_ =	shalt  }
0x48: {  	_ =	shalt  }
0x49: {  	_ =	shalt  }
0x4a: {  	_ =	shalt  }
0x4b: {  	_ =	shalt  }
0x4c: {  	_ =	shalt  }
0x4d: {  	_ =	shalt  }
0x4e: {  	_ =	shalt  }
0x4f: {  	_ =	shalt  }
0x50: {  	_ =	shalt  }
0x51: {  	_ =	shalt  }
0x52: {  	_ =	shalt  }
0x53: {  	_ =	shalt  }
0x54: {  	_ =	shalt  }
0x55: {  	_ =	shalt  }
0x56: {  	_ =	shalt  }
0x57: {  	_ =	shalt  }
0x58: {  	_ =	shalt  }
0x59: {  	_ =	shalt  }
0x5a: {  	_ =	shalt  }
0x5b: {  	_ =	shalt  }
0x5c: {  	_ =	shalt  }
0x5d: {  	_ =	shalt  }
0x5e: {  	_ =	shalt  }
0x5f: {  	_ =	shalt  }
0x60: {  	_ =	shalt  }
0x61: {  	_ =	shalt  }
0x62: {  	_ =	shalt  }
0x63: {  	_ =	shalt  }
0x64: {  	_ =	shalt  }
0x65: {  	_ =	shalt  }
0x66: {  	_ =	shalt  }
0x67: {  	_ =	shalt  }
0x68: {  	_ =	shalt  }
0x69: {  	_ =	shalt  }
0x6a: {  	_ =	shalt  }
0x6b: {  	_ =	shalt  }
0x6c: {  	_ =	shalt  }
0x6d: {  	_ =	shalt  }
0x6e: {  	_ =	shalt  }
0x6f: {  	_ =	shalt  }
0x70: {  	_ =	shalt  }
0x71: {  	_ =	shalt  }
0x72: {  	_ =	shalt  }
0x73: {  	_ =	shalt  }
0x74: {  	_ =	shalt  }
0x75: {  	_ =	shalt  }
0x76: {  	_ =	shalt  }
0x77: {  	_ =	shalt  }
0x78: {  	_ =	shalt  }
0x79: {  	_ =	shalt  }
0x7a: {  	_ =	shalt  }
0x7b: {  	_ =	shalt  }
0x7c: {  	_ =	shalt  }
0x7d: {  	_ =	shalt  }
0x7e: {  	_ =	shalt  }
0x7f: {  	_ =	shalt  }
0x80: {  	_ =	shalt  }
0x81: {  	_ =	shalt  }
0x82: {  	_ =	shalt  }
0x83: {  	_ =	shalt  }
0x84: {  	_ =	shalt  }
0x85: {  	_ =	shalt  }
0x86: {  	_ =	shalt  }
0x87: {  	_ =	shalt  }
.Lfunc_end0:
.L_simem_size_0:
called_computation.1_lowered:
.L_overlay_start_0:
0x88: {  	s2 =	sld [smem:$0x3FD9]  }
0x89: {  	s3 =	sld [smem:$0x3FFE];
	_ =	sdelay $0x1  }
0x8a: {  	s1 =	srdreg.scid  }
0x8b: {  	s0 =	sand.u32 $0x1, s1  }
0x8c: {  	s17 =	sshll.u32 s0, $0xA;
	s2 =	sadd.s32 s3, s2  }
0x8d: {  	s2 =	sadd.s32 s2, s17  }
0x8e: {  	[smem:$0x3FBF] =	sst s2  }
0x8f: {  	_ = 	snop  }
0x90: {  	s18 =	sld [smem:$0x3FD0];
	(tm) =	ssettm $0x1  }
0x91: {  	s19 =	sld [smem:$0x3FFB];
	_ =	sdelay $0x3  }
0x92: {  	_ =	strace s19  }
0x93: {  	s2 =	sld [smem:$0x3FFC];
	_ =	sdelay $0x3  }
0x94: {  	_ =	strace s2  }
0x95: {  	s2 =	sld [smem:$0x3FFD];
	_ =	sdelay $0x3  }
0x96: {  	_ =	strace s2  }
0x97: {  	_ =	strace $0x8FFFFFFF  }
0x98: {  	s20 =	sld [smem:$0x3FDB];
	_ =	sdelay $0x1  }
0x99: {  	s4 =	simm.s32 $_scs_section_size  }
0x9a: {  	s5 =	simm.s32 $_size__tile_overlayer_lowered;
	s6 =	simm.s32 $_tile_overlayer_lowered  }
0x9b: {  	s7 =	simm.s32 $0x1BFF;
	s21 =	sshll.u32 s6, $0x1;
	s4 =	sadd.s32 s4, s20  }
0x9c: {  	s22 =	simm.s32 $0x0;
	s5 =	sshll.u32 s5, $0x1;
	s6 =	sadd.s32 s21, s4  }
0x9d: {  	[timem:s22], [sflag:s7] =	dma.local [hbm:s6], s5  }
0x9e: {  	_ =	swait.ge [sflag:s7], s5  }
0x9f: {  	s5 =	ssub.s32 $0x0, s5;
	[sflag:s7] =	ssyncset.done $0x0  }
0xa0: {  	[sflag:s7] =	ssyncadd.s32 s5;
	_ =	sdelay $0x1  }
0xa1: {  	s23 =	simm.s32 $0x1B8B  }
0xa2: {  	_ =	swait.ge [sflag:s23], $0x1  }
0xa3: {  	[sflag:s23] =	ssyncset.done $0x0  }
0xa4: {  	[sflag:s23] =	ssyncadd.s32 $0xFFFFFFFF  }
0xa5: {  	s5 =	sld [smem:$0x0]  }
0xa6: {  	s6 =	sand.u32 $0xFFFFFFFE, s1  }
0xa7: {  	p0 =	sne.s32 s1, s6  }
0xa8: {  	s6 =	sshll.u32 @p0 s6, $0xE  }
0xa9: {  	s6 =	sadd.s32 @p0 $0x11B8D, s6;
	s7 =	sshll.u32 @p0 s5, $0x11  }
0xaa: {  	s6 =	sor.u32 @p0 s7, s6  }
0xab: {  	[sflag:s6] =	ssyncadd.remote.s32 @p0 $0x1;
	_ =	sdelay $0x1  }
0xac: {  	s6 =	simm.s32 @p0 $0x1B8D  }
0xad: {  	_ =	swait.eq @p0 [sflag:s6], $0x1  }
0xae: {  	[sflag:s6] =	ssyncadd.s32 @p0 $0xFFFFFFFF  }
0xaf: {  	s7 =	sshll.u32 @!p0 s1, $0xE  }
0xb0: {  	s7 =	sor.u32 @!p0 $0x4000, s7;
	s6 =	simm.s32 @!p0 $0x1B8D  }
0xb1: {  	s5 =	sshll.u32 @!p0 s5, $0x11;
	s7 =	sadd.s32 @!p0 $0x11B8D, s7;
	_ =	swait.eq @!p0 [sflag:s6], $0x1  }
0xb2: {  	s5 =	sor.u32 @!p0 s5, s7;
	[sflag:s6] =	ssyncadd.s32 @!p0 $0xFFFFFFFF  }
0xb3: {  	s25 =	simm.s32 $0x1B8E;
	s24 =	sld [smem:$0x3FFE];
	[sflag:s5] =	ssyncadd.remote.s32 @!p0 $0x1  }
0xb4: {  	s26 =	simm.s32 $execute0_lowered;
	[smem:$0x3FD2] =	sst s25  }
0xb5: {  	s6 =	sshll.u32 s26, $0x1;
	_ =	strace $0x80000049;
	[dreg:$0x1] =	wrdreg $0xFFFFFFFF  }
0xb6: {  	s28 =	simm.s32 $_size_execute0_lowered;
	s4 =	sadd.s32 s4, s6;
	[dreg:$0x0] =	wrdreg $0x0  }
0xb7: {  	s6 =	sshll.u32 s28, $0x1;
	[dreg:$0x2] =	wrdreg s4  }
0xb8: {  	[dreg:$0x3] =	wrdreg s6  }
0xb9: {  	[dreg:$0x4] =	wrdreg $0xC0  }
0xba: {  	_ =	task [dreg:s22], $0x5FFFF  }
0xbb: {  	[dreg:$0x1] =	wrdreg $0xFFFFFFFF  }
0xbc: {  	[dreg:$0x0] =	wrdreg $0x60  }
0xbd: {  	[dreg:$0x2] =	wrdreg s18  }
0xbe: {  	[dreg:$0x3] =	wrdreg s24  }
0xbf: {  	[dreg:$0x4] =	wrdreg $0x41800  }
0xc0: {  	[dreg:$0x5] =	wrdreg $0xA  }
0xc1: {  	_ =	task.clear_ibuf [dreg:s22], $0x6FFFF;
	_ =	strace $0x90000049  }
0xc2: {  	s29 =	simm.s32 $0xA;
	_ =	strace $0x8000004B  }
0xc3: {  	_ =	swait.ge [sflag:s29], $0x1  }
0xc4: {  	[sflag:s29] =	ssyncadd.s32 $0xFFFFFFFF  }
0xc5: {  	_ =	strace $0x9000004B  }
0xc6: {  	_ =	sfence  }
0xc7: {  	s30 =	sld [smem:$0x0];
	_ =	sdelay $0x2  }
0xc8: {  	s31 =	sshll.u32 s1, $0xD;
	s1 =	sshrl.u32 s1, $0x2  }
0xc9: {  	s4 =	sand.u32 $0x4000, s31;
	s1 =	sadd.s32 s1, s30  }
0xca: {  	s0 =	sor.u32 s4, s0;
	s1 =	sshll.u32 s1, $0x11  }
0xcb: {  	s0 =	sor.u32 s1, s0  }
0xcc: {  	s0 =	sadd.s32 $0x8F2B, s0  }
0xcd: {  	[sflag:s0] =	ssyncadd.remote.s32 $0x1  }
0xce: {  	_ =	sfence.sel $0xFFFF  }
0xcf: {  	[dreg:$0x0] =	wrdreg $0xFFFFFFFF;
	(pc) =	sbr.abs _section_cstart, $3  }
0xd0: {  	[dreg:$0x1] =	wrdreg $0xFFFFFFFF  }
0xd1: {  	_ =	task.clear_ibuf [dreg:s22], $0x2FFFF;
	_ =	strace $0x9FFFFFFF  }
0xd2: {  	(tm) =	ssettm $0x7FFFFFFF  }
0xd3: {  	_ =	shalt  }
tec
execute0_lowered:
.L_overlay_start_1:
0x0: {  	(tag) =	ssettag $0x1  }
0x1: {  	s1 =	rddreg [dreg:$0x0]  }
0x2: {  	s8 =	rddreg [dreg:$0x1]  }
0x3: {  	s3 =	rddreg [dreg:$0x2]  }
0x4: {  	s0 =	rddreg [dreg:$0x3]  }
0x5: {  	s4 =	simm.s32 $0x0;
	s2 =	stileid.u32;
	s5 =	srdreg.scid  }
0x6: {  	s16 =	simm.s32 $0x100;
	s17 =	simm.s32 $0x180;
	s18 =	simm.s32 $0x1  }
0x7: {  	[smem:$0x7FF] =	sst s4;
	s9 =	smul.u32 $0x14000, s2;
	s10 =	sand.u32 $0x1, s5  }
0x8: {  	s5 =	sadd.s32 $0x8EE00, s8;
	s6 =	sadd.s32 $0x2600, s8;
	s7 =	sadd.s32 $0x84E00, s8  }
0x9: {  	s14 =	smul.u32 $0x50000, s2;
	s31 =	sshll.u32 s2, $0x6;
	_ =	strace $0x8000004A  }
0xa: {  	s11 =	smul.u32 $0x140000, s10;
	s28 =	ssub.s32 $0x2, s10;
	s29 =	sshll.u32 s10, $0x4  }
0xb: {  	s12 =	sshrl.u32 s9, $0x3;
	s13 =	sshrl.u32 s28, $0x1;
	s10 =	sor.u32 s2, s29  }
0xc: {  	s30 =	sshrl.u32 s14, $0x2;
	s12 =	sadd.s32 s12, s8;
	s9 =	sadd.s32 s9, s11  }
0xd: {  	s13 =	ssub.s32 s28, s13;
	s14 =	sadd.s32 s30, s3;
	s9 =	sshrl.u32 s9, $0x3  }
0xe: {  	s10 =	smul.u32 $0x2800, s10;
	s15 =	sadd.s32 s9, s8;
	s8 =	sadd.s32 $0xCE00, s12  }
0xf: {  	s9 =	sor.u32 $0x1C02, s31;
	s12 =	smax.u32 s13, $0x1;
	s13 =	sshrl.u32 s14, $0x3  }
0x10: {  	s14 =	simm.s32 $0x2;
	s11 =	sadd.s32 $0x98E00, s15;
	s15 =	simm.s32 $0x80  }
.LBB2_1:
0x11: {  	[spmem:s13], [sflag:s9] =	dma.local [hbm:s8], $0x2800  }
0x12: {  	_ =	swait.ge [sflag:s14], $0x2800  }
0x13: {  	[sflag:s14] =	ssyncset.done $0x0  }
0x14: {  	[sflag:s14] =	ssyncadd.s32 $0xFFFFD800  }
0x15: {  	s19 =	simm.s32 $0x0;
	[bflag:$0x0] =	sbarrier.arrive $0xFFFF  }
.LBB2_2:
0x16: {  	s20 =	sshll.u32 s19, $0x7  }
0x17: {  	s21 =	sand.u32 $0x3C00, s20  }
0x18: {  	s20 =	sand.u32 $0x380, s20;
	s21 =	sadd.s32 s10, s21  }
0x19: {  	s20 =	sor.u32 s20, s21  }
0x1a: {  	s20 =	sshrl.u32 s20, $0x3  }
0x1b: {  	s22 =	simm.s32 $0x0;
	s28 =	sadd.s32 s5, s20  }
0x1c: {  	[tilespmem:s22], [sflag:$0x2] =	stream.linear.gather [hbm4b:s28+s22], $0x80, $0x38;
	[tilespmem:$0x18180] =	vst v63  }
0x1d: {  	_ =	swait.ge [sflag:s14], $0x80  }
0x1e: {  	[sflag:s14] =	ssyncset.done $0x0  }
0x1f: {  	s29 =	sadd.s32 s6, s20;
	[sflag:s14] =	ssyncadd.s32 $0xFFFFFF80  }
0x20: {  	[tilespmem:s15], [sflag:$0x2] =	stream.linear.gather [hbm4b:s29+s22], $0x80, $0x38;
	[tilespmem:$0x18180] =	vst v63  }
0x21: {  	_ =	swait.ge [sflag:s14], $0x80  }
0x22: {  	[sflag:s14] =	ssyncset.done $0x0  }
0x23: {  	s20 =	sadd.s32 s7, s20;
	[sflag:s14] =	ssyncadd.s32 $0xFFFFFF80  }
0x24: {  	[tilespmem:s16], [sflag:$0x2] =	stream.linear.gather [hbm4b:s20+s22], $0x80, $0x38;
	[tilespmem:$0x18180] =	vst v63  }
0x25: {  	_ =	swait.ge [sflag:s14], $0x80  }
0x26: {  	[sflag:s14] =	ssyncset.done $0x0  }
0x27: {  	[sflag:s14] =	ssyncadd.s32 $0xFFFFFF80  }
0x28: {  	[tilespmem:s17], [sflag:$0x1] =	stream.indirect.gather [hbm4b:s1+s15], $0x80, s22, s15, $0xb8;
	[tilespmem:$0x18180] =	vst v63  }
0x29: {  	_ =	swait.ge [sflag:s18], $0x4000  }
0x2a: {  	s30 =	simm.s32 $0x0;
	[sflag:s18] =	ssyncset.done $0x0  }
0x2b: {  	s31 =	simm.s32 $0x0;
	s20 =	sand.u32 $0x3FFFFFF0, s30;
	[sflag:s18] =	ssyncadd.s32 $0xFFFFC000  }
0x2c: {  	v0 =	vld [tilespmem:s20+$0x100];
	s20 =	sand.u32 $0x3FFFF800, s31  }
0x2d: {  	v6 =	vld [tilespmem:s20+$0x240]  }
0x2e: {  	v2 =	vld [tilespmem:s20+$0x1A0]  }
0x2f: {  	v3 =	vld [tilespmem:s20+$0x1B0]  }
0x30: {  	v9 =	vld [tilespmem:s20+$0x1E0]  }
0x31: {  	v10 =	vld [tilespmem:s20+$0x1F0];
	v1 =	vbroadcast v0, $0x0  }
0x32: {  	v11 =	vld [tilespmem:s20+$0x200]  }
0x33: {  	v12 =	vld [tilespmem:s20+$0x210];
	v2 =	vmul.f32 v2, v1  }
0x34: {  	v13 =	vld [tilespmem:s20+$0x220];
	v3 =	vmul.f32 v3, v1  }
0x35: {  	v8 =	vld [tilespmem:s20+$0x230];
	v28 =	vbroadcast v0, $0x1;
	v27 =	vmul.f32 v9, v1;
	[tilespmem:s20+$0x1A0] =	vst v2  }
0x36: {  	v7 =	vld [tilespmem:s20+$0x250];
	v10 =	vmul.f32 v10, v1;
	[tilespmem:s20+$0x1B0] =	vst v3  }
0x37: {  	v5 =	vld [tilespmem:s20+$0x6F0];
	v11 =	vmul.f32 v11, v28;
	[tilespmem:s20+$0x1E0] =	vst v27  }
0x38: {  	v30 =	vld [tilespmem:s20+$0x270];
	v12 =	vmul.f32 v12, v28;
	[tilespmem:s20+$0x1F0] =	vst v10  }
0x39: {  	v31 =	vld [tilespmem:s20+$0x280];
	v13 =	vmul.f32 v13, v28;
	[tilespmem:s20+$0x200] =	vst v11  }
0x3a: {  	v32 =	vld [tilespmem:s20+$0x290];
	v8 =	vmul.f32 v8, v28;
	[tilespmem:s20+$0x210] =	vst v12  }
0x3b: {  	v29 =	vld [tilespmem:s20+$0x260];
	v6 =	vmul.f32 v6, v28;
	[tilespmem:s20+$0x220] =	vst v13  }
0x3c: {  	v33 =	vld [tilespmem:s20+$0x2A0];
	v14 =	vbroadcast v0, $0x2;
	v7 =	vmul.f32 v7, v28;
	[tilespmem:s20+$0x230] =	vst v8  }
0x3d: {  	v34 =	vld [tilespmem:s20+$0x2B0];
	v9 =	vmul.f32 v30, v28;
	[tilespmem:s20+$0x240] =	vst v6  }
0x3e: {  	v35 =	vld [tilespmem:s20+$0x2C0];
	v4 =	vbroadcast v0, $0xA;
	v37 =	vmul.f32 v31, v14;
	[tilespmem:s20+$0x250] =	vst v7  }
0x3f: {  	v36 =	vld [tilespmem:s20+$0x2D0];
	v39 =	vmul.f32 v32, v14;
	[tilespmem:s20+$0x270] =	vst v9  }
0x40: {  	v38 =	vld [tilespmem:s20+$0x2E0];
	v2 =	vmul.f32 v5, v4;
	[tilespmem:s20+$0x280] =	vst v37  }
0x41: {  	v40 =	vld [tilespmem:s20+$0x2F0];
	v10 =	vmul.f32 v29, v28;
	[tilespmem:s20+$0x290] =	vst v39  }
0x42: {  	v41 =	vld [tilespmem:s20+$0x300];
	v8 =	vmul.f32 v33, v14;
	[tilespmem:s20+$0x6F0] =	vst v2  }
0x43: {  	v42 =	vld [tilespmem:s20+$0x310];
	v6 =	vmul.f32 v34, v14;
	[tilespmem:s20+$0x260] =	vst v10  }
0x44: {  	v43 =	vld [tilespmem:s20+$0x320];
	v7 =	vmul.f32 v35, v14;
	[tilespmem:s20+$0x2A0] =	vst v8  }
0x45: {  	v44 =	vld [tilespmem:s20+$0x330];
	v46 =	vbroadcast v0, $0x3;
	v9 =	vmul.f32 v38, v14;
	[tilespmem:s20+$0x2B0] =	vst v6  }
0x46: {  	v45 =	vld [tilespmem:s20+$0x340];
	v11 =	vmul.f32 v40, v14;
	[tilespmem:s20+$0x2C0] =	vst v7  }
0x47: {  	v47 =	vld [tilespmem:s20+$0x350];
	v12 =	vmul.f32 v41, v46;
	[tilespmem:s20+$0x2E0] =	vst v9  }
0x48: {  	v48 =	vld [tilespmem:s20+$0x360];
	v10 =	vmul.f32 v36, v14;
	[tilespmem:s20+$0x2F0] =	vst v11  }
0x49: {  	v49 =	vld [tilespmem:s20+$0x370];
	v8 =	vmul.f32 v42, v46;
	[tilespmem:s20+$0x300] =	vst v12  }
0x4a: {  	v50 =	vld [tilespmem:s20+$0x380];
	v6 =	vmul.f32 v43, v46;
	[tilespmem:s20+$0x2D0] =	vst v10  }
0x4b: {  	v51 =	vld [tilespmem:s20+$0x390];
	v7 =	vmul.f32 v44, v46;
	[tilespmem:s20+$0x310] =	vst v8  }
0x4c: {  	v52 =	vld [tilespmem:s20+$0x3A0];
	v9 =	vmul.f32 v47, v46;
	[tilespmem:s20+$0x320] =	vst v6  }
0x4d: {  	v53 =	vld [tilespmem:s20+$0x3B0];
	v11 =	vmul.f32 v48, v46;
	[tilespmem:s20+$0x330] =	vst v7  }
0x4e: {  	v54 =	vld [tilespmem:s20+$0x3C0];
	v55 =	vbroadcast v0, $0x4;
	v12 =	vmul.f32 v49, v46;
	[tilespmem:s20+$0x350] =	vst v9  }
0x4f: {  	v56 =	vld [tilespmem:s20+$0x3D0];
	v10 =	vmul.f32 v45, v46;
	[tilespmem:s20+$0x360] =	vst v11  }
0x50: {  	v57 =	vld [tilespmem:s20+$0x3E0];
	v8 =	vmul.f32 v50, v55;
	[tilespmem:s20+$0x370] =	vst v12  }
0x51: {  	v58 =	vld [tilespmem:s20+$0x3F0];
	v6 =	vmul.f32 v51, v55;
	[tilespmem:s20+$0x340] =	vst v10  }
0x52: {  	v59 =	vld [tilespmem:s20+$0x400];
	v7 =	vmul.f32 v52, v55;
	[tilespmem:s20+$0x380] =	vst v8  }
0x53: {  	v60 =	vld [tilespmem:s20+$0x410];
	v9 =	vmul.f32 v54, v55;
	[tilespmem:s20+$0x390] =	vst v6  }
0x54: {  	v61 =	vld [tilespmem:s20+$0x420];
	v11 =	vmul.f32 v56, v55;
	[tilespmem:s20+$0x3A0] =	vst v7  }
0x55: {  	v62 =	vld [tilespmem:s20+$0x430];
	v12 =	vmul.f32 v57, v55;
	[tilespmem:s20+$0x3C0] =	vst v9  }
0x56: {  	v63 =	vld [tilespmem:s20+$0x440];
	v16 =	vbroadcast v0, $0x5;
	v10 =	vmul.f32 v53, v55;
	[tilespmem:s20+$0x3D0] =	vst v11  }
0x57: {  	v17 =	vld [tilespmem:s20+$0x450];
	v8 =	vmul.f32 v58, v55;
	[tilespmem:s20+$0x3E0] =	vst v12  }
0x58: {  	v18 =	vld [tilespmem:s20+$0x460];
	v6 =	vmul.f32 v59, v16;
	[tilespmem:s20+$0x3B0] =	vst v10  }
0x59: {  	v19 =	vld [tilespmem:s20+$0x470];
	v7 =	vmul.f32 v60, v16;
	[tilespmem:s20+$0x3F0] =	vst v8  }
0x5a: {  	v20 =	vld [tilespmem:s20+$0x480];
	v9 =	vmul.f32 v62, v16;
	[tilespmem:s20+$0x400] =	vst v6  }
0x5b: {  	v21 =	vld [tilespmem:s20+$0x490];
	v11 =	vmul.f32 v63, v16;
	[tilespmem:s20+$0x410] =	vst v7  }
0x5c: {  	v22 =	vld [tilespmem:s20+$0x4A0];
	v12 =	vmul.f32 v17, v16;
	[tilespmem:s20+$0x430] =	vst v9  }
0x5d: {  	v23 =	vld [tilespmem:s20+$0x4B0];
	v10 =	vmul.f32 v61, v16;
	[tilespmem:s20+$0x440] =	vst v11  }
0x5e: {  	v24 =	vld [tilespmem:s20+$0x4C0];
	v25 =	vbroadcast v0, $0x6;
	v8 =	vmul.f32 v18, v16;
	[tilespmem:s20+$0x450] =	vst v12  }
0x5f: {  	v56 =	vld [tilespmem:s20+$0x680];
	v6 =	vmul.f32 v19, v16;
	[tilespmem:s20+$0x420] =	vst v10  }
0x60: {  	v26 =	vld [tilespmem:s20+$0x4D0];
	v7 =	vmul.f32 v20, v25;
	[tilespmem:s20+$0x460] =	vst v8  }
0x61: {  	v30 =	vld [tilespmem:s20+$0x510];
	v9 =	vmul.f32 v22, v25;
	[tilespmem:s20+$0x470] =	vst v6  }
0x62: {  	v27 =	vld [tilespmem:s20+$0x4E0];
	v11 =	vmul.f32 v23, v25;
	[tilespmem:s20+$0x480] =	vst v7  }
0x63: {  	v28 =	vld [tilespmem:s20+$0x4F0];
	v12 =	vmul.f32 v24, v25;
	[tilespmem:s20+$0x4A0] =	vst v9  }
0x64: {  	v31 =	vld [tilespmem:s20+$0x520];
	v62 =	vmul.f32 v56, v4;
	[tilespmem:s20+$0x4B0] =	vst v11  }
0x65: {  	v32 =	vld [tilespmem:s20+$0x530];
	v10 =	vmul.f32 v21, v25;
	[tilespmem:s20+$0x4C0] =	vst v12  }
0x66: {  	v3 =	vld [tilespmem:s20+$0x700];
	v8 =	vmul.f32 v26, v25;
	[tilespmem:s20+$0x680] =	vst v62  }
0x67: {  	v5 =	vld [tilespmem:s20+$0x710];
	v34 =	vbroadcast v0, $0x7;
	v6 =	vmul.f32 v27, v25;
	[tilespmem:s20+$0x490] =	vst v10  }
0x68: {  	v29 =	vld [tilespmem:s20+$0x500];
	v7 =	vmul.f32 v28, v25;
	[tilespmem:s20+$0x4D0] =	vst v8  }
0x69: {  	v60 =	vld [tilespmem:s20+$0x6C0];
	v9 =	vmul.f32 v30, v34;
	[tilespmem:s20+$0x4E0] =	vst v6  }
0x6a: {  	v33 =	vld [tilespmem:s20+$0x540];
	v24 =	vbroadcast v0, $0xB;
	v11 =	vmul.f32 v31, v34;
	[tilespmem:s20+$0x4F0] =	vst v7  }
0x6b: {  	v35 =	vld [tilespmem:s20+$0x550];
	v12 =	vmul.f32 v32, v34;
	[tilespmem:s20+$0x510] =	vst v9  }
0x6c: {  	v38 =	vld [tilespmem:s20+$0x580];
	v3 =	vmul.f32 v3, v24;
	[tilespmem:s20+$0x520] =	vst v11  }
0x6d: {  	v36 =	vld [tilespmem:s20+$0x560];
	v5 =	vmul.f32 v5, v24;
	[tilespmem:s20+$0x530] =	vst v12  }
0x6e: {  	v2 =	vld [tilespmem:s20+$0x950];
	v19 =	vmul.f32 v60, v4;
	[tilespmem:s20+$0x700] =	vst v3  }
0x6f: {  	v39 =	vld [tilespmem:s20+$0x590];
	v10 =	vmul.f32 v29, v34;
	[tilespmem:s20+$0x710] =	vst v5  }
0x70: {  	v40 =	vld [tilespmem:s20+$0x5A0];
	v8 =	vmul.f32 v33, v34;
	[tilespmem:s20+$0x6C0] =	vst v19  }
0x71: {  	v43 =	vbroadcast v0, $0x8;
	v61 =	vld [tilespmem:s20+$0x6D0];
	v6 =	vmul.f32 v35, v34;
	[tilespmem:s20+$0x500] =	vst v10  }
0x72: {  	v16 =	vld [tilespmem:s20+$0x180];
	v7 =	vmul.f32 v36, v34;
	[tilespmem:s20+$0x540] =	vst v8  }
0x73: {  	v37 =	vld [tilespmem:s20+$0x570];
	v9 =	vmul.f32 v38, v43;
	[tilespmem:s20+$0x550] =	vst v6  }
0x74: {  	v41 =	vld [tilespmem:s20+$0x5B0];
	v11 =	vmul.f32 v39, v43;
	[tilespmem:s20+$0x560] =	vst v7  }
0x75: {  	v42 =	vld [tilespmem:s20+$0x5C0];
	v12 =	vmul.f32 v40, v43;
	[tilespmem:s20+$0x580] =	vst v9  }
0x76: {  	v44 =	vld [tilespmem:s20+$0x5D0];
	v21 =	vmul.f32 v61, v4;
	[tilespmem:s20+$0x590] =	vst v11  }
0x77: {  	v46 =	vld [tilespmem:s20+$0x5F0];
	v25 =	vmul.f32 v1, v16;
	[tilespmem:s20+$0x5A0] =	vst v12  }
0x78: {  	v47 =	vld [tilespmem:s20+$0x600];
	v10 =	vmul.f32 v37, v34;
	[tilespmem:s20+$0x6D0] =	vst v21  }
0x79: {  	v48 =	vld [tilespmem:s20+$0x610];
	v8 =	vmul.f32 v41, v43;
	[tilespmem:s20+$0x180] =	vst v25  }
0x7a: {  	v6 =	vmul.f32 v42, v43;
	[tilespmem:s20+$0x570] =	vst v10  }
0x7b: {  	v52 =	vbroadcast v0, $0x9;
	v27 =	vld [tilespmem:s20+$0x750];
	v7 =	vmul.f32 v44, v43;
	[tilespmem:s20+$0x5B0] =	vst v8  }
0x7c: {  	v30 =	vld [tilespmem:s20+$0x780];
	v9 =	vmul.f32 v46, v43;
	[tilespmem:s20+$0x5C0] =	vst v6  }
0x7d: {  	v28 =	vld [tilespmem:s20+$0x760];
	v3 =	vbroadcast v0, $0xF;
	v11 =	vmul.f32 v47, v52;
	[tilespmem:s20+$0x5D0] =	vst v7  }
0x7e: {  	v45 =	vld [tilespmem:s20+$0x5E0];
	v12 =	vmul.f32 v48, v52;
	[tilespmem:s20+$0x5F0] =	vst v9  }
0x7f: {  	v49 =	vld [tilespmem:s20+$0x620];
	v35 =	vbroadcast v0, $0xC;
	v2 =	vmul.f32 v2, v3;
	[tilespmem:s20+$0x600] =	vst v11  }
0x80: {  	v50 =	vld [tilespmem:s20+$0x630];
	v32 =	vmul.f32 v27, v24;
	[tilespmem:s20+$0x610] =	vst v12  }
0x81: {  	v51 =	vld [tilespmem:s20+$0x640];
	v14 =	vmul.f32 v30, v35;
	[tilespmem:s20+$0x950] =	vst v2  }
0x82: {  	v54 =	vld [tilespmem:s20+$0x660];
	v40 =	vmul.f32 v28, v24;
	[tilespmem:s20+$0x750] =	vst v32  }
0x83: {  	v55 =	vld [tilespmem:s20+$0x670];
	v10 =	vmul.f32 v45, v43;
	[tilespmem:s20+$0x780] =	vst v14  }
0x84: {  	v18 =	vld [tilespmem:s20+$0x1C0];
	v8 =	vmul.f32 v49, v52;
	[tilespmem:s20+$0x760] =	vst v40  }
0x85: {  	v38 =	vld [tilespmem:s20+$0x7F0];
	v6 =	vmul.f32 v50, v52;
	[tilespmem:s20+$0x5E0] =	vst v10  }
0x86: {  	v29 =	vld [tilespmem:s20+$0x770];
	v7 =	vmul.f32 v51, v52;
	[tilespmem:s20+$0x620] =	vst v8  }
0x87: {  	v33 =	vld [tilespmem:s20+$0x7B0];
	v9 =	vmul.f32 v54, v52;
	[tilespmem:s20+$0x630] =	vst v6  }
0x88: {  	v53 =	vld [tilespmem:s20+$0x650];
	v11 =	vmul.f32 v55, v52;
	[tilespmem:s20+$0x640] =	vst v7  }
0x89: {  	v57 =	vld [tilespmem:s20+$0x690];
	v2 =	vmul.f32 v18, v1;
	[tilespmem:s20+$0x660] =	vst v9  }
0x8a: {  	v58 =	vld [tilespmem:s20+$0x6A0];
	v14 =	vmul.f32 v38, v35;
	[tilespmem:s20+$0x670] =	vst v11  }
0x8b: {  	v59 =	vld [tilespmem:s20+$0x6B0];
	v5 =	vmul.f32 v29, v24;
	[tilespmem:s20+$0x1C0] =	vst v2  }
0x8c: {  	v63 =	vld [tilespmem:s20+$0x6E0];
	v62 =	vmul.f32 v33, v35;
	[tilespmem:s20+$0x7F0] =	vst v14  }
0x8d: {  	v17 =	vld [tilespmem:s20+$0x190];
	v10 =	vmul.f32 v53, v52;
	[tilespmem:s20+$0x770] =	vst v5  }
0x8e: {  	v20 =	vld [tilespmem:s20+$0x1D0];
	v8 =	vmul.f32 v57, v4;
	[tilespmem:s20+$0x7B0] =	vst v62  }
0x8f: {  	v61 =	vld [tilespmem:s20+$0x970];
	v6 =	vmul.f32 v58, v4;
	[tilespmem:s20+$0x650] =	vst v10  }
0x90: {  	v46 =	vld [tilespmem:s20+$0x860];
	v7 =	vmul.f32 v59, v4;
	[tilespmem:s20+$0x690] =	vst v8  }
0x91: {  	v22 =	vld [tilespmem:s20+$0x720];
	v4 =	vmul.f32 v63, v4;
	[tilespmem:s20+$0x6A0] =	vst v6  }
0x92: {  	v23 =	vld [tilespmem:s20+$0x730];
	v11 =	vmul.f32 v17, v1;
	[tilespmem:s20+$0x6B0] =	vst v7  }
0x93: {  	v26 =	vld [tilespmem:s20+$0x740];
	v44 =	vbroadcast v0, $0xD;
	v1 =	vmul.f32 v20, v1;
	[tilespmem:s20+$0x6E0] =	vst v4  }
0x94: {  	v31 =	vld [tilespmem:s20+$0x790];
	v63 =	vmul.f32 v61, v3;
	[tilespmem:s20+$0x190] =	vst v11  }
0x95: {  	v34 =	vld [tilespmem:s20+$0x7C0];
	v51 =	vmul.f32 v46, v44;
	[tilespmem:s20+$0x1D0] =	vst v1  }
0x96: {  	v41 =	vld [tilespmem:s20+$0x820];
	v6 =	vmul.f32 v22, v24;
	[tilespmem:s20+$0x970] =	vst v63  }
0x97: {  	v7 =	vmul.f32 v23, v24;
	v1 =	vld [tilespmem:s20+$0x810];
	[tilespmem:s20+$0x860] =	vst v51  }
0x98: {  	v49 =	vld [tilespmem:s20+$0x8A0];
	v4 =	vmul.f32 v26, v24;
	[tilespmem:s20+$0x720] =	vst v6  }
0x99: {  	v50 =	vld [tilespmem:s20+$0x8B0];
	v8 =	vmul.f32 v31, v35;
	[tilespmem:s20+$0x730] =	vst v7  }
0x9a: {  	v36 =	vld [tilespmem:s20+$0x7D0];
	v11 =	vmul.f32 v34, v35;
	[tilespmem:s20+$0x740] =	vst v4  }
0x9b: {  	v37 =	vld [tilespmem:s20+$0x7E0];
	v0 =	vbroadcast v0, $0xE;
	v10 =	vmul.f32 v41, v44;
	[tilespmem:s20+$0x790] =	vst v8  }
0x9c: {  	v39 =	vld [tilespmem:s20+$0x800];
	[tilespmem:s20+$0x7C0] =	vst v11;
	v1 =	vmul.f32 v1, v44  }
0x9d: {  	v42 =	vld [tilespmem:s20+$0x830];
	v9 =	vmul.f32 v49, v0;
	[tilespmem:s20+$0x820] =	vst v10  }
0x9e: {  	v5 =	vmul.f32 v50, v0;
	[tilespmem:s20+$0x810] =	vst v1;
	v1 =	vld [tilespmem:s20+$0x880]  }
0x9f: {  	v48 =	vld [tilespmem:s20+$0x890];
	v7 =	vmul.f32 v36, v35;
	[tilespmem:s20+$0x8A0] =	vst v9  }
0xa0: {  	v57 =	vld [tilespmem:s20+$0x920];
	v4 =	vmul.f32 v37, v35;
	[tilespmem:s20+$0x8B0] =	vst v5  }
0xa1: {  	v45 =	vld [tilespmem:s20+$0x850];
	v8 =	vmul.f32 v39, v44;
	[tilespmem:s20+$0x7D0] =	vst v7  }
0xa2: {  	v47 =	vld [tilespmem:s20+$0x870];
	v11 =	vmul.f32 v42, v44;
	[tilespmem:s20+$0x7E0] =	vst v4  }
0xa3: {  	v43 =	vld [tilespmem:s20+$0x840];
	[tilespmem:s20+$0x800] =	vst v8;
	v1 =	vmul.f32 v1, v0  }
0xa4: {  	v55 =	vld [tilespmem:s20+$0x900];
	v10 =	vmul.f32 v48, v0;
	[tilespmem:s20+$0x830] =	vst v11  }
0xa5: {  	v5 =	vmul.f32 v57, v3;
	[tilespmem:s20+$0x880] =	vst v1;
	v1 =	vld [tilespmem:s20+$0x8F0]  }
0xa6: {  	v52 =	vld [tilespmem:s20+$0x8C0];
	v4 =	vmul.f32 v45, v44;
	[tilespmem:s20+$0x890] =	vst v10  }
0xa7: {  	v56 =	vld [tilespmem:s20+$0x910];
	v8 =	vmul.f32 v47, v44;
	[tilespmem:s20+$0x920] =	vst v5  }
0xa8: {  	v54 =	vld [tilespmem:s20+$0x8E0];
	v7 =	vmul.f32 v43, v44;
	[tilespmem:s20+$0x850] =	vst v4  }
0xa9: {  	v58 =	vld [tilespmem:s20+$0x930];
	v10 =	vmul.f32 v55, v3;
	[tilespmem:s20+$0x870] =	vst v8  }
0xaa: {  	v53 =	vld [tilespmem:s20+$0x8D0];
	[tilespmem:s20+$0x840] =	vst v7;
	v1 =	vmul.f32 v1, v0  }
0xab: {  	v59 =	vld [tilespmem:s20+$0x940];
	v4 =	vmul.f32 v52, v0;
	[tilespmem:s20+$0x900] =	vst v10  }
0xac: {  	v60 =	vld [tilespmem:s20+$0x960];
	[tilespmem:s20+$0x8F0] =	vst v1;
	v1 =	vmul.f32 v56, v3  }
0xad: {  	v8 =	vmul.f32 v54, v0;
	[tilespmem:s20+$0x8C0] =	vst v4  }
0xae: {  	v2 =	vld [tilespmem:s20+$0x7A0];
	[tilespmem:s20+$0x910] =	vst v1;
	v1 =	vmul.f32 v58, v3  }
0xaf: {  	[tilespmem:s20+$0x8E0] =	vst v8;
	v0 =	vmul.f32 v53, v0  }
0xb0: {  	[tilespmem:s20+$0x930] =	vst v1;
	v1 =	vmul.f32 v59, v3  }
0xb1: {  	[tilespmem:s20+$0x8D0] =	vst v0;
	v3 =	vmul.f32 v60, v3  }
0xb2: {  	[tilespmem:s20+$0x940] =	vst v1  }
0xb3: {  	s21 =	simm.s32 $0x1;
	v1 =	vmul.f32 v2, v35;
	[tilespmem:s20+$0x960] =	vst v3  }
.LBB2_3:
0xb4: {  	s22 =	sshll.u32 s21, $0x4  }
0xb5: {  	p0 =	sne.s32 s21, $0x7;
	[tilespmem:s20+$0x7A0] =	vst v1;
	s20 =	smov.u32 s21;
	s21 =	sadd.s32 $0x1, s21  }
0xb6: {  	s22 =	sand.u32 $0x3FFFFFF0, s22  }
0xb7: {  	s20 =	sshll.u32 s20, $0xB;
	v0 =	vld [tilespmem:s22+$0x100]  }
0xb8: {  	s20 =	sand.u32 $0x3FFFF800, s20  }
0xb9: {  	v7 =	vld [tilespmem:s20+$0x240]  }
0xba: {  	v8 =	vld [tilespmem:s20+$0x250]  }
0xbb: {  	v9 =	vld [tilespmem:s20+$0x230]  }
0xbc: {  	v1 =	vbroadcast v0, $0x0;
	v2 =	vld [tilespmem:s20+$0x1A0];
	v6 =	vbroadcast v0, $0x4  }
0xbd: {  	v4 =	vld [tilespmem:s20+$0x1B0]  }
0xbe: {  	v5 =	vld [tilespmem:s20+$0x6F0]  }
0xbf: {  	v10 =	vld [tilespmem:s20+$0x1E0]  }
0xc0: {  	v11 =	vld [tilespmem:s20+$0x1F0]  }
0xc1: {  	v3 =	vbroadcast v0, $0xA;
	v2 =	vmul.f32 v2, v1;
	v12 =	vld [tilespmem:s20+$0x200]  }
0xc2: {  	v4 =	vmul.f32 v4, v1;
	v13 =	vld [tilespmem:s20+$0x210]  }
0xc3: {  	[tilespmem:s20+$0x1A0] =	vst v2;
	v14 =	vld [tilespmem:s20+$0x220];
	v2 =	vmul.f32 v5, v3  }
0xc4: {  	[tilespmem:s20+$0x1B0] =	vst v4;
	v5 =	vmul.f32 v10, v1;
	v10 =	vbroadcast v0, $0x1;
	v4 =	vld [tilespmem:s20+$0x700]  }
0xc5: {  	v11 =	vmul.f32 v11, v1;
	[tilespmem:s20+$0x6F0] =	vst v2;
	v2 =	vld [tilespmem:s20+$0x950]  }
0xc6: {  	[tilespmem:s20+$0x1E0] =	vst v5;
	v12 =	vmul.f32 v12, v10;
	v5 =	vld [tilespmem:s20+$0x710]  }
0xc7: {  	[tilespmem:s20+$0x1F0] =	vst v11;
	v11 =	vmul.f32 v13, v10;
	v13 =	vld [tilespmem:s20+$0x260]  }
0xc8: {  	[tilespmem:s20+$0x200] =	vst v12;
	v12 =	vmul.f32 v14, v10;
	v14 =	vld [tilespmem:s20+$0x270]  }
0xc9: {  	v9 =	vmul.f32 v9, v10;
	[tilespmem:s20+$0x210] =	vst v11;
	v11 =	vld [tilespmem:s20+$0x280]  }
0xca: {  	v7 =	vmul.f32 v7, v10;
	[tilespmem:s20+$0x220] =	vst v12;
	v12 =	vld [tilespmem:s20+$0x290]  }
0xcb: {  	v8 =	vmul.f32 v8, v10;
	[tilespmem:s20+$0x230] =	vst v9;
	v9 =	vld [tilespmem:s20+$0x2A0]  }
0xcc: {  	[tilespmem:s20+$0x240] =	vst v7;
	v7 =	vmul.f32 v13, v10;
	v13 =	vbroadcast v0, $0x2;
	v15 =	vld [tilespmem:s20+$0x2B0]  }
0xcd: {  	[tilespmem:s20+$0x250] =	vst v8;
	v8 =	vmul.f32 v14, v10;
	v10 =	vld [tilespmem:s20+$0x2C0]  }
0xce: {  	[tilespmem:s20+$0x260] =	vst v7;
	v7 =	vmul.f32 v11, v13;
	v11 =	vld [tilespmem:s20+$0x2D0]  }
0xcf: {  	[tilespmem:s20+$0x270] =	vst v8;
	v8 =	vmul.f32 v12, v13;
	v12 =	vld [tilespmem:s20+$0x2E0]  }
0xd0: {  	[tilespmem:s20+$0x280] =	vst v7;
	v7 =	vmul.f32 v9, v13;
	v9 =	vld [tilespmem:s20+$0x2F0]  }
0xd1: {  	[tilespmem:s20+$0x290] =	vst v8;
	v8 =	vmul.f32 v15, v13;
	v14 =	vld [tilespmem:s20+$0x300]  }
0xd2: {  	[tilespmem:s20+$0x2A0] =	vst v7;
	v7 =	vmul.f32 v10, v13;
	v10 =	vld [tilespmem:s20+$0x310]  }
0xd3: {  	[tilespmem:s20+$0x2B0] =	vst v8;
	v8 =	vmul.f32 v11, v13;
	v11 =	vld [tilespmem:s20+$0x320]  }
0xd4: {  	[tilespmem:s20+$0x2C0] =	vst v7;
	v7 =	vmul.f32 v12, v13;
	v12 =	vbroadcast v0, $0x3;
	v15 =	vld [tilespmem:s20+$0x330]  }
0xd5: {  	[tilespmem:s20+$0x2D0] =	vst v8;
	v8 =	vmul.f32 v9, v13;
	v9 =	vld [tilespmem:s20+$0x340]  }
0xd6: {  	[tilespmem:s20+$0x2E0] =	vst v7;
	v7 =	vmul.f32 v14, v12;
	v13 =	vld [tilespmem:s20+$0x350]  }
0xd7: {  	[tilespmem:s20+$0x2F0] =	vst v8;
	v8 =	vmul.f32 v10, v12;
	v10 =	vld [tilespmem:s20+$0x360]  }
0xd8: {  	[tilespmem:s20+$0x300] =	vst v7;
	v7 =	vmul.f32 v11, v12;
	v11 =	vld [tilespmem:s20+$0x370]  }
0xd9: {  	[tilespmem:s20+$0x310] =	vst v8;
	v8 =	vmul.f32 v15, v12;
	v14 =	vld [tilespmem:s20+$0x380]  }
0xda: {  	[tilespmem:s20+$0x320] =	vst v7;
	v7 =	vmul.f32 v9, v12;
	v9 =	vld [tilespmem:s20+$0x390]  }
0xdb: {  	[tilespmem:s20+$0x330] =	vst v8;
	v8 =	vmul.f32 v13, v12;
	v13 =	vld [tilespmem:s20+$0x3A0]  }
0xdc: {  	[tilespmem:s20+$0x340] =	vst v7;
	v7 =	vmul.f32 v10, v12;
	v10 =	vld [tilespmem:s20+$0x3B0]  }
0xdd: {  	[tilespmem:s20+$0x350] =	vst v8;
	v8 =	vmul.f32 v11, v12;
	v11 =	vld [tilespmem:s20+$0x3C0]  }
0xde: {  	[tilespmem:s20+$0x360] =	vst v7;
	v7 =	vmul.f32 v14, v6;
	v12 =	vld [tilespmem:s20+$0x3D0]  }
0xdf: {  	[tilespmem:s20+$0x370] =	vst v8;
	v8 =	vmul.f32 v9, v6;
	v9 =	vld [tilespmem:s20+$0x3E0]  }
0xe0: {  	[tilespmem:s20+$0x380] =	vst v7;
	v7 =	vmul.f32 v13, v6;
	v13 =	vld [tilespmem:s20+$0x3F0]  }
0xe1: {  	[tilespmem:s20+$0x390] =	vst v8;
	v8 =	vmul.f32 v10, v6;
	v10 =	vld [tilespmem:s20+$0x400]  }
0xe2: {  	[tilespmem:s20+$0x3A0] =	vst v7;
	v7 =	vmul.f32 v11, v6;
	v11 =	vld [tilespmem:s20+$0x410]  }
0xe3: {  	[tilespmem:s20+$0x3B0] =	vst v8;
	v8 =	vmul.f32 v12, v6;
	v12 =	vld [tilespmem:s20+$0x420]  }
0xe4: {  	[tilespmem:s20+$0x3C0] =	vst v7;
	v7 =	vmul.f32 v9, v6;
	v9 =	vbroadcast v0, $0x5;
	v14 =	vld [tilespmem:s20+$0x430]  }
0xe5: {  	[tilespmem:s20+$0x3D0] =	vst v8;
	v6 =	vmul.f32 v13, v6;
	v8 =	vld [tilespmem:s20+$0x440]  }
0xe6: {  	[tilespmem:s20+$0x3E0] =	vst v7;
	v7 =	vmul.f32 v10, v9;
	v10 =	vld [tilespmem:s20+$0x450]  }
0xe7: {  	[tilespmem:s20+$0x3F0] =	vst v6;
	v6 =	vmul.f32 v11, v9;
	v11 =	vld [tilespmem:s20+$0x460]  }
0xe8: {  	[tilespmem:s20+$0x400] =	vst v7;
	v7 =	vmul.f32 v12, v9;
	v12 =	vld [tilespmem:s20+$0x470]  }
0xe9: {  	[tilespmem:s20+$0x410] =	vst v6;
	v6 =	vmul.f32 v14, v9;
	v13 =	vld [tilespmem:s20+$0x480]  }
0xea: {  	[tilespmem:s20+$0x420] =	vst v7;
	v7 =	vmul.f32 v8, v9;
	v8 =	vld [tilespmem:s20+$0x490]  }
0xeb: {  	[tilespmem:s20+$0x430] =	vst v6;
	v6 =	vmul.f32 v10, v9;
	v10 =	vld [tilespmem:s20+$0x4A0]  }
0xec: {  	[tilespmem:s20+$0x440] =	vst v7;
	v7 =	vmul.f32 v11, v9;
	v11 =	vbroadcast v0, $0x6;
	v14 =	vld [tilespmem:s20+$0x4B0]  }
0xed: {  	[tilespmem:s20+$0x450] =	vst v6;
	v6 =	vmul.f32 v12, v9;
	v9 =	vld [tilespmem:s20+$0x4C0]  }
0xee: {  	[tilespmem:s20+$0x460] =	vst v7;
	v7 =	vmul.f32 v13, v11;
	v12 =	vld [tilespmem:s20+$0x4D0]  }
0xef: {  	[tilespmem:s20+$0x470] =	vst v6;
	v6 =	vmul.f32 v8, v11;
	v8 =	vld [tilespmem:s20+$0x4E0]  }
0xf0: {  	[tilespmem:s20+$0x480] =	vst v7;
	v7 =	vmul.f32 v10, v11;
	v10 =	vld [tilespmem:s20+$0x4F0]  }
0xf1: {  	[tilespmem:s20+$0x490] =	vst v6;
	v6 =	vmul.f32 v14, v11;
	v13 =	vld [tilespmem:s20+$0x500]  }
0xf2: {  	[tilespmem:s20+$0x4A0] =	vst v7;
	v7 =	vmul.f32 v9, v11;
	v9 =	vld [tilespmem:s20+$0x510]  }
0xf3: {  	[tilespmem:s20+$0x4B0] =	vst v6;
	v6 =	vmul.f32 v12, v11;
	v12 =	vld [tilespmem:s20+$0x520]  }
0xf4: {  	[tilespmem:s20+$0x4C0] =	vst v7;
	v7 =	vmul.f32 v8, v11;
	v8 =	vbroadcast v0, $0x7;
	v14 =	vld [tilespmem:s20+$0x530]  }
0xf5: {  	[tilespmem:s20+$0x4D0] =	vst v6;
	v6 =	vmul.f32 v10, v11;
	v10 =	vld [tilespmem:s20+$0x540]  }
0xf6: {  	[tilespmem:s20+$0x4E0] =	vst v7;
	v7 =	vmul.f32 v13, v8;
	v11 =	vld [tilespmem:s20+$0x550]  }
0xf7: {  	[tilespmem:s20+$0x4F0] =	vst v6;
	v6 =	vmul.f32 v9, v8;
	v9 =	vld [tilespmem:s20+$0x560]  }
0xf8: {  	[tilespmem:s20+$0x500] =	vst v7;
	v7 =	vmul.f32 v12, v8;
	v12 =	vld [tilespmem:s20+$0x570]  }
0xf9: {  	[tilespmem:s20+$0x510] =	vst v6;
	v6 =	vmul.f32 v14, v8;
	v13 =	vld [tilespmem:s20+$0x580]  }
0xfa: {  	[tilespmem:s20+$0x520] =	vst v7;
	v7 =	vmul.f32 v10, v8;
	v10 =	vld [tilespmem:s20+$0x590]  }
0xfb: {  	[tilespmem:s20+$0x530] =	vst v6;
	v6 =	vmul.f32 v11, v8;
	v11 =	vld [tilespmem:s20+$0x5A0]  }
0xfc: {  	[tilespmem:s20+$0x540] =	vst v7;
	v7 =	vmul.f32 v9, v8;
	v9 =	vbroadcast v0, $0x8;
	v14 =	vld [tilespmem:s20+$0x5B0]  }
0xfd: {  	[tilespmem:s20+$0x550] =	vst v6;
	v6 =	vmul.f32 v12, v8;
	v8 =	vld [tilespmem:s20+$0x5C0]  }
0xfe: {  	[tilespmem:s20+$0x560] =	vst v7;
	v7 =	vmul.f32 v13, v9;
	v12 =	vld [tilespmem:s20+$0x5D0]  }
0xff: {  	[tilespmem:s20+$0x570] =	vst v6;
	v6 =	vmul.f32 v10, v9;
	v10 =	vld [tilespmem:s20+$0x5E0]  }
0x100: {  	[tilespmem:s20+$0x580] =	vst v7;
	v7 =	vmul.f32 v11, v9;
	v11 =	vld [tilespmem:s20+$0x5F0]  }
0x101: {  	[tilespmem:s20+$0x590] =	vst v6;
	v6 =	vmul.f32 v14, v9;
	v13 =	vld [tilespmem:s20+$0x600]  }
0x102: {  	[tilespmem:s20+$0x5A0] =	vst v7;
	v7 =	vmul.f32 v8, v9;
	v8 =	vld [tilespmem:s20+$0x610]  }
0x103: {  	[tilespmem:s20+$0x5B0] =	vst v6;
	v6 =	vmul.f32 v12, v9;
	v12 =	vld [tilespmem:s20+$0x620]  }
0x104: {  	[tilespmem:s20+$0x5C0] =	vst v7;
	v7 =	vmul.f32 v10, v9;
	v10 =	vbroadcast v0, $0x9;
	v14 =	vld [tilespmem:s20+$0x630]  }
0x105: {  	[tilespmem:s20+$0x5D0] =	vst v6;
	v6 =	vmul.f32 v11, v9;
	v9 =	vld [tilespmem:s20+$0x640]  }
0x106: {  	[tilespmem:s20+$0x5E0] =	vst v7;
	v7 =	vmul.f32 v13, v10;
	v11 =	vld [tilespmem:s20+$0x650]  }
0x107: {  	[tilespmem:s20+$0x5F0] =	vst v6;
	v6 =	vmul.f32 v8, v10;
	v8 =	vld [tilespmem:s20+$0x660]  }
0x108: {  	[tilespmem:s20+$0x600] =	vst v7;
	v7 =	vmul.f32 v12, v10;
	v12 =	vld [tilespmem:s20+$0x670]  }
0x109: {  	[tilespmem:s20+$0x610] =	vst v6;
	v6 =	vmul.f32 v14, v10;
	v13 =	vld [tilespmem:s20+$0x680]  }
0x10a: {  	[tilespmem:s20+$0x620] =	vst v7;
	v7 =	vmul.f32 v9, v10;
	v9 =	vld [tilespmem:s20+$0x690]  }
0x10b: {  	[tilespmem:s20+$0x630] =	vst v6;
	v6 =	vmul.f32 v11, v10;
	v11 =	vld [tilespmem:s20+$0x6A0]  }
0x10c: {  	[tilespmem:s20+$0x640] =	vst v7;
	v7 =	vmul.f32 v8, v10;
	v8 =	vld [tilespmem:s20+$0x6B0]  }
0x10d: {  	[tilespmem:s20+$0x650] =	vst v6;
	v6 =	vmul.f32 v12, v10;
	v10 =	vld [tilespmem:s20+$0x6C0]  }
0x10e: {  	[tilespmem:s20+$0x660] =	vst v7;
	v7 =	vmul.f32 v13, v3;
	v12 =	vld [tilespmem:s20+$0x6D0]  }
0x10f: {  	[tilespmem:s20+$0x670] =	vst v6;
	v6 =	vmul.f32 v9, v3;
	v9 =	vld [tilespmem:s20+$0x6E0]  }
0x110: {  	v13 =	vld [tilespmem:s20+$0x180];
	[tilespmem:s20+$0x680] =	vst v7;
	v7 =	vmul.f32 v11, v3  }
0x111: {  	v11 =	vld [tilespmem:s20+$0x190];
	[tilespmem:s20+$0x690] =	vst v6;
	v6 =	vmul.f32 v8, v3  }
0x112: {  	v8 =	vld [tilespmem:s20+$0x1C0];
	[tilespmem:s20+$0x6A0] =	vst v7;
	v7 =	vmul.f32 v10, v3  }
0x113: {  	v10 =	vld [tilespmem:s20+$0x1D0];
	[tilespmem:s20+$0x6B0] =	vst v6;
	v6 =	vmul.f32 v12, v3  }
0x114: {  	[tilespmem:s20+$0x6C0] =	vst v7;
	v7 =	vmul.f32 v9, v3;
	v9 =	vbroadcast v0, $0xB;
	v12 =	vld [tilespmem:s20+$0x720]  }
0x115: {  	v3 =	vbroadcast v0, $0xF;
	v13 =	vmul.f32 v1, v13;
	[tilespmem:s20+$0x6D0] =	vst v6;
	v6 =	vld [tilespmem:s20+$0x730]  }
0x116: {  	v11 =	vmul.f32 v11, v1;
	[tilespmem:s20+$0x6E0] =	vst v7;
	v4 =	vmul.f32 v4, v9;
	v7 =	vld [tilespmem:s20+$0x740]  }
0x117: {  	v5 =	vmul.f32 v5, v9;
	[tilespmem:s20+$0x180] =	vst v13;
	v8 =	vmul.f32 v8, v1;
	v13 =	vld [tilespmem:s20+$0x750]  }
0x118: {  	v2 =	vmul.f32 v2, v3;
	v10 =	vmul.f32 v10, v1;
	[tilespmem:s20+$0x700] =	vst v4;
	v1 =	vld [tilespmem:s20+$0x760]  }
0x119: {  	[tilespmem:s20+$0x710] =	vst v5;
	v4 =	vmul.f32 v12, v9;
	v5 =	vld [tilespmem:s20+$0x770]  }
0x11a: {  	v6 =	vmul.f32 v6, v9;
	v12 =	vld [tilespmem:s20+$0x780];
	[tilespmem:s20+$0x950] =	vst v2  }
0x11b: {  	[tilespmem:s20+$0x190] =	vst v11;
	v2 =	vmul.f32 v7, v9;
	v7 =	vld [tilespmem:s20+$0x790]  }
0x11c: {  	[tilespmem:s20+$0x1C0] =	vst v8;
	v8 =	vmul.f32 v13, v9;
	v11 =	vld [tilespmem:s20+$0x7A0]  }
0x11d: {  	v13 =	vbroadcast v0, $0xC;
	[tilespmem:s20+$0x720] =	vst v4;
	v4 =	vmul.f32 v1, v9;
	v14 =	vld [tilespmem:s20+$0x7B0]  }
0x11e: {  	[tilespmem:s20+$0x750] =	vst v8;
	v5 =	vmul.f32 v5, v9;
	v8 =	vld [tilespmem:s20+$0x7C0]  }
0x11f: {  	[tilespmem:s20+$0x730] =	vst v6;
	v1 =	vmul.f32 v12, v13;
	v6 =	vld [tilespmem:s20+$0x7D0]  }
0x120: {  	[tilespmem:s20+$0x740] =	vst v2;
	v2 =	vmul.f32 v7, v13;
	v7 =	vld [tilespmem:s20+$0x7E0]  }
0x121: {  	[tilespmem:s20+$0x780] =	vst v1;
	v1 =	vmul.f32 v11, v13;
	v9 =	vld [tilespmem:s20+$0x7F0]  }
0x122: {  	[tilespmem:s20+$0x790] =	vst v2;
	v2 =	vld [tilespmem:s20+$0x800]  }
0x123: {  	[tilespmem:s20+$0x1D0] =	vst v10;
	v8 =	vmul.f32 v8, v13;
	v10 =	vld [tilespmem:s20+$0x810]  }
0x124: {  	[tilespmem:s20+$0x760] =	vst v4;
	v4 =	vmul.f32 v6, v13;
	v6 =	vld [tilespmem:s20+$0x820]  }
0x125: {  	[tilespmem:s20+$0x7C0] =	vst v8;
	v7 =	vmul.f32 v7, v13;
	v8 =	vbroadcast v0, $0xD;
	v11 =	vld [tilespmem:s20+$0x830]  }
0x126: {  	[tilespmem:s20+$0x7D0] =	vst v4;
	v4 =	vmul.f32 v9, v13;
	v9 =	vld [tilespmem:s20+$0x840]  }
0x127: {  	[tilespmem:s20+$0x7E0] =	vst v7;
	v2 =	vmul.f32 v2, v8;
	v7 =	vld [tilespmem:s20+$0x850]  }
0x128: {  	[tilespmem:s20+$0x7F0] =	vst v4;
	v4 =	vmul.f32 v10, v8;
	v10 =	vld [tilespmem:s20+$0x860]  }
0x129: {  	[tilespmem:s20+$0x800] =	vst v2;
	v2 =	vmul.f32 v6, v8;
	v6 =	vld [tilespmem:s20+$0x870]  }
0x12a: {  	[tilespmem:s20+$0x810] =	vst v4;
	v4 =	vmul.f32 v11, v8;
	v11 =	vld [tilespmem:s20+$0x880]  }
0x12b: {  	[tilespmem:s20+$0x820] =	vst v2;
	v2 =	vmul.f32 v9, v8;
	v9 =	vld [tilespmem:s20+$0x890]  }
0x12c: {  	[tilespmem:s20+$0x830] =	vst v4;
	v4 =	vmul.f32 v7, v8;
	v7 =	vld [tilespmem:s20+$0x8A0]  }
0x12d: {  	v0 =	vbroadcast v0, $0xE;
	[tilespmem:s20+$0x770] =	vst v5;
	v5 =	vmul.f32 v10, v8;
	v10 =	vld [tilespmem:s20+$0x8B0]  }
0x12e: {  	[tilespmem:s20+$0x850] =	vst v4;
	v4 =	vmul.f32 v6, v8;
	v6 =	vld [tilespmem:s20+$0x8C0]  }
0x12f: {  	[tilespmem:s20+$0x860] =	vst v5;
	v5 =	vmul.f32 v11, v0;
	v8 =	vld [tilespmem:s20+$0x8D0]  }
0x130: {  	[tilespmem:s20+$0x870] =	vst v4;
	v4 =	vmul.f32 v9, v0;
	v9 =	vld [tilespmem:s20+$0x8E0]  }
0x131: {  	[tilespmem:s20+$0x880] =	vst v5;
	v5 =	vmul.f32 v7, v0;
	v7 =	vld [tilespmem:s20+$0x8F0]  }
0x132: {  	[tilespmem:s20+$0x890] =	vst v4;
	v4 =	vmul.f32 v10, v0;
	v10 =	vld [tilespmem:s20+$0x900]  }
0x133: {  	[tilespmem:s20+$0x8A0] =	vst v5;
	v5 =	vmul.f32 v6, v0;
	v6 =	vld [tilespmem:s20+$0x910]  }
0x134: {  	[tilespmem:s20+$0x8B0] =	vst v4;
	v4 =	vmul.f32 v8, v0;
	v8 =	vld [tilespmem:s20+$0x920]  }
0x135: {  	[tilespmem:s20+$0x8C0] =	vst v5;
	v5 =	vmul.f32 v9, v0;
	v9 =	vld [tilespmem:s20+$0x930]  }
0x136: {  	[tilespmem:s20+$0x840] =	vst v2;
	v0 =	vmul.f32 v7, v0;
	v2 =	vld [tilespmem:s20+$0x940]  }
0x137: {  	[tilespmem:s20+$0x8E0] =	vst v5;
	v5 =	vmul.f32 v10, v3;
	v7 =	vld [tilespmem:s20+$0x960]  }
0x138: {  	[tilespmem:s20+$0x8F0] =	vst v0;
	v0 =	vmul.f32 v6, v3;
	v6 =	vld [tilespmem:s20+$0x970]  }
0x139: {  	[tilespmem:s20+$0x900] =	vst v5;
	v5 =	vmul.f32 v8, v3  }
0x13a: {  	[tilespmem:s20+$0x910] =	vst v0;
	v0 =	vmul.f32 v9, v3  }
0x13b: {  	v8 =	vmul.f32 v14, v13;
	[tilespmem:s20+$0x920] =	vst v5  }
0x13c: {  	[tilespmem:s20+$0x930] =	vst v0;
	v0 =	vmul.f32 v2, v3  }
.Ltmp0:
0x13d: {  	[tilespmem:s20+$0x7B0] =	vst v8;
	v2 =	vmul.f32 v6, v3;
	(pc) =	sbr.rel @p0 .LBB2_3-.Ltmp0, $4  }
0x13e: {  	[tilespmem:s20+$0x940] =	vst v0  }
0x13f: {  	v0 =	vmul.f32 v7, v3;
	[tilespmem:s20+$0x970] =	vst v2  }
0x140: {  	[tilespmem:s20+$0x8D0] =	vst v4  }
0x141: {  	[tilespmem:s20+$0x960] =	vst v0  }
0x142: {  	s19 =	sadd.s32 $0x1, s19  }
0x143: {  	p0 =	sne.s32 s19, $0x4F  }
.Ltmp1:
0x144: {  	[tilespmem:s20+$0x7A0] =	vst v1;
	(pc) =	sbr.rel @p0 .LBB2_2-.Ltmp1, $4  }
0x145: {  	[spmem:s3] =	stream.indirect.scatter.add.f32 [tilespmem:s17], [sflag:$0x2], $0x80, s15, s15, $0xb8;
	[tilespmem:$0x18180] =	vst v63  }
0x146: {  	_ =	swait.ge [sflag:s14], $0x4000  }
0x147: {  	[sflag:s14] =	ssyncset.done $0x0  }
0x148: {  	[sflag:s14] =	ssyncadd.s32 $0xFFFFC000  }
0x149: {  	s4 =	sadd.s32 $0x1, s4  }
0x14a: {  	p0 =	sne.s32 s4, s12  }
.Ltmp2:
0x14b: {  	[bflag:$0x0] =	sbarrier.arrive $0xFFFF;
	(pc) =	sbr.rel @p0 .LBB2_1-.Ltmp2, $4  }
0x14c: {  	[hbm:s11], [sflag:s9] =	dma.local [spmem:s13], $0x2800  }
0x14d: {  	_ =	swait.ge [sflag:s14], $0x2800  }
0x14e: {  	[sflag:s14] =	ssyncset.done $0x0  }
0x14f: {  	[sflag:s14] =	ssyncadd.s32 $0xFFFFD800  }
0x150: {  	_ =	sfence.sel $0x180000  }
0x151: {  	[bflag:$0x0] =	sbarrier.arrive $0xFFFF  }
0x152: {  	p0 =	sne.s32 s2, $0x0;
	_ =	strace $0x9000004A  }
0x153: {  	s0 =	sadd.s32 @!p0 $0x100000, s0;
	[bflag:$0x2] =	sbarrier.arrive $0xFFFF  }
0x154: {  	[sflag:s0] =	ssyncadd.tile.s32 @!p0 $0x1;
	_ =	shalt  }
.Lfunc_end2:
_tile_overlayer_lowered:
.L_overlay_start_2:
0x155: {  	(tag) =	ssettag $0x2  }
0x156: {  	s0 =	rddreg [dreg:$0x0];
	s2 =	stileid.u32  }
0x157: {  	s1 =	rddreg [dreg:$0x1];
	p0 =	sne.s32 s2, $0x0  }
0x158: {  	s3 =	rddreg [dreg:$0x2];
	[bflag:$0x3] =	sbarrier.arrive $0xFFFF;
	s2 =	simm.s32 @!p0 $0x1C02  }
0x159: {  	[timem:s3], [sflag:s2] =	dma.local @!p0 [hbm:s0], s1  }
0x15a: {  	s0 =	simm.s32 @!p0 $0x2  }
0x15b: {  	_ =	swait.ge @!p0 [sflag:s0], s1  }
0x15c: {  	s1 =	ssub.s32 @!p0 $0x0, s1;
	[sflag:s0] =	ssyncset.done @!p0 $0x0  }
0x15d: {  	[sflag:s0] =	ssyncadd.s32 @!p0 s1  }
0x15e: {  	[bflag:$0x3] =	sbarrier.arrive $0xFFFF  }
0x15f: {  	_ =	shalt  }

// kernel: kernel.14.cloned.1.call-start
scs
__scs_entry_jumppad:
0x0: {  	(pc) =	sbr.rel $0x88, $3  }
0x1: {  	(tag) =	ssettag $0x0;
	lr =	simm.s32 $0x1  }
0x2: {  	[smem:$0x3F98] =	sst lr;
	_ =	strace $0xD0000000  }
0x3: {  	_ = 	snop  }
0x4: {  	_ = 	snop  }
0x5: {  	_ = 	snop  }
0x6: {  	_ = 	snop  }
0x7: {  	_ = 	snop  }
__scs_overlays_trampoline_lowered:
0x8: {  	[smem:$0x3FA7] =	sst s0  }
0x9: {  	[smem:$0x3FA8] =	sst s1  }
0xa: {  	[smem:$0x3FA9] =	sst s2  }
0xb: {  	[smem:$0x3FAA] =	sst s3  }
0xc: {  	[smem:$0x3FAB] =	sst s4  }
0xd: {  	[smem:$0x3FAC] =	sst s5  }
0xe: {  	[smem:$0x3FAD] =	sst s6  }
0xf: {  	[smem:$0x3FAE] =	sst s7  }
0x10: {  	[smem:$0x3FAF] =	sst s8  }
0x11: {  	[smem:$0x3FB0] =	sst s9;
	s0 =	simm.s32 @!p0 $0x0  }
0x12: {  	s1 =	sld [smem:$0x3F96];
	s0 =	simm.s32 @p0 $0x1  }
0x13: {  	[smem:$0x3FB1] =	sst s0;
	s0 =	simm.s32 @!p1 $0x0  }
0x14: {  	s2 =	sld [smem:$0x3F95];
	s0 =	simm.s32 @p1 $0x1  }
0x15: {  	[smem:$0x3FB2] =	sst s0;
	s0 =	simm.s32 @!p2 $0x0  }
0x16: {  	s3 =	sld [smem:$0x3FDB];
	s0 =	simm.s32 @p2 $0x1  }
0x17: {  	s4 =	simm.s32 $0x1BF5;
	[smem:$0x3FB4] =	sst s0  }
0x18: {  	s0 =	sld [smem:$0x3F97];
	_ =	swait.ge [sflag:s4], $0x0  }
0x19: {  	s7 =	sld [smem:$0x3F98]  }
0x1a: {  	s8 =	sadd.s32 $0xFFFFE003, lr  }
0x1b: {  	s9 =	sadd.s32 $0xFFFFFEF7, lr;
	s5 =	simm.s32 $0xFFFFFFFF;
	p2 =	slt.u32 s8, $0xFFFFF086  }
0x1c: {  	p1 =	slt.u32 s9, $0xF7A;
	s5 =	simm.s32 @!p2 $0x0  }
0x1d: {  	s5 =	simm.s32 @p1 $0x1;
	p0 =	seq.s32 s7, s2  }
0x1e: {  	s7 =	smul.u32 @!p0 $0xF7A, s2;
	p2 =	seq.s32 @!p0 s5, $0x0  }
0x1f: {  	s9 =	smul.u32 $0xF7A, s1;
	s8 =	simm.s32 @!p0 $0x1BF5;
	p2 =	por !p2, p0  }
0x20: {  	[sflag:s8] =	ssyncset.s32 @!p0 $0xFFFFF086;
	s6 =	sadd.s32 @!p0 s3, s7;
	s7 =	simm.s32 @!p0 $0x108  }
0x21: {  	s3 =	sadd.s32 s3, s9;
	s6 =	sadd.s32 @!p0 $0x88, s6;
	s7 =	simm.s32 @p2 $0x1082  }
0x22: {  	[simem:s7], [sflag:s8] =	dma.local @!p0 [hbm:s6], $0xF7A  }
0x23: {  	s9 =	sor.u32 $0xD0000000, s2;
	s6 =	simm.s32 $0x108;
	_ =	swait.ge @!p0 [sflag:s8], $0x0  }
0x24: {  	s3 =	sadd.s32 $0x88, s3;
	s6 =	simm.s32 @!p1 $0x1082;
	[sflag:s4] =	ssyncset.s32 $0xFFFFF086  }
0x25: {  	[simem:s6], [sflag:s4] =	dma.local [hbm:s3], $0xF7A  }
0x26: {  	[smem:$0x3F98] =	sst s1;
	(tag) =	ssettag s2;
	_ =	strace s9  }
0x27: {  	s1 =	sld [smem:$0x3FA8]  }
0x28: {  	s2 =	sld [smem:$0x3FA9]  }
0x29: {  	s4 =	sld [smem:$0x3FAB]  }
0x2a: {  	p0 =	seq.s32 s5, $0x0;
	s5 =	sld [smem:$0x3FAC]  }
0x2b: {  	s6 =	sld [smem:$0x3FAD]  }
0x2c: {  	s7 =	sld [smem:$0x3FAE]  }
0x2d: {  	s3 =	simm.s32 $0x108;
	s8 =	sld [smem:$0x3FAF]  }
0x2e: {  	s3 =	simm.s32 @!p0 $0x1082;
	s9 =	sld [smem:$0x3FB0]  }
0x2f: {  	lr =	sadd.s32 s0, s3;
	s0 =	sld [smem:$0x3FA7]  }
0x30: {  	s3 =	sld [smem:$0x3FAA]  }
0x31: {  	[smem:$0x3FB3] =	sst s10  }
0x32: {  	s10 =	sld [smem:$0x3FB1];
	_ =	sdelay $0x3  }
0x33: {  	p0 =	seq.s32 s10, $0x1;
	s10 =	sld [smem:$0x3FB3];
	_ =	sdelay $0x3  }
0x34: {  	[smem:$0x3FB3] =	sst s10  }
0x35: {  	s10 =	sld [smem:$0x3FB2];
	_ =	sdelay $0x3  }
0x36: {  	p1 =	seq.s32 s10, $0x1;
	s10 =	sld [smem:$0x3FB3];
	_ =	sdelay $0x3  }
0x37: {  	[smem:$0x3FB3] =	sst s10  }
0x38: {  	s10 =	sld [smem:$0x3FB4]  }
0x39: {  	_ = 	snop;
	(pc) =	sbr.ind lr, $3  }
0x3a: {  	_ = 	snop  }
0x3b: {  	_ = 	snop  }
0x3c: {  	p2 =	seq.s32 s10, $0x1;
	s10 =	sld [smem:$0x3FB3]  }
0x3d: {  	_ =	shalt  }
0x3e: {  	_ =	shalt  }
0x3f: {  	_ =	shalt  }
0x40: {  	_ =	shalt  }
0x41: {  	_ =	shalt  }
0x42: {  	_ =	shalt  }
0x43: {  	_ =	shalt  }
0x44: {  	_ =	shalt  }
0x45: {  	_ =	shalt  }
0x46: {  	_ =	shalt  }
0x47: {  	_ =	shalt  }
0x48: {  	_ =	shalt  }
0x49: {  	_ =	shalt  }
0x4a: {  	_ =	shalt  }
0x4b: {  	_ =	shalt  }
0x4c: {  	_ =	shalt  }
0x4d: {  	_ =	shalt  }
0x4e: {  	_ =	shalt  }
0x4f: {  	_ =	shalt  }
0x50: {  	_ =	shalt  }
0x51: {  	_ =	shalt  }
0x52: {  	_ =	shalt  }
0x53: {  	_ =	shalt  }
0x54: {  	_ =	shalt  }
0x55: {  	_ =	shalt  }
0x56: {  	_ =	shalt  }
0x57: {  	_ =	shalt  }
0x58: {  	_ =	shalt  }
0x59: {  	_ =	shalt  }
0x5a: {  	_ =	shalt  }
0x5b: {  	_ =	shalt  }
0x5c: {  	_ =	shalt  }
0x5d: {  	_ =	shalt  }
0x5e: {  	_ =	shalt  }
0x5f: {  	_ =	shalt  }
0x60: {  	_ =	shalt  }
0x61: {  	_ =	shalt  }
0x62: {  	_ =	shalt  }
0x63: {  	_ =	shalt  }
0x64: {  	_ =	shalt  }
0x65: {  	_ =	shalt  }
0x66: {  	_ =	shalt  }
0x67: {  	_ =	shalt  }
0x68: {  	_ =	shalt  }
0x69: {  	_ =	shalt  }
0x6a: {  	_ =	shalt  }
0x6b: {  	_ =	shalt  }
0x6c: {  	_ =	shalt  }
0x6d: {  	_ =	shalt  }
0x6e: {  	_ =	shalt  }
0x6f: {  	_ =	shalt  }
0x70: {  	_ =	shalt  }
0x71: {  	_ =	shalt  }
0x72: {  	_ =	shalt  }
0x73: {  	_ =	shalt  }
0x74: {  	_ =	shalt  }
0x75: {  	_ =	shalt  }
0x76: {  	_ =	shalt  }
0x77: {  	_ =	shalt  }
0x78: {  	_ =	shalt  }
0x79: {  	_ =	shalt  }
0x7a: {  	_ =	shalt  }
0x7b: {  	_ =	shalt  }
0x7c: {  	_ =	shalt  }
0x7d: {  	_ =	shalt  }
0x7e: {  	_ =	shalt  }
0x7f: {  	_ =	shalt  }
0x80: {  	_ =	shalt  }
0x81: {  	_ =	shalt  }
0x82: {  	_ =	shalt  }
0x83: {  	_ =	shalt  }
0x84: {  	_ =	shalt  }
0x85: {  	_ =	shalt  }
0x86: {  	_ =	shalt  }
0x87: {  	_ =	shalt  }
.Lfunc_end0:
.L_simem_size_0:
called_computation.2_lowered:
.L_overlay_start_0:
0x88: {  	s2 =	sld [smem:$0x3FD9]  }
0x89: {  	s3 =	sld [smem:$0x3FFE];
	_ =	sdelay $0x1  }
0x8a: {  	s1 =	srdreg.scid  }
0x8b: {  	s0 =	sand.u32 $0x1, s1  }
0x8c: {  	s17 =	sshll.u32 s0, $0xA;
	s2 =	sadd.s32 s3, s2  }
0x8d: {  	s2 =	sadd.s32 s2, s17  }
0x8e: {  	[smem:$0x3FBF] =	sst s2  }
0x8f: {  	_ = 	snop  }
0x90: {  	s2 =	sld [smem:$0x3FD0];
	(tm) =	ssettm $0x1  }
0x91: {  	s18 =	sld [smem:$0x3FFB];
	_ =	sdelay $0x3  }
0x92: {  	_ =	strace s18  }
0x93: {  	s3 =	sld [smem:$0x3FFC];
	_ =	sdelay $0x3  }
0x94: {  	_ =	strace s3  }
0x95: {  	s3 =	sld [smem:$0x3FFD];
	_ =	sdelay $0x3  }
0x96: {  	_ =	strace s3  }
0x97: {  	_ =	strace $0x8FFFFFFF  }
0x98: {  	s19 =	sld [smem:$0x3FDB];
	_ =	sdelay $0x1  }
0x99: {  	s4 =	simm.s32 $_scs_section_size  }
0x9a: {  	s5 =	simm.s32 $_size__tile_overlayer_lowered;
	s6 =	simm.s32 $_tile_overlayer_lowered  }
0x9b: {  	s22 =	simm.s32 $0x1BFF;
	s21 =	sshll.u32 s6, $0x1;
	s3 =	sadd.s32 s4, s19  }
0x9c: {  	s7 =	simm.s32 $0x0;
	s20 =	sshll.u32 s5, $0x1;
	s5 =	sadd.s32 s21, s3  }
0x9d: {  	[timem:s7], [sflag:s22] =	dma.local [hbm:s5], s20  }
0x9e: {  	_ =	swait.ge [sflag:s22], s20  }
0x9f: {  	s4 =	ssub.s32 $0x0, s20;
	[sflag:s22] =	ssyncset.done $0x0  }
0xa0: {  	[sflag:s22] =	ssyncadd.s32 s4;
	_ =	sdelay $0x1  }
0xa1: {  	s23 =	simm.s32 $0x1B8B  }
0xa2: {  	_ =	swait.ge [sflag:s23], $0x1  }
0xa3: {  	[sflag:s23] =	ssyncset.done $0x0  }
0xa4: {  	s25 =	simm.s32 $0x1B8E;
	s24 =	sld [smem:$0x3FFE];
	[sflag:s23] =	ssyncadd.s32 $0xFFFFFFFF  }
0xa5: {  	s26 =	simm.s32 $execute0_lowered;
	[smem:$0x3FD2] =	sst s25  }
0xa6: {  	s5 =	sshll.u32 s26, $0x1;
	_ =	strace $0x8000004C;
	[dreg:$0x1] =	wrdreg $0xFFFFFFFF  }
0xa7: {  	s28 =	simm.s32 $_size_execute0_lowered;
	s3 =	sadd.s32 s3, s5;
	[dreg:$0x0] =	wrdreg $0x0  }
0xa8: {  	s5 =	sshll.u32 s28, $0x1;
	[dreg:$0x2] =	wrdreg s3  }
0xa9: {  	[dreg:$0x3] =	wrdreg s5  }
0xaa: {  	[dreg:$0x4] =	wrdreg $0xC0  }
0xab: {  	_ =	task [dreg:s7], $0x5FFFF  }
0xac: {  	[dreg:$0x1] =	wrdreg $0xFFFFFFFF  }
0xad: {  	[dreg:$0x0] =	wrdreg $0x60  }
0xae: {  	[dreg:$0x2] =	wrdreg s2  }
0xaf: {  	[dreg:$0x3] =	wrdreg s24  }
0xb0: {  	[dreg:$0x4] =	wrdreg $0x41800  }
0xb1: {  	[dreg:$0x5] =	wrdreg $0x9  }
0xb2: {  	_ =	task.clear_ibuf [dreg:s7], $0x6FFFF;
	_ =	strace $0x9000004C  }
0xb3: {  	s29 =	simm.s32 $0x9;
	_ =	strace $0x8000004E  }
0xb4: {  	_ =	swait.ge [sflag:s29], $0x1  }
0xb5: {  	[sflag:s29] =	ssyncadd.s32 $0xFFFFFFFF  }
0xb6: {  	_ =	strace $0x9000004E  }
0xb7: {  	_ =	sfence  }
0xb8: {  	s30 =	sld [smem:$0x0];
	_ =	sdelay $0x2  }
0xb9: {  	s31 =	sshll.u32 s1, $0xD;
	s1 =	sshrl.u32 s1, $0x2  }
0xba: {  	s3 =	sand.u32 $0x4000, s31;
	s1 =	sadd.s32 s1, s30  }
0xbb: {  	s0 =	sor.u32 s3, s0;
	s1 =	sshll.u32 s1, $0x11  }
0xbc: {  	s0 =	sor.u32 s1, s0  }
0xbd: {  	s0 =	sadd.s32 $0x8F2B, s0  }
0xbe: {  	[sflag:s0] =	ssyncadd.remote.s32 $0x1  }
0xbf: {  	_ =	sfence.sel $0xFFFF  }
0xc0: {  	[dreg:$0x0] =	wrdreg $0xFFFFFFFF;
	(pc) =	sbr.abs _section_cstart, $3  }
0xc1: {  	[dreg:$0x1] =	wrdreg $0xFFFFFFFF  }
0xc2: {  	_ =	task.clear_ibuf [dreg:s7], $0x2FFFF;
	_ =	strace $0x9FFFFFFF  }
0xc3: {  	(tm) =	ssettm $0x7FFFFFFF  }
tec
execute0_lowered:
.L_overlay_start_1:
0x0: {  	(tag) =	ssettag $0x1  }
0x1: {  	s1 =	rddreg [dreg:$0x0]  }
0x2: {  	s8 =	rddreg [dreg:$0x1]  }
0x3: {  	s3 =	rddreg [dreg:$0x2]  }
0x4: {  	s0 =	rddreg [dreg:$0x3]  }
0x5: {  	s4 =	simm.s32 $0x0;
	s2 =	stileid.u32;
	s5 =	srdreg.scid  }
0x6: {  	s16 =	simm.s32 $0x100;
	s17 =	simm.s32 $0x180;
	s18 =	simm.s32 $0x1  }
0x7: {  	[smem:$0x7FF] =	sst s4;
	s9 =	smul.u32 $0x14000, s2;
	s10 =	sand.u32 $0x1, s5  }
0x8: {  	s5 =	sadd.s32 $0x8EE00, s8;
	s6 =	sadd.s32 $0x2600, s8;
	s7 =	sadd.s32 $0x84E00, s8  }
0x9: {  	s14 =	smul.u32 $0x50000, s2;
	s31 =	sshll.u32 s2, $0x6;
	_ =	strace $0x8000004D  }
0xa: {  	s11 =	smul.u32 $0x140000, s10;
	s28 =	ssub.s32 $0x2, s10;
	s29 =	sshll.u32 s10, $0x4  }
0xb: {  	s12 =	sshrl.u32 s9, $0x3;
	s13 =	sshrl.u32 s28, $0x1;
	s10 =	sor.u32 s2, s29  }
0xc: {  	s30 =	sshrl.u32 s14, $0x2;
	s12 =	sadd.s32 s12, s8;
	s9 =	sadd.s32 s9, s11  }
0xd: {  	s13 =	ssub.s32 s28, s13;
	s14 =	sadd.s32 s30, s3;
	s9 =	sshrl.u32 s9, $0x3  }
0xe: {  	s10 =	smul.u32 $0x2800, s10;
	s15 =	sadd.s32 s9, s8;
	s8 =	sadd.s32 $0xCE00, s12  }
0xf: {  	s9 =	sor.u32 $0x1C02, s31;
	s12 =	smax.u32 s13, $0x1;
	s13 =	sshrl.u32 s14, $0x3  }
0x10: {  	s14 =	simm.s32 $0x2;
	s11 =	sadd.s32 $0x34E00, s15;
	s15 =	simm.s32 $0x80  }
.LBB2_1:
0x11: {  	[spmem:s13], [sflag:s9] =	dma.local [hbm:s8], $0x2800  }
0x12: {  	_ =	swait.ge [sflag:s14], $0x2800  }
0x13: {  	[sflag:s14] =	ssyncset.done $0x0  }
0x14: {  	[sflag:s14] =	ssyncadd.s32 $0xFFFFD800  }
0x15: {  	s19 =	simm.s32 $0x0;
	[bflag:$0x0] =	sbarrier.arrive $0xFFFF  }
.LBB2_2:
0x16: {  	s20 =	sshll.u32 s19, $0x7  }
0x17: {  	s21 =	sand.u32 $0x3C00, s20  }
0x18: {  	s20 =	sand.u32 $0x380, s20;
	s21 =	sadd.s32 s10, s21  }
0x19: {  	s20 =	sor.u32 s20, s21  }
0x1a: {  	s20 =	sshrl.u32 s20, $0x3  }
0x1b: {  	s22 =	simm.s32 $0x0;
	s28 =	sadd.s32 s5, s20  }
0x1c: {  	[tilespmem:s22], [sflag:$0x2] =	stream.linear.gather [hbm4b:s28+s22], $0x80, $0x38;
	[tilespmem:$0x18180] =	vst v63  }
0x1d: {  	_ =	swait.ge [sflag:s14], $0x80  }
0x1e: {  	[sflag:s14] =	ssyncset.done $0x0  }
0x1f: {  	s29 =	sadd.s32 s6, s20;
	[sflag:s14] =	ssyncadd.s32 $0xFFFFFF80  }
0x20: {  	[tilespmem:s15], [sflag:$0x2] =	stream.linear.gather [hbm4b:s29+s22], $0x80, $0x38;
	[tilespmem:$0x18180] =	vst v63  }
0x21: {  	_ =	swait.ge [sflag:s14], $0x80  }
0x22: {  	[sflag:s14] =	ssyncset.done $0x0  }
0x23: {  	s20 =	sadd.s32 s7, s20;
	[sflag:s14] =	ssyncadd.s32 $0xFFFFFF80  }
0x24: {  	[tilespmem:s16], [sflag:$0x2] =	stream.linear.gather [hbm4b:s20+s22], $0x80, $0x38;
	[tilespmem:$0x18180] =	vst v63  }
0x25: {  	_ =	swait.ge [sflag:s14], $0x80  }
0x26: {  	[sflag:s14] =	ssyncset.done $0x0  }
0x27: {  	[sflag:s14] =	ssyncadd.s32 $0xFFFFFF80  }
0x28: {  	[tilespmem:s17], [sflag:$0x1] =	stream.indirect.gather [hbm4b:s1+s15], $0x80, s22, s15, $0xb8;
	[tilespmem:$0x18180] =	vst v63  }
0x29: {  	_ =	swait.ge [sflag:s18], $0x4000  }
0x2a: {  	s30 =	simm.s32 $0x0;
	[sflag:s18] =	ssyncset.done $0x0  }
0x2b: {  	s31 =	simm.s32 $0x0;
	s20 =	sand.u32 $0x3FFFFFF0, s30;
	[sflag:s18] =	ssyncadd.s32 $0xFFFFC000  }
0x2c: {  	v0 =	vld [tilespmem:s20+$0x100];
	s20 =	sand.u32 $0x3FFFF800, s31  }
0x2d: {  	v6 =	vld [tilespmem:s20+$0x240]  }
0x2e: {  	v2 =	vld [tilespmem:s20+$0x1A0]  }
0x2f: {  	v3 =	vld [tilespmem:s20+$0x1B0]  }
0x30: {  	v9 =	vld [tilespmem:s20+$0x1E0]  }
0x31: {  	v10 =	vld [tilespmem:s20+$0x1F0];
	v1 =	vbroadcast v0, $0x0  }
0x32: {  	v11 =	vld [tilespmem:s20+$0x200]  }
0x33: {  	v12 =	vld [tilespmem:s20+$0x210];
	v2 =	vmul.f32 v2, v1  }
0x34: {  	v13 =	vld [tilespmem:s20+$0x220];
	v3 =	vmul.f32 v3, v1  }
0x35: {  	v8 =	vld [tilespmem:s20+$0x230];
	v28 =	vbroadcast v0, $0x1;
	v27 =	vmul.f32 v9, v1;
	[tilespmem:s20+$0x1A0] =	vst v2  }
0x36: {  	v7 =	vld [tilespmem:s20+$0x250];
	v10 =	vmul.f32 v10, v1;
	[tilespmem:s20+$0x1B0] =	vst v3  }
0x37: {  	v5 =	vld [tilespmem:s20+$0x6F0];
	v11 =	vmul.f32 v11, v28;
	[tilespmem:s20+$0x1E0] =	vst v27  }
0x38: {  	v30 =	vld [tilespmem:s20+$0x270];
	v12 =	vmul.f32 v12, v28;
	[tilespmem:s20+$0x1F0] =	vst v10  }
0x39: {  	v31 =	vld [tilespmem:s20+$0x280];
	v13 =	vmul.f32 v13, v28;
	[tilespmem:s20+$0x200] =	vst v11  }
0x3a: {  	v32 =	vld [tilespmem:s20+$0x290];
	v8 =	vmul.f32 v8, v28;
	[tilespmem:s20+$0x210] =	vst v12  }
0x3b: {  	v29 =	vld [tilespmem:s20+$0x260];
	v6 =	vmul.f32 v6, v28;
	[tilespmem:s20+$0x220] =	vst v13  }
0x3c: {  	v33 =	vld [tilespmem:s20+$0x2A0];
	v14 =	vbroadcast v0, $0x2;
	v7 =	vmul.f32 v7, v28;
	[tilespmem:s20+$0x230] =	vst v8  }
0x3d: {  	v34 =	vld [tilespmem:s20+$0x2B0];
	v9 =	vmul.f32 v30, v28;
	[tilespmem:s20+$0x240] =	vst v6  }
0x3e: {  	v35 =	vld [tilespmem:s20+$0x2C0];
	v4 =	vbroadcast v0, $0xA;
	v37 =	vmul.f32 v31, v14;
	[tilespmem:s20+$0x250] =	vst v7  }
0x3f: {  	v36 =	vld [tilespmem:s20+$0x2D0];
	v39 =	vmul.f32 v32, v14;
	[tilespmem:s20+$0x270] =	vst v9  }
0x40: {  	v38 =	vld [tilespmem:s20+$0x2E0];
	v2 =	vmul.f32 v5, v4;
	[tilespmem:s20+$0x280] =	vst v37  }
0x41: {  	v40 =	vld [tilespmem:s20+$0x2F0];
	v10 =	vmul.f32 v29, v28;
	[tilespmem:s20+$0x290] =	vst v39  }
0x42: {  	v41 =	vld [tilespmem:s20+$0x300];
	v8 =	vmul.f32 v33, v14;
	[tilespmem:s20+$0x6F0] =	vst v2  }
0x43: {  	v42 =	vld [tilespmem:s20+$0x310];
	v6 =	vmul.f32 v34, v14;
	[tilespmem:s20+$0x260] =	vst v10  }
0x44: {  	v43 =	vld [tilespmem:s20+$0x320];
	v7 =	vmul.f32 v35, v14;
	[tilespmem:s20+$0x2A0] =	vst v8  }
0x45: {  	v44 =	vld [tilespmem:s20+$0x330];
	v46 =	vbroadcast v0, $0x3;
	v9 =	vmul.f32 v38, v14;
	[tilespmem:s20+$0x2B0] =	vst v6  }
0x46: {  	v45 =	vld [tilespmem:s20+$0x340];
	v11 =	vmul.f32 v40, v14;
	[tilespmem:s20+$0x2C0] =	vst v7  }
0x47: {  	v47 =	vld [tilespmem:s20+$0x350];
	v12 =	vmul.f32 v41, v46;
	[tilespmem:s20+$0x2E0] =	vst v9  }
0x48: {  	v48 =	vld [tilespmem:s20+$0x360];
	v10 =	vmul.f32 v36, v14;
	[tilespmem:s20+$0x2F0] =	vst v11  }
0x49: {  	v49 =	vld [tilespmem:s20+$0x370];
	v8 =	vmul.f32 v42, v46;
	[tilespmem:s20+$0x300] =	vst v12  }
0x4a: {  	v50 =	vld [tilespmem:s20+$0x380];
	v6 =	vmul.f32 v43, v46;
	[tilespmem:s20+$0x2D0] =	vst v10  }
0x4b: {  	v51 =	vld [tilespmem:s20+$0x390];
	v7 =	vmul.f32 v44, v46;
	[tilespmem:s20+$0x310] =	vst v8  }
0x4c: {  	v52 =	vld [tilespmem:s20+$0x3A0];
	v9 =	vmul.f32 v47, v46;
	[tilespmem:s20+$0x320] =	vst v6  }
0x4d: {  	v53 =	vld [tilespmem:s20+$0x3B0];
	v11 =	vmul.f32 v48, v46;
	[tilespmem:s20+$0x330] =	vst v7  }
0x4e: {  	v54 =	vld [tilespmem:s20+$0x3C0];
	v55 =	vbroadcast v0, $0x4;
	v12 =	vmul.f32 v49, v46;
	[tilespmem:s20+$0x350] =	vst v9  }
0x4f: {  	v56 =	vld [tilespmem:s20+$0x3D0];
	v10 =	vmul.f32 v45, v46;
	[tilespmem:s20+$0x360] =	vst v11  }
0x50: {  	v57 =	vld [tilespmem:s20+$0x3E0];
	v8 =	vmul.f32 v50, v55;
	[tilespmem:s20+$0x370] =	vst v12  }
0x51: {  	v58 =	vld [tilespmem:s20+$0x3F0];
	v6 =	vmul.f32 v51, v55;
	[tilespmem:s20+$0x340] =	vst v10  }
0x52: {  	v59 =	vld [tilespmem:s20+$0x400];
	v7 =	vmul.f32 v52, v55;
	[tilespmem:s20+$0x380] =	vst v8  }
0x53: {  	v60 =	vld [tilespmem:s20+$0x410];
	v9 =	vmul.f32 v54, v55;
	[tilespmem:s20+$0x390] =	vst v6  }
0x54: {  	v61 =	vld [tilespmem:s20+$0x420];
	v11 =	vmul.f32 v56, v55;
	[tilespmem:s20+$0x3A0] =	vst v7  }
0x55: {  	v62 =	vld [tilespmem:s20+$0x430];
	v12 =	vmul.f32 v57, v55;
	[tilespmem:s20+$0x3C0] =	vst v9  }
0x56: {  	v63 =	vld [tilespmem:s20+$0x440];
	v16 =	vbroadcast v0, $0x5;
	v10 =	vmul.f32 v53, v55;
	[tilespmem:s20+$0x3D0] =	vst v11  }
0x57: {  	v17 =	vld [tilespmem:s20+$0x450];
	v8 =	vmul.f32 v58, v55;
	[tilespmem:s20+$0x3E0] =	vst v12  }
0x58: {  	v18 =	vld [tilespmem:s20+$0x460];
	v6 =	vmul.f32 v59, v16;
	[tilespmem:s20+$0x3B0] =	vst v10  }
0x59: {  	v19 =	vld [tilespmem:s20+$0x470];
	v7 =	vmul.f32 v60, v16;
	[tilespmem:s20+$0x3F0] =	vst v8  }
0x5a: {  	v20 =	vld [tilespmem:s20+$0x480];
	v9 =	vmul.f32 v62, v16;
	[tilespmem:s20+$0x400] =	vst v6  }
0x5b: {  	v21 =	vld [tilespmem:s20+$0x490];
	v11 =	vmul.f32 v63, v16;
	[tilespmem:s20+$0x410] =	vst v7  }
0x5c: {  	v22 =	vld [tilespmem:s20+$0x4A0];
	v12 =	vmul.f32 v17, v16;
	[tilespmem:s20+$0x430] =	vst v9  }
0x5d: {  	v23 =	vld [tilespmem:s20+$0x4B0];
	v10 =	vmul.f32 v61, v16;
	[tilespmem:s20+$0x440] =	vst v11  }
0x5e: {  	v24 =	vld [tilespmem:s20+$0x4C0];
	v25 =	vbroadcast v0, $0x6;
	v8 =	vmul.f32 v18, v16;
	[tilespmem:s20+$0x450] =	vst v12  }
0x5f: {  	v56 =	vld [tilespmem:s20+$0x680];
	v6 =	vmul.f32 v19, v16;
	[tilespmem:s20+$0x420] =	vst v10  }
0x60: {  	v26 =	vld [tilespmem:s20+$0x4D0];
	v7 =	vmul.f32 v20, v25;
	[tilespmem:s20+$0x460] =	vst v8  }
0x61: {  	v30 =	vld [tilespmem:s20+$0x510];
	v9 =	vmul.f32 v22, v25;
	[tilespmem:s20+$0x470] =	vst v6  }
0x62: {  	v27 =	vld [tilespmem:s20+$0x4E0];
	v11 =	vmul.f32 v23, v25;
	[tilespmem:s20+$0x480] =	vst v7  }
0x63: {  	v28 =	vld [tilespmem:s20+$0x4F0];
	v12 =	vmul.f32 v24, v25;
	[tilespmem:s20+$0x4A0] =	vst v9  }
0x64: {  	v31 =	vld [tilespmem:s20+$0x520];
	v62 =	vmul.f32 v56, v4;
	[tilespmem:s20+$0x4B0] =	vst v11  }
0x65: {  	v32 =	vld [tilespmem:s20+$0x530];
	v10 =	vmul.f32 v21, v25;
	[tilespmem:s20+$0x4C0] =	vst v12  }
0x66: {  	v3 =	vld [tilespmem:s20+$0x700];
	v8 =	vmul.f32 v26, v25;
	[tilespmem:s20+$0x680] =	vst v62  }
0x67: {  	v5 =	vld [tilespmem:s20+$0x710];
	v34 =	vbroadcast v0, $0x7;
	v6 =	vmul.f32 v27, v25;
	[tilespmem:s20+$0x490] =	vst v10  }
0x68: {  	v29 =	vld [tilespmem:s20+$0x500];
	v7 =	vmul.f32 v28, v25;
	[tilespmem:s20+$0x4D0] =	vst v8  }
0x69: {  	v60 =	vld [tilespmem:s20+$0x6C0];
	v9 =	vmul.f32 v30, v34;
	[tilespmem:s20+$0x4E0] =	vst v6  }
0x6a: {  	v33 =	vld [tilespmem:s20+$0x540];
	v24 =	vbroadcast v0, $0xB;
	v11 =	vmul.f32 v31, v34;
	[tilespmem:s20+$0x4F0] =	vst v7  }
0x6b: {  	v35 =	vld [tilespmem:s20+$0x550];
	v12 =	vmul.f32 v32, v34;
	[tilespmem:s20+$0x510] =	vst v9  }
0x6c: {  	v38 =	vld [tilespmem:s20+$0x580];
	v3 =	vmul.f32 v3, v24;
	[tilespmem:s20+$0x520] =	vst v11  }
0x6d: {  	v36 =	vld [tilespmem:s20+$0x560];
	v5 =	vmul.f32 v5, v24;
	[tilespmem:s20+$0x530] =	vst v12  }
0x6e: {  	v2 =	vld [tilespmem:s20+$0x950];
	v19 =	vmul.f32 v60, v4;
	[tilespmem:s20+$0x700] =	vst v3  }
0x6f: {  	v39 =	vld [tilespmem:s20+$0x590];
	v10 =	vmul.f32 v29, v34;
	[tilespmem:s20+$0x710] =	vst v5  }
0x70: {  	v40 =	vld [tilespmem:s20+$0x5A0];
	v8 =	vmul.f32 v33, v34;
	[tilespmem:s20+$0x6C0] =	vst v19  }
0x71: {  	v43 =	vbroadcast v0, $0x8;
	v61 =	vld [tilespmem:s20+$0x6D0];
	v6 =	vmul.f32 v35, v34;
	[tilespmem:s20+$0x500] =	vst v10  }
0x72: {  	v16 =	vld [tilespmem:s20+$0x180];
	v7 =	vmul.f32 v36, v34;
	[tilespmem:s20+$0x540] =	vst v8  }
0x73: {  	v37 =	vld [tilespmem:s20+$0x570];
	v9 =	vmul.f32 v38, v43;
	[tilespmem:s20+$0x550] =	vst v6  }
0x74: {  	v41 =	vld [tilespmem:s20+$0x5B0];
	v11 =	vmul.f32 v39, v43;
	[tilespmem:s20+$0x560] =	vst v7  }
0x75: {  	v42 =	vld [tilespmem:s20+$0x5C0];
	v12 =	vmul.f32 v40, v43;
	[tilespmem:s20+$0x580] =	vst v9  }
0x76: {  	v44 =	vld [tilespmem:s20+$0x5D0];
	v21 =	vmul.f32 v61, v4;
	[tilespmem:s20+$0x590] =	vst v11  }
0x77: {  	v46 =	vld [tilespmem:s20+$0x5F0];
	v25 =	vmul.f32 v1, v16;
	[tilespmem:s20+$0x5A0] =	vst v12  }
0x78: {  	v47 =	vld [tilespmem:s20+$0x600];
	v10 =	vmul.f32 v37, v34;
	[tilespmem:s20+$0x6D0] =	vst v21  }
0x79: {  	v48 =	vld [tilespmem:s20+$0x610];
	v8 =	vmul.f32 v41, v43;
	[tilespmem:s20+$0x180] =	vst v25  }
0x7a: {  	v6 =	vmul.f32 v42, v43;
	[tilespmem:s20+$0x570] =	vst v10  }
0x7b: {  	v52 =	vbroadcast v0, $0x9;
	v27 =	vld [tilespmem:s20+$0x750];
	v7 =	vmul.f32 v44, v43;
	[tilespmem:s20+$0x5B0] =	vst v8  }
0x7c: {  	v30 =	vld [tilespmem:s20+$0x780];
	v9 =	vmul.f32 v46, v43;
	[tilespmem:s20+$0x5C0] =	vst v6  }
0x7d: {  	v28 =	vld [tilespmem:s20+$0x760];
	v3 =	vbroadcast v0, $0xF;
	v11 =	vmul.f32 v47, v52;
	[tilespmem:s20+$0x5D0] =	vst v7  }
0x7e: {  	v45 =	vld [tilespmem:s20+$0x5E0];
	v12 =	vmul.f32 v48, v52;
	[tilespmem:s20+$0x5F0] =	vst v9  }
0x7f: {  	v49 =	vld [tilespmem:s20+$0x620];
	v35 =	vbroadcast v0, $0xC;
	v2 =	vmul.f32 v2, v3;
	[tilespmem:s20+$0x600] =	vst v11  }
0x80: {  	v50 =	vld [tilespmem:s20+$0x630];
	v32 =	vmul.f32 v27, v24;
	[tilespmem:s20+$0x610] =	vst v12  }
0x81: {  	v51 =	vld [tilespmem:s20+$0x640];
	v14 =	vmul.f32 v30, v35;
	[tilespmem:s20+$0x950] =	vst v2  }
0x82: {  	v54 =	vld [tilespmem:s20+$0x660];
	v40 =	vmul.f32 v28, v24;
	[tilespmem:s20+$0x750] =	vst v32  }
0x83: {  	v55 =	vld [tilespmem:s20+$0x670];
	v10 =	vmul.f32 v45, v43;
	[tilespmem:s20+$0x780] =	vst v14  }
0x84: {  	v18 =	vld [tilespmem:s20+$0x1C0];
	v8 =	vmul.f32 v49, v52;
	[tilespmem:s20+$0x760] =	vst v40  }
0x85: {  	v38 =	vld [tilespmem:s20+$0x7F0];
	v6 =	vmul.f32 v50, v52;
	[tilespmem:s20+$0x5E0] =	vst v10  }
0x86: {  	v29 =	vld [tilespmem:s20+$0x770];
	v7 =	vmul.f32 v51, v52;
	[tilespmem:s20+$0x620] =	vst v8  }
0x87: {  	v33 =	vld [tilespmem:s20+$0x7B0];
	v9 =	vmul.f32 v54, v52;
	[tilespmem:s20+$0x630] =	vst v6  }
0x88: {  	v53 =	vld [tilespmem:s20+$0x650];
	v11 =	vmul.f32 v55, v52;
	[tilespmem:s20+$0x640] =	vst v7  }
0x89: {  	v57 =	vld [tilespmem:s20+$0x690];
	v2 =	vmul.f32 v18, v1;
	[tilespmem:s20+$0x660] =	vst v9  }
0x8a: {  	v58 =	vld [tilespmem:s20+$0x6A0];
	v14 =	vmul.f32 v38, v35;
	[tilespmem:s20+$0x670] =	vst v11  }
0x8b: {  	v59 =	vld [tilespmem:s20+$0x6B0];
	v5 =	vmul.f32 v29, v24;
	[tilespmem:s20+$0x1C0] =	vst v2  }
0x8c: {  	v63 =	vld [tilespmem:s20+$0x6E0];
	v62 =	vmul.f32 v33, v35;
	[tilespmem:s20+$0x7F0] =	vst v14  }
0x8d: {  	v17 =	vld [tilespmem:s20+$0x190];
	v10 =	vmul.f32 v53, v52;
	[tilespmem:s20+$0x770] =	vst v5  }
0x8e: {  	v20 =	vld [tilespmem:s20+$0x1D0];
	v8 =	vmul.f32 v57, v4;
	[tilespmem:s20+$0x7B0] =	vst v62  }
0x8f: {  	v61 =	vld [tilespmem:s20+$0x970];
	v6 =	vmul.f32 v58, v4;
	[tilespmem:s20+$0x650] =	vst v10  }
0x90: {  	v46 =	vld [tilespmem:s20+$0x860];
	v7 =	vmul.f32 v59, v4;
	[tilespmem:s20+$0x690] =	vst v8  }
0x91: {  	v22 =	vld [tilespmem:s20+$0x720];
	v4 =	vmul.f32 v63, v4;
	[tilespmem:s20+$0x6A0] =	vst v6  }
0x92: {  	v23 =	vld [tilespmem:s20+$0x730];
	v11 =	vmul.f32 v17, v1;
	[tilespmem:s20+$0x6B0] =	vst v7  }
0x93: {  	v26 =	vld [tilespmem:s20+$0x740];
	v44 =	vbroadcast v0, $0xD;
	v1 =	vmul.f32 v20, v1;
	[tilespmem:s20+$0x6E0] =	vst v4  }
0x94: {  	v31 =	vld [tilespmem:s20+$0x790];
	v63 =	vmul.f32 v61, v3;
	[tilespmem:s20+$0x190] =	vst v11  }
0x95: {  	v34 =	vld [tilespmem:s20+$0x7C0];
	v51 =	vmul.f32 v46, v44;
	[tilespmem:s20+$0x1D0] =	vst v1  }
0x96: {  	v41 =	vld [tilespmem:s20+$0x820];
	v6 =	vmul.f32 v22, v24;
	[tilespmem:s20+$0x970] =	vst v63  }
0x97: {  	v7 =	vmul.f32 v23, v24;
	v1 =	vld [tilespmem:s20+$0x810];
	[tilespmem:s20+$0x860] =	vst v51  }
0x98: {  	v49 =	vld [tilespmem:s20+$0x8A0];
	v4 =	vmul.f32 v26, v24;
	[tilespmem:s20+$0x720] =	vst v6  }
0x99: {  	v50 =	vld [tilespmem:s20+$0x8B0];
	v8 =	vmul.f32 v31, v35;
	[tilespmem:s20+$0x730] =	vst v7  }
0x9a: {  	v36 =	vld [tilespmem:s20+$0x7D0];
	v11 =	vmul.f32 v34, v35;
	[tilespmem:s20+$0x740] =	vst v4  }
0x9b: {  	v37 =	vld [tilespmem:s20+$0x7E0];
	v0 =	vbroadcast v0, $0xE;
	v10 =	vmul.f32 v41, v44;
	[tilespmem:s20+$0x790] =	vst v8  }
0x9c: {  	v39 =	vld [tilespmem:s20+$0x800];
	[tilespmem:s20+$0x7C0] =	vst v11;
	v1 =	vmul.f32 v1, v44  }
0x9d: {  	v42 =	vld [tilespmem:s20+$0x830];
	v9 =	vmul.f32 v49, v0;
	[tilespmem:s20+$0x820] =	vst v10  }
0x9e: {  	v5 =	vmul.f32 v50, v0;
	[tilespmem:s20+$0x810] =	vst v1;
	v1 =	vld [tilespmem:s20+$0x880]  }
0x9f: {  	v48 =	vld [tilespmem:s20+$0x890];
	v7 =	vmul.f32 v36, v35;
	[tilespmem:s20+$0x8A0] =	vst v9  }
0xa0: {  	v57 =	vld [tilespmem:s20+$0x920];
	v4 =	vmul.f32 v37, v35;
	[tilespmem:s20+$0x8B0] =	vst v5  }
0xa1: {  	v45 =	vld [tilespmem:s20+$0x850];
	v8 =	vmul.f32 v39, v44;
	[tilespmem:s20+$0x7D0] =	vst v7  }
0xa2: {  	v47 =	vld [tilespmem:s20+$0x870];
	v11 =	vmul.f32 v42, v44;
	[tilespmem:s20+$0x7E0] =	vst v4  }
0xa3: {  	v43 =	vld [tilespmem:s20+$0x840];
	[tilespmem:s20+$0x800] =	vst v8;
	v1 =	vmul.f32 v1, v0  }
0xa4: {  	v55 =	vld [tilespmem:s20+$0x900];
	v10 =	vmul.f32 v48, v0;
	[tilespmem:s20+$0x830] =	vst v11  }
0xa5: {  	v5 =	vmul.f32 v57, v3;
	[tilespmem:s20+$0x880] =	vst v1;
	v1 =	vld [tilespmem:s20+$0x8F0]  }
0xa6: {  	v52 =	vld [tilespmem:s20+$0x8C0];
	v4 =	vmul.f32 v45, v44;
	[tilespmem:s20+$0x890] =	vst v10  }
0xa7: {  	v56 =	vld [tilespmem:s20+$0x910];
	v8 =	vmul.f32 v47, v44;
	[tilespmem:s20+$0x920] =	vst v5  }
0xa8: {  	v54 =	vld [tilespmem:s20+$0x8E0];
	v7 =	vmul.f32 v43, v44;
	[tilespmem:s20+$0x850] =	vst v4  }
0xa9: {  	v58 =	vld [tilespmem:s20+$0x930];
	v10 =	vmul.f32 v55, v3;
	[tilespmem:s20+$0x870] =	vst v8  }
0xaa: {  	v53 =	vld [tilespmem:s20+$0x8D0];
	[tilespmem:s20+$0x840] =	vst v7;
	v1 =	vmul.f32 v1, v0  }
0xab: {  	v59 =	vld [tilespmem:s20+$0x940];
	v4 =	vmul.f32 v52, v0;
	[tilespmem:s20+$0x900] =	vst v10  }
0xac: {  	v60 =	vld [tilespmem:s20+$0x960];
	[tilespmem:s20+$0x8F0] =	vst v1;
	v1 =	vmul.f32 v56, v3  }
0xad: {  	v8 =	vmul.f32 v54, v0;
	[tilespmem:s20+$0x8C0] =	vst v4  }
0xae: {  	v2 =	vld [tilespmem:s20+$0x7A0];
	[tilespmem:s20+$0x910] =	vst v1;
	v1 =	vmul.f32 v58, v3  }
0xaf: {  	[tilespmem:s20+$0x8E0] =	vst v8;
	v0 =	vmul.f32 v53, v0  }
0xb0: {  	[tilespmem:s20+$0x930] =	vst v1;
	v1 =	vmul.f32 v59, v3  }
0xb1: {  	[tilespmem:s20+$0x8D0] =	vst v0;
	v3 =	vmul.f32 v60, v3  }
0xb2: {  	[tilespmem:s20+$0x940] =	vst v1  }
0xb3: {  	s21 =	simm.s32 $0x1;
	v1 =	vmul.f32 v2, v35;
	[tilespmem:s20+$0x960] =	vst v3  }
.LBB2_3:
0xb4: {  	s22 =	sshll.u32 s21, $0x4  }
0xb5: {  	p0 =	sne.s32 s21, $0x7;
	[tilespmem:s20+$0x7A0] =	vst v1;
	s20 =	smov.u32 s21;
	s21 =	sadd.s32 $0x1, s21  }
0xb6: {  	s22 =	sand.u32 $0x3FFFFFF0, s22  }
0xb7: {  	s20 =	sshll.u32 s20, $0xB;
	v0 =	vld [tilespmem:s22+$0x100]  }
0xb8: {  	s20 =	sand.u32 $0x3FFFF800, s20  }
0xb9: {  	v7 =	vld [tilespmem:s20+$0x240]  }
0xba: {  	v8 =	vld [tilespmem:s20+$0x250]  }
0xbb: {  	v9 =	vld [tilespmem:s20+$0x230]  }
0xbc: {  	v1 =	vbroadcast v0, $0x0;
	v2 =	vld [tilespmem:s20+$0x1A0];
	v6 =	vbroadcast v0, $0x4  }
0xbd: {  	v4 =	vld [tilespmem:s20+$0x1B0]  }
0xbe: {  	v5 =	vld [tilespmem:s20+$0x6F0]  }
0xbf: {  	v10 =	vld [tilespmem:s20+$0x1E0]  }
0xc0: {  	v11 =	vld [tilespmem:s20+$0x1F0]  }
0xc1: {  	v3 =	vbroadcast v0, $0xA;
	v2 =	vmul.f32 v2, v1;
	v12 =	vld [tilespmem:s20+$0x200]  }
0xc2: {  	v4 =	vmul.f32 v4, v1;
	v13 =	vld [tilespmem:s20+$0x210]  }
0xc3: {  	[tilespmem:s20+$0x1A0] =	vst v2;
	v14 =	vld [tilespmem:s20+$0x220];
	v2 =	vmul.f32 v5, v3  }
0xc4: {  	[tilespmem:s20+$0x1B0] =	vst v4;
	v5 =	vmul.f32 v10, v1;
	v10 =	vbroadcast v0, $0x1;
	v4 =	vld [tilespmem:s20+$0x700]  }
0xc5: {  	v11 =	vmul.f32 v11, v1;
	[tilespmem:s20+$0x6F0] =	vst v2;
	v2 =	vld [tilespmem:s20+$0x950]  }
0xc6: {  	[tilespmem:s20+$0x1E0] =	vst v5;
	v12 =	vmul.f32 v12, v10;
	v5 =	vld [tilespmem:s20+$0x710]  }
0xc7: {  	[tilespmem:s20+$0x1F0] =	vst v11;
	v11 =	vmul.f32 v13, v10;
	v13 =	vld [tilespmem:s20+$0x260]  }
0xc8: {  	[tilespmem:s20+$0x200] =	vst v12;
	v12 =	vmul.f32 v14, v10;
	v14 =	vld [tilespmem:s20+$0x270]  }
0xc9: {  	v9 =	vmul.f32 v9, v10;
	[tilespmem:s20+$0x210] =	vst v11;
	v11 =	vld [tilespmem:s20+$0x280]  }
0xca: {  	v7 =	vmul.f32 v7, v10;
	[tilespmem:s20+$0x220] =	vst v12;
	v12 =	vld [tilespmem:s20+$0x290]  }
0xcb: {  	v8 =	vmul.f32 v8, v10;
	[tilespmem:s20+$0x230] =	vst v9;
	v9 =	vld [tilespmem:s20+$0x2A0]  }
0xcc: {  	[tilespmem:s20+$0x240] =	vst v7;
	v7 =	vmul.f32 v13, v10;
	v13 =	vbroadcast v0, $0x2;
	v15 =	vld [tilespmem:s20+$0x2B0]  }
0xcd: {  	[tilespmem:s20+$0x250] =	vst v8;
	v8 =	vmul.f32 v14, v10;
	v10 =	vld [tilespmem:s20+$0x2C0]  }
0xce: {  	[tilespmem:s20+$0x260] =	vst v7;
	v7 =	vmul.f32 v11, v13;
	v11 =	vld [tilespmem:s20+$0x2D0]  }
0xcf: {  	[tilespmem:s20+$0x270] =	vst v8;
	v8 =	vmul.f32 v12, v13;
	v12 =	vld [tilespmem:s20+$0x2E0]  }
0xd0: {  	[tilespmem:s20+$0x280] =	vst v7;
	v7 =	vmul.f32 v9, v13;
	v9 =	vld [tilespmem:s20+$0x2F0]  }
0xd1: {  	[tilespmem:s20+$0x290] =	vst v8;
	v8 =	vmul.f32 v15, v13;
	v14 =	vld [tilespmem:s20+$0x300]  }
0xd2: {  	[tilespmem:s20+$0x2A0] =	vst v7;
	v7 =	vmul.f32 v10, v13;
	v10 =	vld [tilespmem:s20+$0x310]  }
0xd3: {  	[tilespmem:s20+$0x2B0] =	vst v8;
	v8 =	vmul.f32 v11, v13;
	v11 =	vld [tilespmem:s20+$0x320]  }
0xd4: {  	[tilespmem:s20+$0x2C0] =	vst v7;
	v7 =	vmul.f32 v12, v13;
	v12 =	vbroadcast v0, $0x3;
	v15 =	vld [tilespmem:s20+$0x330]  }
0xd5: {  	[tilespmem:s20+$0x2D0] =	vst v8;
	v8 =	vmul.f32 v9, v13;
	v9 =	vld [tilespmem:s20+$0x340]  }
0xd6: {  	[tilespmem:s20+$0x2E0] =	vst v7;
	v7 =	vmul.f32 v14, v12;
	v13 =	vld [tilespmem:s20+$0x350]  }
0xd7: {  	[tilespmem:s20+$0x2F0] =	vst v8;
	v8 =	vmul.f32 v10, v12;
	v10 =	vld [tilespmem:s20+$0x360]  }
0xd8: {  	[tilespmem:s20+$0x300] =	vst v7;
	v7 =	vmul.f32 v11, v12;
	v11 =	vld [tilespmem:s20+$0x370]  }
0xd9: {  	[tilespmem:s20+$0x310] =	vst v8;
	v8 =	vmul.f32 v15, v12;
	v14 =	vld [tilespmem:s20+$0x380]  }
0xda: {  	[tilespmem:s20+$0x320] =	vst v7;
	v7 =	vmul.f32 v9, v12;
	v9 =	vld [tilespmem:s20+$0x390]  }
0xdb: {  	[tilespmem:s20+$0x330] =	vst v8;
	v8 =	vmul.f32 v13, v12;
	v13 =	vld [tilespmem:s20+$0x3A0]  }
0xdc: {  	[tilespmem:s20+$0x340] =	vst v7;
	v7 =	vmul.f32 v10, v12;
	v10 =	vld [tilespmem:s20+$0x3B0]  }
0xdd: {  	[tilespmem:s20+$0x350] =	vst v8;
	v8 =	vmul.f32 v11, v12;
	v11 =	vld [tilespmem:s20+$0x3C0]  }
0xde: {  	[tilespmem:s20+$0x360] =	vst v7;
	v7 =	vmul.f32 v14, v6;
	v12 =	vld [tilespmem:s20+$0x3D0]  }
0xdf: {  	[tilespmem:s20+$0x370] =	vst v8;
	v8 =	vmul.f32 v9, v6;
	v9 =	vld [tilespmem:s20+$0x3E0]  }
0xe0: {  	[tilespmem:s20+$0x380] =	vst v7;
	v7 =	vmul.f32 v13, v6;
	v13 =	vld [tilespmem:s20+$0x3F0]  }
0xe1: {  	[tilespmem:s20+$0x390] =	vst v8;
	v8 =	vmul.f32 v10, v6;
	v10 =	vld [tilespmem:s20+$0x400]  }
0xe2: {  	[tilespmem:s20+$0x3A0] =	vst v7;
	v7 =	vmul.f32 v11, v6;
	v11 =	vld [tilespmem:s20+$0x410]  }
0xe3: {  	[tilespmem:s20+$0x3B0] =	vst v8;
	v8 =	vmul.f32 v12, v6;
	v12 =	vld [tilespmem:s20+$0x420]  }
0xe4: {  	[tilespmem:s20+$0x3C0] =	vst v7;
	v7 =	vmul.f32 v9, v6;
	v9 =	vbroadcast v0, $0x5;
	v14 =	vld [tilespmem:s20+$0x430]  }
0xe5: {  	[tilespmem:s20+$0x3D0] =	vst v8;
	v6 =	vmul.f32 v13, v6;
	v8 =	vld [tilespmem:s20+$0x440]  }
0xe6: {  	[tilespmem:s20+$0x3E0] =	vst v7;
	v7 =	vmul.f32 v10, v9;
	v10 =	vld [tilespmem:s20+$0x450]  }
0xe7: {  	[tilespmem:s20+$0x3F0] =	vst v6;
	v6 =	vmul.f32 v11, v9;
	v11 =	vld [tilespmem:s20+$0x460]  }
0xe8: {  	[tilespmem:s20+$0x400] =	vst v7;
	v7 =	vmul.f32 v12, v9;
	v12 =	vld [tilespmem:s20+$0x470]  }
0xe9: {  	[tilespmem:s20+$0x410] =	vst v6;
	v6 =	vmul.f32 v14, v9;
	v13 =	vld [tilespmem:s20+$0x480]  }
0xea: {  	[tilespmem:s20+$0x420] =	vst v7;
	v7 =	vmul.f32 v8, v9;
	v8 =	vld [tilespmem:s20+$0x490]  }
0xeb: {  	[tilespmem:s20+$0x430] =	vst v6;
	v6 =	vmul.f32 v10, v9;
	v10 =	vld [tilespmem:s20+$0x4A0]  }
0xec: {  	[tilespmem:s20+$0x440] =	vst v7;
	v7 =	vmul.f32 v11, v9;
	v11 =	vbroadcast v0, $0x6;
	v14 =	vld [tilespmem:s20+$0x4B0]  }
0xed: {  	[tilespmem:s20+$0x450] =	vst v6;
	v6 =	vmul.f32 v12, v9;
	v9 =	vld [tilespmem:s20+$0x4C0]  }
0xee: {  	[tilespmem:s20+$0x460] =	vst v7;
	v7 =	vmul.f32 v13, v11;
	v12 =	vld [tilespmem:s20+$0x4D0]  }
0xef: {  	[tilespmem:s20+$0x470] =	vst v6;
	v6 =	vmul.f32 v8, v11;
	v8 =	vld [tilespmem:s20+$0x4E0]  }
0xf0: {  	[tilespmem:s20+$0x480] =	vst v7;
	v7 =	vmul.f32 v10, v11;
	v10 =	vld [tilespmem:s20+$0x4F0]  }
0xf1: {  	[tilespmem:s20+$0x490] =	vst v6;
	v6 =	vmul.f32 v14, v11;
	v13 =	vld [tilespmem:s20+$0x500]  }
0xf2: {  	[tilespmem:s20+$0x4A0] =	vst v7;
	v7 =	vmul.f32 v9, v11;
	v9 =	vld [tilespmem:s20+$0x510]  }
0xf3: {  	[tilespmem:s20+$0x4B0] =	vst v6;
	v6 =	vmul.f32 v12, v11;
	v12 =	vld [tilespmem:s20+$0x520]  }
0xf4: {  	[tilespmem:s20+$0x4C0] =	vst v7;
	v7 =	vmul.f32 v8, v11;
	v8 =	vbroadcast v0, $0x7;
	v14 =	vld [tilespmem:s20+$0x530]  }
0xf5: {  	[tilespmem:s20+$0x4D0] =	vst v6;
	v6 =	vmul.f32 v10, v11;
	v10 =	vld [tilespmem:s20+$0x540]  }
0xf6: {  	[tilespmem:s20+$0x4E0] =	vst v7;
	v7 =	vmul.f32 v13, v8;
	v11 =	vld [tilespmem:s20+$0x550]  }
0xf7: {  	[tilespmem:s20+$0x4F0] =	vst v6;
	v6 =	vmul.f32 v9, v8;
	v9 =	vld [tilespmem:s20+$0x560]  }
0xf8: {  	[tilespmem:s20+$0x500] =	vst v7;
	v7 =	vmul.f32 v12, v8;
	v12 =	vld [tilespmem:s20+$0x570]  }
0xf9: {  	[tilespmem:s20+$0x510] =	vst v6;
	v6 =	vmul.f32 v14, v8;
	v13 =	vld [tilespmem:s20+$0x580]  }
0xfa: {  	[tilespmem:s20+$0x520] =	vst v7;
	v7 =	vmul.f32 v10, v8;
	v10 =	vld [tilespmem:s20+$0x590]  }
0xfb: {  	[tilespmem:s20+$0x530] =	vst v6;
	v6 =	vmul.f32 v11, v8;
	v11 =	vld [tilespmem:s20+$0x5A0]  }
0xfc: {  	[tilespmem:s20+$0x540] =	vst v7;
	v7 =	vmul.f32 v9, v8;
	v9 =	vbroadcast v0, $0x8;
	v14 =	vld [tilespmem:s20+$0x5B0]  }
0xfd: {  	[tilespmem:s20+$0x550] =	vst v6;
	v6 =	vmul.f32 v12, v8;
	v8 =	vld [tilespmem:s20+$0x5C0]  }
0xfe: {  	[tilespmem:s20+$0x560] =	vst v7;
	v7 =	vmul.f32 v13, v9;
	v12 =	vld [tilespmem:s20+$0x5D0]  }
0xff: {  	[tilespmem:s20+$0x570] =	vst v6;
	v6 =	vmul.f32 v10, v9;
	v10 =	vld [tilespmem:s20+$0x5E0]  }
0x100: {  	[tilespmem:s20+$0x580] =	vst v7;
	v7 =	vmul.f32 v11, v9;
	v11 =	vld [tilespmem:s20+$0x5F0]  }
0x101: {  	[tilespmem:s20+$0x590] =	vst v6;
	v6 =	vmul.f32 v14, v9;
	v13 =	vld [tilespmem:s20+$0x600]  }
0x102: {  	[tilespmem:s20+$0x5A0] =	vst v7;
	v7 =	vmul.f32 v8, v9;
	v8 =	vld [tilespmem:s20+$0x610]  }
0x103: {  	[tilespmem:s20+$0x5B0] =	vst v6;
	v6 =	vmul.f32 v12, v9;
	v12 =	vld [tilespmem:s20+$0x620]  }
0x104: {  	[tilespmem:s20+$0x5C0] =	vst v7;
	v7 =	vmul.f32 v10, v9;
	v10 =	vbroadcast v0, $0x9;
	v14 =	vld [tilespmem:s20+$0x630]  }
0x105: {  	[tilespmem:s20+$0x5D0] =	vst v6;
	v6 =	vmul.f32 v11, v9;
	v9 =	vld [tilespmem:s20+$0x640]  }
0x106: {  	[tilespmem:s20+$0x5E0] =	vst v7;
	v7 =	vmul.f32 v13, v10;
	v11 =	vld [tilespmem:s20+$0x650]  }
0x107: {  	[tilespmem:s20+$0x5F0] =	vst v6;
	v6 =	vmul.f32 v8, v10;
	v8 =	vld [tilespmem:s20+$0x660]  }
0x108: {  	[tilespmem:s20+$0x600] =	vst v7;
	v7 =	vmul.f32 v12, v10;
	v12 =	vld [tilespmem:s20+$0x670]  }
0x109: {  	[tilespmem:s20+$0x610] =	vst v6;
	v6 =	vmul.f32 v14, v10;
	v13 =	vld [tilespmem:s20+$0x680]  }
0x10a: {  	[tilespmem:s20+$0x620] =	vst v7;
	v7 =	vmul.f32 v9, v10;
	v9 =	vld [tilespmem:s20+$0x690]  }
0x10b: {  	[tilespmem:s20+$0x630] =	vst v6;
	v6 =	vmul.f32 v11, v10;
	v11 =	vld [tilespmem:s20+$0x6A0]  }
0x10c: {  	[tilespmem:s20+$0x640] =	vst v7;
	v7 =	vmul.f32 v8, v10;
	v8 =	vld [tilespmem:s20+$0x6B0]  }
0x10d: {  	[tilespmem:s20+$0x650] =	vst v6;
	v6 =	vmul.f32 v12, v10;
	v10 =	vld [tilespmem:s20+$0x6C0]  }
0x10e: {  	[tilespmem:s20+$0x660] =	vst v7;
	v7 =	vmul.f32 v13, v3;
	v12 =	vld [tilespmem:s20+$0x6D0]  }
0x10f: {  	[tilespmem:s20+$0x670] =	vst v6;
	v6 =	vmul.f32 v9, v3;
	v9 =	vld [tilespmem:s20+$0x6E0]  }
0x110: {  	v13 =	vld [tilespmem:s20+$0x180];
	[tilespmem:s20+$0x680] =	vst v7;
	v7 =	vmul.f32 v11, v3  }
0x111: {  	v11 =	vld [tilespmem:s20+$0x190];
	[tilespmem:s20+$0x690] =	vst v6;
	v6 =	vmul.f32 v8, v3  }
0x112: {  	v8 =	vld [tilespmem:s20+$0x1C0];
	[tilespmem:s20+$0x6A0] =	vst v7;
	v7 =	vmul.f32 v10, v3  }
0x113: {  	v10 =	vld [tilespmem:s20+$0x1D0];
	[tilespmem:s20+$0x6B0] =	vst v6;
	v6 =	vmul.f32 v12, v3  }
0x114: {  	[tilespmem:s20+$0x6C0] =	vst v7;
	v7 =	vmul.f32 v9, v3;
	v9 =	vbroadcast v0, $0xB;
	v12 =	vld [tilespmem:s20+$0x720]  }
0x115: {  	v3 =	vbroadcast v0, $0xF;
	v13 =	vmul.f32 v1, v13;
	[tilespmem:s20+$0x6D0] =	vst v6;
	v6 =	vld [tilespmem:s20+$0x730]  }
0x116: {  	v11 =	vmul.f32 v11, v1;
	[tilespmem:s20+$0x6E0] =	vst v7;
	v4 =	vmul.f32 v4, v9;
	v7 =	vld [tilespmem:s20+$0x740]  }
0x117: {  	v5 =	vmul.f32 v5, v9;
	[tilespmem:s20+$0x180] =	vst v13;
	v8 =	vmul.f32 v8, v1;
	v13 =	vld [tilespmem:s20+$0x750]  }
0x118: {  	v2 =	vmul.f32 v2, v3;
	v10 =	vmul.f32 v10, v1;
	[tilespmem:s20+$0x700] =	vst v4;
	v1 =	vld [tilespmem:s20+$0x760]  }
0x119: {  	[tilespmem:s20+$0x710] =	vst v5;
	v4 =	vmul.f32 v12, v9;
	v5 =	vld [tilespmem:s20+$0x770]  }
0x11a: {  	v6 =	vmul.f32 v6, v9;
	v12 =	vld [tilespmem:s20+$0x780];
	[tilespmem:s20+$0x950] =	vst v2  }
0x11b: {  	[tilespmem:s20+$0x190] =	vst v11;
	v2 =	vmul.f32 v7, v9;
	v7 =	vld [tilespmem:s20+$0x790]  }
0x11c: {  	[tilespmem:s20+$0x1C0] =	vst v8;
	v8 =	vmul.f32 v13, v9;
	v11 =	vld [tilespmem:s20+$0x7A0]  }
0x11d: {  	v13 =	vbroadcast v0, $0xC;
	[tilespmem:s20+$0x720] =	vst v4;
	v4 =	vmul.f32 v1, v9;
	v14 =	vld [tilespmem:s20+$0x7B0]  }
0x11e: {  	[tilespmem:s20+$0x750] =	vst v8;
	v5 =	vmul.f32 v5, v9;
	v8 =	vld [tilespmem:s20+$0x7C0]  }
0x11f: {  	[tilespmem:s20+$0x730] =	vst v6;
	v1 =	vmul.f32 v12, v13;
	v6 =	vld [tilespmem:s20+$0x7D0]  }
0x120: {  	[tilespmem:s20+$0x740] =	vst v2;
	v2 =	vmul.f32 v7, v13;
	v7 =	vld [tilespmem:s20+$0x7E0]  }
0x121: {  	[tilespmem:s20+$0x780] =	vst v1;
	v1 =	vmul.f32 v11, v13;
	v9 =	vld [tilespmem:s20+$0x7F0]  }
0x122: {  	[tilespmem:s20+$0x790] =	vst v2;
	v2 =	vld [tilespmem:s20+$0x800]  }
0x123: {  	[tilespmem:s20+$0x1D0] =	vst v10;
	v8 =	vmul.f32 v8, v13;
	v10 =	vld [tilespmem:s20+$0x810]  }
0x124: {  	[tilespmem:s20+$0x760] =	vst v4;
	v4 =	vmul.f32 v6, v13;
	v6 =	vld [tilespmem:s20+$0x820]  }
0x125: {  	[tilespmem:s20+$0x7C0] =	vst v8;
	v7 =	vmul.f32 v7, v13;
	v8 =	vbroadcast v0, $0xD;
	v11 =	vld [tilespmem:s20+$0x830]  }
0x126: {  	[tilespmem:s20+$0x7D0] =	vst v4;
	v4 =	vmul.f32 v9, v13;
	v9 =	vld [tilespmem:s20+$0x840]  }
0x127: {  	[tilespmem:s20+$0x7E0] =	vst v7;
	v2 =	vmul.f32 v2, v8;
	v7 =	vld [tilespmem:s20+$0x850]  }
0x128: {  	[tilespmem:s20+$0x7F0] =	vst v4;
	v4 =	vmul.f32 v10, v8;
	v10 =	vld [tilespmem:s20+$0x860]  }
0x129: {  	[tilespmem:s20+$0x800] =	vst v2;
	v2 =	vmul.f32 v6, v8;
	v6 =	vld [tilespmem:s20+$0x870]  }
0x12a: {  	[tilespmem:s20+$0x810] =	vst v4;
	v4 =	vmul.f32 v11, v8;
	v11 =	vld [tilespmem:s20+$0x880]  }
0x12b: {  	[tilespmem:s20+$0x820] =	vst v2;
	v2 =	vmul.f32 v9, v8;
	v9 =	vld [tilespmem:s20+$0x890]  }
0x12c: {  	[tilespmem:s20+$0x830] =	vst v4;
	v4 =	vmul.f32 v7, v8;
	v7 =	vld [tilespmem:s20+$0x8A0]  }
0x12d: {  	v0 =	vbroadcast v0, $0xE;
	[tilespmem:s20+$0x770] =	vst v5;
	v5 =	vmul.f32 v10, v8;
	v10 =	vld [tilespmem:s20+$0x8B0]  }
0x12e: {  	[tilespmem:s20+$0x850] =	vst v4;
	v4 =	vmul.f32 v6, v8;
	v6 =	vld [tilespmem:s20+$0x8C0]  }
0x12f: {  	[tilespmem:s20+$0x860] =	vst v5;
	v5 =	vmul.f32 v11, v0;
	v8 =	vld [tilespmem:s20+$0x8D0]  }
0x130: {  	[tilespmem:s20+$0x870] =	vst v4;
	v4 =	vmul.f32 v9, v0;
	v9 =	vld [tilespmem:s20+$0x8E0]  }
0x131: {  	[tilespmem:s20+$0x880] =	vst v5;
	v5 =	vmul.f32 v7, v0;
	v7 =	vld [tilespmem:s20+$0x8F0]  }
0x132: {  	[tilespmem:s20+$0x890] =	vst v4;
	v4 =	vmul.f32 v10, v0;
	v10 =	vld [tilespmem:s20+$0x900]  }
0x133: {  	[tilespmem:s20+$0x8A0] =	vst v5;
	v5 =	vmul.f32 v6, v0;
	v6 =	vld [tilespmem:s20+$0x910]  }
0x134: {  	[tilespmem:s20+$0x8B0] =	vst v4;
	v4 =	vmul.f32 v8, v0;
	v8 =	vld [tilespmem:s20+$0x920]  }
0x135: {  	[tilespmem:s20+$0x8C0] =	vst v5;
	v5 =	vmul.f32 v9, v0;
	v9 =	vld [tilespmem:s20+$0x930]  }
0x136: {  	[tilespmem:s20+$0x840] =	vst v2;
	v0 =	vmul.f32 v7, v0;
	v2 =	vld [tilespmem:s20+$0x940]  }
0x137: {  	[tilespmem:s20+$0x8E0] =	vst v5;
	v5 =	vmul.f32 v10, v3;
	v7 =	vld [tilespmem:s20+$0x960]  }
0x138: {  	[tilespmem:s20+$0x8F0] =	vst v0;
	v0 =	vmul.f32 v6, v3;
	v6 =	vld [tilespmem:s20+$0x970]  }
0x139: {  	[tilespmem:s20+$0x900] =	vst v5;
	v5 =	vmul.f32 v8, v3  }
0x13a: {  	[tilespmem:s20+$0x910] =	vst v0;
	v0 =	vmul.f32 v9, v3  }
0x13b: {  	v8 =	vmul.f32 v14, v13;
	[tilespmem:s20+$0x920] =	vst v5  }
0x13c: {  	[tilespmem:s20+$0x930] =	vst v0;
	v0 =	vmul.f32 v2, v3  }
.Ltmp0:
0x13d: {  	[tilespmem:s20+$0x7B0] =	vst v8;
	v2 =	vmul.f32 v6, v3;
	(pc) =	sbr.rel @p0 .LBB2_3-.Ltmp0, $4  }
0x13e: {  	[tilespmem:s20+$0x940] =	vst v0  }
0x13f: {  	v0 =	vmul.f32 v7, v3;
	[tilespmem:s20+$0x970] =	vst v2  }
0x140: {  	[tilespmem:s20+$0x8D0] =	vst v4  }
0x141: {  	[tilespmem:s20+$0x960] =	vst v0  }
0x142: {  	s19 =	sadd.s32 $0x1, s19  }
0x143: {  	p0 =	sne.s32 s19, $0x4F  }
.Ltmp1:
0x144: {  	[tilespmem:s20+$0x7A0] =	vst v1;
	(pc) =	sbr.rel @p0 .LBB2_2-.Ltmp1, $4  }
0x145: {  	[spmem:s3] =	stream.indirect.scatter.add.f32 [tilespmem:s17], [sflag:$0x2], $0x80, s15, s15, $0xb8;
	[tilespmem:$0x18180] =	vst v63  }
0x146: {  	_ =	swait.ge [sflag:s14], $0x4000  }
0x147: {  	[sflag:s14] =	ssyncset.done $0x0  }
0x148: {  	[sflag:s14] =	ssyncadd.s32 $0xFFFFC000  }
0x149: {  	s4 =	sadd.s32 $0x1, s4  }
0x14a: {  	p0 =	sne.s32 s4, s12  }
.Ltmp2:
0x14b: {  	[bflag:$0x0] =	sbarrier.arrive $0xFFFF;
	(pc) =	sbr.rel @p0 .LBB2_1-.Ltmp2, $4  }
0x14c: {  	[hbm:s11], [sflag:s9] =	dma.local [spmem:s13], $0x2800  }
0x14d: {  	_ =	swait.ge [sflag:s14], $0x2800  }
0x14e: {  	[sflag:s14] =	ssyncset.done $0x0  }
0x14f: {  	[sflag:s14] =	ssyncadd.s32 $0xFFFFD800  }
0x150: {  	_ =	sfence.sel $0x180000  }
0x151: {  	[bflag:$0x0] =	sbarrier.arrive $0xFFFF  }
0x152: {  	p0 =	sne.s32 s2, $0x0;
	_ =	strace $0x9000004D  }
0x153: {  	s0 =	sadd.s32 @!p0 $0x100000, s0;
	[bflag:$0x2] =	sbarrier.arrive $0xFFFF  }
0x154: {  	[sflag:s0] =	ssyncadd.tile.s32 @!p0 $0x1;
	_ =	shalt  }
.Lfunc_end2:
_tile_overlayer_lowered:
.L_overlay_start_2:
0x155: {  	(tag) =	ssettag $0x2  }
0x156: {  	s0 =	rddreg [dreg:$0x0];
	s2 =	stileid.u32  }
0x157: {  	s1 =	rddreg [dreg:$0x1];
	p0 =	sne.s32 s2, $0x0  }
0x158: {  	s3 =	rddreg [dreg:$0x2];
	[bflag:$0x3] =	sbarrier.arrive $0xFFFF;
	s2 =	simm.s32 @!p0 $0x1C02  }
0x159: {  	[timem:s3], [sflag:s2] =	dma.local @!p0 [hbm:s0], s1  }
0x15a: {  	s0 =	simm.s32 @!p0 $0x2  }
0x15b: {  	_ =	swait.ge @!p0 [sflag:s0], s1  }
0x15c: {  	s1 =	ssub.s32 @!p0 $0x0, s1;
	[sflag:s0] =	ssyncset.done @!p0 $0x0  }
0x15d: {  	[sflag:s0] =	ssyncadd.s32 @!p0 s1  }
0x15e: {  	[bflag:$0x3] =	sbarrier.arrive $0xFFFF  }
0x15f: {  	_ =	shalt  }

// kernel: kernel.8.cloned.1.call-start
scs
__scs_entry_jumppad:
0x0: {  	(pc) =	sbr.rel $0x88, $3  }
0x1: {  	(tag) =	ssettag $0x0;
	lr =	simm.s32 $0x1  }
0x2: {  	[smem:$0x3F98] =	sst lr;
	_ =	strace $0xD0000000  }
0x3: {  	_ = 	snop  }
0x4: {  	_ = 	snop  }
0x5: {  	_ = 	snop  }
0x6: {  	_ = 	snop  }
0x7: {  	_ = 	snop  }
__scs_overlays_trampoline_lowered:
0x8: {  	[smem:$0x3FA7] =	sst s0  }
0x9: {  	[smem:$0x3FA8] =	sst s1  }
0xa: {  	[smem:$0x3FA9] =	sst s2  }
0xb: {  	[smem:$0x3FAA] =	sst s3  }
0xc: {  	[smem:$0x3FAB] =	sst s4  }
0xd: {  	[smem:$0x3FAC] =	sst s5  }
0xe: {  	[smem:$0x3FAD] =	sst s6  }
0xf: {  	[smem:$0x3FAE] =	sst s7  }
0x10: {  	[smem:$0x3FAF] =	sst s8  }
0x11: {  	[smem:$0x3FB0] =	sst s9;
	s0 =	simm.s32 @!p0 $0x0  }
0x12: {  	s1 =	sld [smem:$0x3F96];
	s0 =	simm.s32 @p0 $0x1  }
0x13: {  	[smem:$0x3FB1] =	sst s0;
	s0 =	simm.s32 @!p1 $0x0  }
0x14: {  	s2 =	sld [smem:$0x3F95];
	s0 =	simm.s32 @p1 $0x1  }
0x15: {  	[smem:$0x3FB2] =	sst s0;
	s0 =	simm.s32 @!p2 $0x0  }
0x16: {  	s3 =	sld [smem:$0x3FDB];
	s0 =	simm.s32 @p2 $0x1  }
0x17: {  	s4 =	simm.s32 $0x1BF5;
	[smem:$0x3FB4] =	sst s0  }
0x18: {  	s0 =	sld [smem:$0x3F97];
	_ =	swait.ge [sflag:s4], $0x0  }
0x19: {  	s7 =	sld [smem:$0x3F98]  }
0x1a: {  	s8 =	sadd.s32 $0xFFFFE003, lr  }
0x1b: {  	s9 =	sadd.s32 $0xFFFFFEF7, lr;
	s5 =	simm.s32 $0xFFFFFFFF;
	p2 =	slt.u32 s8, $0xFFFFF086  }
0x1c: {  	p1 =	slt.u32 s9, $0xF7A;
	s5 =	simm.s32 @!p2 $0x0  }
0x1d: {  	s5 =	simm.s32 @p1 $0x1;
	p0 =	seq.s32 s7, s2  }
0x1e: {  	s7 =	smul.u32 @!p0 $0xF7A, s2;
	p2 =	seq.s32 @!p0 s5, $0x0  }
0x1f: {  	s9 =	smul.u32 $0xF7A, s1;
	s8 =	simm.s32 @!p0 $0x1BF5;
	p2 =	por !p2, p0  }
0x20: {  	[sflag:s8] =	ssyncset.s32 @!p0 $0xFFFFF086;
	s6 =	sadd.s32 @!p0 s3, s7;
	s7 =	simm.s32 @!p0 $0x108  }
0x21: {  	s3 =	sadd.s32 s3, s9;
	s6 =	sadd.s32 @!p0 $0x88, s6;
	s7 =	simm.s32 @p2 $0x1082  }
0x22: {  	[simem:s7], [sflag:s8] =	dma.local @!p0 [hbm:s6], $0xF7A  }
0x23: {  	s9 =	sor.u32 $0xD0000000, s2;
	s6 =	simm.s32 $0x108;
	_ =	swait.ge @!p0 [sflag:s8], $0x0  }
0x24: {  	s3 =	sadd.s32 $0x88, s3;
	s6 =	simm.s32 @!p1 $0x1082;
	[sflag:s4] =	ssyncset.s32 $0xFFFFF086  }
0x25: {  	[simem:s6], [sflag:s4] =	dma.local [hbm:s3], $0xF7A  }
0x26: {  	[smem:$0x3F98] =	sst s1;
	(tag) =	ssettag s2;
	_ =	strace s9  }
0x27: {  	s1 =	sld [smem:$0x3FA8]  }
0x28: {  	s2 =	sld [smem:$0x3FA9]  }
0x29: {  	s4 =	sld [smem:$0x3FAB]  }
0x2a: {  	p0 =	seq.s32 s5, $0x0;
	s5 =	sld [smem:$0x3FAC]  }
0x2b: {  	s6 =	sld [smem:$0x3FAD]  }
0x2c: {  	s7 =	sld [smem:$0x3FAE]  }
0x2d: {  	s3 =	simm.s32 $0x108;
	s8 =	sld [smem:$0x3FAF]  }
0x2e: {  	s3 =	simm.s32 @!p0 $0x1082;
	s9 =	sld [smem:$0x3FB0]  }
0x2f: {  	lr =	sadd.s32 s0, s3;
	s0 =	sld [smem:$0x3FA7]  }
0x30: {  	s3 =	sld [smem:$0x3FAA]  }
0x31: {  	[smem:$0x3FB3] =	sst s10  }
0x32: {  	s10 =	sld [smem:$0x3FB1];
	_ =	sdelay $0x3  }
0x33: {  	p0 =	seq.s32 s10, $0x1;
	s10 =	sld [smem:$0x3FB3];
	_ =	sdelay $0x3  }
0x34: {  	[smem:$0x3FB3] =	sst s10  }
0x35: {  	s10 =	sld [smem:$0x3FB2];
	_ =	sdelay $0x3  }
0x36: {  	p1 =	seq.s32 s10, $0x1;
	s10 =	sld [smem:$0x3FB3];
	_ =	sdelay $0x3  }
0x37: {  	[smem:$0x3FB3] =	sst s10  }
0x38: {  	s10 =	sld [smem:$0x3FB4]  }
0x39: {  	_ = 	snop;
	(pc) =	sbr.ind lr, $3  }
0x3a: {  	_ = 	snop  }
0x3b: {  	_ = 	snop  }
0x3c: {  	p2 =	seq.s32 s10, $0x1;
	s10 =	sld [smem:$0x3FB3]  }
0x3d: {  	_ =	shalt  }
0x3e: {  	_ =	shalt  }
0x3f: {  	_ =	shalt  }
0x40: {  	_ =	shalt  }
0x41: {  	_ =	shalt  }
0x42: {  	_ =	shalt  }
0x43: {  	_ =	shalt  }
0x44: {  	_ =	shalt  }
0x45: {  	_ =	shalt  }
0x46: {  	_ =	shalt  }
0x47: {  	_ =	shalt  }
0x48: {  	_ =	shalt  }
0x49: {  	_ =	shalt  }
0x4a: {  	_ =	shalt  }
0x4b: {  	_ =	shalt  }
0x4c: {  	_ =	shalt  }
0x4d: {  	_ =	shalt  }
0x4e: {  	_ =	shalt  }
0x4f: {  	_ =	shalt  }
0x50: {  	_ =	shalt  }
0x51: {  	_ =	shalt  }
0x52: {  	_ =	shalt  }
0x53: {  	_ =	shalt  }
0x54: {  	_ =	shalt  }
0x55: {  	_ =	shalt  }
0x56: {  	_ =	shalt  }
0x57: {  	_ =	shalt  }
0x58: {  	_ =	shalt  }
0x59: {  	_ =	shalt  }
0x5a: {  	_ =	shalt  }
0x5b: {  	_ =	shalt  }
0x5c: {  	_ =	shalt  }
0x5d: {  	_ =	shalt  }
0x5e: {  	_ =	shalt  }
0x5f: {  	_ =	shalt  }
0x60: {  	_ =	shalt  }
0x61: {  	_ =	shalt  }
0x62: {  	_ =	shalt  }
0x63: {  	_ =	shalt  }
0x64: {  	_ =	shalt  }
0x65: {  	_ =	shalt  }
0x66: {  	_ =	shalt  }
0x67: {  	_ =	shalt  }
0x68: {  	_ =	shalt  }
0x69: {  	_ =	shalt  }
0x6a: {  	_ =	shalt  }
0x6b: {  	_ =	shalt  }
0x6c: {  	_ =	shalt  }
0x6d: {  	_ =	shalt  }
0x6e: {  	_ =	shalt  }
0x6f: {  	_ =	shalt  }
0x70: {  	_ =	shalt  }
0x71: {  	_ =	shalt  }
0x72: {  	_ =	shalt  }
0x73: {  	_ =	shalt  }
0x74: {  	_ =	shalt  }
0x75: {  	_ =	shalt  }
0x76: {  	_ =	shalt  }
0x77: {  	_ =	shalt  }
0x78: {  	_ =	shalt  }
0x79: {  	_ =	shalt  }
0x7a: {  	_ =	shalt  }
0x7b: {  	_ =	shalt  }
0x7c: {  	_ =	shalt  }
0x7d: {  	_ =	shalt  }
0x7e: {  	_ =	shalt  }
0x7f: {  	_ =	shalt  }
0x80: {  	_ =	shalt  }
0x81: {  	_ =	shalt  }
0x82: {  	_ =	shalt  }
0x83: {  	_ =	shalt  }
0x84: {  	_ =	shalt  }
0x85: {  	_ =	shalt  }
0x86: {  	_ =	shalt  }
0x87: {  	_ =	shalt  }
.Lfunc_end0:
.L_simem_size_0:
called_computation_lowered:
.L_overlay_start_0:
0x88: {  	s2 =	sld [smem:$0x3FD9]  }
0x89: {  	s3 =	sld [smem:$0x3FFE];
	_ =	sdelay $0x1  }
0x8a: {  	s1 =	srdreg.scid  }
0x8b: {  	s0 =	sand.u32 $0x1, s1  }
0x8c: {  	s16 =	sshll.u32 s0, $0xA;
	s2 =	sadd.s32 s3, s2  }
0x8d: {  	s2 =	sadd.s32 s2, s16  }
0x8e: {  	[smem:$0x3FBF] =	sst s2  }
0x8f: {  	_ = 	snop  }
0x90: {  	(tm) =	ssettm $0x1  }
0x91: {  	s17 =	sld [smem:$0x3FFB];
	_ =	sdelay $0x3  }
0x92: {  	_ =	strace s17  }
0x93: {  	s2 =	sld [smem:$0x3FFC];
	_ =	sdelay $0x3  }
0x94: {  	_ =	strace s2  }
0x95: {  	s2 =	sld [smem:$0x3FFD];
	_ =	sdelay $0x3  }
0x96: {  	_ =	strace s2  }
0x97: {  	_ =	strace $0x8FFFFFFF  }
0x98: {  	s18 =	sld [smem:$0x3FDB];
	_ =	sdelay $0x1  }
0x99: {  	s19 =	simm.s32 $_scs_section_size  }
0x9a: {  	s4 =	simm.s32 $_size__tile_overlayer_lowered;
	s5 =	simm.s32 $_tile_overlayer_lowered  }
0x9b: {  	s22 =	simm.s32 $0x1BFF;
	s21 =	sshll.u32 s5, $0x1;
	s2 =	sadd.s32 s19, s18  }
0x9c: {  	s6 =	simm.s32 $0x0;
	s20 =	sshll.u32 s4, $0x1;
	s4 =	sadd.s32 s21, s2  }
0x9d: {  	[timem:s6], [sflag:s22] =	dma.local [hbm:s4], s20  }
0x9e: {  	_ =	swait.ge [sflag:s22], s20  }
0x9f: {  	s3 =	ssub.s32 $0x0, s20;
	[sflag:s22] =	ssyncset.done $0x0  }
0xa0: {  	[sflag:s22] =	ssyncadd.s32 s3;
	_ =	sdelay $0x1  }
0xa1: {  	s23 =	simm.s32 $0x1B8B  }
0xa2: {  	_ =	swait.ge [sflag:s23], $0x1  }
0xa3: {  	[sflag:s23] =	ssyncset.done $0x0  }
0xa4: {  	s25 =	simm.s32 $0x1B8E;
	s24 =	sld [smem:$0x3FFE];
	[sflag:s23] =	ssyncadd.s32 $0xFFFFFFFF  }
0xa5: {  	s26 =	simm.s32 $execute0_lowered;
	[smem:$0x3FD2] =	sst s25  }
0xa6: {  	s4 =	sshll.u32 s26, $0x1;
	_ =	strace $0x80000046;
	[dreg:$0x1] =	wrdreg $0xFFFFFFFF  }
0xa7: {  	s28 =	simm.s32 $_size_execute0_lowered;
	s2 =	sadd.s32 s2, s4;
	[dreg:$0x0] =	wrdreg $0x0  }
0xa8: {  	s4 =	sshll.u32 s28, $0x1;
	[dreg:$0x2] =	wrdreg s2  }
0xa9: {  	[dreg:$0x3] =	wrdreg s4  }
0xaa: {  	[dreg:$0x4] =	wrdreg $0xC0  }
0xab: {  	_ =	task [dreg:s6], $0x5FFFF  }
0xac: {  	[dreg:$0x1] =	wrdreg $0xFFFFFFFF  }
0xad: {  	[dreg:$0x0] =	wrdreg $0x60  }
0xae: {  	[dreg:$0x2] =	wrdreg s24  }
0xaf: {  	[dreg:$0x3] =	wrdreg $0x40800  }
0xb0: {  	[dreg:$0x4] =	wrdreg $0x9  }
0xb1: {  	_ =	task.clear_ibuf [dreg:s6], $0x5FFFF;
	_ =	strace $0x90000046  }
0xb2: {  	s29 =	simm.s32 $0x9;
	_ =	strace $0x80000048  }
0xb3: {  	_ =	swait.ge [sflag:s29], $0x1  }
0xb4: {  	[sflag:s29] =	ssyncadd.s32 $0xFFFFFFFF  }
0xb5: {  	_ =	strace $0x90000048  }
0xb6: {  	_ =	sfence  }
0xb7: {  	s30 =	sld [smem:$0x0];
	_ =	sdelay $0x2  }
0xb8: {  	s31 =	sshll.u32 s1, $0xD;
	s1 =	sshrl.u32 s1, $0x2  }
0xb9: {  	s3 =	sand.u32 $0x4000, s31;
	s1 =	sadd.s32 s1, s30  }
0xba: {  	s0 =	sor.u32 s3, s0;
	s1 =	sshll.u32 s1, $0x11  }
0xbb: {  	s0 =	sor.u32 s1, s0  }
0xbc: {  	s0 =	sadd.s32 $0x8F2B, s0  }
0xbd: {  	[sflag:s0] =	ssyncadd.remote.s32 $0x1  }
0xbe: {  	_ =	sfence.sel $0xFFFF  }
0xbf: {  	[dreg:$0x0] =	wrdreg $0xFFFFFFFF;
	(pc) =	sbr.abs _section_cstart, $3  }
0xc0: {  	[dreg:$0x1] =	wrdreg $0xFFFFFFFF  }
0xc1: {  	_ =	task.clear_ibuf [dreg:s6], $0x2FFFF;
	_ =	strace $0x9FFFFFFF  }
0xc2: {  	(tm) =	ssettm $0x7FFFFFFF  }
0xc3: {  	_ =	shalt  }
tec
execute0_lowered:
.L_overlay_start_1:
0x0: {  	(tag) =	ssettag $0x1  }
0x1: {  	s6 =	rddreg [dreg:$0x0]  }
0x2: {  	s2 =	rddreg [dreg:$0x1]  }
0x3: {  	s0 =	rddreg [dreg:$0x2]  }
0x4: {  	s1 =	stileid.u32;
	s4 =	srdreg.scid;
	s3 =	simm.s32 $0x0  }
0x5: {  	s13 =	simm.s32 $0x80;
	s14 =	simm.s32 $0x0;
	s5 =	smul.u32 $0x14000, s1  }
0x6: {  	s7 =	sand.u32 $0x1, s4;
	[smem:$0x7FF] =	sst s3;
	s11 =	smul.u32 $0x50000, s1  }
0x7: {  	s4 =	sadd.s32 $0x2600, s6;
	s31 =	sshll.u32 s1, $0x6;
	s8 =	smul.u32 $0x140000, s7  }
0x8: {  	_ =	strace $0x80000047;
	s10 =	ssub.s32 $0x2, s7;
	s28 =	sshll.u32 s7, $0x4  }
0x9: {  	s7 =	sor.u32 $0x1C01, s31;
	s9 =	sshrl.u32 s5, $0x3;
	s26 =	sshrl.u32 s10, $0x1  }
0xa: {  	s29 =	sshrl.u32 s11, $0x2;
	s30 =	sor.u32 s1, s28;
	s9 =	sadd.s32 s9, s6  }
0xb: {  	s5 =	sadd.s32 s5, s8;
	s10 =	ssub.s32 s10, s26;
	s11 =	sadd.s32 s29, s2  }
0xc: {  	s8 =	sshrl.u32 s5, $0x3;
	s5 =	sadd.s32 $0xC600, s6;
	s10 =	smax.u32 s10, $0x1  }
0xd: {  	s11 =	sshrl.u32 s11, $0x3;
	s12 =	sadd.s32 s8, s6;
	s6 =	sadd.s32 $0xCE00, s9  }
0xe: {  	s8 =	smul.u32 $0x2800, s30;
	s9 =	sadd.s32 $0x34E00, s12;
	s12 =	simm.s32 $0x1  }
.LBB2_1:
0xf: {  	[spmem:s11], [sflag:s7] =	dma.local [hbm:s6], $0x2800  }
0x10: {  	_ =	swait.ge [sflag:s12], $0x2800  }
0x11: {  	[sflag:s12] =	ssyncset.done $0x0  }
0x12: {  	s15 =	sand.u32 $0x3C00, s3;
	[sflag:s12] =	ssyncadd.s32 $0xFFFFD800  }
0x13: {  	[tilespmem:s13], [sflag:$0x1] =	stream.linear.gather [hbm4b:s5+s3], $0x4000, $0x38;
	[tilespmem:$0x18080] =	vst v63  }
0x14: {  	s16 =	sand.u32 $0x380, s3;
	s15 =	sadd.s32 s8, s15;
	_ =	swait.ge [sflag:s12], $0x4000  }
0x15: {  	s15 =	sor.u32 s16, s15;
	[sflag:s12] =	ssyncset.done $0x0  }
0x16: {  	s15 =	sshrl.u32 s15, $0x3;
	[sflag:s12] =	ssyncadd.s32 $0xFFFFC000  }
0x17: {  	s15 =	sadd.s32 s4, s15;
	[bflag:$0x0] =	sbarrier.arrive $0xFFFF  }
0x18: {  	[tilespmem:s3], [sflag:$0x1] =	stream.linear.gather [hbm4b:s15+s3], $0x80, $0x38;
	[tilespmem:$0x18080] =	vst v63  }
0x19: {  	_ =	swait.ge [sflag:s12], $0x80  }
0x1a: {  	s30 =	simm.s32 $0x80;
	[sflag:s12] =	ssyncset.done $0x0  }
0x1b: {  	s31 =	sand.u32 $0x3C00, s30;
	[sflag:s12] =	ssyncadd.s32 $0xFFFFFF80  }
0x1c: {  	[spmem:s2] =	stream.indirect.scatter.add.f32 [tilespmem:s13], [sflag:$0x1], $0x80, s3, s13, $0xb8;
	[tilespmem:$0x18080] =	vst v63  }
0x1d: {  	s17 =	sand.u32 $0x380, s30;
	s16 =	sadd.s32 s8, s31;
	_ =	swait.ge [sflag:s12], $0x4000  }
0x1e: {  	s16 =	sor.u32 s17, s16;
	s15 =	simm.s32 $0x100;
	[sflag:s12] =	ssyncset.done $0x0  }
.LBB2_2:
0x1f: {  	s16 =	sshrl.u32 s16, $0x3  }
0x20: {  	[sflag:s12] =	ssyncadd.s32 $0xFFFFC000;
	s17 =	smov.u32 s15;
	s18 =	sadd.s32 $0x80, s15  }
0x21: {  	p0 =	sne.s32 s15, $0x2700;
	s15 =	sadd.s32 s4, s16  }
0x22: {  	[tilespmem:s3], [sflag:$0x1] =	stream.linear.gather [hbm4b:s15+s3], $0x80, $0x38;
	[tilespmem:$0x18080] =	vst v63  }
0x23: {  	_ =	swait.ge [sflag:s12], $0x80  }
.Ltmp0:
0x24: {  	[sflag:s12] =	ssyncset.done $0x0;
	(pc) =	sbr.rel @p0 .LBB2_2-.Ltmp0, $4  }
0x25: {  	s15 =	sand.u32 $0x3C00, s17;
	[sflag:s12] =	ssyncadd.s32 $0xFFFFFF80  }
0x26: {  	[spmem:s2] =	stream.indirect.scatter.add.f32 [tilespmem:s13], [sflag:$0x1], $0x80, s3, s13, $0xb8;
	[tilespmem:$0x18080] =	vst v63  }
0x27: {  	s16 =	sand.u32 $0x380, s17;
	s15 =	sadd.s32 s8, s15;
	_ =	swait.ge [sflag:s12], $0x4000  }
0x28: {  	s16 =	sor.u32 s16, s15;
	s15 =	smov.u32 s18;
	[sflag:s12] =	ssyncset.done $0x0  }
0x29: {  	s15 =	sshrl.u32 s16, $0x3  }
0x2a: {  	[sflag:s12] =	ssyncadd.s32 $0xFFFFC000;
	s15 =	sadd.s32 s4, s15  }
0x2b: {  	[tilespmem:s3], [sflag:$0x1] =	stream.linear.gather [hbm4b:s15+s3], $0x80, $0x38;
	[tilespmem:$0x18080] =	vst v63  }
0x2c: {  	_ =	swait.ge [sflag:s12], $0x80  }
0x2d: {  	[sflag:s12] =	ssyncset.done $0x0  }
0x2e: {  	[sflag:s12] =	ssyncadd.s32 $0xFFFFFF80  }
0x2f: {  	[spmem:s2] =	stream.indirect.scatter.add.f32 [tilespmem:s13], [sflag:$0x1], $0x80, s3, s13, $0xb8;
	[tilespmem:$0x18080] =	vst v63  }
0x30: {  	_ =	swait.ge [sflag:s12], $0x4000  }
0x31: {  	s14 =	sadd.s32 $0x1, s14;
	[sflag:s12] =	ssyncset.done $0x0  }
0x32: {  	p0 =	sne.s32 s14, s10;
	[sflag:s12] =	ssyncadd.s32 $0xFFFFC000  }
.Ltmp1:
0x33: {  	[bflag:$0x0] =	sbarrier.arrive $0xFFFF;
	(pc) =	sbr.rel @p0 .LBB2_1-.Ltmp1, $4  }
0x34: {  	[hbm:s9], [sflag:s7] =	dma.local [spmem:s11], $0x2800  }
0x35: {  	_ =	swait.ge [sflag:s12], $0x2800  }
0x36: {  	[sflag:s12] =	ssyncset.done $0x0  }
0x37: {  	[sflag:s12] =	ssyncadd.s32 $0xFFFFD800  }
0x38: {  	_ =	sfence.sel $0x180000  }
0x39: {  	[bflag:$0x0] =	sbarrier.arrive $0xFFFF  }
0x3a: {  	p0 =	sne.s32 s1, $0x0;
	_ =	strace $0x90000047  }
0x3b: {  	s0 =	sadd.s32 @!p0 $0x100000, s0;
	[bflag:$0x2] =	sbarrier.arrive $0xFFFF  }
0x3c: {  	[sflag:s0] =	ssyncadd.tile.s32 @!p0 $0x1;
	_ =	shalt  }
.Lfunc_end2:
_tile_overlayer_lowered:
.L_overlay_start_2:
0x3d: {  	(tag) =	ssettag $0x2  }
0x3e: {  	s0 =	rddreg [dreg:$0x0];
	s2 =	stileid.u32  }
0x3f: {  	s1 =	rddreg [dreg:$0x1];
	p0 =	sne.s32 s2, $0x0  }
0x40: {  	s3 =	rddreg [dreg:$0x2];
	[bflag:$0x3] =	sbarrier.arrive $0xFFFF;
	s2 =	simm.s32 @!p0 $0x1C01  }
0x41: {  	[timem:s3], [sflag:s2] =	dma.local @!p0 [hbm:s0], s1  }
0x42: {  	s0 =	simm.s32 @!p0 $0x1  }
0x43: {  	_ =	swait.ge @!p0 [sflag:s0], s1  }
0x44: {  	s1 =	ssub.s32 @!p0 $0x0, s1;
	[sflag:s0] =	ssyncset.done @!p0 $0x0  }
0x45: {  	[sflag:s0] =	ssyncadd.s32 @!p0 s1  }
0x46: {  	[bflag:$0x3] =	sbarrier.arrive $0xFFFF  }
0x47: {  	_ =	shalt  }

</sc_bundles>
